<compile_context>
chip_gen: v7x
topology: tpu7x:2x2x1
jax: 0.10.2.dev20260603
libtpu: 0.0.44.dev20260713+nightly
codegen_flags: <defaults>
</compile_context>

<pallas_src>
import jax
import jax.numpy as jnp
from jax import lax
from jax.experimental import pallas as pl
from jax.experimental.pallas import tpu as pltpu
from jax.experimental.pallas import tpu_sc as plsc

N_NODES = 100000
K = 32
D = 128
B = 16384

NC = 2
NS = 16
NW = NC * NS
BPW = B // NW
C = 8
NCH = BPW // C
LANES = 16
NV = D // LANES
INV_K = 1.0 / K
ISLC = 128
UNROLL = 4


def _gcn_body(x_hbm, adj_hbm, table_hbm, out_hbm,
              x_v, edge_v, nb0, nb1, nb2, sf0, sf1, sf2, out0, out1, out2,
              sem_e, sem_n0, sem_n1, sem_n2, sem_o0, sem_o1, sem_o2):
    wid = lax.axis_index("s") * NC + lax.axis_index("c")
    base = wid * BPW

    pltpu.sync_copy(x_hbm.at[pl.ds(base, BPW)], x_v)

    for j in range(BPW // ISLC):
        sl = pl.ds(j * ISLC, ISLC)
        pltpu.async_copy(adj_hbm.at[x_v.at[sl]], edge_v.at[sl], sem_e)
    for j in range(BPW // ISLC):
        sl = pl.ds(j * ISLC, ISLC)
        pltpu.make_async_copy(adj_hbm.at[x_v.at[sl]], edge_v.at[sl], sem_e).wait()

    def fire_nb(g, nb, sf, sem):
        for q in range(C):
            pltpu.async_copy(table_hbm.at[edge_v.at[g * C + q]], nb.at[q], sem)
        pltpu.async_copy(table_hbm.at[x_v.at[pl.ds(g * C, C)]], sf, sem)

    def drain_nb(g, nb, sf, sem):
        for q in range(C):
            pltpu.make_async_copy(
                table_hbm.at[edge_v.at[g * C + q]], nb.at[q], sem).wait()
        pltpu.make_async_copy(
            table_hbm.at[x_v.at[pl.ds(g * C, C)]], sf, sem).wait()

    def fire_out(g, out_v, sem):
        pltpu.async_copy(out_v, out_hbm.at[pl.ds(base + g * C, C)], sem)

    def drain_out(g, out_v, sem):
        pltpu.make_async_copy(
            out_v, out_hbm.at[pl.ds(base + g * C, C)], sem).wait()

    def compute(g, nb, sf, out_v):
        def qbody(q, carry):
            def red(k4, accs):
                new = list(accs)
                for dk in range(UNROLL):
                    row = UNROLL * k4 + dk
                    for d in range(NV):
                        new[d] = new[d] + nb[q, row, pl.ds(d * LANES, LANES)]
                return tuple(new)

            zero = jnp.zeros((LANES,), jnp.float32)
            accs = lax.fori_loop(0, K // UNROLL, red, (zero,) * NV)
            for d in range(NV):
                dsl = pl.ds(d * LANES, LANES)
                out_v[q, dsl] = accs[d] * INV_K + sf[q, dsl]
            return carry

        lax.fori_loop(0, C, qbody, 0)

    NB = 3
    fire_nb(0, nb0, sf0, sem_n0)
    fire_nb(1, nb1, sf1, sem_n1)
    fire_nb(2, nb2, sf2, sem_n2)

    bufs = ((nb0, sf0, sem_n0, out0, sem_o0),
            (nb1, sf1, sem_n1, out1, sem_o1),
            (nb2, sf2, sem_n2, out2, sem_o2))

    def step(i, carry):
        for b, (nb, sf, semn, out_v, semo) in enumerate(bufs):
            g = NB * i + b

            @pl.when(g >= NB)
            def _():
                drain_out(g - NB, out_v, semo)

            drain_nb(g, nb, sf, semn)
            compute(g, nb, sf, out_v)
            fire_out(g, out_v, semo)

            @pl.when(g + NB < NCH)
            def _():
                fire_nb(g + NB, nb, sf, semn)

        return carry

    lax.fori_loop(0, NCH // NB, step, 0)
    g_last = (NCH // NB) * NB
    drain_out(g_last - NB, out0, sem_o0)
    drain_nb(g_last, nb0, sf0, sem_n0)
    compute(g_last, nb0, sf0, out0)
    fire_out(g_last, out0, sem_o0)
    drain_out(g_last - 2, out1, sem_o1)
    drain_out(g_last - 1, out2, sem_o2)
    drain_out(g_last, out0, sem_o0)


def kernel(X, adj, table):
    x = jnp.reshape(X, (B,)).astype(jnp.int32)
    adj32 = adj.astype(jnp.int32)
    f = pl.kernel(
        _gcn_body,
        out_type=jax.ShapeDtypeStruct((B, D), jnp.float32),
        mesh=plsc.VectorSubcoreMesh(core_axis_name="c", subcore_axis_name="s"),
        compiler_params=pltpu.CompilerParams(use_tc_tiling_on_sc=False),
        scratch_types=[
            pltpu.VMEM((BPW,), jnp.int32),
            pltpu.VMEM((BPW, K), jnp.int32),
            pltpu.VMEM((C, K, D), jnp.float32),
            pltpu.VMEM((C, K, D), jnp.float32),
            pltpu.VMEM((C, K, D), jnp.float32),
            pltpu.VMEM((C, D), jnp.float32),
            pltpu.VMEM((C, D), jnp.float32),
            pltpu.VMEM((C, D), jnp.float32),
            pltpu.VMEM((C, D), jnp.float32),
            pltpu.VMEM((C, D), jnp.float32),
            pltpu.VMEM((C, D), jnp.float32),
            pltpu.SemaphoreType.DMA,
            pltpu.SemaphoreType.DMA,
            pltpu.SemaphoreType.DMA,
            pltpu.SemaphoreType.DMA,
            pltpu.SemaphoreType.DMA,
            pltpu.SemaphoreType.DMA,
            pltpu.SemaphoreType.DMA,
        ],
    )
    out = f(x, adj32, table)
    return jnp.reshape(out, (B, 1, D))

# --- scband reference (transcript-rebuilt; emitter-appended) ---
"""Pipeline reference for scband-gcn-9663676416725 (READ-ONLY COPY).

The authoritative reference and input builder live on the scoring server;
editing this copy changes nothing except your own understanding.
"""

import jax, jax.numpy as jnp
import numpy as np

N_NODES = 100000
K = 32
D = 128
B = 16384


def setup_inputs(seed: int = 0) -> dict:
    key = jax.random.key(seed)
    k1, k2, k3 = jax.random.split(key, 3)
    adj = jax.random.randint(k1, (N_NODES, K), 0, N_NODES, dtype=jnp.int64 if jax.config.jax_enable_x64 else jnp.int32)
    table = jax.random.normal(k2, (N_NODES, D), dtype=jnp.float32) * 0.02
    X = jax.random.randint(k3, (B, 1), 0, N_NODES, dtype=jnp.int64 if jax.config.jax_enable_x64 else jnp.int32)
    return {"X": X, "adj": adj, "table": table}


def reference(X, adj, table):
    # edge = self.adj[X] -> [B, 1, K]
    edge = jnp.take(adj, X, axis=0)
    # batch_embeddings = self.embeddings(X) -> [B, 1, D]
    batch_embeddings = jnp.take(table, X, axis=0)
    # neighbor_embeddings = self.embeddings(edge).squeeze(1) -> [B, K, D]
    neighbor_embeddings = jnp.squeeze(jnp.take(table, edge, axis=0), axis=1)
    # mean over neighbors (keepdim) + self embedding -> [B, 1, D]
    result = jnp.mean(neighbor_embeddings, axis=1, keepdims=True) + batch_embeddings
    return result

if __name__ == "__main__":
    import jax
    _d = setup_inputs()
    print(jax.jit(kernel)(*tuple(_d.values())))

</pallas_src>

<mosaic_0001>
#map = affine_map<(d0, d1) -> (0)>
#map1 = affine_map<(d0, d1) -> (0, 0)>
module attributes {stable_mosaic.version = 14 : i64} {
  func.func @_gcn_body(%arg0: i32, %arg1: i32, %arg2: memref<16384xi32, #tpu.memory_space<hbm>>, %arg3: memref<100000x32xi32, #tpu.memory_space<hbm>>, %arg4: memref<100000x128xf32, #tpu.memory_space<hbm>>, %arg5: memref<16384x128xf32, #tpu.memory_space<hbm>>, %arg6: memref<512xi32, #tpu.memory_space<vmem>>, %arg7: memref<512x32xi32, #tpu.memory_space<vmem>>, %arg8: memref<8x32x128xf32, #tpu.memory_space<vmem>>, %arg9: memref<8x32x128xf32, #tpu.memory_space<vmem>>, %arg10: memref<8x32x128xf32, #tpu.memory_space<vmem>>, %arg11: memref<8x128xf32, #tpu.memory_space<vmem>>, %arg12: memref<8x128xf32, #tpu.memory_space<vmem>>, %arg13: memref<8x128xf32, #tpu.memory_space<vmem>>, %arg14: memref<8x128xf32, #tpu.memory_space<vmem>>, %arg15: memref<8x128xf32, #tpu.memory_space<vmem>>, %arg16: memref<8x128xf32, #tpu.memory_space<vmem>>, %arg17: memref<!tpu.dma_semaphore, #tpu.memory_space<semaphore_mem>>, %arg18: memref<!tpu.dma_semaphore, #tpu.memory_space<semaphore_mem>>, %arg19: memref<!tpu.dma_semaphore, #tpu.memory_space<semaphore_mem>>, %arg20: memref<!tpu.dma_semaphore, #tpu.memory_space<semaphore_mem>>, %arg21: memref<!tpu.dma_semaphore, #tpu.memory_space<semaphore_mem>>, %arg22: memref<!tpu.dma_semaphore, #tpu.memory_space<semaphore_mem>>, %arg23: memref<!tpu.dma_semaphore, #tpu.memory_space<semaphore_mem>>) attributes {dimension_semantics = [#tpu.dimension_semantics<core_parallel>, #tpu.dimension_semantics<subcore_parallel>], iteration_bounds = array<i64: 2, 16>, scalar_prefetch = 0 : i64, scratch_operands = 18 : i64, tpu.core_type = #tpu.core_type<sc_vector_subcore>, window_params = [{transform_indices = #map}, {transform_indices = #map1}, {transform_indices = #map1}, {transform_indices = #map1}]} {
    %mul3A = arith.constant 2 : i32
    %mul3A_0 = arith.muli %arg1, %mul3A : i32
    %add3A = arith.addi %mul3A_0, %arg0 : i32
    %mul3A_1 = arith.constant 512 : i32
    %mul3A_2 = arith.muli %add3A, %mul3A_1 : i32
    "tpu.region"() ({
      %run_scoped3A = tpu.sem_alloc : memref<!tpu.dma_semaphore, #tpu.memory_space<semaphore_mem>>
      %dma_start3A_510 = tpu.memref_slice %arg2[%mul3A_2] : memref<16384xi32, #tpu.memory_space<hbm>> -> memref<512xi32, #tpu.memory_space<hbm>>
      %dma_start3A_511 = tpu.memref_slice %arg2[%mul3A_2] : memref<16384xi32, #tpu.memory_space<hbm>> -> memref<512xi32, #tpu.memory_space<hbm>>
      tpu.enqueue_dma source(%dma_start3A_511 : memref<512xi32, #tpu.memory_space<hbm>>) target(%arg6 : memref<512xi32, #tpu.memory_space<vmem>>) target_semaphore(%run_scoped3A : memref<!tpu.dma_semaphore, #tpu.memory_space<semaphore_mem>>)
      %dma_wait3A_512 = tpu.memref_slice %arg2[%mul3A_2] : memref<16384xi32, #tpu.memory_space<hbm>> -> memref<512xi32, #tpu.memory_space<hbm>>
      %dma_wait3A_513 = tpu.memref_slice %arg2[%mul3A_2] : memref<16384xi32, #tpu.memory_space<hbm>> -> memref<512xi32, #tpu.memory_space<hbm>>
      tpu.wait_dma2 semaphore(%run_scoped3A : memref<!tpu.dma_semaphore, #tpu.memory_space<semaphore_mem>>) src(%dma_wait3A_513 : memref<512xi32, #tpu.memory_space<hbm>>) dst(%arg6 : memref<512xi32, #tpu.memory_space<vmem>>)
      tpu.yield
    }) : () -> ()
    %dma_start3A = arith.constant 0 : i32
    %dma_start3A_3 = arith.constant 0 : i32
    %dma_start3A_4 = tpu.memref_slice %arg7[%dma_start3A, %dma_start3A_3] : memref<512x32xi32, #tpu.memory_space<vmem>> -> memref<128x32xi32, #tpu.memory_space<vmem>>
    %dma_start3A_5 = arith.constant 0 : i32
    %dma_start3A_6 = tpu.memref_slice %arg6[%dma_start3A_5] : memref<512xi32, #tpu.memory_space<vmem>> -> memref<128xi32, #tpu.memory_space<vmem>>
    %dma_start3A_7 = arith.constant 0 : i32
    %dma_start3A_8 = arith.constant 0 : i32
    %dma_start3A_9 = tpu.memref_slice %arg3[%dma_start3A_7, %dma_start3A_8] : memref<100000x32xi32, #tpu.memory_space<hbm>> -> memref<100000x32xi32, #tpu.memory_space<hbm>>
    tpu.enqueue_indirect_dma source(%dma_start3A_9 : memref<100000x32xi32, #tpu.memory_space<hbm>>) target(%dma_start3A_4 : memref<128x32xi32, #tpu.memory_space<vmem>>) offsets(%dma_start3A_6 : memref<128xi32, #tpu.memory_space<vmem>>) semaphore(%arg17 : memref<!tpu.dma_semaphore, #tpu.memory_space<semaphore_mem>>)
    %dma_start3A_10 = arith.constant 128 : i32
    %dma_start3A_11 = arith.constant 0 : i32
    %dma_start3A_12 = tpu.memref_slice %arg7[%dma_start3A_10, %dma_start3A_11] : memref<512x32xi32, #tpu.memory_space<vmem>> -> memref<128x32xi32, #tpu.memory_space<vmem>>
    %dma_start3A_13 = arith.constant 128 : i32
    %dma_start3A_14 = tpu.memref_slice %arg6[%dma_start3A_13] : memref<512xi32, #tpu.memory_space<vmem>> -> memref<128xi32, #tpu.memory_space<vmem>>
    %dma_start3A_15 = arith.constant 0 : i32
    %dma_start3A_16 = arith.constant 0 : i32
    %dma_start3A_17 = tpu.memref_slice %arg3[%dma_start3A_15, %dma_start3A_16] : memref<100000x32xi32, #tpu.memory_space<hbm>> -> memref<100000x32xi32, #tpu.memory_space<hbm>>
    tpu.enqueue_indirect_dma source(%dma_start3A_17 : memref<100000x32xi32, #tpu.memory_space<hbm>>) target(%dma_start3A_12 : memref<128x32xi32, #tpu.memory_space<vmem>>) offsets(%dma_start3A_14 : memref<128xi32, #tpu.memory_space<vmem>>) semaphore(%arg17 : memref<!tpu.dma_semaphore, #tpu.memory_space<semaphore_mem>>)
    %dma_start3A_18 = arith.constant 256 : i32
    %dma_start3A_19 = arith.constant 0 : i32
    %dma_start3A_20 = tpu.memref_slice %arg7[%dma_start3A_18, %dma_start3A_19] : memref<512x32xi32, #tpu.memory_space<vmem>> -> memref<128x32xi32, #tpu.memory_space<vmem>>
    %dma_start3A_21 = arith.constant 256 : i32
    %dma_start3A_22 = tpu.memref_slice %arg6[%dma_start3A_21] : memref<512xi32, #tpu.memory_space<vmem>> -> memref<128xi32, #tpu.memory_space<vmem>>
    %dma_start3A_23 = arith.constant 0 : i32
    %dma_start3A_24 = arith.constant 0 : i32
    %dma_start3A_25 = tpu.memref_slice %arg3[%dma_start3A_23, %dma_start3A_24] : memref<100000x32xi32, #tpu.memory_space<hbm>> -> memref<100000x32xi32, #tpu.memory_space<hbm>>
    tpu.enqueue_indirect_dma source(%dma_start3A_25 : memref<100000x32xi32, #tpu.memory_space<hbm>>) target(%dma_start3A_20 : memref<128x32xi32, #tpu.memory_space<vmem>>) offsets(%dma_start3A_22 : memref<128xi32, #tpu.memory_space<vmem>>) semaphore(%arg17 : memref<!tpu.dma_semaphore, #tpu.memory_space<semaphore_mem>>)
    %dma_start3A_26 = arith.constant 384 : i32
    %dma_start3A_27 = arith.constant 0 : i32
    %dma_start3A_28 = tpu.memref_slice %arg7[%dma_start3A_26, %dma_start3A_27] : memref<512x32xi32, #tpu.memory_space<vmem>> -> memref<128x32xi32, #tpu.memory_space<vmem>>
    %dma_start3A_29 = arith.constant 384 : i32
    %dma_start3A_30 = tpu.memref_slice %arg6[%dma_start3A_29] : memref<512xi32, #tpu.memory_space<vmem>> -> memref<128xi32, #tpu.memory_space<vmem>>
    %dma_start3A_31 = arith.constant 0 : i32
    %dma_start3A_32 = arith.constant 0 : i32
    %dma_start3A_33 = tpu.memref_slice %arg3[%dma_start3A_31, %dma_start3A_32] : memref<100000x32xi32, #tpu.memory_space<hbm>> -> memref<100000x32xi32, #tpu.memory_space<hbm>>
    tpu.enqueue_indirect_dma source(%dma_start3A_33 : memref<100000x32xi32, #tpu.memory_space<hbm>>) target(%dma_start3A_28 : memref<128x32xi32, #tpu.memory_space<vmem>>) offsets(%dma_start3A_30 : memref<128xi32, #tpu.memory_space<vmem>>) semaphore(%arg17 : memref<!tpu.dma_semaphore, #tpu.memory_space<semaphore_mem>>)
    %dma_wait3A = arith.constant 0 : i32
    %dma_wait3A_34 = arith.constant 0 : i32
    %dma_wait3A_35 = tpu.memref_slice %arg7[%dma_wait3A, %dma_wait3A_34] : memref<512x32xi32, #tpu.memory_space<vmem>> -> memref<128x32xi32, #tpu.memory_space<vmem>>
    %dma_wait3A_36 = arith.constant 0 : i32
    %dma_wait3A_37 = tpu.memref_slice %arg6[%dma_wait3A_36] : memref<512xi32, #tpu.memory_space<vmem>> -> memref<128xi32, #tpu.memory_space<vmem>>
    %dma_wait3A_38 = arith.constant 0 : i32
    %dma_wait3A_39 = arith.constant 0 : i32
    %dma_wait3A_40 = tpu.memref_slice %arg3[%dma_wait3A_38, %dma_wait3A_39] : memref<100000x32xi32, #tpu.memory_space<hbm>> -> memref<100000x32xi32, #tpu.memory_space<hbm>>
    tpu.wait_indirect_dma semaphore(%arg17 : memref<!tpu.dma_semaphore, #tpu.memory_space<semaphore_mem>>) src(%dma_wait3A_40 : memref<100000x32xi32, #tpu.memory_space<hbm>>) dst(%dma_wait3A_35 : memref<128x32xi32, #tpu.memory_space<vmem>>)
    %dma_wait3A_41 = arith.constant 128 : i32
    %dma_wait3A_42 = arith.constant 0 : i32
    %dma_wait3A_43 = tpu.memref_slice %arg7[%dma_wait3A_41, %dma_wait3A_42] : memref<512x32xi32, #tpu.memory_space<vmem>> -> memref<128x32xi32, #tpu.memory_space<vmem>>
    %dma_wait3A_44 = arith.constant 128 : i32
    %dma_wait3A_45 = tpu.memref_slice %arg6[%dma_wait3A_44] : memref<512xi32, #tpu.memory_space<vmem>> -> memref<128xi32, #tpu.memory_space<vmem>>
    %dma_wait3A_46 = arith.constant 0 : i32
    %dma_wait3A_47 = arith.constant 0 : i32
    %dma_wait3A_48 = tpu.memref_slice %arg3[%dma_wait3A_46, %dma_wait3A_47] : memref<100000x32xi32, #tpu.memory_space<hbm>> -> memref<100000x32xi32, #tpu.memory_space<hbm>>
    tpu.wait_indirect_dma semaphore(%arg17 : memref<!tpu.dma_semaphore, #tpu.memory_space<semaphore_mem>>) src(%dma_wait3A_48 : memref<100000x32xi32, #tpu.memory_space<hbm>>) dst(%dma_wait3A_43 : memref<128x32xi32, #tpu.memory_space<vmem>>)
    %dma_wait3A_49 = arith.constant 256 : i32
    %dma_wait3A_50 = arith.constant 0 : i32
    %dma_wait3A_51 = tpu.memref_slice %arg7[%dma_wait3A_49, %dma_wait3A_50] : memref<512x32xi32, #tpu.memory_space<vmem>> -> memref<128x32xi32, #tpu.memory_space<vmem>>
    %dma_wait3A_52 = arith.constant 256 : i32
    %dma_wait3A_53 = tpu.memref_slice %arg6[%dma_wait3A_52] : memref<512xi32, #tpu.memory_space<vmem>> -> memref<128xi32, #tpu.memory_space<vmem>>
    %dma_wait3A_54 = arith.constant 0 : i32
    %dma_wait3A_55 = arith.constant 0 : i32
    %dma_wait3A_56 = tpu.memref_slice %arg3[%dma_wait3A_54, %dma_wait3A_55] : memref<100000x32xi32, #tpu.memory_space<hbm>> -> memref<100000x32xi32, #tpu.memory_space<hbm>>
    tpu.wait_indirect_dma semaphore(%arg17 : memref<!tpu.dma_semaphore, #tpu.memory_space<semaphore_mem>>) src(%dma_wait3A_56 : memref<100000x32xi32, #tpu.memory_space<hbm>>) dst(%dma_wait3A_51 : memref<128x32xi32, #tpu.memory_space<vmem>>)
    %dma_wait3A_57 = arith.constant 384 : i32
    %dma_wait3A_58 = arith.constant 0 : i32
    %dma_wait3A_59 = tpu.memref_slice %arg7[%dma_wait3A_57, %dma_wait3A_58] : memref<512x32xi32, #tpu.memory_space<vmem>> -> memref<128x32xi32, #tpu.memory_space<vmem>>
    %dma_wait3A_60 = arith.constant 384 : i32
    %dma_wait3A_61 = tpu.memref_slice %arg6[%dma_wait3A_60] : memref<512xi32, #tpu.memory_space<vmem>> -> memref<128xi32, #tpu.memory_space<vmem>>
    %dma_wait3A_62 = arith.constant 0 : i32
    %dma_wait3A_63 = arith.constant 0 : i32
    %dma_wait3A_64 = tpu.memref_slice %arg3[%dma_wait3A_62, %dma_wait3A_63] : memref<100000x32xi32, #tpu.memory_space<hbm>> -> memref<100000x32xi32, #tpu.memory_space<hbm>>
    tpu.wait_indirect_dma semaphore(%arg17 : memref<!tpu.dma_semaphore, #tpu.memory_space<semaphore_mem>>) src(%dma_wait3A_64 : memref<100000x32xi32, #tpu.memory_space<hbm>>) dst(%dma_wait3A_59 : memref<128x32xi32, #tpu.memory_space<vmem>>)
    %dma_start3A_65 = arith.constant 0 : i32
    %dma_start3A_66 = arith.constant 0 : i32
    %dma_start3A_67 = arith.constant 0 : i32
    %dma_start3A_68 = arith.constant 0 : i32
    %dma_start3A_69 = tpu.memref_slice %arg8[%dma_start3A_66, %dma_start3A_67, %dma_start3A_68] : memref<8x32x128xf32, #tpu.memory_space<vmem>> -> memref<1x32x128xf32, #tpu.memory_space<vmem>>
    %dma_start3A_70 = tpu.memref_squeeze %dma_start3A_69 : memref<1x32x128xf32, #tpu.memory_space<vmem>> -> memref<32x128xf32, #tpu.memory_space<vmem>>
    %dma_start3A_71 = arith.constant 0 : i32
    %dma_start3A_72 = tpu.memref_slice %arg7[%dma_start3A_65, %dma_start3A_71] : memref<512x32xi32, #tpu.memory_space<vmem>> -> memref<1x32xi32, #tpu.memory_space<vmem>>
    %dma_start3A_73 = tpu.memref_squeeze %dma_start3A_72 : memref<1x32xi32, #tpu.memory_space<vmem>> -> memref<32xi32, #tpu.memory_space<vmem>>
    %dma_start3A_74 = arith.constant 0 : i32
    %dma_start3A_75 = arith.constant 0 : i32
    %dma_start3A_76 = tpu.memref_slice %arg4[%dma_start3A_74, %dma_start3A_75] : memref<100000x128xf32, #tpu.memory_space<hbm>> -> memref<100000x128xf32, #tpu.memory_space<hbm>>
    tpu.enqueue_indirect_dma source(%dma_start3A_76 : memref<100000x128xf32, #tpu.memory_space<hbm>>) target(%dma_start3A_70 : memref<32x128xf32, #tpu.memory_space<vmem>>) offsets(%dma_start3A_73 : memref<32xi32, #tpu.memory_space<vmem>>) semaphore(%arg18 : memref<!tpu.dma_semaphore, #tpu.memory_space<semaphore_mem>>)
    %dma_start3A_77 = arith.constant 1 : i32
    %dma_start3A_78 = arith.constant 1 : i32
    %dma_start3A_79 = arith.constant 0 : i32
    %dma_start3A_80 = arith.constant 0 : i32
    %dma_start3A_81 = tpu.memref_slice %arg8[%dma_start3A_78, %dma_start3A_79, %dma_start3A_80] : memref<8x32x128xf32, #tpu.memory_space<vmem>> -> memref<1x32x128xf32, #tpu.memory_space<vmem>>
    %dma_start3A_82 = tpu.memref_squeeze %dma_start3A_81 : memref<1x32x128xf32, #tpu.memory_space<vmem>> -> memref<32x128xf32, #tpu.memory_space<vmem>>
    %dma_start3A_83 = arith.constant 0 : i32
    %dma_start3A_84 = tpu.memref_slice %arg7[%dma_start3A_77, %dma_start3A_83] : memref<512x32xi32, #tpu.memory_space<vmem>> -> memref<1x32xi32, #tpu.memory_space<vmem>>
    %dma_start3A_85 = tpu.memref_squeeze %dma_start3A_84 : memref<1x32xi32, #tpu.memory_space<vmem>> -> memref<32xi32, #tpu.memory_space<vmem>>
    %dma_start3A_86 = arith.constant 0 : i32
    %dma_start3A_87 = arith.constant 0 : i32
    %dma_start3A_88 = tpu.memref_slice %arg4[%dma_start3A_86, %dma_start3A_87] : memref<100000x128xf32, #tpu.memory_space<hbm>> -> memref<100000x128xf32, #tpu.memory_space<hbm>>
    tpu.enqueue_indirect_dma source(%dma_start3A_88 : memref<100000x128xf32, #tpu.memory_space<hbm>>) target(%dma_start3A_82 : memref<32x128xf32, #tpu.memory_space<vmem>>) offsets(%dma_start3A_85 : memref<32xi32, #tpu.memory_space<vmem>>) semaphore(%arg18 : memref<!tpu.dma_semaphore, #tpu.memory_space<semaphore_mem>>)
    %dma_start3A_89 = arith.constant 2 : i32
    %dma_start3A_90 = arith.constant 2 : i32
    %dma_start3A_91 = arith.constant 0 : i32
    %dma_start3A_92 = arith.constant 0 : i32
    %dma_start3A_93 = tpu.memref_slice %arg8[%dma_start3A_90, %dma_start3A_91, %dma_start3A_92] : memref<8x32x128xf32, #tpu.memory_space<vmem>> -> memref<1x32x128xf32, #tpu.memory_space<vmem>>
    %dma_start3A_94 = tpu.memref_squeeze %dma_start3A_93 : memref<1x32x128xf32, #tpu.memory_space<vmem>> -> memref<32x128xf32, #tpu.memory_space<vmem>>
    %dma_start3A_95 = arith.constant 0 : i32
    %dma_start3A_96 = tpu.memref_slice %arg7[%dma_start3A_89, %dma_start3A_95] : memref<512x32xi32, #tpu.memory_space<vmem>> -> memref<1x32xi32, #tpu.memory_space<vmem>>
    %dma_start3A_97 = tpu.memref_squeeze %dma_start3A_96 : memref<1x32xi32, #tpu.memory_space<vmem>> -> memref<32xi32, #tpu.memory_space<vmem>>
    %dma_start3A_98 = arith.constant 0 : i32
    %dma_start3A_99 = arith.constant 0 : i32
    %dma_start3A_100 = tpu.memref_slice %arg4[%dma_start3A_98, %dma_start3A_99] : memref<100000x128xf32, #tpu.memory_space<hbm>> -> memref<100000x128xf32, #tpu.memory_space<hbm>>
    tpu.enqueue_indirect_dma source(%dma_start3A_100 : memref<100000x128xf32, #tpu.memory_space<hbm>>) target(%dma_start3A_94 : memref<32x128xf32, #tpu.memory_space<vmem>>) offsets(%dma_start3A_97 : memref<32xi32, #tpu.memory_space<vmem>>) semaphore(%arg18 : memref<!tpu.dma_semaphore, #tpu.memory_space<semaphore_mem>>)
    %dma_start3A_101 = arith.constant 3 : i32
    %dma_start3A_102 = arith.constant 3 : i32
    %dma_start3A_103 = arith.constant 0 : i32
    %dma_start3A_104 = arith.constant 0 : i32
    %dma_start3A_105 = tpu.memref_slice %arg8[%dma_start3A_102, %dma_start3A_103, %dma_start3A_104] : memref<8x32x128xf32, #tpu.memory_space<vmem>> -> memref<1x32x128xf32, #tpu.memory_space<vmem>>
    %dma_start3A_106 = tpu.memref_squeeze %dma_start3A_105 : memref<1x32x128xf32, #tpu.memory_space<vmem>> -> memref<32x128xf32, #tpu.memory_space<vmem>>
    %dma_start3A_107 = arith.constant 0 : i32
    %dma_start3A_108 = tpu.memref_slice %arg7[%dma_start3A_101, %dma_start3A_107] : memref<512x32xi32, #tpu.memory_space<vmem>> -> memref<1x32xi32, #tpu.memory_space<vmem>>
    %dma_start3A_109 = tpu.memref_squeeze %dma_start3A_108 : memref<1x32xi32, #tpu.memory_space<vmem>> -> memref<32xi32, #tpu.memory_space<vmem>>
    %dma_start3A_110 = arith.constant 0 : i32
    %dma_start3A_111 = arith.constant 0 : i32
    %dma_start3A_112 = tpu.memref_slice %arg4[%dma_start3A_110, %dma_start3A_111] : memref<100000x128xf32, #tpu.memory_space<hbm>> -> memref<100000x128xf32, #tpu.memory_space<hbm>>
    tpu.enqueue_indirect_dma source(%dma_start3A_112 : memref<100000x128xf32, #tpu.memory_space<hbm>>) target(%dma_start3A_106 : memref<32x128xf32, #tpu.memory_space<vmem>>) offsets(%dma_start3A_109 : memref<32xi32, #tpu.memory_space<vmem>>) semaphore(%arg18 : memref<!tpu.dma_semaphore, #tpu.memory_space<semaphore_mem>>)
    %dma_start3A_113 = arith.constant 4 : i32
    %dma_start3A_114 = arith.constant 4 : i32
    %dma_start3A_115 = arith.constant 0 : i32
    %dma_start3A_116 = arith.constant 0 : i32
    %dma_start3A_117 = tpu.memref_slice %arg8[%dma_start3A_114, %dma_start3A_115, %dma_start3A_116] : memref<8x32x128xf32, #tpu.memory_space<vmem>> -> memref<1x32x128xf32, #tpu.memory_space<vmem>>
    %dma_start3A_118 = tpu.memref_squeeze %dma_start3A_117 : memref<1x32x128xf32, #tpu.memory_space<vmem>> -> memref<32x128xf32, #tpu.memory_space<vmem>>
    %dma_start3A_119 = arith.constant 0 : i32
    %dma_start3A_120 = tpu.memref_slice %arg7[%dma_start3A_113, %dma_start3A_119] : memref<512x32xi32, #tpu.memory_space<vmem>> -> memref<1x32xi32, #tpu.memory_space<vmem>>
    %dma_start3A_121 = tpu.memref_squeeze %dma_start3A_120 : memref<1x32xi32, #tpu.memory_space<vmem>> -> memref<32xi32, #tpu.memory_space<vmem>>
    %dma_start3A_122 = arith.constant 0 : i32
    %dma_start3A_123 = arith.constant 0 : i32
    %dma_start3A_124 = tpu.memref_slice %arg4[%dma_start3A_122, %dma_start3A_123] : memref<100000x128xf32, #tpu.memory_space<hbm>> -> memref<100000x128xf32, #tpu.memory_space<hbm>>
    tpu.enqueue_indirect_dma source(%dma_start3A_124 : memref<100000x128xf32, #tpu.memory_space<hbm>>) target(%dma_start3A_118 : memref<32x128xf32, #tpu.memory_space<vmem>>) offsets(%dma_start3A_121 : memref<32xi32, #tpu.memory_space<vmem>>) semaphore(%arg18 : memref<!tpu.dma_semaphore, #tpu.memory_space<semaphore_mem>>)
    %dma_start3A_125 = arith.constant 5 : i32
    %dma_start3A_126 = arith.constant 5 : i32
    %dma_start3A_127 = arith.constant 0 : i32
    %dma_start3A_128 = arith.constant 0 : i32
    %dma_start3A_129 = tpu.memref_slice %arg8[%dma_start3A_126, %dma_start3A_127, %dma_start3A_128] : memref<8x32x128xf32, #tpu.memory_space<vmem>> -> memref<1x32x128xf32, #tpu.memory_space<vmem>>
    %dma_start3A_130 = tpu.memref_squeeze %dma_start3A_129 : memref<1x32x128xf32, #tpu.memory_space<vmem>> -> memref<32x128xf32, #tpu.memory_space<vmem>>
    %dma_start3A_131 = arith.constant 0 : i32
    %dma_start3A_132 = tpu.memref_slice %arg7[%dma_start3A_125, %dma_start3A_131] : memref<512x32xi32, #tpu.memory_space<vmem>> -> memref<1x32xi32, #tpu.memory_space<vmem>>
    %dma_start3A_133 = tpu.memref_squeeze %dma_start3A_132 : memref<1x32xi32, #tpu.memory_space<vmem>> -> memref<32xi32, #tpu.memory_space<vmem>>
    %dma_start3A_134 = arith.constant 0 : i32
    %dma_start3A_135 = arith.constant 0 : i32
    %dma_start3A_136 = tpu.memref_slice %arg4[%dma_start3A_134, %dma_start3A_135] : memref<100000x128xf32, #tpu.memory_space<hbm>> -> memref<100000x128xf32, #tpu.memory_space<hbm>>
    tpu.enqueue_indirect_dma source(%dma_start3A_136 : memref<100000x128xf32, #tpu.memory_space<hbm>>) target(%dma_start3A_130 : memref<32x128xf32, #tpu.memory_space<vmem>>) offsets(%dma_start3A_133 : memref<32xi32, #tpu.memory_space<vmem>>) semaphore(%arg18 : memref<!tpu.dma_semaphore, #tpu.memory_space<semaphore_mem>>)
    %dma_start3A_137 = arith.constant 6 : i32
    %dma_start3A_138 = arith.constant 6 : i32
    %dma_start3A_139 = arith.constant 0 : i32
    %dma_start3A_140 = arith.constant 0 : i32
    %dma_start3A_141 = tpu.memref_slice %arg8[%dma_start3A_138, %dma_start3A_139, %dma_start3A_140] : memref<8x32x128xf32, #tpu.memory_space<vmem>> -> memref<1x32x128xf32, #tpu.memory_space<vmem>>
    %dma_start3A_142 = tpu.memref_squeeze %dma_start3A_141 : memref<1x32x128xf32, #tpu.memory_space<vmem>> -> memref<32x128xf32, #tpu.memory_space<vmem>>
    %dma_start3A_143 = arith.constant 0 : i32
    %dma_start3A_144 = tpu.memref_slice %arg7[%dma_start3A_137, %dma_start3A_143] : memref<512x32xi32, #tpu.memory_space<vmem>> -> memref<1x32xi32, #tpu.memory_space<vmem>>
    %dma_start3A_145 = tpu.memref_squeeze %dma_start3A_144 : memref<1x32xi32, #tpu.memory_space<vmem>> -> memref<32xi32, #tpu.memory_space<vmem>>
    %dma_start3A_146 = arith.constant 0 : i32
    %dma_start3A_147 = arith.constant 0 : i32
    %dma_start3A_148 = tpu.memref_slice %arg4[%dma_start3A_146, %dma_start3A_147] : memref<100000x128xf32, #tpu.memory_space<hbm>> -> memref<100000x128xf32, #tpu.memory_space<hbm>>
    tpu.enqueue_indirect_dma source(%dma_start3A_148 : memref<100000x128xf32, #tpu.memory_space<hbm>>) target(%dma_start3A_142 : memref<32x128xf32, #tpu.memory_space<vmem>>) offsets(%dma_start3A_145 : memref<32xi32, #tpu.memory_space<vmem>>) semaphore(%arg18 : memref<!tpu.dma_semaphore, #tpu.memory_space<semaphore_mem>>)
    %dma_start3A_149 = arith.constant 7 : i32
    %dma_start3A_150 = arith.constant 7 : i32
    %dma_start3A_151 = arith.constant 0 : i32
    %dma_start3A_152 = arith.constant 0 : i32
    %dma_start3A_153 = tpu.memref_slice %arg8[%dma_start3A_150, %dma_start3A_151, %dma_start3A_152] : memref<8x32x128xf32, #tpu.memory_space<vmem>> -> memref<1x32x128xf32, #tpu.memory_space<vmem>>
    %dma_start3A_154 = tpu.memref_squeeze %dma_start3A_153 : memref<1x32x128xf32, #tpu.memory_space<vmem>> -> memref<32x128xf32, #tpu.memory_space<vmem>>
    %dma_start3A_155 = arith.constant 0 : i32
    %dma_start3A_156 = tpu.memref_slice %arg7[%dma_start3A_149, %dma_start3A_155] : memref<512x32xi32, #tpu.memory_space<vmem>> -> memref<1x32xi32, #tpu.memory_space<vmem>>
    %dma_start3A_157 = tpu.memref_squeeze %dma_start3A_156 : memref<1x32xi32, #tpu.memory_space<vmem>> -> memref<32xi32, #tpu.memory_space<vmem>>
    %dma_start3A_158 = arith.constant 0 : i32
    %dma_start3A_159 = arith.constant 0 : i32
    %dma_start3A_160 = tpu.memref_slice %arg4[%dma_start3A_158, %dma_start3A_159] : memref<100000x128xf32, #tpu.memory_space<hbm>> -> memref<100000x128xf32, #tpu.memory_space<hbm>>
    tpu.enqueue_indirect_dma source(%dma_start3A_160 : memref<100000x128xf32, #tpu.memory_space<hbm>>) target(%dma_start3A_154 : memref<32x128xf32, #tpu.memory_space<vmem>>) offsets(%dma_start3A_157 : memref<32xi32, #tpu.memory_space<vmem>>) semaphore(%arg18 : memref<!tpu.dma_semaphore, #tpu.memory_space<semaphore_mem>>)
    %dma_start3A_161 = arith.constant 0 : i32
    %dma_start3A_162 = tpu.memref_slice %arg6[%dma_start3A_161] : memref<512xi32, #tpu.memory_space<vmem>> -> memref<8xi32, #tpu.memory_space<vmem>>
    %dma_start3A_163 = arith.constant 0 : i32
    %dma_start3A_164 = arith.constant 0 : i32
    %dma_start3A_165 = tpu.memref_slice %arg4[%dma_start3A_163, %dma_start3A_164] : memref<100000x128xf32, #tpu.memory_space<hbm>> -> memref<100000x128xf32, #tpu.memory_space<hbm>>
    tpu.enqueue_indirect_dma source(%dma_start3A_165 : memref<100000x128xf32, #tpu.memory_space<hbm>>) target(%arg11 : memref<8x128xf32, #tpu.memory_space<vmem>>) offsets(%dma_start3A_162 : memref<8xi32, #tpu.memory_space<vmem>>) semaphore(%arg18 : memref<!tpu.dma_semaphore, #tpu.memory_space<semaphore_mem>>)
    %dma_start3A_166 = arith.constant 8 : i32
    %dma_start3A_167 = arith.constant 0 : i32
    %dma_start3A_168 = arith.constant 0 : i32
    %dma_start3A_169 = arith.constant 0 : i32
    %dma_start3A_170 = tpu.memref_slice %arg9[%dma_start3A_167, %dma_start3A_168, %dma_start3A_169] : memref<8x32x128xf32, #tpu.memory_space<vmem>> -> memref<1x32x128xf32, #tpu.memory_space<vmem>>
    %dma_start3A_171 = tpu.memref_squeeze %dma_start3A_170 : memref<1x32x128xf32, #tpu.memory_space<vmem>> -> memref<32x128xf32, #tpu.memory_space<vmem>>
    %dma_start3A_172 = arith.constant 0 : i32
    %dma_start3A_173 = tpu.memref_slice %arg7[%dma_start3A_166, %dma_start3A_172] : memref<512x32xi32, #tpu.memory_space<vmem>> -> memref<1x32xi32, #tpu.memory_space<vmem>>
    %dma_start3A_174 = tpu.memref_squeeze %dma_start3A_173 : memref<1x32xi32, #tpu.memory_space<vmem>> -> memref<32xi32, #tpu.memory_space<vmem>>
    %dma_start3A_175 = arith.constant 0 : i32
    %dma_start3A_176 = arith.constant 0 : i32
    %dma_start3A_177 = tpu.memref_slice %arg4[%dma_start3A_175, %dma_start3A_176] : memref<100000x128xf32, #tpu.memory_space<hbm>> -> memref<100000x128xf32, #tpu.memory_space<hbm>>
    tpu.enqueue_indirect_dma source(%dma_start3A_177 : memref<100000x128xf32, #tpu.memory_space<hbm>>) target(%dma_start3A_171 : memref<32x128xf32, #tpu.memory_space<vmem>>) offsets(%dma_start3A_174 : memref<32xi32, #tpu.memory_space<vmem>>) semaphore(%arg19 : memref<!tpu.dma_semaphore, #tpu.memory_space<semaphore_mem>>)
    %dma_start3A_178 = arith.constant 9 : i32
    %dma_start3A_179 = arith.constant 1 : i32
    %dma_start3A_180 = arith.constant 0 : i32
    %dma_start3A_181 = arith.constant 0 : i32
    %dma_start3A_182 = tpu.memref_slice %arg9[%dma_start3A_179, %dma_start3A_180, %dma_start3A_181] : memref<8x32x128xf32, #tpu.memory_space<vmem>> -> memref<1x32x128xf32, #tpu.memory_space<vmem>>
    %dma_start3A_183 = tpu.memref_squeeze %dma_start3A_182 : memref<1x32x128xf32, #tpu.memory_space<vmem>> -> memref<32x128xf32, #tpu.memory_space<vmem>>
    %dma_start3A_184 = arith.constant 0 : i32
    %dma_start3A_185 = tpu.memref_slice %arg7[%dma_start3A_178, %dma_start3A_184] : memref<512x32xi32, #tpu.memory_space<vmem>> -> memref<1x32xi32, #tpu.memory_space<vmem>>
    %dma_start3A_186 = tpu.memref_squeeze %dma_start3A_185 : memref<1x32xi32, #tpu.memory_space<vmem>> -> memref<32xi32, #tpu.memory_space<vmem>>
    %dma_start3A_187 = arith.constant 0 : i32
    %dma_start3A_188 = arith.constant 0 : i32
    %dma_start3A_189 = tpu.memref_slice %arg4[%dma_start3A_187, %dma_start3A_188] : memref<100000x128xf32, #tpu.memory_space<hbm>> -> memref<100000x128xf32, #tpu.memory_space<hbm>>
    tpu.enqueue_indirect_dma source(%dma_start3A_189 : memref<100000x128xf32, #tpu.memory_space<hbm>>) target(%dma_start3A_183 : memref<32x128xf32, #tpu.memory_space<vmem>>) offsets(%dma_start3A_186 : memref<32xi32, #tpu.memory_space<vmem>>) semaphore(%arg19 : memref<!tpu.dma_semaphore, #tpu.memory_space<semaphore_mem>>)
    %dma_start3A_190 = arith.constant 10 : i32
    %dma_start3A_191 = arith.constant 2 : i32
    %dma_start3A_192 = arith.constant 0 : i32
    %dma_start3A_193 = arith.constant 0 : i32
    %dma_start3A_194 = tpu.memref_slice %arg9[%dma_start3A_191, %dma_start3A_192, %dma_start3A_193] : memref<8x32x128xf32, #tpu.memory_space<vmem>> -> memref<1x32x128xf32, #tpu.memory_space<vmem>>
    %dma_start3A_195 = tpu.memref_squeeze %dma_start3A_194 : memref<1x32x128xf32, #tpu.memory_space<vmem>> -> memref<32x128xf32, #tpu.memory_space<vmem>>
    %dma_start3A_196 = arith.constant 0 : i32
    %dma_start3A_197 = tpu.memref_slice %arg7[%dma_start3A_190, %dma_start3A_196] : memref<512x32xi32, #tpu.memory_space<vmem>> -> memref<1x32xi32, #tpu.memory_space<vmem>>
    %dma_start3A_198 = tpu.memref_squeeze %dma_start3A_197 : memref<1x32xi32, #tpu.memory_space<vmem>> -> memref<32xi32, #tpu.memory_space<vmem>>
    %dma_start3A_199 = arith.constant 0 : i32
    %dma_start3A_200 = arith.constant 0 : i32
    %dma_start3A_201 = tpu.memref_slice %arg4[%dma_start3A_199, %dma_start3A_200] : memref<100000x128xf32, #tpu.memory_space<hbm>> -> memref<100000x128xf32, #tpu.memory_space<hbm>>
    tpu.enqueue_indirect_dma source(%dma_start3A_201 : memref<100000x128xf32, #tpu.memory_space<hbm>>) target(%dma_start3A_195 : memref<32x128xf32, #tpu.memory_space<vmem>>) offsets(%dma_start3A_198 : memref<32xi32, #tpu.memory_space<vmem>>) semaphore(%arg19 : memref<!tpu.dma_semaphore, #tpu.memory_space<semaphore_mem>>)
    %dma_start3A_202 = arith.constant 11 : i32
    %dma_start3A_203 = arith.constant 3 : i32
    %dma_start3A_204 = arith.constant 0 : i32
    %dma_start3A_205 = arith.constant 0 : i32
    %dma_start3A_206 = tpu.memref_slice %arg9[%dma_start3A_203, %dma_start3A_204, %dma_start3A_205] : memref<8x32x128xf32, #tpu.memory_space<vmem>> -> memref<1x32x128xf32, #tpu.memory_space<vmem>>
    %dma_start3A_207 = tpu.memref_squeeze %dma_start3A_206 : memref<1x32x128xf32, #tpu.memory_space<vmem>> -> memref<32x128xf32, #tpu.memory_space<vmem>>
    %dma_start3A_208 = arith.constant 0 : i32
    %dma_start3A_209 = tpu.memref_slice %arg7[%dma_start3A_202, %dma_start3A_208] : memref<512x32xi32, #tpu.memory_space<vmem>> -> memref<1x32xi32, #tpu.memory_space<vmem>>
    %dma_start3A_210 = tpu.memref_squeeze %dma_start3A_209 : memref<1x32xi32, #tpu.memory_space<vmem>> -> memref<32xi32, #tpu.memory_space<vmem>>
    %dma_start3A_211 = arith.constant 0 : i32
    %dma_start3A_212 = arith.constant 0 : i32
    %dma_start3A_213 = tpu.memref_slice %arg4[%dma_start3A_211, %dma_start3A_212] : memref<100000x128xf32, #tpu.memory_space<hbm>> -> memref<100000x128xf32, #tpu.memory_space<hbm>>
    tpu.enqueue_indirect_dma source(%dma_start3A_213 : memref<100000x128xf32, #tpu.memory_space<hbm>>) target(%dma_start3A_207 : memref<32x128xf32, #tpu.memory_space<vmem>>) offsets(%dma_start3A_210 : memref<32xi32, #tpu.memory_space<vmem>>) semaphore(%arg19 : memref<!tpu.dma_semaphore, #tpu.memory_space<semaphore_mem>>)
    %dma_start3A_214 = arith.constant 12 : i32
    %dma_start3A_215 = arith.constant 4 : i32
    %dma_start3A_216 = arith.constant 0 : i32
    %dma_start3A_217 = arith.constant 0 : i32
    %dma_start3A_218 = tpu.memref_slice %arg9[%dma_start3A_215, %dma_start3A_216, %dma_start3A_217] : memref<8x32x128xf32, #tpu.memory_space<vmem>> -> memref<1x32x128xf32, #tpu.memory_space<vmem>>
    %dma_start3A_219 = tpu.memref_squeeze %dma_start3A_218 : memref<1x32x128xf32, #tpu.memory_space<vmem>> -> memref<32x128xf32, #tpu.memory_space<vmem>>
    %dma_start3A_220 = arith.constant 0 : i32
    %dma_start3A_221 = tpu.memref_slice %arg7[%dma_start3A_214, %dma_start3A_220] : memref<512x32xi32, #tpu.memory_space<vmem>> -> memref<1x32xi32, #tpu.memory_space<vmem>>
    %dma_start3A_222 = tpu.memref_squeeze %dma_start3A_221 : memref<1x32xi32, #tpu.memory_space<vmem>> -> memref<32xi32, #tpu.memory_space<vmem>>
    %dma_start3A_223 = arith.constant 0 : i32
    %dma_start3A_224 = arith.constant 0 : i32
    %dma_start3A_225 = tpu.memref_slice %arg4[%dma_start3A_223, %dma_start3A_224] : memref<100000x128xf32, #tpu.memory_space<hbm>> -> memref<100000x128xf32, #tpu.memory_space<hbm>>
    tpu.enqueue_indirect_dma source(%dma_start3A_225 : memref<100000x128xf32, #tpu.memory_space<hbm>>) target(%dma_start3A_219 : memref<32x128xf32, #tpu.memory_space<vmem>>) offsets(%dma_start3A_222 : memref<32xi32, #tpu.memory_space<vmem>>) semaphore(%arg19 : memref<!tpu.dma_semaphore, #tpu.memory_space<semaphore_mem>>)
    %dma_start3A_226 = arith.constant 13 : i32
    %dma_start3A_227 = arith.constant 5 : i32
    %dma_start3A_228 = arith.constant 0 : i32
    %dma_start3A_229 = arith.constant 0 : i32
    %dma_start3A_230 = tpu.memref_slice %arg9[%dma_start3A_227, %dma_start3A_228, %dma_start3A_229] : memref<8x32x128xf32, #tpu.memory_space<vmem>> -> memref<1x32x128xf32, #tpu.memory_space<vmem>>
    %dma_start3A_231 = tpu.memref_squeeze %dma_start3A_230 : memref<1x32x128xf32, #tpu.memory_space<vmem>> -> memref<32x128xf32, #tpu.memory_space<vmem>>
    %dma_start3A_232 = arith.constant 0 : i32
    %dma_start3A_233 = tpu.memref_slice %arg7[%dma_start3A_226, %dma_start3A_232] : memref<512x32xi32, #tpu.memory_space<vmem>> -> memref<1x32xi32, #tpu.memory_space<vmem>>
    %dma_start3A_234 = tpu.memref_squeeze %dma_start3A_233 : memref<1x32xi32, #tpu.memory_space<vmem>> -> memref<32xi32, #tpu.memory_space<vmem>>
    %dma_start3A_235 = arith.constant 0 : i32
    %dma_start3A_236 = arith.constant 0 : i32
    %dma_start3A_237 = tpu.memref_slice %arg4[%dma_start3A_235, %dma_start3A_236] : memref<100000x128xf32, #tpu.memory_space<hbm>> -> memref<100000x128xf32, #tpu.memory_space<hbm>>
    tpu.enqueue_indirect_dma source(%dma_start3A_237 : memref<100000x128xf32, #tpu.memory_space<hbm>>) target(%dma_start3A_231 : memref<32x128xf32, #tpu.memory_space<vmem>>) offsets(%dma_start3A_234 : memref<32xi32, #tpu.memory_space<vmem>>) semaphore(%arg19 : memref<!tpu.dma_semaphore, #tpu.memory_space<semaphore_mem>>)
    %dma_start3A_238 = arith.constant 14 : i32
    %dma_start3A_239 = arith.constant 6 : i32
    %dma_start3A_240 = arith.constant 0 : i32
    %dma_start3A_241 = arith.constant 0 : i32
    %dma_start3A_242 = tpu.memref_slice %arg9[%dma_start3A_239, %dma_start3A_240, %dma_start3A_241] : memref<8x32x128xf32, #tpu.memory_space<vmem>> -> memref<1x32x128xf32, #tpu.memory_space<vmem>>
    %dma_start3A_243 = tpu.memref_squeeze %dma_start3A_242 : memref<1x32x128xf32, #tpu.memory_space<vmem>> -> memref<32x128xf32, #tpu.memory_space<vmem>>
    %dma_start3A_244 = arith.constant 0 : i32
    %dma_start3A_245 = tpu.memref_slice %arg7[%dma_start3A_238, %dma_start3A_244] : memref<512x32xi32, #tpu.memory_space<vmem>> -> memref<1x32xi32, #tpu.memory_space<vmem>>
    %dma_start3A_246 = tpu.memref_squeeze %dma_start3A_245 : memref<1x32xi32, #tpu.memory_space<vmem>> -> memref<32xi32, #tpu.memory_space<vmem>>
    %dma_start3A_247 = arith.constant 0 : i32
    %dma_start3A_248 = arith.constant 0 : i32
    %dma_start3A_249 = tpu.memref_slice %arg4[%dma_start3A_247, %dma_start3A_248] : memref<100000x128xf32, #tpu.memory_space<hbm>> -> memref<100000x128xf32, #tpu.memory_space<hbm>>
    tpu.enqueue_indirect_dma source(%dma_start3A_249 : memref<100000x128xf32, #tpu.memory_space<hbm>>) target(%dma_start3A_243 : memref<32x128xf32, #tpu.memory_space<vmem>>) offsets(%dma_start3A_246 : memref<32xi32, #tpu.memory_space<vmem>>) semaphore(%arg19 : memref<!tpu.dma_semaphore, #tpu.memory_space<semaphore_mem>>)
    %dma_start3A_250 = arith.constant 15 : i32
    %dma_start3A_251 = arith.constant 7 : i32
    %dma_start3A_252 = arith.constant 0 : i32
    %dma_start3A_253 = arith.constant 0 : i32
    %dma_start3A_254 = tpu.memref_slice %arg9[%dma_start3A_251, %dma_start3A_252, %dma_start3A_253] : memref<8x32x128xf32, #tpu.memory_space<vmem>> -> memref<1x32x128xf32, #tpu.memory_space<vmem>>
    %dma_start3A_255 = tpu.memref_squeeze %dma_start3A_254 : memref<1x32x128xf32, #tpu.memory_space<vmem>> -> memref<32x128xf32, #tpu.memory_space<vmem>>
    %dma_start3A_256 = arith.constant 0 : i32
    %dma_start3A_257 = tpu.memref_slice %arg7[%dma_start3A_250, %dma_start3A_256] : memref<512x32xi32, #tpu.memory_space<vmem>> -> memref<1x32xi32, #tpu.memory_space<vmem>>
    %dma_start3A_258 = tpu.memref_squeeze %dma_start3A_257 : memref<1x32xi32, #tpu.memory_space<vmem>> -> memref<32xi32, #tpu.memory_space<vmem>>
    %dma_start3A_259 = arith.constant 0 : i32
    %dma_start3A_260 = arith.constant 0 : i32
    %dma_start3A_261 = tpu.memref_slice %arg4[%dma_start3A_259, %dma_start3A_260] : memref<100000x128xf32, #tpu.memory_space<hbm>> -> memref<100000x128xf32, #tpu.memory_space<hbm>>
    tpu.enqueue_indirect_dma source(%dma_start3A_261 : memref<100000x128xf32, #tpu.memory_space<hbm>>) target(%dma_start3A_255 : memref<32x128xf32, #tpu.memory_space<vmem>>) offsets(%dma_start3A_258 : memref<32xi32, #tpu.memory_space<vmem>>) semaphore(%arg19 : memref<!tpu.dma_semaphore, #tpu.memory_space<semaphore_mem>>)
    %dma_start3A_262 = arith.constant 8 : i32
    %dma_start3A_263 = tpu.memref_slice %arg6[%dma_start3A_262] : memref<512xi32, #tpu.memory_space<vmem>> -> memref<8xi32, #tpu.memory_space<vmem>>
    %dma_start3A_264 = arith.constant 0 : i32
    %dma_start3A_265 = arith.constant 0 : i32
    %dma_start3A_266 = tpu.memref_slice %arg4[%dma_start3A_264, %dma_start3A_265] : memref<100000x128xf32, #tpu.memory_space<hbm>> -> memref<100000x128xf32, #tpu.memory_space<hbm>>
    tpu.enqueue_indirect_dma source(%dma_start3A_266 : memref<100000x128xf32, #tpu.memory_space<hbm>>) target(%arg12 : memref<8x128xf32, #tpu.memory_space<vmem>>) offsets(%dma_start3A_263 : memref<8xi32, #tpu.memory_space<vmem>>) semaphore(%arg19 : memref<!tpu.dma_semaphore, #tpu.memory_space<semaphore_mem>>)
    %dma_start3A_267 = arith.constant 16 : i32
    %dma_start3A_268 = arith.constant 0 : i32
    %dma_start3A_269 = arith.constant 0 : i32
    %dma_start3A_270 = arith.constant 0 : i32
    %dma_start3A_271 = tpu.memref_slice %arg10[%dma_start3A_268, %dma_start3A_269, %dma_start3A_270] : memref<8x32x128xf32, #tpu.memory_space<vmem>> -> memref<1x32x128xf32, #tpu.memory_space<vmem>>
    %dma_start3A_272 = tpu.memref_squeeze %dma_start3A_271 : memref<1x32x128xf32, #tpu.memory_space<vmem>> -> memref<32x128xf32, #tpu.memory_space<vmem>>
    %dma_start3A_273 = arith.constant 0 : i32
    %dma_start3A_274 = tpu.memref_slice %arg7[%dma_start3A_267, %dma_start3A_273] : memref<512x32xi32, #tpu.memory_space<vmem>> -> memref<1x32xi32, #tpu.memory_space<vmem>>
    %dma_start3A_275 = tpu.memref_squeeze %dma_start3A_274 : memref<1x32xi32, #tpu.memory_space<vmem>> -> memref<32xi32, #tpu.memory_space<vmem>>
    %dma_start3A_276 = arith.constant 0 : i32
    %dma_start3A_277 = arith.constant 0 : i32
    %dma_start3A_278 = tpu.memref_slice %arg4[%dma_start3A_276, %dma_start3A_277] : memref<100000x128xf32, #tpu.memory_space<hbm>> -> memref<100000x128xf32, #tpu.memory_space<hbm>>
    tpu.enqueue_indirect_dma source(%dma_start3A_278 : memref<100000x128xf32, #tpu.memory_space<hbm>>) target(%dma_start3A_272 : memref<32x128xf32, #tpu.memory_space<vmem>>) offsets(%dma_start3A_275 : memref<32xi32, #tpu.memory_space<vmem>>) semaphore(%arg20 : memref<!tpu.dma_semaphore, #tpu.memory_space<semaphore_mem>>)
    %dma_start3A_279 = arith.constant 17 : i32
    %dma_start3A_280 = arith.constant 1 : i32
    %dma_start3A_281 = arith.constant 0 : i32
    %dma_start3A_282 = arith.constant 0 : i32
    %dma_start3A_283 = tpu.memref_slice %arg10[%dma_start3A_280, %dma_start3A_281, %dma_start3A_282] : memref<8x32x128xf32, #tpu.memory_space<vmem>> -> memref<1x32x128xf32, #tpu.memory_space<vmem>>
    %dma_start3A_284 = tpu.memref_squeeze %dma_start3A_283 : memref<1x32x128xf32, #tpu.memory_space<vmem>> -> memref<32x128xf32, #tpu.memory_space<vmem>>
    %dma_start3A_285 = arith.constant 0 : i32
    %dma_start3A_286 = tpu.memref_slice %arg7[%dma_start3A_279, %dma_start3A_285] : memref<512x32xi32, #tpu.memory_space<vmem>> -> memref<1x32xi32, #tpu.memory_space<vmem>>
    %dma_start3A_287 = tpu.memref_squeeze %dma_start3A_286 : memref<1x32xi32, #tpu.memory_space<vmem>> -> memref<32xi32, #tpu.memory_space<vmem>>
    %dma_start3A_288 = arith.constant 0 : i32
    %dma_start3A_289 = arith.constant 0 : i32
    %dma_start3A_290 = tpu.memref_slice %arg4[%dma_start3A_288, %dma_start3A_289] : memref<100000x128xf32, #tpu.memory_space<hbm>> -> memref<100000x128xf32, #tpu.memory_space<hbm>>
    tpu.enqueue_indirect_dma source(%dma_start3A_290 : memref<100000x128xf32, #tpu.memory_space<hbm>>) target(%dma_start3A_284 : memref<32x128xf32, #tpu.memory_space<vmem>>) offsets(%dma_start3A_287 : memref<32xi32, #tpu.memory_space<vmem>>) semaphore(%arg20 : memref<!tpu.dma_semaphore, #tpu.memory_space<semaphore_mem>>)
    %dma_start3A_291 = arith.constant 18 : i32
    %dma_start3A_292 = arith.constant 2 : i32
    %dma_start3A_293 = arith.constant 0 : i32
    %dma_start3A_294 = arith.constant 0 : i32
    %dma_start3A_295 = tpu.memref_slice %arg10[%dma_start3A_292, %dma_start3A_293, %dma_start3A_294] : memref<8x32x128xf32, #tpu.memory_space<vmem>> -> memref<1x32x128xf32, #tpu.memory_space<vmem>>
    %dma_start3A_296 = tpu.memref_squeeze %dma_start3A_295 : memref<1x32x128xf32, #tpu.memory_space<vmem>> -> memref<32x128xf32, #tpu.memory_space<vmem>>
    %dma_start3A_297 = arith.constant 0 : i32
    %dma_start3A_298 = tpu.memref_slice %arg7[%dma_start3A_291, %dma_start3A_297] : memref<512x32xi32, #tpu.memory_space<vmem>> -> memref<1x32xi32, #tpu.memory_space<vmem>>
    %dma_start3A_299 = tpu.memref_squeeze %dma_start3A_298 : memref<1x32xi32, #tpu.memory_space<vmem>> -> memref<32xi32, #tpu.memory_space<vmem>>
    %dma_start3A_300 = arith.constant 0 : i32
    %dma_start3A_301 = arith.constant 0 : i32
    %dma_start3A_302 = tpu.memref_slice %arg4[%dma_start3A_300, %dma_start3A_301] : memref<100000x128xf32, #tpu.memory_space<hbm>> -> memref<100000x128xf32, #tpu.memory_space<hbm>>
    tpu.enqueue_indirect_dma source(%dma_start3A_302 : memref<100000x128xf32, #tpu.memory_space<hbm>>) target(%dma_start3A_296 : memref<32x128xf32, #tpu.memory_space<vmem>>) offsets(%dma_start3A_299 : memref<32xi32, #tpu.memory_space<vmem>>) semaphore(%arg20 : memref<!tpu.dma_semaphore, #tpu.memory_space<semaphore_mem>>)
    %dma_start3A_303 = arith.constant 19 : i32
    %dma_start3A_304 = arith.constant 3 : i32
    %dma_start3A_305 = arith.constant 0 : i32
    %dma_start3A_306 = arith.constant 0 : i32
    %dma_start3A_307 = tpu.memref_slice %arg10[%dma_start3A_304, %dma_start3A_305, %dma_start3A_306] : memref<8x32x128xf32, #tpu.memory_space<vmem>> -> memref<1x32x128xf32, #tpu.memory_space<vmem>>
    %dma_start3A_308 = tpu.memref_squeeze %dma_start3A_307 : memref<1x32x128xf32, #tpu.memory_space<vmem>> -> memref<32x128xf32, #tpu.memory_space<vmem>>
    %dma_start3A_309 = arith.constant 0 : i32
    %dma_start3A_310 = tpu.memref_slice %arg7[%dma_start3A_303, %dma_start3A_309] : memref<512x32xi32, #tpu.memory_space<vmem>> -> memref<1x32xi32, #tpu.memory_space<vmem>>
    %dma_start3A_311 = tpu.memref_squeeze %dma_start3A_310 : memref<1x32xi32, #tpu.memory_space<vmem>> -> memref<32xi32, #tpu.memory_space<vmem>>
    %dma_start3A_312 = arith.constant 0 : i32
    %dma_start3A_313 = arith.constant 0 : i32
    %dma_start3A_314 = tpu.memref_slice %arg4[%dma_start3A_312, %dma_start3A_313] : memref<100000x128xf32, #tpu.memory_space<hbm>> -> memref<100000x128xf32, #tpu.memory_space<hbm>>
    tpu.enqueue_indirect_dma source(%dma_start3A_314 : memref<100000x128xf32, #tpu.memory_space<hbm>>) target(%dma_start3A_308 : memref<32x128xf32, #tpu.memory_space<vmem>>) offsets(%dma_start3A_311 : memref<32xi32, #tpu.memory_space<vmem>>) semaphore(%arg20 : memref<!tpu.dma_semaphore, #tpu.memory_space<semaphore_mem>>)
    %dma_start3A_315 = arith.constant 20 : i32
    %dma_start3A_316 = arith.constant 4 : i32
    %dma_start3A_317 = arith.constant 0 : i32
    %dma_start3A_318 = arith.constant 0 : i32
    %dma_start3A_319 = tpu.memref_slice %arg10[%dma_start3A_316, %dma_start3A_317, %dma_start3A_318] : memref<8x32x128xf32, #tpu.memory_space<vmem>> -> memref<1x32x128xf32, #tpu.memory_space<vmem>>
    %dma_start3A_320 = tpu.memref_squeeze %dma_start3A_319 : memref<1x32x128xf32, #tpu.memory_space<vmem>> -> memref<32x128xf32, #tpu.memory_space<vmem>>
    %dma_start3A_321 = arith.constant 0 : i32
    %dma_start3A_322 = tpu.memref_slice %arg7[%dma_start3A_315, %dma_start3A_321] : memref<512x32xi32, #tpu.memory_space<vmem>> -> memref<1x32xi32, #tpu.memory_space<vmem>>
    %dma_start3A_323 = tpu.memref_squeeze %dma_start3A_322 : memref<1x32xi32, #tpu.memory_space<vmem>> -> memref<32xi32, #tpu.memory_space<vmem>>
    %dma_start3A_324 = arith.constant 0 : i32
    %dma_start3A_325 = arith.constant 0 : i32
    %dma_start3A_326 = tpu.memref_slice %arg4[%dma_start3A_324, %dma_start3A_325] : memref<100000x128xf32, #tpu.memory_space<hbm>> -> memref<100000x128xf32, #tpu.memory_space<hbm>>
    tpu.enqueue_indirect_dma source(%dma_start3A_326 : memref<100000x128xf32, #tpu.memory_space<hbm>>) target(%dma_start3A_320 : memref<32x128xf32, #tpu.memory_space<vmem>>) offsets(%dma_start3A_323 : memref<32xi32, #tpu.memory_space<vmem>>) semaphore(%arg20 : memref<!tpu.dma_semaphore, #tpu.memory_space<semaphore_mem>>)
    %dma_start3A_327 = arith.constant 21 : i32
    %dma_start3A_328 = arith.constant 5 : i32
    %dma_start3A_329 = arith.constant 0 : i32
    %dma_start3A_330 = arith.constant 0 : i32
    %dma_start3A_331 = tpu.memref_slice %arg10[%dma_start3A_328, %dma_start3A_329, %dma_start3A_330] : memref<8x32x128xf32, #tpu.memory_space<vmem>> -> memref<1x32x128xf32, #tpu.memory_space<vmem>>
    %dma_start3A_332 = tpu.memref_squeeze %dma_start3A_331 : memref<1x32x128xf32, #tpu.memory_space<vmem>> -> memref<32x128xf32, #tpu.memory_space<vmem>>
    %dma_start3A_333 = arith.constant 0 : i32
    %dma_start3A_334 = tpu.memref_slice %arg7[%dma_start3A_327, %dma_start3A_333] : memref<512x32xi32, #tpu.memory_space<vmem>> -> memref<1x32xi32, #tpu.memory_space<vmem>>
    %dma_start3A_335 = tpu.memref_squeeze %dma_start3A_334 : memref<1x32xi32, #tpu.memory_space<vmem>> -> memref<32xi32, #tpu.memory_space<vmem>>
    %dma_start3A_336 = arith.constant 0 : i32
    %dma_start3A_337 = arith.constant 0 : i32
    %dma_start3A_338 = tpu.memref_slice %arg4[%dma_start3A_336, %dma_start3A_337] : memref<100000x128xf32, #tpu.memory_space<hbm>> -> memref<100000x128xf32, #tpu.memory_space<hbm>>
    tpu.enqueue_indirect_dma source(%dma_start3A_338 : memref<100000x128xf32, #tpu.memory_space<hbm>>) target(%dma_start3A_332 : memref<32x128xf32, #tpu.memory_space<vmem>>) offsets(%dma_start3A_335 : memref<32xi32, #tpu.memory_space<vmem>>) semaphore(%arg20 : memref<!tpu.dma_semaphore, #tpu.memory_space<semaphore_mem>>)
    %dma_start3A_339 = arith.constant 22 : i32
    %dma_start3A_340 = arith.constant 6 : i32
    %dma_start3A_341 = arith.constant 0 : i32
    %dma_start3A_342 = arith.constant 0 : i32
    %dma_start3A_343 = tpu.memref_slice %arg10[%dma_start3A_340, %dma_start3A_341, %dma_start3A_342] : memref<8x32x128xf32, #tpu.memory_space<vmem>> -> memref<1x32x128xf32, #tpu.memory_space<vmem>>
    %dma_start3A_344 = tpu.memref_squeeze %dma_start3A_343 : memref<1x32x128xf32, #tpu.memory_space<vmem>> -> memref<32x128xf32, #tpu.memory_space<vmem>>
    %dma_start3A_345 = arith.constant 0 : i32
    %dma_start3A_346 = tpu.memref_slice %arg7[%dma_start3A_339, %dma_start3A_345] : memref<512x32xi32, #tpu.memory_space<vmem>> -> memref<1x32xi32, #tpu.memory_space<vmem>>
    %dma_start3A_347 = tpu.memref_squeeze %dma_start3A_346 : memref<1x32xi32, #tpu.memory_space<vmem>> -> memref<32xi32, #tpu.memory_space<vmem>>
    %dma_start3A_348 = arith.constant 0 : i32
    %dma_start3A_349 = arith.constant 0 : i32
    %dma_start3A_350 = tpu.memref_slice %arg4[%dma_start3A_348, %dma_start3A_349] : memref<100000x128xf32, #tpu.memory_space<hbm>> -> memref<100000x128xf32, #tpu.memory_space<hbm>>
    tpu.enqueue_indirect_dma source(%dma_start3A_350 : memref<100000x128xf32, #tpu.memory_space<hbm>>) target(%dma_start3A_344 : memref<32x128xf32, #tpu.memory_space<vmem>>) offsets(%dma_start3A_347 : memref<32xi32, #tpu.memory_space<vmem>>) semaphore(%arg20 : memref<!tpu.dma_semaphore, #tpu.memory_space<semaphore_mem>>)
    %dma_start3A_351 = arith.constant 23 : i32
    %dma_start3A_352 = arith.constant 7 : i32
    %dma_start3A_353 = arith.constant 0 : i32
    %dma_start3A_354 = arith.constant 0 : i32
    %dma_start3A_355 = tpu.memref_slice %arg10[%dma_start3A_352, %dma_start3A_353, %dma_start3A_354] : memref<8x32x128xf32, #tpu.memory_space<vmem>> -> memref<1x32x128xf32, #tpu.memory_space<vmem>>
    %dma_start3A_356 = tpu.memref_squeeze %dma_start3A_355 : memref<1x32x128xf32, #tpu.memory_space<vmem>> -> memref<32x128xf32, #tpu.memory_space<vmem>>
    %dma_start3A_357 = arith.constant 0 : i32
    %dma_start3A_358 = tpu.memref_slice %arg7[%dma_start3A_351, %dma_start3A_357] : memref<512x32xi32, #tpu.memory_space<vmem>> -> memref<1x32xi32, #tpu.memory_space<vmem>>
    %dma_start3A_359 = tpu.memref_squeeze %dma_start3A_358 : memref<1x32xi32, #tpu.memory_space<vmem>> -> memref<32xi32, #tpu.memory_space<vmem>>
    %dma_start3A_360 = arith.constant 0 : i32
    %dma_start3A_361 = arith.constant 0 : i32
    %dma_start3A_362 = tpu.memref_slice %arg4[%dma_start3A_360, %dma_start3A_361] : memref<100000x128xf32, #tpu.memory_space<hbm>> -> memref<100000x128xf32, #tpu.memory_space<hbm>>
    tpu.enqueue_indirect_dma source(%dma_start3A_362 : memref<100000x128xf32, #tpu.memory_space<hbm>>) target(%dma_start3A_356 : memref<32x128xf32, #tpu.memory_space<vmem>>) offsets(%dma_start3A_359 : memref<32xi32, #tpu.memory_space<vmem>>) semaphore(%arg20 : memref<!tpu.dma_semaphore, #tpu.memory_space<semaphore_mem>>)
    %dma_start3A_363 = arith.constant 16 : i32
    %dma_start3A_364 = tpu.memref_slice %arg6[%dma_start3A_363] : memref<512xi32, #tpu.memory_space<vmem>> -> memref<8xi32, #tpu.memory_space<vmem>>
    %dma_start3A_365 = arith.constant 0 : i32
    %dma_start3A_366 = arith.constant 0 : i32
    %dma_start3A_367 = tpu.memref_slice %arg4[%dma_start3A_365, %dma_start3A_366] : memref<100000x128xf32, #tpu.memory_space<hbm>> -> memref<100000x128xf32, #tpu.memory_space<hbm>>
    tpu.enqueue_indirect_dma source(%dma_start3A_367 : memref<100000x128xf32, #tpu.memory_space<hbm>>) target(%arg13 : memref<8x128xf32, #tpu.memory_space<vmem>>) offsets(%dma_start3A_364 : memref<8xi32, #tpu.memory_space<vmem>>) semaphore(%arg20 : memref<!tpu.dma_semaphore, #tpu.memory_space<semaphore_mem>>)
    %scan3A = arith.constant 0 : i32
    %scan3A_368 = arith.constant 0 : i32
    %scan3A_369 = arith.constant 21 : i32
    %scan3A_370 = arith.addi %scan3A_368, %scan3A_369 : i32
    %scan3A_371 = arith.constant 1 : i32
    scf.for %scan3A_510 = %scan3A_368 to %scan3A_370 step %scan3A_371  : i32 {
      %mul3A_511 = arith.constant 3 : i32
      %mul3A_512 = arith.muli %mul3A_511, %scan3A_510 : i32
      %add3A_513 = arith.constant 0 : i32
      %add3A_514 = arith.addi %mul3A_512, %add3A_513 : i32
      %ge3A = arith.constant 3 : i32
      %ge3A_515 = arith.cmpi sge, %add3A_514, %ge3A : i32
      %convert_element_type3A = arith.extui %ge3A_515 : i1 to i32
      %cond3A = arith.constant 0 : i32
      %cond3A_516 = arith.cmpi ne, %convert_element_type3A, %cond3A : i32
      scf.if %cond3A_516 {
        %sub3A = arith.constant 3 : i32
        %sub3A_972 = arith.subi %add3A_514, %sub3A : i32
        %mul3A_973 = arith.constant 8 : i32
        %mul3A_974 = arith.muli %sub3A_972, %mul3A_973 : i32
        %add3A_975 = arith.addi %mul3A_2, %mul3A_974 : i32
        %dma_wait3A_976 = arith.constant 0 : i32
        %dma_wait3A_977 = tpu.memref_slice %arg5[%add3A_975, %dma_wait3A_976] : memref<16384x128xf32, #tpu.memory_space<hbm>> -> memref<8x128xf32, #tpu.memory_space<hbm>>
        %dma_wait3A_978 = arith.constant 0 : i32
        %dma_wait3A_979 = tpu.memref_slice %arg5[%add3A_975, %dma_wait3A_978] : memref<16384x128xf32, #tpu.memory_space<hbm>> -> memref<8x128xf32, #tpu.memory_space<hbm>>
        tpu.wait_dma2 semaphore(%arg21 : memref<!tpu.dma_semaphore, #tpu.memory_space<semaphore_mem>>) src(%arg14 : memref<8x128xf32, #tpu.memory_space<vmem>>) dst(%dma_wait3A_979 : memref<8x128xf32, #tpu.memory_space<hbm>>)
      } else {
      }
      %mul3A_517 = arith.constant 8 : i32
      %mul3A_518 = arith.muli %add3A_514, %mul3A_517 : i32
      %add3A_519 = arith.constant 0 : i32
      %add3A_520 = arith.addi %mul3A_518, %add3A_519 : i32
      %dma_wait3A_521 = arith.constant 0 : i32
      %dma_wait3A_522 = arith.constant 0 : i32
      %dma_wait3A_523 = arith.constant 0 : i32
      %dma_wait3A_524 = tpu.memref_slice %arg8[%dma_wait3A_521, %dma_wait3A_522, %dma_wait3A_523] : memref<8x32x128xf32, #tpu.memory_space<vmem>> -> memref<1x32x128xf32, #tpu.memory_space<vmem>>
      %dma_wait3A_525 = tpu.memref_squeeze %dma_wait3A_524 : memref<1x32x128xf32, #tpu.memory_space<vmem>> -> memref<32x128xf32, #tpu.memory_space<vmem>>
      %dma_wait3A_526 = arith.constant 0 : i32
      %dma_wait3A_527 = tpu.memref_slice %arg7[%add3A_520, %dma_wait3A_526] : memref<512x32xi32, #tpu.memory_space<vmem>> -> memref<1x32xi32, #tpu.memory_space<vmem>>
      %dma_wait3A_528 = tpu.memref_squeeze %dma_wait3A_527 : memref<1x32xi32, #tpu.memory_space<vmem>> -> memref<32xi32, #tpu.memory_space<vmem>>
      %dma_wait3A_529 = arith.constant 0 : i32
      %dma_wait3A_530 = arith.constant 0 : i32
      %dma_wait3A_531 = tpu.memref_slice %arg4[%dma_wait3A_529, %dma_wait3A_530] : memref<100000x128xf32, #tpu.memory_space<hbm>> -> memref<100000x128xf32, #tpu.memory_space<hbm>>
      tpu.wait_indirect_dma semaphore(%arg18 : memref<!tpu.dma_semaphore, #tpu.memory_space<semaphore_mem>>) src(%dma_wait3A_531 : memref<100000x128xf32, #tpu.memory_space<hbm>>) dst(%dma_wait3A_525 : memref<32x128xf32, #tpu.memory_space<vmem>>)
      %mul3A_532 = arith.constant 8 : i32
      %mul3A_533 = arith.muli %add3A_514, %mul3A_532 : i32
      %add3A_534 = arith.constant 1 : i32
      %add3A_535 = arith.addi %mul3A_533, %add3A_534 : i32
      %dma_wait3A_536 = arith.constant 1 : i32
      %dma_wait3A_537 = arith.constant 0 : i32
      %dma_wait3A_538 = arith.constant 0 : i32
      %dma_wait3A_539 = tpu.memref_slice %arg8[%dma_wait3A_536, %dma_wait3A_537, %dma_wait3A_538] : memref<8x32x128xf32, #tpu.memory_space<vmem>> -> memref<1x32x128xf32, #tpu.memory_space<vmem>>
      %dma_wait3A_540 = tpu.memref_squeeze %dma_wait3A_539 : memref<1x32x128xf32, #tpu.memory_space<vmem>> -> memref<32x128xf32, #tpu.memory_space<vmem>>
      %dma_wait3A_541 = arith.constant 0 : i32
      %dma_wait3A_542 = tpu.memref_slice %arg7[%add3A_535, %dma_wait3A_541] : memref<512x32xi32, #tpu.memory_space<vmem>> -> memref<1x32xi32, #tpu.memory_space<vmem>>
      %dma_wait3A_543 = tpu.memref_squeeze %dma_wait3A_542 : memref<1x32xi32, #tpu.memory_space<vmem>> -> memref<32xi32, #tpu.memory_space<vmem>>
      %dma_wait3A_544 = arith.constant 0 : i32
      %dma_wait3A_545 = arith.constant 0 : i32
      %dma_wait3A_546 = tpu.memref_slice %arg4[%dma_wait3A_544, %dma_wait3A_545] : memref<100000x128xf32, #tpu.memory_space<hbm>> -> memref<100000x128xf32, #tpu.memory_space<hbm>>
      tpu.wait_indirect_dma semaphore(%arg18 : memref<!tpu.dma_semaphore, #tpu.memory_space<semaphore_mem>>) src(%dma_wait3A_546 : memref<100000x128xf32, #tpu.memory_space<hbm>>) dst(%dma_wait3A_540 : memref<32x128xf32, #tpu.memory_space<vmem>>)
      %mul3A_547 = arith.constant 8 : i32
      %mul3A_548 = arith.muli %add3A_514, %mul3A_547 : i32
      %add3A_549 = arith.constant 2 : i32
      %add3A_550 = arith.addi %mul3A_548, %add3A_549 : i32
      %dma_wait3A_551 = arith.constant 2 : i32
      %dma_wait3A_552 = arith.constant 0 : i32
      %dma_wait3A_553 = arith.constant 0 : i32
      %dma_wait3A_554 = tpu.memref_slice %arg8[%dma_wait3A_551, %dma_wait3A_552, %dma_wait3A_553] : memref<8x32x128xf32, #tpu.memory_space<vmem>> -> memref<1x32x128xf32, #tpu.memory_space<vmem>>
      %dma_wait3A_555 = tpu.memref_squeeze %dma_wait3A_554 : memref<1x32x128xf32, #tpu.memory_space<vmem>> -> memref<32x128xf32, #tpu.memory_space<vmem>>
      %dma_wait3A_556 = arith.constant 0 : i32
      %dma_wait3A_557 = tpu.memref_slice %arg7[%add3A_550, %dma_wait3A_556] : memref<512x32xi32, #tpu.memory_space<vmem>> -> memref<1x32xi32, #tpu.memory_space<vmem>>
      %dma_wait3A_558 = tpu.memref_squeeze %dma_wait3A_557 : memref<1x32xi32, #tpu.memory_space<vmem>> -> memref<32xi32, #tpu.memory_space<vmem>>
      %dma_wait3A_559 = arith.constant 0 : i32
      %dma_wait3A_560 = arith.constant 0 : i32
      %dma_wait3A_561 = tpu.memref_slice %arg4[%dma_wait3A_559, %dma_wait3A_560] : memref<100000x128xf32, #tpu.memory_space<hbm>> -> memref<100000x128xf32, #tpu.memory_space<hbm>>
      tpu.wait_indirect_dma semaphore(%arg18 : memref<!tpu.dma_semaphore, #tpu.memory_space<semaphore_mem>>) src(%dma_wait3A_561 : memref<100000x128xf32, #tpu.memory_space<hbm>>) dst(%dma_wait3A_555 : memref<32x128xf32, #tpu.memory_space<vmem>>)
      %mul3A_562 = arith.constant 8 : i32
      %mul3A_563 = arith.muli %add3A_514, %mul3A_562 : i32
      %add3A_564 = arith.constant 3 : i32
      %add3A_565 = arith.addi %mul3A_563, %add3A_564 : i32
      %dma_wait3A_566 = arith.constant 3 : i32
      %dma_wait3A_567 = arith.constant 0 : i32
      %dma_wait3A_568 = arith.constant 0 : i32
      %dma_wait3A_569 = tpu.memref_slice %arg8[%dma_wait3A_566, %dma_wait3A_567, %dma_wait3A_568] : memref<8x32x128xf32, #tpu.memory_space<vmem>> -> memref<1x32x128xf32, #tpu.memory_space<vmem>>
      %dma_wait3A_570 = tpu.memref_squeeze %dma_wait3A_569 : memref<1x32x128xf32, #tpu.memory_space<vmem>> -> memref<32x128xf32, #tpu.memory_space<vmem>>
      %dma_wait3A_571 = arith.constant 0 : i32
      %dma_wait3A_572 = tpu.memref_slice %arg7[%add3A_565, %dma_wait3A_571] : memref<512x32xi32, #tpu.memory_space<vmem>> -> memref<1x32xi32, #tpu.memory_space<vmem>>
      %dma_wait3A_573 = tpu.memref_squeeze %dma_wait3A_572 : memref<1x32xi32, #tpu.memory_space<vmem>> -> memref<32xi32, #tpu.memory_space<vmem>>
      %dma_wait3A_574 = arith.constant 0 : i32
      %dma_wait3A_575 = arith.constant 0 : i32
      %dma_wait3A_576 = tpu.memref_slice %arg4[%dma_wait3A_574, %dma_wait3A_575] : memref<100000x128xf32, #tpu.memory_space<hbm>> -> memref<100000x128xf32, #tpu.memory_space<hbm>>
      tpu.wait_indirect_dma semaphore(%arg18 : memref<!tpu.dma_semaphore, #tpu.memory_space<semaphore_mem>>) src(%dma_wait3A_576 : memref<100000x128xf32, #tpu.memory_space<hbm>>) dst(%dma_wait3A_570 : memref<32x128xf32, #tpu.memory_space<vmem>>)
      %mul3A_577 = arith.constant 8 : i32
      %mul3A_578 = arith.muli %add3A_514, %mul3A_577 : i32
      %add3A_579 = arith.constant 4 : i32
      %add3A_580 = arith.addi %mul3A_578, %add3A_579 : i32
      %dma_wait3A_581 = arith.constant 4 : i32
      %dma_wait3A_582 = arith.constant 0 : i32
      %dma_wait3A_583 = arith.constant 0 : i32
      %dma_wait3A_584 = tpu.memref_slice %arg8[%dma_wait3A_581, %dma_wait3A_582, %dma_wait3A_583] : memref<8x32x128xf32, #tpu.memory_space<vmem>> -> memref<1x32x128xf32, #tpu.memory_space<vmem>>
      %dma_wait3A_585 = tpu.memref_squeeze %dma_wait3A_584 : memref<1x32x128xf32, #tpu.memory_space<vmem>> -> memref<32x128xf32, #tpu.memory_space<vmem>>
      %dma_wait3A_586 = arith.constant 0 : i32
      %dma_wait3A_587 = tpu.memref_slice %arg7[%add3A_580, %dma_wait3A_586] : memref<512x32xi32, #tpu.memory_space<vmem>> -> memref<1x32xi32, #tpu.memory_space<vmem>>
      %dma_wait3A_588 = tpu.memref_squeeze %dma_wait3A_587 : memref<1x32xi32, #tpu.memory_space<vmem>> -> memref<32xi32, #tpu.memory_space<vmem>>
      %dma_wait3A_589 = arith.constant 0 : i32
      %dma_wait3A_590 = arith.constant 0 : i32
      %dma_wait3A_591 = tpu.memref_slice %arg4[%dma_wait3A_589, %dma_wait3A_590] : memref<100000x128xf32, #tpu.memory_space<hbm>> -> memref<100000x128xf32, #tpu.memory_space<hbm>>
      tpu.wait_indirect_dma semaphore(%arg18 : memref<!tpu.dma_semaphore, #tpu.memory_space<semaphore_mem>>) src(%dma_wait3A_591 : memref<100000x128xf32, #tpu.memory_space<hbm>>) dst(%dma_wait3A_585 : memref<32x128xf32, #tpu.memory_space<vmem>>)
      %mul3A_592 = arith.constant 8 : i32
      %mul3A_593 = arith.muli %add3A_514, %mul3A_592 : i32
      %add3A_594 = arith.constant 5 : i32
      %add3A_595 = arith.addi %mul3A_593, %add3A_594 : i32
      %dma_wait3A_596 = arith.constant 5 : i32
      %dma_wait3A_597 = arith.constant 0 : i32
      %dma_wait3A_598 = arith.constant 0 : i32
      %dma_wait3A_599 = tpu.memref_slice %arg8[%dma_wait3A_596, %dma_wait3A_597, %dma_wait3A_598] : memref<8x32x128xf32, #tpu.memory_space<vmem>> -> memref<1x32x128xf32, #tpu.memory_space<vmem>>
      %dma_wait3A_600 = tpu.memref_squeeze %dma_wait3A_599 : memref<1x32x128xf32, #tpu.memory_space<vmem>> -> memref<32x128xf32, #tpu.memory_space<vmem>>
      %dma_wait3A_601 = arith.constant 0 : i32
      %dma_wait3A_602 = tpu.memref_slice %arg7[%add3A_595, %dma_wait3A_601] : memref<512x32xi32, #tpu.memory_space<vmem>> -> memref<1x32xi32, #tpu.memory_space<vmem>>
      %dma_wait3A_603 = tpu.memref_squeeze %dma_wait3A_602 : memref<1x32xi32, #tpu.memory_space<vmem>> -> memref<32xi32, #tpu.memory_space<vmem>>
      %dma_wait3A_604 = arith.constant 0 : i32
      %dma_wait3A_605 = arith.constant 0 : i32
      %dma_wait3A_606 = tpu.memref_slice %arg4[%dma_wait3A_604, %dma_wait3A_605] : memref<100000x128xf32, #tpu.memory_space<hbm>> -> memref<100000x128xf32, #tpu.memory_space<hbm>>
      tpu.wait_indirect_dma semaphore(%arg18 : memref<!tpu.dma_semaphore, #tpu.memory_space<semaphore_mem>>) src(%dma_wait3A_606 : memref<100000x128xf32, #tpu.memory_space<hbm>>) dst(%dma_wait3A_600 : memref<32x128xf32, #tpu.memory_space<vmem>>)
      %mul3A_607 = arith.constant 8 : i32
      %mul3A_608 = arith.muli %add3A_514, %mul3A_607 : i32
      %add3A_609 = arith.constant 6 : i32
      %add3A_610 = arith.addi %mul3A_608, %add3A_609 : i32
      %dma_wait3A_611 = arith.constant 6 : i32
      %dma_wait3A_612 = arith.constant 0 : i32
      %dma_wait3A_613 = arith.constant 0 : i32
      %dma_wait3A_614 = tpu.memref_slice %arg8[%dma_wait3A_611, %dma_wait3A_612, %dma_wait3A_613] : memref<8x32x128xf32, #tpu.memory_space<vmem>> -> memref<1x32x128xf32, #tpu.memory_space<vmem>>
      %dma_wait3A_615 = tpu.memref_squeeze %dma_wait3A_614 : memref<1x32x128xf32, #tpu.memory_space<vmem>> -> memref<32x128xf32, #tpu.memory_space<vmem>>
      %dma_wait3A_616 = arith.constant 0 : i32
      %dma_wait3A_617 = tpu.memref_slice %arg7[%add3A_610, %dma_wait3A_616] : memref<512x32xi32, #tpu.memory_space<vmem>> -> memref<1x32xi32, #tpu.memory_space<vmem>>
      %dma_wait3A_618 = tpu.memref_squeeze %dma_wait3A_617 : memref<1x32xi32, #tpu.memory_space<vmem>> -> memref<32xi32, #tpu.memory_space<vmem>>
      %dma_wait3A_619 = arith.constant 0 : i32
      %dma_wait3A_620 = arith.constant 0 : i32
      %dma_wait3A_621 = tpu.memref_slice %arg4[%dma_wait3A_619, %dma_wait3A_620] : memref<100000x128xf32, #tpu.memory_space<hbm>> -> memref<100000x128xf32, #tpu.memory_space<hbm>>
      tpu.wait_indirect_dma semaphore(%arg18 : memref<!tpu.dma_semaphore, #tpu.memory_space<semaphore_mem>>) src(%dma_wait3A_621 : memref<100000x128xf32, #tpu.memory_space<hbm>>) dst(%dma_wait3A_615 : memref<32x128xf32, #tpu.memory_space<vmem>>)
      %mul3A_622 = arith.constant 8 : i32
      %mul3A_623 = arith.muli %add3A_514, %mul3A_622 : i32
      %add3A_624 = arith.constant 7 : i32
      %add3A_625 = arith.addi %mul3A_623, %add3A_624 : i32
      %dma_wait3A_626 = arith.constant 7 : i32
      %dma_wait3A_627 = arith.constant 0 : i32
      %dma_wait3A_628 = arith.constant 0 : i32
      %dma_wait3A_629 = tpu.memref_slice %arg8[%dma_wait3A_626, %dma_wait3A_627, %dma_wait3A_628] : memref<8x32x128xf32, #tpu.memory_space<vmem>> -> memref<1x32x128xf32, #tpu.memory_space<vmem>>
      %dma_wait3A_630 = tpu.memref_squeeze %dma_wait3A_629 : memref<1x32x128xf32, #tpu.memory_space<vmem>> -> memref<32x128xf32, #tpu.memory_space<vmem>>
      %dma_wait3A_631 = arith.constant 0 : i32
      %dma_wait3A_632 = tpu.memref_slice %arg7[%add3A_625, %dma_wait3A_631] : memref<512x32xi32, #tpu.memory_space<vmem>> -> memref<1x32xi32, #tpu.memory_space<vmem>>
      %dma_wait3A_633 = tpu.memref_squeeze %dma_wait3A_632 : memref<1x32xi32, #tpu.memory_space<vmem>> -> memref<32xi32, #tpu.memory_space<vmem>>
      %dma_wait3A_634 = arith.constant 0 : i32
      %dma_wait3A_635 = arith.constant 0 : i32
      %dma_wait3A_636 = tpu.memref_slice %arg4[%dma_wait3A_634, %dma_wait3A_635] : memref<100000x128xf32, #tpu.memory_space<hbm>> -> memref<100000x128xf32, #tpu.memory_space<hbm>>
      tpu.wait_indirect_dma semaphore(%arg18 : memref<!tpu.dma_semaphore, #tpu.memory_space<semaphore_mem>>) src(%dma_wait3A_636 : memref<100000x128xf32, #tpu.memory_space<hbm>>) dst(%dma_wait3A_630 : memref<32x128xf32, #tpu.memory_space<vmem>>)
      %mul3A_637 = arith.constant 8 : i32
      %mul3A_638 = arith.muli %add3A_514, %mul3A_637 : i32
      %dma_wait3A_639 = tpu.memref_slice %arg6[%mul3A_638] : memref<512xi32, #tpu.memory_space<vmem>> -> memref<8xi32, #tpu.memory_space<vmem>>
      %dma_wait3A_640 = arith.constant 0 : i32
      %dma_wait3A_641 = arith.constant 0 : i32
      %dma_wait3A_642 = tpu.memref_slice %arg4[%dma_wait3A_640, %dma_wait3A_641] : memref<100000x128xf32, #tpu.memory_space<hbm>> -> memref<100000x128xf32, #tpu.memory_space<hbm>>
      tpu.wait_indirect_dma semaphore(%arg18 : memref<!tpu.dma_semaphore, #tpu.memory_space<semaphore_mem>>) src(%dma_wait3A_642 : memref<100000x128xf32, #tpu.memory_space<hbm>>) dst(%arg11 : memref<8x128xf32, #tpu.memory_space<vmem>>)
      %scan3A_643 = arith.constant 0 : i32
      %scan3A_644 = arith.constant 0 : i32
      %scan3A_645 = arith.constant 8 : i32
      %scan3A_646 = arith.addi %scan3A_644, %scan3A_645 : i32
      %scan3A_647 = arith.constant 1 : i32
      scf.for %scan3A_972 = %scan3A_644 to %scan3A_646 step %scan3A_647  : i32 {
        %broadcast_in_dim3A = arith.constant 0.000000e+00 : f32
        %broadcast_in_dim3A_973 = vector.broadcast %broadcast_in_dim3A : f32 to vector<16xf32>
        %scan3A_974 = arith.constant 0 : i32
        %scan3A_975 = arith.constant 8 : i32
        %scan3A_976 = arith.addi %scan3A_974, %scan3A_975 : i32
        %scan3A_977 = arith.constant 1 : i32
        %scan3A_978:8 = scf.for %scan3A_1082 = %scan3A_974 to %scan3A_976 step %scan3A_977 iter_args(%scan3A_1083 = %broadcast_in_dim3A_973, %scan3A_1084 = %broadcast_in_dim3A_973, %scan3A_1085 = %broadcast_in_dim3A_973, %scan3A_1086 = %broadcast_in_dim3A_973, %scan3A_1087 = %broadcast_in_dim3A_973, %scan3A_1088 = %broadcast_in_dim3A_973, %scan3A_1089 = %broadcast_in_dim3A_973, %scan3A_1090 = %broadcast_in_dim3A_973) -> (vector<16xf32>, vector<16xf32>, vector<16xf32>, vector<16xf32>, vector<16xf32>, vector<16xf32>, vector<16xf32>, vector<16xf32>)  : i32 {
          %mul3A_1091 = arith.constant 4 : i32
          %mul3A_1092 = arith.muli %mul3A_1091, %scan3A_1082 : i32
          %add3A_1093 = arith.constant 0 : i32
          %add3A_1094 = arith.addi %mul3A_1092, %add3A_1093 : i32
          %get3A_1095 = arith.index_cast %scan3A_972 : i32 to index
          %get3A_1096 = arith.index_cast %add3A_1094 : i32 to index
          %get3A_1097 = arith.constant 0 : index
          %get3A_1098 = tpu.vector_load %arg8[%get3A_1095, %get3A_1096, %get3A_1097] {strides = array<i32>} : memref<8x32x128xf32, #tpu.memory_space<vmem>>, vector<1x1x16xf32>,
          %get3A_1099 = vector.shape_cast %get3A_1098 : vector<1x1x16xf32> to vector<16xf32>
          %add3A_1100 = arith.addf %scan3A_1083, %get3A_1099 : vector<16xf32>
          %get3A_1101 = arith.index_cast %scan3A_972 : i32 to index
          %get3A_1102 = arith.index_cast %add3A_1094 : i32 to index
          %get3A_1103 = arith.constant 16 : index
          %get3A_1104 = tpu.vector_load %arg8[%get3A_1101, %get3A_1102, %get3A_1103] {strides = array<i32>} : memref<8x32x128xf32, #tpu.memory_space<vmem>>, vector<1x1x16xf32>,
          %get3A_1105 = vector.shape_cast %get3A_1104 : vector<1x1x16xf32> to vector<16xf32>
          %add3A_1106 = arith.addf %scan3A_1084, %get3A_1105 : vector<16xf32>
          %get3A_1107 = arith.index_cast %scan3A_972 : i32 to index
          %get3A_1108 = arith.index_cast %add3A_1094 : i32 to index
          %get3A_1109 = arith.constant 32 : index
          %get3A_1110 = tpu.vector_load %arg8[%get3A_1107, %get3A_1108, %get3A_1109] {strides = array<i32>} : memref<8x32x128xf32, #tpu.memory_space<vmem>>, vector<1x1x16xf32>,
          %get3A_1111 = vector.shape_cast %get3A_1110 : vector<1x1x16xf32> to vector<16xf32>
          %add3A_1112 = arith.addf %scan3A_1085, %get3A_1111 : vector<16xf32>
          %get3A_1113 = arith.index_cast %scan3A_972 : i32 to index
          %get3A_1114 = arith.index_cast %add3A_1094 : i32 to index
          %get3A_1115 = arith.constant 48 : index
          %get3A_1116 = tpu.vector_load %arg8[%get3A_1113, %get3A_1114, %get3A_1115] {strides = array<i32>} : memref<8x32x128xf32, #tpu.memory_space<vmem>>, vector<1x1x16xf32>,
          %get3A_1117 = vector.shape_cast %get3A_1116 : vector<1x1x16xf32> to vector<16xf32>
          %add3A_1118 = arith.addf %scan3A_1086, %get3A_1117 : vector<16xf32>
          %get3A_1119 = arith.index_cast %scan3A_972 : i32 to index
          %get3A_1120 = arith.index_cast %add3A_1094 : i32 to index
          %get3A_1121 = arith.constant 64 : index
          %get3A_1122 = tpu.vector_load %arg8[%get3A_1119, %get3A_1120, %get3A_1121] {strides = array<i32>} : memref<8x32x128xf32, #tpu.memory_space<vmem>>, vector<1x1x16xf32>,
          %get3A_1123 = vector.shape_cast %get3A_1122 : vector<1x1x16xf32> to vector<16xf32>
          %add3A_1124 = arith.addf %scan3A_1087, %get3A_1123 : vector<16xf32>
          %get3A_1125 = arith.index_cast %scan3A_972 : i32 to index
          %get3A_1126 = arith.index_cast %add3A_1094 : i32 to index
          %get3A_1127 = arith.constant 80 : index
          %get3A_1128 = tpu.vector_load %arg8[%get3A_1125, %get3A_1126, %get3A_1127] {strides = array<i32>} : memref<8x32x128xf32, #tpu.memory_space<vmem>>, vector<1x1x16xf32>,
          %get3A_1129 = vector.shape_cast %get3A_1128 : vector<1x1x16xf32> to vector<16xf32>
          %add3A_1130 = arith.addf %scan3A_1088, %get3A_1129 : vector<16xf32>
          %get3A_1131 = arith.index_cast %scan3A_972 : i32 to index
          %get3A_1132 = arith.index_cast %add3A_1094 : i32 to index
          %get3A_1133 = arith.constant 96 : index
          %get3A_1134 = tpu.vector_load %arg8[%get3A_1131, %get3A_1132, %get3A_1133] {strides = array<i32>} : memref<8x32x128xf32, #tpu.memory_space<vmem>>, vector<1x1x16xf32>,
          %get3A_1135 = vector.shape_cast %get3A_1134 : vector<1x1x16xf32> to vector<16xf32>
          %add3A_1136 = arith.addf %scan3A_1089, %get3A_1135 : vector<16xf32>
          %get3A_1137 = arith.index_cast %scan3A_972 : i32 to index
          %get3A_1138 = arith.index_cast %add3A_1094 : i32 to index
          %get3A_1139 = arith.constant 112 : index
          %get3A_1140 = tpu.vector_load %arg8[%get3A_1137, %get3A_1138, %get3A_1139] {strides = array<i32>} : memref<8x32x128xf32, #tpu.memory_space<vmem>>, vector<1x1x16xf32>,
          %get3A_1141 = vector.shape_cast %get3A_1140 : vector<1x1x16xf32> to vector<16xf32>
          %add3A_1142 = arith.addf %scan3A_1090, %get3A_1141 : vector<16xf32>
          %mul3A_1143 = arith.constant 4 : i32
          %mul3A_1144 = arith.muli %mul3A_1143, %scan3A_1082 : i32
          %add3A_1145 = arith.constant 1 : i32
          %add3A_1146 = arith.addi %mul3A_1144, %add3A_1145 : i32
          %get3A_1147 = arith.index_cast %scan3A_972 : i32 to index
          %get3A_1148 = arith.index_cast %add3A_1146 : i32 to index
          %get3A_1149 = arith.constant 0 : index
          %get3A_1150 = tpu.vector_load %arg8[%get3A_1147, %get3A_1148, %get3A_1149] {strides = array<i32>} : memref<8x32x128xf32, #tpu.memory_space<vmem>>, vector<1x1x16xf32>,
          %get3A_1151 = vector.shape_cast %get3A_1150 : vector<1x1x16xf32> to vector<16xf32>
          %add3A_1152 = arith.addf %add3A_1100, %get3A_1151 : vector<16xf32>
          %get3A_1153 = arith.index_cast %scan3A_972 : i32 to index
          %get3A_1154 = arith.index_cast %add3A_1146 : i32 to index
          %get3A_1155 = arith.constant 16 : index
          %get3A_1156 = tpu.vector_load %arg8[%get3A_1153, %get3A_1154, %get3A_1155] {strides = array<i32>} : memref<8x32x128xf32, #tpu.memory_space<vmem>>, vector<1x1x16xf32>,
          %get3A_1157 = vector.shape_cast %get3A_1156 : vector<1x1x16xf32> to vector<16xf32>
          %add3A_1158 = arith.addf %add3A_1106, %get3A_1157 : vector<16xf32>
          %get3A_1159 = arith.index_cast %scan3A_972 : i32 to index
          %get3A_1160 = arith.index_cast %add3A_1146 : i32 to index
          %get3A_1161 = arith.constant 32 : index
          %get3A_1162 = tpu.vector_load %arg8[%get3A_1159, %get3A_1160, %get3A_1161] {strides = array<i32>} : memref<8x32x128xf32, #tpu.memory_space<vmem>>, vector<1x1x16xf32>,
          %get3A_1163 = vector.shape_cast %get3A_1162 : vector<1x1x16xf32> to vector<16xf32>
          %add3A_1164 = arith.addf %add3A_1112, %get3A_1163 : vector<16xf32>
          %get3A_1165 = arith.index_cast %scan3A_972 : i32 to index
          %get3A_1166 = arith.index_cast %add3A_1146 : i32 to index
          %get3A_1167 = arith.constant 48 : index
          %get3A_1168 = tpu.vector_load %arg8[%get3A_1165, %get3A_1166, %get3A_1167] {strides = array<i32>} : memref<8x32x128xf32, #tpu.memory_space<vmem>>, vector<1x1x16xf32>,
          %get3A_1169 = vector.shape_cast %get3A_1168 : vector<1x1x16xf32> to vector<16xf32>
          %add3A_1170 = arith.addf %add3A_1118, %get3A_1169 : vector<16xf32>
          %get3A_1171 = arith.index_cast %scan3A_972 : i32 to index
          %get3A_1172 = arith.index_cast %add3A_1146 : i32 to index
          %get3A_1173 = arith.constant 64 : index
          %get3A_1174 = tpu.vector_load %arg8[%get3A_1171, %get3A_1172, %get3A_1173] {strides = array<i32>} : memref<8x32x128xf32, #tpu.memory_space<vmem>>, vector<1x1x16xf32>,
          %get3A_1175 = vector.shape_cast %get3A_1174 : vector<1x1x16xf32> to vector<16xf32>
          %add3A_1176 = arith.addf %add3A_1124, %get3A_1175 : vector<16xf32>
          %get3A_1177 = arith.index_cast %scan3A_972 : i32 to index
          %get3A_1178 = arith.index_cast %add3A_1146 : i32 to index
          %get3A_1179 = arith.constant 80 : index
          %get3A_1180 = tpu.vector_load %arg8[%get3A_1177, %get3A_1178, %get3A_1179] {strides = array<i32>} : memref<8x32x128xf32, #tpu.memory_space<vmem>>, vector<1x1x16xf32>,
          %get3A_1181 = vector.shape_cast %get3A_1180 : vector<1x1x16xf32> to vector<16xf32>
          %add3A_1182 = arith.addf %add3A_1130, %get3A_1181 : vector<16xf32>
          %get3A_1183 = arith.index_cast %scan3A_972 : i32 to index
          %get3A_1184 = arith.index_cast %add3A_1146 : i32 to index
          %get3A_1185 = arith.constant 96 : index
          %get3A_1186 = tpu.vector_load %arg8[%get3A_1183, %get3A_1184, %get3A_1185] {strides = array<i32>} : memref<8x32x128xf32, #tpu.memory_space<vmem>>, vector<1x1x16xf32>,
          %get3A_1187 = vector.shape_cast %get3A_1186 : vector<1x1x16xf32> to vector<16xf32>
          %add3A_1188 = arith.addf %add3A_1136, %get3A_1187 : vector<16xf32>
          %get3A_1189 = arith.index_cast %scan3A_972 : i32 to index
          %get3A_1190 = arith.index_cast %add3A_1146 : i32 to index
          %get3A_1191 = arith.constant 112 : index
          %get3A_1192 = tpu.vector_load %arg8[%get3A_1189, %get3A_1190, %get3A_1191] {strides = array<i32>} : memref<8x32x128xf32, #tpu.memory_space<vmem>>, vector<1x1x16xf32>,
          %get3A_1193 = vector.shape_cast %get3A_1192 : vector<1x1x16xf32> to vector<16xf32>
          %add3A_1194 = arith.addf %add3A_1142, %get3A_1193 : vector<16xf32>
          %mul3A_1195 = arith.constant 4 : i32
          %mul3A_1196 = arith.muli %mul3A_1195, %scan3A_1082 : i32
          %add3A_1197 = arith.constant 2 : i32
          %add3A_1198 = arith.addi %mul3A_1196, %add3A_1197 : i32
          %get3A_1199 = arith.index_cast %scan3A_972 : i32 to index
          %get3A_1200 = arith.index_cast %add3A_1198 : i32 to index
          %get3A_1201 = arith.constant 0 : index
          %get3A_1202 = tpu.vector_load %arg8[%get3A_1199, %get3A_1200, %get3A_1201] {strides = array<i32>} : memref<8x32x128xf32, #tpu.memory_space<vmem>>, vector<1x1x16xf32>,
          %get3A_1203 = vector.shape_cast %get3A_1202 : vector<1x1x16xf32> to vector<16xf32>
          %add3A_1204 = arith.addf %add3A_1152, %get3A_1203 : vector<16xf32>
          %get3A_1205 = arith.index_cast %scan3A_972 : i32 to index
          %get3A_1206 = arith.index_cast %add3A_1198 : i32 to index
          %get3A_1207 = arith.constant 16 : index
          %get3A_1208 = tpu.vector_load %arg8[%get3A_1205, %get3A_1206, %get3A_1207] {strides = array<i32>} : memref<8x32x128xf32, #tpu.memory_space<vmem>>, vector<1x1x16xf32>,
          %get3A_1209 = vector.shape_cast %get3A_1208 : vector<1x1x16xf32> to vector<16xf32>
          %add3A_1210 = arith.addf %add3A_1158, %get3A_1209 : vector<16xf32>
          %get3A_1211 = arith.index_cast %scan3A_972 : i32 to index
          %get3A_1212 = arith.index_cast %add3A_1198 : i32 to index
          %get3A_1213 = arith.constant 32 : index
          %get3A_1214 = tpu.vector_load %arg8[%get3A_1211, %get3A_1212, %get3A_1213] {strides = array<i32>} : memref<8x32x128xf32, #tpu.memory_space<vmem>>, vector<1x1x16xf32>,
          %get3A_1215 = vector.shape_cast %get3A_1214 : vector<1x1x16xf32> to vector<16xf32>
          %add3A_1216 = arith.addf %add3A_1164, %get3A_1215 : vector<16xf32>
          %get3A_1217 = arith.index_cast %scan3A_972 : i32 to index
          %get3A_1218 = arith.index_cast %add3A_1198 : i32 to index
          %get3A_1219 = arith.constant 48 : index
          %get3A_1220 = tpu.vector_load %arg8[%get3A_1217, %get3A_1218, %get3A_1219] {strides = array<i32>} : memref<8x32x128xf32, #tpu.memory_space<vmem>>, vector<1x1x16xf32>,
          %get3A_1221 = vector.shape_cast %get3A_1220 : vector<1x1x16xf32> to vector<16xf32>
          %add3A_1222 = arith.addf %add3A_1170, %get3A_1221 : vector<16xf32>
          %get3A_1223 = arith.index_cast %scan3A_972 : i32 to index
          %get3A_1224 = arith.index_cast %add3A_1198 : i32 to index
          %get3A_1225 = arith.constant 64 : index
          %get3A_1226 = tpu.vector_load %arg8[%get3A_1223, %get3A_1224, %get3A_1225] {strides = array<i32>} : memref<8x32x128xf32, #tpu.memory_space<vmem>>, vector<1x1x16xf32>,
          %get3A_1227 = vector.shape_cast %get3A_1226 : vector<1x1x16xf32> to vector<16xf32>
          %add3A_1228 = arith.addf %add3A_1176, %get3A_1227 : vector<16xf32>
          %get3A_1229 = arith.index_cast %scan3A_972 : i32 to index
          %get3A_1230 = arith.index_cast %add3A_1198 : i32 to index
          %get3A_1231 = arith.constant 80 : index
          %get3A_1232 = tpu.vector_load %arg8[%get3A_1229, %get3A_1230, %get3A_1231] {strides = array<i32>} : memref<8x32x128xf32, #tpu.memory_space<vmem>>, vector<1x1x16xf32>,
          %get3A_1233 = vector.shape_cast %get3A_1232 : vector<1x1x16xf32> to vector<16xf32>
          %add3A_1234 = arith.addf %add3A_1182, %get3A_1233 : vector<16xf32>
          %get3A_1235 = arith.index_cast %scan3A_972 : i32 to index
          %get3A_1236 = arith.index_cast %add3A_1198 : i32 to index
          %get3A_1237 = arith.constant 96 : index
          %get3A_1238 = tpu.vector_load %arg8[%get3A_1235, %get3A_1236, %get3A_1237] {strides = array<i32>} : memref<8x32x128xf32, #tpu.memory_space<vmem>>, vector<1x1x16xf32>,
          %get3A_1239 = vector.shape_cast %get3A_1238 : vector<1x1x16xf32> to vector<16xf32>
          %add3A_1240 = arith.addf %add3A_1188, %get3A_1239 : vector<16xf32>
          %get3A_1241 = arith.index_cast %scan3A_972 : i32 to index
          %get3A_1242 = arith.index_cast %add3A_1198 : i32 to index
          %get3A_1243 = arith.constant 112 : index
          %get3A_1244 = tpu.vector_load %arg8[%get3A_1241, %get3A_1242, %get3A_1243] {strides = array<i32>} : memref<8x32x128xf32, #tpu.memory_space<vmem>>, vector<1x1x16xf32>,
          %get3A_1245 = vector.shape_cast %get3A_1244 : vector<1x1x16xf32> to vector<16xf32>
          %add3A_1246 = arith.addf %add3A_1194, %get3A_1245 : vector<16xf32>
          %mul3A_1247 = arith.constant 4 : i32
          %mul3A_1248 = arith.muli %mul3A_1247, %scan3A_1082 : i32
          %add3A_1249 = arith.constant 3 : i32
          %add3A_1250 = arith.addi %mul3A_1248, %add3A_1249 : i32
          %get3A_1251 = arith.index_cast %scan3A_972 : i32 to index
          %get3A_1252 = arith.index_cast %add3A_1250 : i32 to index
          %get3A_1253 = arith.constant 0 : index
          %get3A_1254 = tpu.vector_load %arg8[%get3A_1251, %get3A_1252, %get3A_1253] {strides = array<i32>} : memref<8x32x128xf32, #tpu.memory_space<vmem>>, vector<1x1x16xf32>,
          %get3A_1255 = vector.shape_cast %get3A_1254 : vector<1x1x16xf32> to vector<16xf32>
          %add3A_1256 = arith.addf %add3A_1204, %get3A_1255 : vector<16xf32>
          %get3A_1257 = arith.index_cast %scan3A_972 : i32 to index
          %get3A_1258 = arith.index_cast %add3A_1250 : i32 to index
          %get3A_1259 = arith.constant 16 : index
          %get3A_1260 = tpu.vector_load %arg8[%get3A_1257, %get3A_1258, %get3A_1259] {strides = array<i32>} : memref<8x32x128xf32, #tpu.memory_space<vmem>>, vector<1x1x16xf32>,
          %get3A_1261 = vector.shape_cast %get3A_1260 : vector<1x1x16xf32> to vector<16xf32>
          %add3A_1262 = arith.addf %add3A_1210, %get3A_1261 : vector<16xf32>
          %get3A_1263 = arith.index_cast %scan3A_972 : i32 to index
          %get3A_1264 = arith.index_cast %add3A_1250 : i32 to index
          %get3A_1265 = arith.constant 32 : index
          %get3A_1266 = tpu.vector_load %arg8[%get3A_1263, %get3A_1264, %get3A_1265] {strides = array<i32>} : memref<8x32x128xf32, #tpu.memory_space<vmem>>, vector<1x1x16xf32>,
          %get3A_1267 = vector.shape_cast %get3A_1266 : vector<1x1x16xf32> to vector<16xf32>
          %add3A_1268 = arith.addf %add3A_1216, %get3A_1267 : vector<16xf32>
          %get3A_1269 = arith.index_cast %scan3A_972 : i32 to index
          %get3A_1270 = arith.index_cast %add3A_1250 : i32 to index
          %get3A_1271 = arith.constant 48 : index
          %get3A_1272 = tpu.vector_load %arg8[%get3A_1269, %get3A_1270, %get3A_1271] {strides = array<i32>} : memref<8x32x128xf32, #tpu.memory_space<vmem>>, vector<1x1x16xf32>,
          %get3A_1273 = vector.shape_cast %get3A_1272 : vector<1x1x16xf32> to vector<16xf32>
          %add3A_1274 = arith.addf %add3A_1222, %get3A_1273 : vector<16xf32>
          %get3A_1275 = arith.index_cast %scan3A_972 : i32 to index
          %get3A_1276 = arith.index_cast %add3A_1250 : i32 to index
          %get3A_1277 = arith.constant 64 : index
          %get3A_1278 = tpu.vector_load %arg8[%get3A_1275, %get3A_1276, %get3A_1277] {strides = array<i32>} : memref<8x32x128xf32, #tpu.memory_space<vmem>>, vector<1x1x16xf32>,
          %get3A_1279 = vector.shape_cast %get3A_1278 : vector<1x1x16xf32> to vector<16xf32>
          %add3A_1280 = arith.addf %add3A_1228, %get3A_1279 : vector<16xf32>
          %get3A_1281 = arith.index_cast %scan3A_972 : i32 to index
          %get3A_1282 = arith.index_cast %add3A_1250 : i32 to index
          %get3A_1283 = arith.constant 80 : index
          %get3A_1284 = tpu.vector_load %arg8[%get3A_1281, %get3A_1282, %get3A_1283] {strides = array<i32>} : memref<8x32x128xf32, #tpu.memory_space<vmem>>, vector<1x1x16xf32>,
          %get3A_1285 = vector.shape_cast %get3A_1284 : vector<1x1x16xf32> to vector<16xf32>
          %add3A_1286 = arith.addf %add3A_1234, %get3A_1285 : vector<16xf32>
          %get3A_1287 = arith.index_cast %scan3A_972 : i32 to index
          %get3A_1288 = arith.index_cast %add3A_1250 : i32 to index
          %get3A_1289 = arith.constant 96 : index
          %get3A_1290 = tpu.vector_load %arg8[%get3A_1287, %get3A_1288, %get3A_1289] {strides = array<i32>} : memref<8x32x128xf32, #tpu.memory_space<vmem>>, vector<1x1x16xf32>,
          %get3A_1291 = vector.shape_cast %get3A_1290 : vector<1x1x16xf32> to vector<16xf32>
          %add3A_1292 = arith.addf %add3A_1240, %get3A_1291 : vector<16xf32>
          %get3A_1293 = arith.index_cast %scan3A_972 : i32 to index
          %get3A_1294 = arith.index_cast %add3A_1250 : i32 to index
          %get3A_1295 = arith.constant 112 : index
          %get3A_1296 = tpu.vector_load %arg8[%get3A_1293, %get3A_1294, %get3A_1295] {strides = array<i32>} : memref<8x32x128xf32, #tpu.memory_space<vmem>>, vector<1x1x16xf32>,
          %get3A_1297 = vector.shape_cast %get3A_1296 : vector<1x1x16xf32> to vector<16xf32>
          %add3A_1298 = arith.addf %add3A_1246, %get3A_1297 : vector<16xf32>
          scf.yield %add3A_1256, %add3A_1262, %add3A_1268, %add3A_1274, %add3A_1280, %add3A_1286, %add3A_1292, %add3A_1298 : vector<16xf32>, vector<16xf32>, vector<16xf32>, vector<16xf32>, vector<16xf32>, vector<16xf32>, vector<16xf32>, vector<16xf32>
        }
        %scan3A_979 = arith.constant 8 : i32
        %mul3A_980 = arith.constant 3.125000e-02 : f32
        %mul3A_981 = vector.broadcast %mul3A_980 : f32 to vector<16xf32>
        %mul3A_982 = arith.mulf %scan3A_978#0, %mul3A_981 : vector<16xf32>
        %get3A = arith.index_cast %scan3A_972 : i32 to index
        %get3A_983 = arith.constant 0 : index
        %get3A_984 = tpu.vector_load %arg11[%get3A, %get3A_983] {strides = array<i32>} : memref<8x128xf32, #tpu.memory_space<vmem>>, vector<1x16xf32>,
        %get3A_985 = vector.shape_cast %get3A_984 : vector<1x16xf32> to vector<16xf32>
        %add3A_986 = arith.addf %mul3A_982, %get3A_985 : vector<16xf32>
        %swap3A = arith.index_cast %scan3A_972 : i32 to index
        %swap3A_987 = arith.constant 0 : index
        %swap3A_988 = tpu.vector_load %arg14[%swap3A, %swap3A_987] {strides = array<i32>} : memref<8x128xf32, #tpu.memory_space<vmem>>, vector<1x16xf32>,
        %swap3A_989 = vector.shape_cast %swap3A_988 : vector<1x16xf32> to vector<16xf32>
        %swap3A_990 = vector.shape_cast %add3A_986 : vector<16xf32> to vector<1x16xf32>
        tpu.vector_store %arg14[%swap3A, %swap3A_987], %swap3A_990 {strides = array<i32>} : memref<8x128xf32, #tpu.memory_space<vmem>>, vector<1x16xf32>,
        %mul3A_991 = arith.constant 3.125000e-02 : f32
        %mul3A_992 = vector.broadcast %mul3A_991 : f32 to vector<16xf32>
        %mul3A_993 = arith.mulf %scan3A_978#1, %mul3A_992 : vector<16xf32>
        %get3A_994 = arith.index_cast %scan3A_972 : i32 to index
        %get3A_995 = arith.constant 16 : index
        %get3A_996 = tpu.vector_load %arg11[%get3A_994, %get3A_995] {strides = array<i32>} : memref<8x128xf32, #tpu.memory_space<vmem>>, vector<1x16xf32>,
        %get3A_997 = vector.shape_cast %get3A_996 : vector<1x16xf32> to vector<16xf32>
        %add3A_998 = arith.addf %mul3A_993, %get3A_997 : vector<16xf32>
        %swap3A_999 = arith.index_cast %scan3A_972 : i32 to index
        %swap3A_1000 = arith.constant 16 : index
        %swap3A_1001 = tpu.vector_load %arg14[%swap3A_999, %swap3A_1000] {strides = array<i32>} : memref<8x128xf32, #tpu.memory_space<vmem>>, vector<1x16xf32>,
        %swap3A_1002 = vector.shape_cast %swap3A_1001 : vector<1x16xf32> to vector<16xf32>
        %swap3A_1003 = vector.shape_cast %add3A_998 : vector<16xf32> to vector<1x16xf32>
        tpu.vector_store %arg14[%swap3A_999, %swap3A_1000], %swap3A_1003 {strides = array<i32>} : memref<8x128xf32, #tpu.memory_space<vmem>>, vector<1x16xf32>,
        %mul3A_1004 = arith.constant 3.125000e-02 : f32
        %mul3A_1005 = vector.broadcast %mul3A_1004 : f32 to vector<16xf32>
        %mul3A_1006 = arith.mulf %scan3A_978#2, %mul3A_1005 : vector<16xf32>
        %get3A_1007 = arith.index_cast %scan3A_972 : i32 to index
        %get3A_1008 = arith.constant 32 : index
        %get3A_1009 = tpu.vector_load %arg11[%get3A_1007, %get3A_1008] {strides = array<i32>} : memref<8x128xf32, #tpu.memory_space<vmem>>, vector<1x16xf32>,
        %get3A_1010 = vector.shape_cast %get3A_1009 : vector<1x16xf32> to vector<16xf32>
        %add3A_1011 = arith.addf %mul3A_1006, %get3A_1010 : vector<16xf32>
        %swap3A_1012 = arith.index_cast %scan3A_972 : i32 to index
        %swap3A_1013 = arith.constant 32 : index
        %swap3A_1014 = tpu.vector_load %arg14[%swap3A_1012, %swap3A_1013] {strides = array<i32>} : memref<8x128xf32, #tpu.memory_space<vmem>>, vector<1x16xf32>,
        %swap3A_1015 = vector.shape_cast %swap3A_1014 : vector<1x16xf32> to vector<16xf32>
        %swap3A_1016 = vector.shape_cast %add3A_1011 : vector<16xf32> to vector<1x16xf32>
        tpu.vector_store %arg14[%swap3A_1012, %swap3A_1013], %swap3A_1016 {strides = array<i32>} : memref<8x128xf32, #tpu.memory_space<vmem>>, vector<1x16xf32>,
        %mul3A_1017 = arith.constant 3.125000e-02 : f32
        %mul3A_1018 = vector.broadcast %mul3A_1017 : f32 to vector<16xf32>
        %mul3A_1019 = arith.mulf %scan3A_978#3, %mul3A_1018 : vector<16xf32>
        %get3A_1020 = arith.index_cast %scan3A_972 : i32 to index
        %get3A_1021 = arith.constant 48 : index
        %get3A_1022 = tpu.vector_load %arg11[%get3A_1020, %get3A_1021] {strides = array<i32>} : memref<8x128xf32, #tpu.memory_space<vmem>>, vector<1x16xf32>,
        %get3A_1023 = vector.shape_cast %get3A_1022 : vector<1x16xf32> to vector<16xf32>
        %add3A_1024 = arith.addf %mul3A_1019, %get3A_1023 : vector<16xf32>
        %swap3A_1025 = arith.index_cast %scan3A_972 : i32 to index
        %swap3A_1026 = arith.constant 48 : index
        %swap3A_1027 = tpu.vector_load %arg14[%swap3A_1025, %swap3A_1026] {strides = array<i32>} : memref<8x128xf32, #tpu.memory_space<vmem>>, vector<1x16xf32>,
        %swap3A_1028 = vector.shape_cast %swap3A_1027 : vector<1x16xf32> to vector<16xf32>
        %swap3A_1029 = vector.shape_cast %add3A_1024 : vector<16xf32> to vector<1x16xf32>
        tpu.vector_store %arg14[%swap3A_1025, %swap3A_1026], %swap3A_1029 {strides = array<i32>} : memref<8x128xf32, #tpu.memory_space<vmem>>, vector<1x16xf32>,
        %mul3A_1030 = arith.constant 3.125000e-02 : f32
        %mul3A_1031 = vector.broadcast %mul3A_1030 : f32 to vector<16xf32>
        %mul3A_1032 = arith.mulf %scan3A_978#4, %mul3A_1031 : vector<16xf32>
        %get3A_1033 = arith.index_cast %scan3A_972 : i32 to index
        %get3A_1034 = arith.constant 64 : index
        %get3A_1035 = tpu.vector_load %arg11[%get3A_1033, %get3A_1034] {strides = array<i32>} : memref<8x128xf32, #tpu.memory_space<vmem>>, vector<1x16xf32>,
        %get3A_1036 = vector.shape_cast %get3A_1035 : vector<1x16xf32> to vector<16xf32>
        %add3A_1037 = arith.addf %mul3A_1032, %get3A_1036 : vector<16xf32>
        %swap3A_1038 = arith.index_cast %scan3A_972 : i32 to index
        %swap3A_1039 = arith.constant 64 : index
        %swap3A_1040 = tpu.vector_load %arg14[%swap3A_1038, %swap3A_1039] {strides = array<i32>} : memref<8x128xf32, #tpu.memory_space<vmem>>, vector<1x16xf32>,
        %swap3A_1041 = vector.shape_cast %swap3A_1040 : vector<1x16xf32> to vector<16xf32>
        %swap3A_1042 = vector.shape_cast %add3A_1037 : vector<16xf32> to vector<1x16xf32>
        tpu.vector_store %arg14[%swap3A_1038, %swap3A_1039], %swap3A_1042 {strides = array<i32>} : memref<8x128xf32, #tpu.memory_space<vmem>>, vector<1x16xf32>,
        %mul3A_1043 = arith.constant 3.125000e-02 : f32
        %mul3A_1044 = vector.broadcast %mul3A_1043 : f32 to vector<16xf32>
        %mul3A_1045 = arith.mulf %scan3A_978#5, %mul3A_1044 : vector<16xf32>
        %get3A_1046 = arith.index_cast %scan3A_972 : i32 to index
        %get3A_1047 = arith.constant 80 : index
        %get3A_1048 = tpu.vector_load %arg11[%get3A_1046, %get3A_1047] {strides = array<i32>} : memref<8x128xf32, #tpu.memory_space<vmem>>, vector<1x16xf32>,
        %get3A_1049 = vector.shape_cast %get3A_1048 : vector<1x16xf32> to vector<16xf32>
        %add3A_1050 = arith.addf %mul3A_1045, %get3A_1049 : vector<16xf32>
        %swap3A_1051 = arith.index_cast %scan3A_972 : i32 to index
        %swap3A_1052 = arith.constant 80 : index
        %swap3A_1053 = tpu.vector_load %arg14[%swap3A_1051, %swap3A_1052] {strides = array<i32>} : memref<8x128xf32, #tpu.memory_space<vmem>>, vector<1x16xf32>,
        %swap3A_1054 = vector.shape_cast %swap3A_1053 : vector<1x16xf32> to vector<16xf32>
        %swap3A_1055 = vector.shape_cast %add3A_1050 : vector<16xf32> to vector<1x16xf32>
        tpu.vector_store %arg14[%swap3A_1051, %swap3A_1052], %swap3A_1055 {strides = array<i32>} : memref<8x128xf32, #tpu.memory_space<vmem>>, vector<1x16xf32>,
        %mul3A_1056 = arith.constant 3.125000e-02 : f32
        %mul3A_1057 = vector.broadcast %mul3A_1056 : f32 to vector<16xf32>
        %mul3A_1058 = arith.mulf %scan3A_978#6, %mul3A_1057 : vector<16xf32>
        %get3A_1059 = arith.index_cast %scan3A_972 : i32 to index
        %get3A_1060 = arith.constant 96 : index
        %get3A_1061 = tpu.vector_load %arg11[%get3A_1059, %get3A_1060] {strides = array<i32>} : memref<8x128xf32, #tpu.memory_space<vmem>>, vector<1x16xf32>,
        %get3A_1062 = vector.shape_cast %get3A_1061 : vector<1x16xf32> to vector<16xf32>
        %add3A_1063 = arith.addf %mul3A_1058, %get3A_1062 : vector<16xf32>
        %swap3A_1064 = arith.index_cast %scan3A_972 : i32 to index
        %swap3A_1065 = arith.constant 96 : index
        %swap3A_1066 = tpu.vector_load %arg14[%swap3A_1064, %swap3A_1065] {strides = array<i32>} : memref<8x128xf32, #tpu.memory_space<vmem>>, vector<1x16xf32>,
        %swap3A_1067 = vector.shape_cast %swap3A_1066 : vector<1x16xf32> to vector<16xf32>
        %swap3A_1068 = vector.shape_cast %add3A_1063 : vector<16xf32> to vector<1x16xf32>
        tpu.vector_store %arg14[%swap3A_1064, %swap3A_1065], %swap3A_1068 {strides = array<i32>} : memref<8x128xf32, #tpu.memory_space<vmem>>, vector<1x16xf32>,
        %mul3A_1069 = arith.constant 3.125000e-02 : f32
        %mul3A_1070 = vector.broadcast %mul3A_1069 : f32 to vector<16xf32>
        %mul3A_1071 = arith.mulf %scan3A_978#7, %mul3A_1070 : vector<16xf32>
        %get3A_1072 = arith.index_cast %scan3A_972 : i32 to index
        %get3A_1073 = arith.constant 112 : index
        %get3A_1074 = tpu.vector_load %arg11[%get3A_1072, %get3A_1073] {strides = array<i32>} : memref<8x128xf32, #tpu.memory_space<vmem>>, vector<1x16xf32>,
        %get3A_1075 = vector.shape_cast %get3A_1074 : vector<1x16xf32> to vector<16xf32>
        %add3A_1076 = arith.addf %mul3A_1071, %get3A_1075 : vector<16xf32>
        %swap3A_1077 = arith.index_cast %scan3A_972 : i32 to index
        %swap3A_1078 = arith.constant 112 : index
        %swap3A_1079 = tpu.vector_load %arg14[%swap3A_1077, %swap3A_1078] {strides = array<i32>} : memref<8x128xf32, #tpu.memory_space<vmem>>, vector<1x16xf32>,
        %swap3A_1080 = vector.shape_cast %swap3A_1079 : vector<1x16xf32> to vector<16xf32>
        %swap3A_1081 = vector.shape_cast %add3A_1076 : vector<16xf32> to vector<1x16xf32>
        tpu.vector_store %arg14[%swap3A_1077, %swap3A_1078], %swap3A_1081 {strides = array<i32>} : memref<8x128xf32, #tpu.memory_space<vmem>>, vector<1x16xf32>,
      }
      %scan3A_648 = arith.constant 8 : i32
      %mul3A_649 = arith.constant 8 : i32
      %mul3A_650 = arith.muli %add3A_514, %mul3A_649 : i32
      %add3A_651 = arith.addi %mul3A_2, %mul3A_650 : i32
      %dma_start3A_652 = arith.constant 0 : i32
      %dma_start3A_653 = tpu.memref_slice %arg5[%add3A_651, %dma_start3A_652] : memref<16384x128xf32, #tpu.memory_space<hbm>> -> memref<8x128xf32, #tpu.memory_space<hbm>>
      %dma_start3A_654 = arith.constant 0 : i32
      %dma_start3A_655 = tpu.memref_slice %arg5[%add3A_651, %dma_start3A_654] : memref<16384x128xf32, #tpu.memory_space<hbm>> -> memref<8x128xf32, #tpu.memory_space<hbm>>
      tpu.enqueue_dma source(%arg14 : memref<8x128xf32, #tpu.memory_space<vmem>>) target(%dma_start3A_655 : memref<8x128xf32, #tpu.memory_space<hbm>>) target_semaphore(%arg21 : memref<!tpu.dma_semaphore, #tpu.memory_space<semaphore_mem>>)
      %add3A_656 = arith.constant 3 : i32
      %add3A_657 = arith.addi %add3A_514, %add3A_656 : i32
      %lt3A = arith.constant 64 : i32
      %lt3A_658 = arith.cmpi slt, %add3A_657, %lt3A : i32
      %convert_element_type3A_659 = arith.extui %lt3A_658 : i1 to i32
      %cond3A_660 = arith.constant 0 : i32
      %cond3A_661 = arith.cmpi ne, %convert_element_type3A_659, %cond3A_660 : i32
      scf.if %cond3A_661 {
        %add3A_972 = arith.constant 3 : i32
        %add3A_973 = arith.addi %add3A_514, %add3A_972 : i32
        %mul3A_974 = arith.constant 8 : i32
        %mul3A_975 = arith.muli %add3A_973, %mul3A_974 : i32
        %add3A_976 = arith.constant 0 : i32
        %add3A_977 = arith.addi %mul3A_975, %add3A_976 : i32
        %dma_start3A_978 = arith.constant 0 : i32
        %dma_start3A_979 = arith.constant 0 : i32
        %dma_start3A_980 = arith.constant 0 : i32
        %dma_start3A_981 = tpu.memref_slice %arg8[%dma_start3A_978, %dma_start3A_979, %dma_start3A_980] : memref<8x32x128xf32, #tpu.memory_space<vmem>> -> memref<1x32x128xf32, #tpu.memory_space<vmem>>
        %dma_start3A_982 = tpu.memref_squeeze %dma_start3A_981 : memref<1x32x128xf32, #tpu.memory_space<vmem>> -> memref<32x128xf32, #tpu.memory_space<vmem>>
        %dma_start3A_983 = arith.constant 0 : i32
        %dma_start3A_984 = tpu.memref_slice %arg7[%add3A_977, %dma_start3A_983] : memref<512x32xi32, #tpu.memory_space<vmem>> -> memref<1x32xi32, #tpu.memory_space<vmem>>
        %dma_start3A_985 = tpu.memref_squeeze %dma_start3A_984 : memref<1x32xi32, #tpu.memory_space<vmem>> -> memref<32xi32, #tpu.memory_space<vmem>>
        %dma_start3A_986 = arith.constant 0 : i32
        %dma_start3A_987 = arith.constant 0 : i32
        %dma_start3A_988 = tpu.memref_slice %arg4[%dma_start3A_986, %dma_start3A_987] : memref<100000x128xf32, #tpu.memory_space<hbm>> -> memref<100000x128xf32, #tpu.memory_space<hbm>>
        tpu.enqueue_indirect_dma source(%dma_start3A_988 : memref<100000x128xf32, #tpu.memory_space<hbm>>) target(%dma_start3A_982 : memref<32x128xf32, #tpu.memory_space<vmem>>) offsets(%dma_start3A_985 : memref<32xi32, #tpu.memory_space<vmem>>) semaphore(%arg18 : memref<!tpu.dma_semaphore, #tpu.memory_space<semaphore_mem>>)
        %mul3A_989 = arith.constant 8 : i32
        %mul3A_990 = arith.muli %add3A_973, %mul3A_989 : i32
        %add3A_991 = arith.constant 1 : i32
        %add3A_992 = arith.addi %mul3A_990, %add3A_991 : i32
        %dma_start3A_993 = arith.constant 1 : i32
        %dma_start3A_994 = arith.constant 0 : i32
        %dma_start3A_995 = arith.constant 0 : i32
        %dma_start3A_996 = tpu.memref_slice %arg8[%dma_start3A_993, %dma_start3A_994, %dma_start3A_995] : memref<8x32x128xf32, #tpu.memory_space<vmem>> -> memref<1x32x128xf32, #tpu.memory_space<vmem>>
        %dma_start3A_997 = tpu.memref_squeeze %dma_start3A_996 : memref<1x32x128xf32, #tpu.memory_space<vmem>> -> memref<32x128xf32, #tpu.memory_space<vmem>>
        %dma_start3A_998 = arith.constant 0 : i32
        %dma_start3A_999 = tpu.memref_slice %arg7[%add3A_992, %dma_start3A_998] : memref<512x32xi32, #tpu.memory_space<vmem>> -> memref<1x32xi32, #tpu.memory_space<vmem>>
        %dma_start3A_1000 = tpu.memref_squeeze %dma_start3A_999 : memref<1x32xi32, #tpu.memory_space<vmem>> -> memref<32xi32, #tpu.memory_space<vmem>>
        %dma_start3A_1001 = arith.constant 0 : i32
        %dma_start3A_1002 = arith.constant 0 : i32
        %dma_start3A_1003 = tpu.memref_slice %arg4[%dma_start3A_1001, %dma_start3A_1002] : memref<100000x128xf32, #tpu.memory_space<hbm>> -> memref<100000x128xf32, #tpu.memory_space<hbm>>
        tpu.enqueue_indirect_dma source(%dma_start3A_1003 : memref<100000x128xf32, #tpu.memory_space<hbm>>) target(%dma_start3A_997 : memref<32x128xf32, #tpu.memory_space<vmem>>) offsets(%dma_start3A_1000 : memref<32xi32, #tpu.memory_space<vmem>>) semaphore(%arg18 : memref<!tpu.dma_semaphore, #tpu.memory_space<semaphore_mem>>)
        %mul3A_1004 = arith.constant 8 : i32
        %mul3A_1005 = arith.muli %add3A_973, %mul3A_1004 : i32
        %add3A_1006 = arith.constant 2 : i32
        %add3A_1007 = arith.addi %mul3A_1005, %add3A_1006 : i32
        %dma_start3A_1008 = arith.constant 2 : i32
        %dma_start3A_1009 = arith.constant 0 : i32
        %dma_start3A_1010 = arith.constant 0 : i32
        %dma_start3A_1011 = tpu.memref_slice %arg8[%dma_start3A_1008, %dma_start3A_1009, %dma_start3A_1010] : memref<8x32x128xf32, #tpu.memory_space<vmem>> -> memref<1x32x128xf32, #tpu.memory_space<vmem>>
        %dma_start3A_1012 = tpu.memref_squeeze %dma_start3A_1011 : memref<1x32x128xf32, #tpu.memory_space<vmem>> -> memref<32x128xf32, #tpu.memory_space<vmem>>
        %dma_start3A_1013 = arith.constant 0 : i32
        %dma_start3A_1014 = tpu.memref_slice %arg7[%add3A_1007, %dma_start3A_1013] : memref<512x32xi32, #tpu.memory_space<vmem>> -> memref<1x32xi32, #tpu.memory_space<vmem>>
        %dma_start3A_1015 = tpu.memref_squeeze %dma_start3A_1014 : memref<1x32xi32, #tpu.memory_space<vmem>> -> memref<32xi32, #tpu.memory_space<vmem>>
        %dma_start3A_1016 = arith.constant 0 : i32
        %dma_start3A_1017 = arith.constant 0 : i32
        %dma_start3A_1018 = tpu.memref_slice %arg4[%dma_start3A_1016, %dma_start3A_1017] : memref<100000x128xf32, #tpu.memory_space<hbm>> -> memref<100000x128xf32, #tpu.memory_space<hbm>>
        tpu.enqueue_indirect_dma source(%dma_start3A_1018 : memref<100000x128xf32, #tpu.memory_space<hbm>>) target(%dma_start3A_1012 : memref<32x128xf32, #tpu.memory_space<vmem>>) offsets(%dma_start3A_1015 : memref<32xi32, #tpu.memory_space<vmem>>) semaphore(%arg18 : memref<!tpu.dma_semaphore, #tpu.memory_space<semaphore_mem>>)
        %mul3A_1019 = arith.constant 8 : i32
        %mul3A_1020 = arith.muli %add3A_973, %mul3A_1019 : i32
        %add3A_1021 = arith.constant 3 : i32
        %add3A_1022 = arith.addi %mul3A_1020, %add3A_1021 : i32
        %dma_start3A_1023 = arith.constant 3 : i32
        %dma_start3A_1024 = arith.constant 0 : i32
        %dma_start3A_1025 = arith.constant 0 : i32
        %dma_start3A_1026 = tpu.memref_slice %arg8[%dma_start3A_1023, %dma_start3A_1024, %dma_start3A_1025] : memref<8x32x128xf32, #tpu.memory_space<vmem>> -> memref<1x32x128xf32, #tpu.memory_space<vmem>>
        %dma_start3A_1027 = tpu.memref_squeeze %dma_start3A_1026 : memref<1x32x128xf32, #tpu.memory_space<vmem>> -> memref<32x128xf32, #tpu.memory_space<vmem>>
        %dma_start3A_1028 = arith.constant 0 : i32
        %dma_start3A_1029 = tpu.memref_slice %arg7[%add3A_1022, %dma_start3A_1028] : memref<512x32xi32, #tpu.memory_space<vmem>> -> memref<1x32xi32, #tpu.memory_space<vmem>>
        %dma_start3A_1030 = tpu.memref_squeeze %dma_start3A_1029 : memref<1x32xi32, #tpu.memory_space<vmem>> -> memref<32xi32, #tpu.memory_space<vmem>>
        %dma_start3A_1031 = arith.constant 0 : i32
        %dma_start3A_1032 = arith.constant 0 : i32
        %dma_start3A_1033 = tpu.memref_slice %arg4[%dma_start3A_1031, %dma_start3A_1032] : memref<100000x128xf32, #tpu.memory_space<hbm>> -> memref<100000x128xf32, #tpu.memory_space<hbm>>
        tpu.enqueue_indirect_dma source(%dma_start3A_1033 : memref<100000x128xf32, #tpu.memory_space<hbm>>) target(%dma_start3A_1027 : memref<32x128xf32, #tpu.memory_space<vmem>>) offsets(%dma_start3A_1030 : memref<32xi32, #tpu.memory_space<vmem>>) semaphore(%arg18 : memref<!tpu.dma_semaphore, #tpu.memory_space<semaphore_mem>>)
        %mul3A_1034 = arith.constant 8 : i32
        %mul3A_1035 = arith.muli %add3A_973, %mul3A_1034 : i32
        %add3A_1036 = arith.constant 4 : i32
        %add3A_1037 = arith.addi %mul3A_1035, %add3A_1036 : i32
        %dma_start3A_1038 = arith.constant 4 : i32
        %dma_start3A_1039 = arith.constant 0 : i32
        %dma_start3A_1040 = arith.constant 0 : i32
        %dma_start3A_1041 = tpu.memref_slice %arg8[%dma_start3A_1038, %dma_start3A_1039, %dma_start3A_1040] : memref<8x32x128xf32, #tpu.memory_space<vmem>> -> memref<1x32x128xf32, #tpu.memory_space<vmem>>
        %dma_start3A_1042 = tpu.memref_squeeze %dma_start3A_1041 : memref<1x32x128xf32, #tpu.memory_space<vmem>> -> memref<32x128xf32, #tpu.memory_space<vmem>>
        %dma_start3A_1043 = arith.constant 0 : i32
        %dma_start3A_1044 = tpu.memref_slice %arg7[%add3A_1037, %dma_start3A_1043] : memref<512x32xi32, #tpu.memory_space<vmem>> -> memref<1x32xi32, #tpu.memory_space<vmem>>
        %dma_start3A_1045 = tpu.memref_squeeze %dma_start3A_1044 : memref<1x32xi32, #tpu.memory_space<vmem>> -> memref<32xi32, #tpu.memory_space<vmem>>
        %dma_start3A_1046 = arith.constant 0 : i32
        %dma_start3A_1047 = arith.constant 0 : i32
        %dma_start3A_1048 = tpu.memref_slice %arg4[%dma_start3A_1046, %dma_start3A_1047] : memref<100000x128xf32, #tpu.memory_space<hbm>> -> memref<100000x128xf32, #tpu.memory_space<hbm>>
        tpu.enqueue_indirect_dma source(%dma_start3A_1048 : memref<100000x128xf32, #tpu.memory_space<hbm>>) target(%dma_start3A_1042 : memref<32x128xf32, #tpu.memory_space<vmem>>) offsets(%dma_start3A_1045 : memref<32xi32, #tpu.memory_space<vmem>>) semaphore(%arg18 : memref<!tpu.dma_semaphore, #tpu.memory_space<semaphore_mem>>)
        %mul3A_1049 = arith.constant 8 : i32
        %mul3A_1050 = arith.muli %add3A_973, %mul3A_1049 : i32
        %add3A_1051 = arith.constant 5 : i32
        %add3A_1052 = arith.addi %mul3A_1050, %add3A_1051 : i32
        %dma_start3A_1053 = arith.constant 5 : i32
        %dma_start3A_1054 = arith.constant 0 : i32
        %dma_start3A_1055 = arith.constant 0 : i32
        %dma_start3A_1056 = tpu.memref_slice %arg8[%dma_start3A_1053, %dma_start3A_1054, %dma_start3A_1055] : memref<8x32x128xf32, #tpu.memory_space<vmem>> -> memref<1x32x128xf32, #tpu.memory_space<vmem>>
        %dma_start3A_1057 = tpu.memref_squeeze %dma_start3A_1056 : memref<1x32x128xf32, #tpu.memory_space<vmem>> -> memref<32x128xf32, #tpu.memory_space<vmem>>
        %dma_start3A_1058 = arith.constant 0 : i32
        %dma_start3A_1059 = tpu.memref_slice %arg7[%add3A_1052, %dma_start3A_1058] : memref<512x32xi32, #tpu.memory_space<vmem>> -> memref<1x32xi32, #tpu.memory_space<vmem>>
        %dma_start3A_1060 = tpu.memref_squeeze %dma_start3A_1059 : memref<1x32xi32, #tpu.memory_space<vmem>> -> memref<32xi32, #tpu.memory_space<vmem>>
        %dma_start3A_1061 = arith.constant 0 : i32
        %dma_start3A_1062 = arith.constant 0 : i32
        %dma_start3A_1063 = tpu.memref_slice %arg4[%dma_start3A_1061, %dma_start3A_1062] : memref<100000x128xf32, #tpu.memory_space<hbm>> -> memref<100000x128xf32, #tpu.memory_space<hbm>>
        tpu.enqueue_indirect_dma source(%dma_start3A_1063 : memref<100000x128xf32, #tpu.memory_space<hbm>>) target(%dma_start3A_1057 : memref<32x128xf32, #tpu.memory_space<vmem>>) offsets(%dma_start3A_1060 : memref<32xi32, #tpu.memory_space<vmem>>) semaphore(%arg18 : memref<!tpu.dma_semaphore, #tpu.memory_space<semaphore_mem>>)
        %mul3A_1064 = arith.constant 8 : i32
        %mul3A_1065 = arith.muli %add3A_973, %mul3A_1064 : i32
        %add3A_1066 = arith.constant 6 : i32
        %add3A_1067 = arith.addi %mul3A_1065, %add3A_1066 : i32
        %dma_start3A_1068 = arith.constant 6 : i32
        %dma_start3A_1069 = arith.constant 0 : i32
        %dma_start3A_1070 = arith.constant 0 : i32
        %dma_start3A_1071 = tpu.memref_slice %arg8[%dma_start3A_1068, %dma_start3A_1069, %dma_start3A_1070] : memref<8x32x128xf32, #tpu.memory_space<vmem>> -> memref<1x32x128xf32, #tpu.memory_space<vmem>>
        %dma_start3A_1072 = tpu.memref_squeeze %dma_start3A_1071 : memref<1x32x128xf32, #tpu.memory_space<vmem>> -> memref<32x128xf32, #tpu.memory_space<vmem>>
        %dma_start3A_1073 = arith.constant 0 : i32
        %dma_start3A_1074 = tpu.memref_slice %arg7[%add3A_1067, %dma_start3A_1073] : memref<512x32xi32, #tpu.memory_space<vmem>> -> memref<1x32xi32, #tpu.memory_space<vmem>>
        %dma_start3A_1075 = tpu.memref_squeeze %dma_start3A_1074 : memref<1x32xi32, #tpu.memory_space<vmem>> -> memref<32xi32, #tpu.memory_space<vmem>>
        %dma_start3A_1076 = arith.constant 0 : i32
        %dma_start3A_1077 = arith.constant 0 : i32
        %dma_start3A_1078 = tpu.memref_slice %arg4[%dma_start3A_1076, %dma_start3A_1077] : memref<100000x128xf32, #tpu.memory_space<hbm>> -> memref<100000x128xf32, #tpu.memory_space<hbm>>
        tpu.enqueue_indirect_dma source(%dma_start3A_1078 : memref<100000x128xf32, #tpu.memory_space<hbm>>) target(%dma_start3A_1072 : memref<32x128xf32, #tpu.memory_space<vmem>>) offsets(%dma_start3A_1075 : memref<32xi32, #tpu.memory_space<vmem>>) semaphore(%arg18 : memref<!tpu.dma_semaphore, #tpu.memory_space<semaphore_mem>>)
        %mul3A_1079 = arith.constant 8 : i32
        %mul3A_1080 = arith.muli %add3A_973, %mul3A_1079 : i32
        %add3A_1081 = arith.constant 7 : i32
        %add3A_1082 = arith.addi %mul3A_1080, %add3A_1081 : i32
        %dma_start3A_1083 = arith.constant 7 : i32
        %dma_start3A_1084 = arith.constant 0 : i32
        %dma_start3A_1085 = arith.constant 0 : i32
        %dma_start3A_1086 = tpu.memref_slice %arg8[%dma_start3A_1083, %dma_start3A_1084, %dma_start3A_1085] : memref<8x32x128xf32, #tpu.memory_space<vmem>> -> memref<1x32x128xf32, #tpu.memory_space<vmem>>
        %dma_start3A_1087 = tpu.memref_squeeze %dma_start3A_1086 : memref<1x32x128xf32, #tpu.memory_space<vmem>> -> memref<32x128xf32, #tpu.memory_space<vmem>>
        %dma_start3A_1088 = arith.constant 0 : i32
        %dma_start3A_1089 = tpu.memref_slice %arg7[%add3A_1082, %dma_start3A_1088] : memref<512x32xi32, #tpu.memory_space<vmem>> -> memref<1x32xi32, #tpu.memory_space<vmem>>
        %dma_start3A_1090 = tpu.memref_squeeze %dma_start3A_1089 : memref<1x32xi32, #tpu.memory_space<vmem>> -> memref<32xi32, #tpu.memory_space<vmem>>
        %dma_start3A_1091 = arith.constant 0 : i32
        %dma_start3A_1092 = arith.constant 0 : i32
        %dma_start3A_1093 = tpu.memref_slice %arg4[%dma_start3A_1091, %dma_start3A_1092] : memref<100000x128xf32, #tpu.memory_space<hbm>> -> memref<100000x128xf32, #tpu.memory_space<hbm>>
        tpu.enqueue_indirect_dma source(%dma_start3A_1093 : memref<100000x128xf32, #tpu.memory_space<hbm>>) target(%dma_start3A_1087 : memref<32x128xf32, #tpu.memory_space<vmem>>) offsets(%dma_start3A_1090 : memref<32xi32, #tpu.memory_space<vmem>>) semaphore(%arg18 : memref<!tpu.dma_semaphore, #tpu.memory_space<semaphore_mem>>)
        %mul3A_1094 = arith.constant 8 : i32
        %mul3A_1095 = arith.muli %add3A_973, %mul3A_1094 : i32
        %dma_start3A_1096 = tpu.memref_slice %arg6[%mul3A_1095] : memref<512xi32, #tpu.memory_space<vmem>> -> memref<8xi32, #tpu.memory_space<vmem>>
        %dma_start3A_1097 = arith.constant 0 : i32
        %dma_start3A_1098 = arith.constant 0 : i32
        %dma_start3A_1099 = tpu.memref_slice %arg4[%dma_start3A_1097, %dma_start3A_1098] : memref<100000x128xf32, #tpu.memory_space<hbm>> -> memref<100000x128xf32, #tpu.memory_space<hbm>>
        tpu.enqueue_indirect_dma source(%dma_start3A_1099 : memref<100000x128xf32, #tpu.memory_space<hbm>>) target(%arg11 : memref<8x128xf32, #tpu.memory_space<vmem>>) offsets(%dma_start3A_1096 : memref<8xi32, #tpu.memory_space<vmem>>) semaphore(%arg18 : memref<!tpu.dma_semaphore, #tpu.memory_space<semaphore_mem>>)
      } else {
      }
      %mul3A_662 = arith.constant 3 : i32
      %mul3A_663 = arith.muli %mul3A_662, %scan3A_510 : i32
      %add3A_664 = arith.constant 1 : i32
      %add3A_665 = arith.addi %mul3A_663, %add3A_664 : i32
      %ge3A_666 = arith.constant 3 : i32
      %ge3A_667 = arith.cmpi sge, %add3A_665, %ge3A_666 : i32
      %convert_element_type3A_668 = arith.extui %ge3A_667 : i1 to i32
      %cond3A_669 = arith.constant 0 : i32
      %cond3A_670 = arith.cmpi ne, %convert_element_type3A_668, %cond3A_669 : i32
      scf.if %cond3A_670 {
        %sub3A = arith.constant 3 : i32
        %sub3A_972 = arith.subi %add3A_665, %sub3A : i32
        %mul3A_973 = arith.constant 8 : i32
        %mul3A_974 = arith.muli %sub3A_972, %mul3A_973 : i32
        %add3A_975 = arith.addi %mul3A_2, %mul3A_974 : i32
        %dma_wait3A_976 = arith.constant 0 : i32
        %dma_wait3A_977 = tpu.memref_slice %arg5[%add3A_975, %dma_wait3A_976] : memref<16384x128xf32, #tpu.memory_space<hbm>> -> memref<8x128xf32, #tpu.memory_space<hbm>>
        %dma_wait3A_978 = arith.constant 0 : i32
        %dma_wait3A_979 = tpu.memref_slice %arg5[%add3A_975, %dma_wait3A_978] : memref<16384x128xf32, #tpu.memory_space<hbm>> -> memref<8x128xf32, #tpu.memory_space<hbm>>
        tpu.wait_dma2 semaphore(%arg22 : memref<!tpu.dma_semaphore, #tpu.memory_space<semaphore_mem>>) src(%arg15 : memref<8x128xf32, #tpu.memory_space<vmem>>) dst(%dma_wait3A_979 : memref<8x128xf32, #tpu.memory_space<hbm>>)
      } else {
      }
      %mul3A_671 = arith.constant 8 : i32
      %mul3A_672 = arith.muli %add3A_665, %mul3A_671 : i32
      %add3A_673 = arith.constant 0 : i32
      %add3A_674 = arith.addi %mul3A_672, %add3A_673 : i32
      %dma_wait3A_675 = arith.constant 0 : i32
      %dma_wait3A_676 = arith.constant 0 : i32
      %dma_wait3A_677 = arith.constant 0 : i32
      %dma_wait3A_678 = tpu.memref_slice %arg9[%dma_wait3A_675, %dma_wait3A_676, %dma_wait3A_677] : memref<8x32x128xf32, #tpu.memory_space<vmem>> -> memref<1x32x128xf32, #tpu.memory_space<vmem>>
      %dma_wait3A_679 = tpu.memref_squeeze %dma_wait3A_678 : memref<1x32x128xf32, #tpu.memory_space<vmem>> -> memref<32x128xf32, #tpu.memory_space<vmem>>
      %dma_wait3A_680 = arith.constant 0 : i32
      %dma_wait3A_681 = tpu.memref_slice %arg7[%add3A_674, %dma_wait3A_680] : memref<512x32xi32, #tpu.memory_space<vmem>> -> memref<1x32xi32, #tpu.memory_space<vmem>>
      %dma_wait3A_682 = tpu.memref_squeeze %dma_wait3A_681 : memref<1x32xi32, #tpu.memory_space<vmem>> -> memref<32xi32, #tpu.memory_space<vmem>>
      %dma_wait3A_683 = arith.constant 0 : i32
      %dma_wait3A_684 = arith.constant 0 : i32
      %dma_wait3A_685 = tpu.memref_slice %arg4[%dma_wait3A_683, %dma_wait3A_684] : memref<100000x128xf32, #tpu.memory_space<hbm>> -> memref<100000x128xf32, #tpu.memory_space<hbm>>
      tpu.wait_indirect_dma semaphore(%arg19 : memref<!tpu.dma_semaphore, #tpu.memory_space<semaphore_mem>>) src(%dma_wait3A_685 : memref<100000x128xf32, #tpu.memory_space<hbm>>) dst(%dma_wait3A_679 : memref<32x128xf32, #tpu.memory_space<vmem>>)
      %mul3A_686 = arith.constant 8 : i32
      %mul3A_687 = arith.muli %add3A_665, %mul3A_686 : i32
      %add3A_688 = arith.constant 1 : i32
      %add3A_689 = arith.addi %mul3A_687, %add3A_688 : i32
      %dma_wait3A_690 = arith.constant 1 : i32
      %dma_wait3A_691 = arith.constant 0 : i32
      %dma_wait3A_692 = arith.constant 0 : i32
      %dma_wait3A_693 = tpu.memref_slice %arg9[%dma_wait3A_690, %dma_wait3A_691, %dma_wait3A_692] : memref<8x32x128xf32, #tpu.memory_space<vmem>> -> memref<1x32x128xf32, #tpu.memory_space<vmem>>
      %dma_wait3A_694 = tpu.memref_squeeze %dma_wait3A_693 : memref<1x32x128xf32, #tpu.memory_space<vmem>> -> memref<32x128xf32, #tpu.memory_space<vmem>>
      %dma_wait3A_695 = arith.constant 0 : i32
      %dma_wait3A_696 = tpu.memref_slice %arg7[%add3A_689, %dma_wait3A_695] : memref<512x32xi32, #tpu.memory_space<vmem>> -> memref<1x32xi32, #tpu.memory_space<vmem>>
      %dma_wait3A_697 = tpu.memref_squeeze %dma_wait3A_696 : memref<1x32xi32, #tpu.memory_space<vmem>> -> memref<32xi32, #tpu.memory_space<vmem>>
      %dma_wait3A_698 = arith.constant 0 : i32
      %dma_wait3A_699 = arith.constant 0 : i32
      %dma_wait3A_700 = tpu.memref_slice %arg4[%dma_wait3A_698, %dma_wait3A_699] : memref<100000x128xf32, #tpu.memory_space<hbm>> -> memref<100000x128xf32, #tpu.memory_space<hbm>>
      tpu.wait_indirect_dma semaphore(%arg19 : memref<!tpu.dma_semaphore, #tpu.memory_space<semaphore_mem>>) src(%dma_wait3A_700 : memref<100000x128xf32, #tpu.memory_space<hbm>>) dst(%dma_wait3A_694 : memref<32x128xf32, #tpu.memory_space<vmem>>)
      %mul3A_701 = arith.constant 8 : i32
      %mul3A_702 = arith.muli %add3A_665, %mul3A_701 : i32
      %add3A_703 = arith.constant 2 : i32
      %add3A_704 = arith.addi %mul3A_702, %add3A_703 : i32
      %dma_wait3A_705 = arith.constant 2 : i32
      %dma_wait3A_706 = arith.constant 0 : i32
      %dma_wait3A_707 = arith.constant 0 : i32
      %dma_wait3A_708 = tpu.memref_slice %arg9[%dma_wait3A_705, %dma_wait3A_706, %dma_wait3A_707] : memref<8x32x128xf32, #tpu.memory_space<vmem>> -> memref<1x32x128xf32, #tpu.memory_space<vmem>>
      %dma_wait3A_709 = tpu.memref_squeeze %dma_wait3A_708 : memref<1x32x128xf32, #tpu.memory_space<vmem>> -> memref<32x128xf32, #tpu.memory_space<vmem>>
      %dma_wait3A_710 = arith.constant 0 : i32
      %dma_wait3A_711 = tpu.memref_slice %arg7[%add3A_704, %dma_wait3A_710] : memref<512x32xi32, #tpu.memory_space<vmem>> -> memref<1x32xi32, #tpu.memory_space<vmem>>
      %dma_wait3A_712 = tpu.memref_squeeze %dma_wait3A_711 : memref<1x32xi32, #tpu.memory_space<vmem>> -> memref<32xi32, #tpu.memory_space<vmem>>
      %dma_wait3A_713 = arith.constant 0 : i32
      %dma_wait3A_714 = arith.constant 0 : i32
      %dma_wait3A_715 = tpu.memref_slice %arg4[%dma_wait3A_713, %dma_wait3A_714] : memref<100000x128xf32, #tpu.memory_space<hbm>> -> memref<100000x128xf32, #tpu.memory_space<hbm>>
      tpu.wait_indirect_dma semaphore(%arg19 : memref<!tpu.dma_semaphore, #tpu.memory_space<semaphore_mem>>) src(%dma_wait3A_715 : memref<100000x128xf32, #tpu.memory_space<hbm>>) dst(%dma_wait3A_709 : memref<32x128xf32, #tpu.memory_space<vmem>>)
      %mul3A_716 = arith.constant 8 : i32
      %mul3A_717 = arith.muli %add3A_665, %mul3A_716 : i32
      %add3A_718 = arith.constant 3 : i32
      %add3A_719 = arith.addi %mul3A_717, %add3A_718 : i32
      %dma_wait3A_720 = arith.constant 3 : i32
      %dma_wait3A_721 = arith.constant 0 : i32
      %dma_wait3A_722 = arith.constant 0 : i32
      %dma_wait3A_723 = tpu.memref_slice %arg9[%dma_wait3A_720, %dma_wait3A_721, %dma_wait3A_722] : memref<8x32x128xf32, #tpu.memory_space<vmem>> -> memref<1x32x128xf32, #tpu.memory_space<vmem>>
      %dma_wait3A_724 = tpu.memref_squeeze %dma_wait3A_723 : memref<1x32x128xf32, #tpu.memory_space<vmem>> -> memref<32x128xf32, #tpu.memory_space<vmem>>
      %dma_wait3A_725 = arith.constant 0 : i32
      %dma_wait3A_726 = tpu.memref_slice %arg7[%add3A_719, %dma_wait3A_725] : memref<512x32xi32, #tpu.memory_space<vmem>> -> memref<1x32xi32, #tpu.memory_space<vmem>>
      %dma_wait3A_727 = tpu.memref_squeeze %dma_wait3A_726 : memref<1x32xi32, #tpu.memory_space<vmem>> -> memref<32xi32, #tpu.memory_space<vmem>>
      %dma_wait3A_728 = arith.constant 0 : i32
      %dma_wait3A_729 = arith.constant 0 : i32
      %dma_wait3A_730 = tpu.memref_slice %arg4[%dma_wait3A_728, %dma_wait3A_729] : memref<100000x128xf32, #tpu.memory_space<hbm>> -> memref<100000x128xf32, #tpu.memory_space<hbm>>
      tpu.wait_indirect_dma semaphore(%arg19 : memref<!tpu.dma_semaphore, #tpu.memory_space<semaphore_mem>>) src(%dma_wait3A_730 : memref<100000x128xf32, #tpu.memory_space<hbm>>) dst(%dma_wait3A_724 : memref<32x128xf32, #tpu.memory_space<vmem>>)
      %mul3A_731 = arith.constant 8 : i32
      %mul3A_732 = arith.muli %add3A_665, %mul3A_731 : i32
      %add3A_733 = arith.constant 4 : i32
      %add3A_734 = arith.addi %mul3A_732, %add3A_733 : i32
      %dma_wait3A_735 = arith.constant 4 : i32
      %dma_wait3A_736 = arith.constant 0 : i32
      %dma_wait3A_737 = arith.constant 0 : i32
      %dma_wait3A_738 = tpu.memref_slice %arg9[%dma_wait3A_735, %dma_wait3A_736, %dma_wait3A_737] : memref<8x32x128xf32, #tpu.memory_space<vmem>> -> memref<1x32x128xf32, #tpu.memory_space<vmem>>
      %dma_wait3A_739 = tpu.memref_squeeze %dma_wait3A_738 : memref<1x32x128xf32, #tpu.memory_space<vmem>> -> memref<32x128xf32, #tpu.memory_space<vmem>>
      %dma_wait3A_740 = arith.constant 0 : i32
      %dma_wait3A_741 = tpu.memref_slice %arg7[%add3A_734, %dma_wait3A_740] : memref<512x32xi32, #tpu.memory_space<vmem>> -> memref<1x32xi32, #tpu.memory_space<vmem>>
      %dma_wait3A_742 = tpu.memref_squeeze %dma_wait3A_741 : memref<1x32xi32, #tpu.memory_space<vmem>> -> memref<32xi32, #tpu.memory_space<vmem>>
      %dma_wait3A_743 = arith.constant 0 : i32
      %dma_wait3A_744 = arith.constant 0 : i32
      %dma_wait3A_745 = tpu.memref_slice %arg4[%dma_wait3A_743, %dma_wait3A_744] : memref<100000x128xf32, #tpu.memory_space<hbm>> -> memref<100000x128xf32, #tpu.memory_space<hbm>>
      tpu.wait_indirect_dma semaphore(%arg19 : memref<!tpu.dma_semaphore, #tpu.memory_space<semaphore_mem>>) src(%dma_wait3A_745 : memref<100000x128xf32, #tpu.memory_space<hbm>>) dst(%dma_wait3A_739 : memref<32x128xf32, #tpu.memory_space<vmem>>)
      %mul3A_746 = arith.constant 8 : i32
      %mul3A_747 = arith.muli %add3A_665, %mul3A_746 : i32
      %add3A_748 = arith.constant 5 : i32
      %add3A_749 = arith.addi %mul3A_747, %add3A_748 : i32
      %dma_wait3A_750 = arith.constant 5 : i32
      %dma_wait3A_751 = arith.constant 0 : i32
      %dma_wait3A_752 = arith.constant 0 : i32
      %dma_wait3A_753 = tpu.memref_slice %arg9[%dma_wait3A_750, %dma_wait3A_751, %dma_wait3A_752] : memref<8x32x128xf32, #tpu.memory_space<vmem>> -> memref<1x32x128xf32, #tpu.memory_space<vmem>>
      %dma_wait3A_754 = tpu.memref_squeeze %dma_wait3A_753 : memref<1x32x128xf32, #tpu.memory_space<vmem>> -> memref<32x128xf32, #tpu.memory_space<vmem>>
      %dma_wait3A_755 = arith.constant 0 : i32
      %dma_wait3A_756 = tpu.memref_slice %arg7[%add3A_749, %dma_wait3A_755] : memref<512x32xi32, #tpu.memory_space<vmem>> -> memref<1x32xi32, #tpu.memory_space<vmem>>
      %dma_wait3A_757 = tpu.memref_squeeze %dma_wait3A_756 : memref<1x32xi32, #tpu.memory_space<vmem>> -> memref<32xi32, #tpu.memory_space<vmem>>
      %dma_wait3A_758 = arith.constant 0 : i32
      %dma_wait3A_759 = arith.constant 0 : i32
      %dma_wait3A_760 = tpu.memref_slice %arg4[%dma_wait3A_758, %dma_wait3A_759] : memref<100000x128xf32, #tpu.memory_space<hbm>> -> memref<100000x128xf32, #tpu.memory_space<hbm>>
      tpu.wait_indirect_dma semaphore(%arg19 : memref<!tpu.dma_semaphore, #tpu.memory_space<semaphore_mem>>) src(%dma_wait3A_760 : memref<100000x128xf32, #tpu.memory_space<hbm>>) dst(%dma_wait3A_754 : memref<32x128xf32, #tpu.memory_space<vmem>>)
      %mul3A_761 = arith.constant 8 : i32
      %mul3A_762 = arith.muli %add3A_665, %mul3A_761 : i32
      %add3A_763 = arith.constant 6 : i32
      %add3A_764 = arith.addi %mul3A_762, %add3A_763 : i32
      %dma_wait3A_765 = arith.constant 6 : i32
      %dma_wait3A_766 = arith.constant 0 : i32
      %dma_wait3A_767 = arith.constant 0 : i32
      %dma_wait3A_768 = tpu.memref_slice %arg9[%dma_wait3A_765, %dma_wait3A_766, %dma_wait3A_767] : memref<8x32x128xf32, #tpu.memory_space<vmem>> -> memref<1x32x128xf32, #tpu.memory_space<vmem>>
      %dma_wait3A_769 = tpu.memref_squeeze %dma_wait3A_768 : memref<1x32x128xf32, #tpu.memory_space<vmem>> -> memref<32x128xf32, #tpu.memory_space<vmem>>
      %dma_wait3A_770 = arith.constant 0 : i32
      %dma_wait3A_771 = tpu.memref_slice %arg7[%add3A_764, %dma_wait3A_770] : memref<512x32xi32, #tpu.memory_space<vmem>> -> memref<1x32xi32, #tpu.memory_space<vmem>>
      %dma_wait3A_772 = tpu.memref_squeeze %dma_wait3A_771 : memref<1x32xi32, #tpu.memory_space<vmem>> -> memref<32xi32, #tpu.memory_space<vmem>>
      %dma_wait3A_773 = arith.constant 0 : i32
      %dma_wait3A_774 = arith.constant 0 : i32
      %dma_wait3A_775 = tpu.memref_slice %arg4[%dma_wait3A_773, %dma_wait3A_774] : memref<100000x128xf32, #tpu.memory_space<hbm>> -> memref<100000x128xf32, #tpu.memory_space<hbm>>
      tpu.wait_indirect_dma semaphore(%arg19 : memref<!tpu.dma_semaphore, #tpu.memory_space<semaphore_mem>>) src(%dma_wait3A_775 : memref<100000x128xf32, #tpu.memory_space<hbm>>) dst(%dma_wait3A_769 : memref<32x128xf32, #tpu.memory_space<vmem>>)
      %mul3A_776 = arith.constant 8 : i32
      %mul3A_777 = arith.muli %add3A_665, %mul3A_776 : i32
      %add3A_778 = arith.constant 7 : i32
      %add3A_779 = arith.addi %mul3A_777, %add3A_778 : i32
      %dma_wait3A_780 = arith.constant 7 : i32
      %dma_wait3A_781 = arith.constant 0 : i32
      %dma_wait3A_782 = arith.constant 0 : i32
      %dma_wait3A_783 = tpu.memref_slice %arg9[%dma_wait3A_780, %dma_wait3A_781, %dma_wait3A_782] : memref<8x32x128xf32, #tpu.memory_space<vmem>> -> memref<1x32x128xf32, #tpu.memory_space<vmem>>
      %dma_wait3A_784 = tpu.memref_squeeze %dma_wait3A_783 : memref<1x32x128xf32, #tpu.memory_space<vmem>> -> memref<32x128xf32, #tpu.memory_space<vmem>>
      %dma_wait3A_785 = arith.constant 0 : i32
      %dma_wait3A_786 = tpu.memref_slice %arg7[%add3A_779, %dma_wait3A_785] : memref<512x32xi32, #tpu.memory_space<vmem>> -> memref<1x32xi32, #tpu.memory_space<vmem>>
      %dma_wait3A_787 = tpu.memref_squeeze %dma_wait3A_786 : memref<1x32xi32, #tpu.memory_space<vmem>> -> memref<32xi32, #tpu.memory_space<vmem>>
      %dma_wait3A_788 = arith.constant 0 : i32
      %dma_wait3A_789 = arith.constant 0 : i32
      %dma_wait3A_790 = tpu.memref_slice %arg4[%dma_wait3A_788, %dma_wait3A_789] : memref<100000x128xf32, #tpu.memory_space<hbm>> -> memref<100000x128xf32, #tpu.memory_space<hbm>>
      tpu.wait_indirect_dma semaphore(%arg19 : memref<!tpu.dma_semaphore, #tpu.memory_space<semaphore_mem>>) src(%dma_wait3A_790 : memref<100000x128xf32, #tpu.memory_space<hbm>>) dst(%dma_wait3A_784 : memref<32x128xf32, #tpu.memory_space<vmem>>)
      %mul3A_791 = arith.constant 8 : i32
      %mul3A_792 = arith.muli %add3A_665, %mul3A_791 : i32
      %dma_wait3A_793 = tpu.memref_slice %arg6[%mul3A_792] : memref<512xi32, #tpu.memory_space<vmem>> -> memref<8xi32, #tpu.memory_space<vmem>>
      %dma_wait3A_794 = arith.constant 0 : i32
      %dma_wait3A_795 = arith.constant 0 : i32
      %dma_wait3A_796 = tpu.memref_slice %arg4[%dma_wait3A_794, %dma_wait3A_795] : memref<100000x128xf32, #tpu.memory_space<hbm>> -> memref<100000x128xf32, #tpu.memory_space<hbm>>
      tpu.wait_indirect_dma semaphore(%arg19 : memref<!tpu.dma_semaphore, #tpu.memory_space<semaphore_mem>>) src(%dma_wait3A_796 : memref<100000x128xf32, #tpu.memory_space<hbm>>) dst(%arg12 : memref<8x128xf32, #tpu.memory_space<vmem>>)
      %scan3A_797 = arith.constant 0 : i32
      %scan3A_798 = arith.constant 0 : i32
      %scan3A_799 = arith.constant 8 : i32
      %scan3A_800 = arith.addi %scan3A_798, %scan3A_799 : i32
      %scan3A_801 = arith.constant 1 : i32
      scf.for %scan3A_972 = %scan3A_798 to %scan3A_800 step %scan3A_801  : i32 {
        %broadcast_in_dim3A = arith.constant 0.000000e+00 : f32
        %broadcast_in_dim3A_973 = vector.broadcast %broadcast_in_dim3A : f32 to vector<16xf32>
        %scan3A_974 = arith.constant 0 : i32
        %scan3A_975 = arith.constant 8 : i32
        %scan3A_976 = arith.addi %scan3A_974, %scan3A_975 : i32
        %scan3A_977 = arith.constant 1 : i32
        %scan3A_978:8 = scf.for %scan3A_1082 = %scan3A_974 to %scan3A_976 step %scan3A_977 iter_args(%scan3A_1083 = %broadcast_in_dim3A_973, %scan3A_1084 = %broadcast_in_dim3A_973, %scan3A_1085 = %broadcast_in_dim3A_973, %scan3A_1086 = %broadcast_in_dim3A_973, %scan3A_1087 = %broadcast_in_dim3A_973, %scan3A_1088 = %broadcast_in_dim3A_973, %scan3A_1089 = %broadcast_in_dim3A_973, %scan3A_1090 = %broadcast_in_dim3A_973) -> (vector<16xf32>, vector<16xf32>, vector<16xf32>, vector<16xf32>, vector<16xf32>, vector<16xf32>, vector<16xf32>, vector<16xf32>)  : i32 {
          %mul3A_1091 = arith.constant 4 : i32
          %mul3A_1092 = arith.muli %mul3A_1091, %scan3A_1082 : i32
          %add3A_1093 = arith.constant 0 : i32
          %add3A_1094 = arith.addi %mul3A_1092, %add3A_1093 : i32
          %get3A_1095 = arith.index_cast %scan3A_972 : i32 to index
          %get3A_1096 = arith.index_cast %add3A_1094 : i32 to index
          %get3A_1097 = arith.constant 0 : index
          %get3A_1098 = tpu.vector_load %arg9[%get3A_1095, %get3A_1096, %get3A_1097] {strides = array<i32>} : memref<8x32x128xf32, #tpu.memory_space<vmem>>, vector<1x1x16xf32>,
          %get3A_1099 = vector.shape_cast %get3A_1098 : vector<1x1x16xf32> to vector<16xf32>
          %add3A_1100 = arith.addf %scan3A_1083, %get3A_1099 : vector<16xf32>
          %get3A_1101 = arith.index_cast %scan3A_972 : i32 to index
          %get3A_1102 = arith.index_cast %add3A_1094 : i32 to index
          %get3A_1103 = arith.constant 16 : index
          %get3A_1104 = tpu.vector_load %arg9[%get3A_1101, %get3A_1102, %get3A_1103] {strides = array<i32>} : memref<8x32x128xf32, #tpu.memory_space<vmem>>, vector<1x1x16xf32>,
          %get3A_1105 = vector.shape_cast %get3A_1104 : vector<1x1x16xf32> to vector<16xf32>
          %add3A_1106 = arith.addf %scan3A_1084, %get3A_1105 : vector<16xf32>
          %get3A_1107 = arith.index_cast %scan3A_972 : i32 to index
          %get3A_1108 = arith.index_cast %add3A_1094 : i32 to index
          %get3A_1109 = arith.constant 32 : index
          %get3A_1110 = tpu.vector_load %arg9[%get3A_1107, %get3A_1108, %get3A_1109] {strides = array<i32>} : memref<8x32x128xf32, #tpu.memory_space<vmem>>, vector<1x1x16xf32>,
          %get3A_1111 = vector.shape_cast %get3A_1110 : vector<1x1x16xf32> to vector<16xf32>
          %add3A_1112 = arith.addf %scan3A_1085, %get3A_1111 : vector<16xf32>
          %get3A_1113 = arith.index_cast %scan3A_972 : i32 to index
          %get3A_1114 = arith.index_cast %add3A_1094 : i32 to index
          %get3A_1115 = arith.constant 48 : index
          %get3A_1116 = tpu.vector_load %arg9[%get3A_1113, %get3A_1114, %get3A_1115] {strides = array<i32>} : memref<8x32x128xf32, #tpu.memory_space<vmem>>, vector<1x1x16xf32>,
          %get3A_1117 = vector.shape_cast %get3A_1116 : vector<1x1x16xf32> to vector<16xf32>
          %add3A_1118 = arith.addf %scan3A_1086, %get3A_1117 : vector<16xf32>
          %get3A_1119 = arith.index_cast %scan3A_972 : i32 to index
          %get3A_1120 = arith.index_cast %add3A_1094 : i32 to index
          %get3A_1121 = arith.constant 64 : index
          %get3A_1122 = tpu.vector_load %arg9[%get3A_1119, %get3A_1120, %get3A_1121] {strides = array<i32>} : memref<8x32x128xf32, #tpu.memory_space<vmem>>, vector<1x1x16xf32>,
          %get3A_1123 = vector.shape_cast %get3A_1122 : vector<1x1x16xf32> to vector<16xf32>
          %add3A_1124 = arith.addf %scan3A_1087, %get3A_1123 : vector<16xf32>
          %get3A_1125 = arith.index_cast %scan3A_972 : i32 to index
          %get3A_1126 = arith.index_cast %add3A_1094 : i32 to index
          %get3A_1127 = arith.constant 80 : index
          %get3A_1128 = tpu.vector_load %arg9[%get3A_1125, %get3A_1126, %get3A_1127] {strides = array<i32>} : memref<8x32x128xf32, #tpu.memory_space<vmem>>, vector<1x1x16xf32>,
          %get3A_1129 = vector.shape_cast %get3A_1128 : vector<1x1x16xf32> to vector<16xf32>
          %add3A_1130 = arith.addf %scan3A_1088, %get3A_1129 : vector<16xf32>
          %get3A_1131 = arith.index_cast %scan3A_972 : i32 to index
          %get3A_1132 = arith.index_cast %add3A_1094 : i32 to index
          %get3A_1133 = arith.constant 96 : index
          %get3A_1134 = tpu.vector_load %arg9[%get3A_1131, %get3A_1132, %get3A_1133] {strides = array<i32>} : memref<8x32x128xf32, #tpu.memory_space<vmem>>, vector<1x1x16xf32>,
          %get3A_1135 = vector.shape_cast %get3A_1134 : vector<1x1x16xf32> to vector<16xf32>
          %add3A_1136 = arith.addf %scan3A_1089, %get3A_1135 : vector<16xf32>
          %get3A_1137 = arith.index_cast %scan3A_972 : i32 to index
          %get3A_1138 = arith.index_cast %add3A_1094 : i32 to index
          %get3A_1139 = arith.constant 112 : index
          %get3A_1140 = tpu.vector_load %arg9[%get3A_1137, %get3A_1138, %get3A_1139] {strides = array<i32>} : memref<8x32x128xf32, #tpu.memory_space<vmem>>, vector<1x1x16xf32>,
          %get3A_1141 = vector.shape_cast %get3A_1140 : vector<1x1x16xf32> to vector<16xf32>
          %add3A_1142 = arith.addf %scan3A_1090, %get3A_1141 : vector<16xf32>
          %mul3A_1143 = arith.constant 4 : i32
          %mul3A_1144 = arith.muli %mul3A_1143, %scan3A_1082 : i32
          %add3A_1145 = arith.constant 1 : i32
          %add3A_1146 = arith.addi %mul3A_1144, %add3A_1145 : i32
          %get3A_1147 = arith.index_cast %scan3A_972 : i32 to index
          %get3A_1148 = arith.index_cast %add3A_1146 : i32 to index
          %get3A_1149 = arith.constant 0 : index
          %get3A_1150 = tpu.vector_load %arg9[%get3A_1147, %get3A_1148, %get3A_1149] {strides = array<i32>} : memref<8x32x128xf32, #tpu.memory_space<vmem>>, vector<1x1x16xf32>,
          %get3A_1151 = vector.shape_cast %get3A_1150 : vector<1x1x16xf32> to vector<16xf32>
          %add3A_1152 = arith.addf %add3A_1100, %get3A_1151 : vector<16xf32>
          %get3A_1153 = arith.index_cast %scan3A_972 : i32 to index
          %get3A_1154 = arith.index_cast %add3A_1146 : i32 to index
          %get3A_1155 = arith.constant 16 : index
          %get3A_1156 = tpu.vector_load %arg9[%get3A_1153, %get3A_1154, %get3A_1155] {strides = array<i32>} : memref<8x32x128xf32, #tpu.memory_space<vmem>>, vector<1x1x16xf32>,
          %get3A_1157 = vector.shape_cast %get3A_1156 : vector<1x1x16xf32> to vector<16xf32>
          %add3A_1158 = arith.addf %add3A_1106, %get3A_1157 : vector<16xf32>
          %get3A_1159 = arith.index_cast %scan3A_972 : i32 to index
          %get3A_1160 = arith.index_cast %add3A_1146 : i32 to index
          %get3A_1161 = arith.constant 32 : index
          %get3A_1162 = tpu.vector_load %arg9[%get3A_1159, %get3A_1160, %get3A_1161] {strides = array<i32>} : memref<8x32x128xf32, #tpu.memory_space<vmem>>, vector<1x1x16xf32>,
          %get3A_1163 = vector.shape_cast %get3A_1162 : vector<1x1x16xf32> to vector<16xf32>
          %add3A_1164 = arith.addf %add3A_1112, %get3A_1163 : vector<16xf32>
          %get3A_1165 = arith.index_cast %scan3A_972 : i32 to index
          %get3A_1166 = arith.index_cast %add3A_1146 : i32 to index
          %get3A_1167 = arith.constant 48 : index
          %get3A_1168 = tpu.vector_load %arg9[%get3A_1165, %get3A_1166, %get3A_1167] {strides = array<i32>} : memref<8x32x128xf32, #tpu.memory_space<vmem>>, vector<1x1x16xf32>,
          %get3A_1169 = vector.shape_cast %get3A_1168 : vector<1x1x16xf32> to vector<16xf32>
          %add3A_1170 = arith.addf %add3A_1118, %get3A_1169 : vector<16xf32>
          %get3A_1171 = arith.index_cast %scan3A_972 : i32 to index
          %get3A_1172 = arith.index_cast %add3A_1146 : i32 to index
          %get3A_1173 = arith.constant 64 : index
          %get3A_1174 = tpu.vector_load %arg9[%get3A_1171, %get3A_1172, %get3A_1173] {strides = array<i32>} : memref<8x32x128xf32, #tpu.memory_space<vmem>>, vector<1x1x16xf32>,
          %get3A_1175 = vector.shape_cast %get3A_1174 : vector<1x1x16xf32> to vector<16xf32>
          %add3A_1176 = arith.addf %add3A_1124, %get3A_1175 : vector<16xf32>
          %get3A_1177 = arith.index_cast %scan3A_972 : i32 to index
          %get3A_1178 = arith.index_cast %add3A_1146 : i32 to index
          %get3A_1179 = arith.constant 80 : index
          %get3A_1180 = tpu.vector_load %arg9[%get3A_1177, %get3A_1178, %get3A_1179] {strides = array<i32>} : memref<8x32x128xf32, #tpu.memory_space<vmem>>, vector<1x1x16xf32>,
          %get3A_1181 = vector.shape_cast %get3A_1180 : vector<1x1x16xf32> to vector<16xf32>
          %add3A_1182 = arith.addf %add3A_1130, %get3A_1181 : vector<16xf32>
          %get3A_1183 = arith.index_cast %scan3A_972 : i32 to index
          %get3A_1184 = arith.index_cast %add3A_1146 : i32 to index
          %get3A_1185 = arith.constant 96 : index
          %get3A_1186 = tpu.vector_load %arg9[%get3A_1183, %get3A_1184, %get3A_1185] {strides = array<i32>} : memref<8x32x128xf32, #tpu.memory_space<vmem>>, vector<1x1x16xf32>,
          %get3A_1187 = vector.shape_cast %get3A_1186 : vector<1x1x16xf32> to vector<16xf32>
          %add3A_1188 = arith.addf %add3A_1136, %get3A_1187 : vector<16xf32>
          %get3A_1189 = arith.index_cast %scan3A_972 : i32 to index
          %get3A_1190 = arith.index_cast %add3A_1146 : i32 to index
          %get3A_1191 = arith.constant 112 : index
          %get3A_1192 = tpu.vector_load %arg9[%get3A_1189, %get3A_1190, %get3A_1191] {strides = array<i32>} : memref<8x32x128xf32, #tpu.memory_space<vmem>>, vector<1x1x16xf32>,
          %get3A_1193 = vector.shape_cast %get3A_1192 : vector<1x1x16xf32> to vector<16xf32>
          %add3A_1194 = arith.addf %add3A_1142, %get3A_1193 : vector<16xf32>
          %mul3A_1195 = arith.constant 4 : i32
          %mul3A_1196 = arith.muli %mul3A_1195, %scan3A_1082 : i32
          %add3A_1197 = arith.constant 2 : i32
          %add3A_1198 = arith.addi %mul3A_1196, %add3A_1197 : i32
          %get3A_1199 = arith.index_cast %scan3A_972 : i32 to index
          %get3A_1200 = arith.index_cast %add3A_1198 : i32 to index
          %get3A_1201 = arith.constant 0 : index
          %get3A_1202 = tpu.vector_load %arg9[%get3A_1199, %get3A_1200, %get3A_1201] {strides = array<i32>} : memref<8x32x128xf32, #tpu.memory_space<vmem>>, vector<1x1x16xf32>,
          %get3A_1203 = vector.shape_cast %get3A_1202 : vector<1x1x16xf32> to vector<16xf32>
          %add3A_1204 = arith.addf %add3A_1152, %get3A_1203 : vector<16xf32>
          %get3A_1205 = arith.index_cast %scan3A_972 : i32 to index
          %get3A_1206 = arith.index_cast %add3A_1198 : i32 to index
          %get3A_1207 = arith.constant 16 : index
          %get3A_1208 = tpu.vector_load %arg9[%get3A_1205, %get3A_1206, %get3A_1207] {strides = array<i32>} : memref<8x32x128xf32, #tpu.memory_space<vmem>>, vector<1x1x16xf32>,
          %get3A_1209 = vector.shape_cast %get3A_1208 : vector<1x1x16xf32> to vector<16xf32>
          %add3A_1210 = arith.addf %add3A_1158, %get3A_1209 : vector<16xf32>
          %get3A_1211 = arith.index_cast %scan3A_972 : i32 to index
          %get3A_1212 = arith.index_cast %add3A_1198 : i32 to index
          %get3A_1213 = arith.constant 32 : index
          %get3A_1214 = tpu.vector_load %arg9[%get3A_1211, %get3A_1212, %get3A_1213] {strides = array<i32>} : memref<8x32x128xf32, #tpu.memory_space<vmem>>, vector<1x1x16xf32>,
          %get3A_1215 = vector.shape_cast %get3A_1214 : vector<1x1x16xf32> to vector<16xf32>
          %add3A_1216 = arith.addf %add3A_1164, %get3A_1215 : vector<16xf32>
          %get3A_1217 = arith.index_cast %scan3A_972 : i32 to index
          %get3A_1218 = arith.index_cast %add3A_1198 : i32 to index
          %get3A_1219 = arith.constant 48 : index
          %get3A_1220 = tpu.vector_load %arg9[%get3A_1217, %get3A_1218, %get3A_1219] {strides = array<i32>} : memref<8x32x128xf32, #tpu.memory_space<vmem>>, vector<1x1x16xf32>,
          %get3A_1221 = vector.shape_cast %get3A_1220 : vector<1x1x16xf32> to vector<16xf32>
          %add3A_1222 = arith.addf %add3A_1170, %get3A_1221 : vector<16xf32>
          %get3A_1223 = arith.index_cast %scan3A_972 : i32 to index
          %get3A_1224 = arith.index_cast %add3A_1198 : i32 to index
          %get3A_1225 = arith.constant 64 : index
          %get3A_1226 = tpu.vector_load %arg9[%get3A_1223, %get3A_1224, %get3A_1225] {strides = array<i32>} : memref<8x32x128xf32, #tpu.memory_space<vmem>>, vector<1x1x16xf32>,
          %get3A_1227 = vector.shape_cast %get3A_1226 : vector<1x1x16xf32> to vector<16xf32>
          %add3A_1228 = arith.addf %add3A_1176, %get3A_1227 : vector<16xf32>
          %get3A_1229 = arith.index_cast %scan3A_972 : i32 to index
          %get3A_1230 = arith.index_cast %add3A_1198 : i32 to index
          %get3A_1231 = arith.constant 80 : index
          %get3A_1232 = tpu.vector_load %arg9[%get3A_1229, %get3A_1230, %get3A_1231] {strides = array<i32>} : memref<8x32x128xf32, #tpu.memory_space<vmem>>, vector<1x1x16xf32>,
          %get3A_1233 = vector.shape_cast %get3A_1232 : vector<1x1x16xf32> to vector<16xf32>
          %add3A_1234 = arith.addf %add3A_1182, %get3A_1233 : vector<16xf32>
          %get3A_1235 = arith.index_cast %scan3A_972 : i32 to index
          %get3A_1236 = arith.index_cast %add3A_1198 : i32 to index
          %get3A_1237 = arith.constant 96 : index
          %get3A_1238 = tpu.vector_load %arg9[%get3A_1235, %get3A_1236, %get3A_1237] {strides = array<i32>} : memref<8x32x128xf32, #tpu.memory_space<vmem>>, vector<1x1x16xf32>,
          %get3A_1239 = vector.shape_cast %get3A_1238 : vector<1x1x16xf32> to vector<16xf32>
          %add3A_1240 = arith.addf %add3A_1188, %get3A_1239 : vector<16xf32>
          %get3A_1241 = arith.index_cast %scan3A_972 : i32 to index
          %get3A_1242 = arith.index_cast %add3A_1198 : i32 to index
          %get3A_1243 = arith.constant 112 : index
          %get3A_1244 = tpu.vector_load %arg9[%get3A_1241, %get3A_1242, %get3A_1243] {strides = array<i32>} : memref<8x32x128xf32, #tpu.memory_space<vmem>>, vector<1x1x16xf32>,
          %get3A_1245 = vector.shape_cast %get3A_1244 : vector<1x1x16xf32> to vector<16xf32>
          %add3A_1246 = arith.addf %add3A_1194, %get3A_1245 : vector<16xf32>
          %mul3A_1247 = arith.constant 4 : i32
          %mul3A_1248 = arith.muli %mul3A_1247, %scan3A_1082 : i32
          %add3A_1249 = arith.constant 3 : i32
          %add3A_1250 = arith.addi %mul3A_1248, %add3A_1249 : i32
          %get3A_1251 = arith.index_cast %scan3A_972 : i32 to index
          %get3A_1252 = arith.index_cast %add3A_1250 : i32 to index
          %get3A_1253 = arith.constant 0 : index
          %get3A_1254 = tpu.vector_load %arg9[%get3A_1251, %get3A_1252, %get3A_1253] {strides = array<i32>} : memref<8x32x128xf32, #tpu.memory_space<vmem>>, vector<1x1x16xf32>,
          %get3A_1255 = vector.shape_cast %get3A_1254 : vector<1x1x16xf32> to vector<16xf32>
          %add3A_1256 = arith.addf %add3A_1204, %get3A_1255 : vector<16xf32>
          %get3A_1257 = arith.index_cast %scan3A_972 : i32 to index
          %get3A_1258 = arith.index_cast %add3A_1250 : i32 to index
          %get3A_1259 = arith.constant 16 : index
          %get3A_1260 = tpu.vector_load %arg9[%get3A_1257, %get3A_1258, %get3A_1259] {strides = array<i32>} : memref<8x32x128xf32, #tpu.memory_space<vmem>>, vector<1x1x16xf32>,
          %get3A_1261 = vector.shape_cast %get3A_1260 : vector<1x1x16xf32> to vector<16xf32>
          %add3A_1262 = arith.addf %add3A_1210, %get3A_1261 : vector<16xf32>
          %get3A_1263 = arith.index_cast %scan3A_972 : i32 to index
          %get3A_1264 = arith.index_cast %add3A_1250 : i32 to index
          %get3A_1265 = arith.constant 32 : index
          %get3A_1266 = tpu.vector_load %arg9[%get3A_1263, %get3A_1264, %get3A_1265] {strides = array<i32>} : memref<8x32x128xf32, #tpu.memory_space<vmem>>, vector<1x1x16xf32>,
          %get3A_1267 = vector.shape_cast %get3A_1266 : vector<1x1x16xf32> to vector<16xf32>
          %add3A_1268 = arith.addf %add3A_1216, %get3A_1267 : vector<16xf32>
          %get3A_1269 = arith.index_cast %scan3A_972 : i32 to index
          %get3A_1270 = arith.index_cast %add3A_1250 : i32 to index
          %get3A_1271 = arith.constant 48 : index
          %get3A_1272 = tpu.vector_load %arg9[%get3A_1269, %get3A_1270, %get3A_1271] {strides = array<i32>} : memref<8x32x128xf32, #tpu.memory_space<vmem>>, vector<1x1x16xf32>,
          %get3A_1273 = vector.shape_cast %get3A_1272 : vector<1x1x16xf32> to vector<16xf32>
          %add3A_1274 = arith.addf %add3A_1222, %get3A_1273 : vector<16xf32>
          %get3A_1275 = arith.index_cast %scan3A_972 : i32 to index
          %get3A_1276 = arith.index_cast %add3A_1250 : i32 to index
          %get3A_1277 = arith.constant 64 : index
          %get3A_1278 = tpu.vector_load %arg9[%get3A_1275, %get3A_1276, %get3A_1277] {strides = array<i32>} : memref<8x32x128xf32, #tpu.memory_space<vmem>>, vector<1x1x16xf32>,
          %get3A_1279 = vector.shape_cast %get3A_1278 : vector<1x1x16xf32> to vector<16xf32>
          %add3A_1280 = arith.addf %add3A_1228, %get3A_1279 : vector<16xf32>
          %get3A_1281 = arith.index_cast %scan3A_972 : i32 to index
          %get3A_1282 = arith.index_cast %add3A_1250 : i32 to index
          %get3A_1283 = arith.constant 80 : index
          %get3A_1284 = tpu.vector_load %arg9[%get3A_1281, %get3A_1282, %get3A_1283] {strides = array<i32>} : memref<8x32x128xf32, #tpu.memory_space<vmem>>, vector<1x1x16xf32>,
          %get3A_1285 = vector.shape_cast %get3A_1284 : vector<1x1x16xf32> to vector<16xf32>
          %add3A_1286 = arith.addf %add3A_1234, %get3A_1285 : vector<16xf32>
          %get3A_1287 = arith.index_cast %scan3A_972 : i32 to index
          %get3A_1288 = arith.index_cast %add3A_1250 : i32 to index
          %get3A_1289 = arith.constant 96 : index
          %get3A_1290 = tpu.vector_load %arg9[%get3A_1287, %get3A_1288, %get3A_1289] {strides = array<i32>} : memref<8x32x128xf32, #tpu.memory_space<vmem>>, vector<1x1x16xf32>,
          %get3A_1291 = vector.shape_cast %get3A_1290 : vector<1x1x16xf32> to vector<16xf32>
          %add3A_1292 = arith.addf %add3A_1240, %get3A_1291 : vector<16xf32>
          %get3A_1293 = arith.index_cast %scan3A_972 : i32 to index
          %get3A_1294 = arith.index_cast %add3A_1250 : i32 to index
          %get3A_1295 = arith.constant 112 : index
          %get3A_1296 = tpu.vector_load %arg9[%get3A_1293, %get3A_1294, %get3A_1295] {strides = array<i32>} : memref<8x32x128xf32, #tpu.memory_space<vmem>>, vector<1x1x16xf32>,
          %get3A_1297 = vector.shape_cast %get3A_1296 : vector<1x1x16xf32> to vector<16xf32>
          %add3A_1298 = arith.addf %add3A_1246, %get3A_1297 : vector<16xf32>
          scf.yield %add3A_1256, %add3A_1262, %add3A_1268, %add3A_1274, %add3A_1280, %add3A_1286, %add3A_1292, %add3A_1298 : vector<16xf32>, vector<16xf32>, vector<16xf32>, vector<16xf32>, vector<16xf32>, vector<16xf32>, vector<16xf32>, vector<16xf32>
        }
        %scan3A_979 = arith.constant 8 : i32
        %mul3A_980 = arith.constant 3.125000e-02 : f32
        %mul3A_981 = vector.broadcast %mul3A_980 : f32 to vector<16xf32>
        %mul3A_982 = arith.mulf %scan3A_978#0, %mul3A_981 : vector<16xf32>
        %get3A = arith.index_cast %scan3A_972 : i32 to index
        %get3A_983 = arith.constant 0 : index
        %get3A_984 = tpu.vector_load %arg12[%get3A, %get3A_983] {strides = array<i32>} : memref<8x128xf32, #tpu.memory_space<vmem>>, vector<1x16xf32>,
        %get3A_985 = vector.shape_cast %get3A_984 : vector<1x16xf32> to vector<16xf32>
        %add3A_986 = arith.addf %mul3A_982, %get3A_985 : vector<16xf32>
        %swap3A = arith.index_cast %scan3A_972 : i32 to index
        %swap3A_987 = arith.constant 0 : index
        %swap3A_988 = tpu.vector_load %arg15[%swap3A, %swap3A_987] {strides = array<i32>} : memref<8x128xf32, #tpu.memory_space<vmem>>, vector<1x16xf32>,
        %swap3A_989 = vector.shape_cast %swap3A_988 : vector<1x16xf32> to vector<16xf32>
        %swap3A_990 = vector.shape_cast %add3A_986 : vector<16xf32> to vector<1x16xf32>
        tpu.vector_store %arg15[%swap3A, %swap3A_987], %swap3A_990 {strides = array<i32>} : memref<8x128xf32, #tpu.memory_space<vmem>>, vector<1x16xf32>,
        %mul3A_991 = arith.constant 3.125000e-02 : f32
        %mul3A_992 = vector.broadcast %mul3A_991 : f32 to vector<16xf32>
        %mul3A_993 = arith.mulf %scan3A_978#1, %mul3A_992 : vector<16xf32>
        %get3A_994 = arith.index_cast %scan3A_972 : i32 to index
        %get3A_995 = arith.constant 16 : index
        %get3A_996 = tpu.vector_load %arg12[%get3A_994, %get3A_995] {strides = array<i32>} : memref<8x128xf32, #tpu.memory_space<vmem>>, vector<1x16xf32>,
        %get3A_997 = vector.shape_cast %get3A_996 : vector<1x16xf32> to vector<16xf32>
        %add3A_998 = arith.addf %mul3A_993, %get3A_997 : vector<16xf32>
        %swap3A_999 = arith.index_cast %scan3A_972 : i32 to index
        %swap3A_1000 = arith.constant 16 : index
        %swap3A_1001 = tpu.vector_load %arg15[%swap3A_999, %swap3A_1000] {strides = array<i32>} : memref<8x128xf32, #tpu.memory_space<vmem>>, vector<1x16xf32>,
        %swap3A_1002 = vector.shape_cast %swap3A_1001 : vector<1x16xf32> to vector<16xf32>
        %swap3A_1003 = vector.shape_cast %add3A_998 : vector<16xf32> to vector<1x16xf32>
        tpu.vector_store %arg15[%swap3A_999, %swap3A_1000], %swap3A_1003 {strides = array<i32>} : memref<8x128xf32, #tpu.memory_space<vmem>>, vector<1x16xf32>,
        %mul3A_1004 = arith.constant 3.125000e-02 : f32
        %mul3A_1005 = vector.broadcast %mul3A_1004 : f32 to vector<16xf32>
        %mul3A_1006 = arith.mulf %scan3A_978#2, %mul3A_1005 : vector<16xf32>
        %get3A_1007 = arith.index_cast %scan3A_972 : i32 to index
        %get3A_1008 = arith.constant 32 : index
        %get3A_1009 = tpu.vector_load %arg12[%get3A_1007, %get3A_1008] {strides = array<i32>} : memref<8x128xf32, #tpu.memory_space<vmem>>, vector<1x16xf32>,
        %get3A_1010 = vector.shape_cast %get3A_1009 : vector<1x16xf32> to vector<16xf32>
        %add3A_1011 = arith.addf %mul3A_1006, %get3A_1010 : vector<16xf32>
        %swap3A_1012 = arith.index_cast %scan3A_972 : i32 to index
        %swap3A_1013 = arith.constant 32 : index
        %swap3A_1014 = tpu.vector_load %arg15[%swap3A_1012, %swap3A_1013] {strides = array<i32>} : memref<8x128xf32, #tpu.memory_space<vmem>>, vector<1x16xf32>,
        %swap3A_1015 = vector.shape_cast %swap3A_1014 : vector<1x16xf32> to vector<16xf32>
        %swap3A_1016 = vector.shape_cast %add3A_1011 : vector<16xf32> to vector<1x16xf32>
        tpu.vector_store %arg15[%swap3A_1012, %swap3A_1013], %swap3A_1016 {strides = array<i32>} : memref<8x128xf32, #tpu.memory_space<vmem>>, vector<1x16xf32>,
        %mul3A_1017 = arith.constant 3.125000e-02 : f32
        %mul3A_1018 = vector.broadcast %mul3A_1017 : f32 to vector<16xf32>
        %mul3A_1019 = arith.mulf %scan3A_978#3, %mul3A_1018 : vector<16xf32>
        %get3A_1020 = arith.index_cast %scan3A_972 : i32 to index
        %get3A_1021 = arith.constant 48 : index
        %get3A_1022 = tpu.vector_load %arg12[%get3A_1020, %get3A_1021] {strides = array<i32>} : memref<8x128xf32, #tpu.memory_space<vmem>>, vector<1x16xf32>,
        %get3A_1023 = vector.shape_cast %get3A_1022 : vector<1x16xf32> to vector<16xf32>
        %add3A_1024 = arith.addf %mul3A_1019, %get3A_1023 : vector<16xf32>
        %swap3A_1025 = arith.index_cast %scan3A_972 : i32 to index
        %swap3A_1026 = arith.constant 48 : index
        %swap3A_1027 = tpu.vector_load %arg15[%swap3A_1025, %swap3A_1026] {strides = array<i32>} : memref<8x128xf32, #tpu.memory_space<vmem>>, vector<1x16xf32>,
        %swap3A_1028 = vector.shape_cast %swap3A_1027 : vector<1x16xf32> to vector<16xf32>
        %swap3A_1029 = vector.shape_cast %add3A_1024 : vector<16xf32> to vector<1x16xf32>
        tpu.vector_store %arg15[%swap3A_1025, %swap3A_1026], %swap3A_1029 {strides = array<i32>} : memref<8x128xf32, #tpu.memory_space<vmem>>, vector<1x16xf32>,
        %mul3A_1030 = arith.constant 3.125000e-02 : f32
        %mul3A_1031 = vector.broadcast %mul3A_1030 : f32 to vector<16xf32>
        %mul3A_1032 = arith.mulf %scan3A_978#4, %mul3A_1031 : vector<16xf32>
        %get3A_1033 = arith.index_cast %scan3A_972 : i32 to index
        %get3A_1034 = arith.constant 64 : index
        %get3A_1035 = tpu.vector_load %arg12[%get3A_1033, %get3A_1034] {strides = array<i32>} : memref<8x128xf32, #tpu.memory_space<vmem>>, vector<1x16xf32>,
        %get3A_1036 = vector.shape_cast %get3A_1035 : vector<1x16xf32> to vector<16xf32>
        %add3A_1037 = arith.addf %mul3A_1032, %get3A_1036 : vector<16xf32>
        %swap3A_1038 = arith.index_cast %scan3A_972 : i32 to index
        %swap3A_1039 = arith.constant 64 : index
        %swap3A_1040 = tpu.vector_load %arg15[%swap3A_1038, %swap3A_1039] {strides = array<i32>} : memref<8x128xf32, #tpu.memory_space<vmem>>, vector<1x16xf32>,
        %swap3A_1041 = vector.shape_cast %swap3A_1040 : vector<1x16xf32> to vector<16xf32>
        %swap3A_1042 = vector.shape_cast %add3A_1037 : vector<16xf32> to vector<1x16xf32>
        tpu.vector_store %arg15[%swap3A_1038, %swap3A_1039], %swap3A_1042 {strides = array<i32>} : memref<8x128xf32, #tpu.memory_space<vmem>>, vector<1x16xf32>,
        %mul3A_1043 = arith.constant 3.125000e-02 : f32
        %mul3A_1044 = vector.broadcast %mul3A_1043 : f32 to vector<16xf32>
        %mul3A_1045 = arith.mulf %scan3A_978#5, %mul3A_1044 : vector<16xf32>
        %get3A_1046 = arith.index_cast %scan3A_972 : i32 to index
        %get3A_1047 = arith.constant 80 : index
        %get3A_1048 = tpu.vector_load %arg12[%get3A_1046, %get3A_1047] {strides = array<i32>} : memref<8x128xf32, #tpu.memory_space<vmem>>, vector<1x16xf32>,
        %get3A_1049 = vector.shape_cast %get3A_1048 : vector<1x16xf32> to vector<16xf32>
        %add3A_1050 = arith.addf %mul3A_1045, %get3A_1049 : vector<16xf32>
        %swap3A_1051 = arith.index_cast %scan3A_972 : i32 to index
        %swap3A_1052 = arith.constant 80 : index
        %swap3A_1053 = tpu.vector_load %arg15[%swap3A_1051, %swap3A_1052] {strides = array<i32>} : memref<8x128xf32, #tpu.memory_space<vmem>>, vector<1x16xf32>,
        %swap3A_1054 = vector.shape_cast %swap3A_1053 : vector<1x16xf32> to vector<16xf32>
        %swap3A_1055 = vector.shape_cast %add3A_1050 : vector<16xf32> to vector<1x16xf32>
        tpu.vector_store %arg15[%swap3A_1051, %swap3A_1052], %swap3A_1055 {strides = array<i32>} : memref<8x128xf32, #tpu.memory_space<vmem>>, vector<1x16xf32>,
        %mul3A_1056 = arith.constant 3.125000e-02 : f32
        %mul3A_1057 = vector.broadcast %mul3A_1056 : f32 to vector<16xf32>
        %mul3A_1058 = arith.mulf %scan3A_978#6, %mul3A_1057 : vector<16xf32>
        %get3A_1059 = arith.index_cast %scan3A_972 : i32 to index
        %get3A_1060 = arith.constant 96 : index
        %get3A_1061 = tpu.vector_load %arg12[%get3A_1059, %get3A_1060] {strides = array<i32>} : memref<8x128xf32, #tpu.memory_space<vmem>>, vector<1x16xf32>,
        %get3A_1062 = vector.shape_cast %get3A_1061 : vector<1x16xf32> to vector<16xf32>
        %add3A_1063 = arith.addf %mul3A_1058, %get3A_1062 : vector<16xf32>
        %swap3A_1064 = arith.index_cast %scan3A_972 : i32 to index
        %swap3A_1065 = arith.constant 96 : index
        %swap3A_1066 = tpu.vector_load %arg15[%swap3A_1064, %swap3A_1065] {strides = array<i32>} : memref<8x128xf32, #tpu.memory_space<vmem>>, vector<1x16xf32>,
        %swap3A_1067 = vector.shape_cast %swap3A_1066 : vector<1x16xf32> to vector<16xf32>
        %swap3A_1068 = vector.shape_cast %add3A_1063 : vector<16xf32> to vector<1x16xf32>
        tpu.vector_store %arg15[%swap3A_1064, %swap3A_1065], %swap3A_1068 {strides = array<i32>} : memref<8x128xf32, #tpu.memory_space<vmem>>, vector<1x16xf32>,
        %mul3A_1069 = arith.constant 3.125000e-02 : f32
        %mul3A_1070 = vector.broadcast %mul3A_1069 : f32 to vector<16xf32>
        %mul3A_1071 = arith.mulf %scan3A_978#7, %mul3A_1070 : vector<16xf32>
        %get3A_1072 = arith.index_cast %scan3A_972 : i32 to index
        %get3A_1073 = arith.constant 112 : index
        %get3A_1074 = tpu.vector_load %arg12[%get3A_1072, %get3A_1073] {strides = array<i32>} : memref<8x128xf32, #tpu.memory_space<vmem>>, vector<1x16xf32>,
        %get3A_1075 = vector.shape_cast %get3A_1074 : vector<1x16xf32> to vector<16xf32>
        %add3A_1076 = arith.addf %mul3A_1071, %get3A_1075 : vector<16xf32>
        %swap3A_1077 = arith.index_cast %scan3A_972 : i32 to index
        %swap3A_1078 = arith.constant 112 : index
        %swap3A_1079 = tpu.vector_load %arg15[%swap3A_1077, %swap3A_1078] {strides = array<i32>} : memref<8x128xf32, #tpu.memory_space<vmem>>, vector<1x16xf32>,
        %swap3A_1080 = vector.shape_cast %swap3A_1079 : vector<1x16xf32> to vector<16xf32>
        %swap3A_1081 = vector.shape_cast %add3A_1076 : vector<16xf32> to vector<1x16xf32>
        tpu.vector_store %arg15[%swap3A_1077, %swap3A_1078], %swap3A_1081 {strides = array<i32>} : memref<8x128xf32, #tpu.memory_space<vmem>>, vector<1x16xf32>,
      }
      %scan3A_802 = arith.constant 8 : i32
      %mul3A_803 = arith.constant 8 : i32
      %mul3A_804 = arith.muli %add3A_665, %mul3A_803 : i32
      %add3A_805 = arith.addi %mul3A_2, %mul3A_804 : i32
      %dma_start3A_806 = arith.constant 0 : i32
      %dma_start3A_807 = tpu.memref_slice %arg5[%add3A_805, %dma_start3A_806] : memref<16384x128xf32, #tpu.memory_space<hbm>> -> memref<8x128xf32, #tpu.memory_space<hbm>>
      %dma_start3A_808 = arith.constant 0 : i32
      %dma_start3A_809 = tpu.memref_slice %arg5[%add3A_805, %dma_start3A_808] : memref<16384x128xf32, #tpu.memory_space<hbm>> -> memref<8x128xf32, #tpu.memory_space<hbm>>
      tpu.enqueue_dma source(%arg15 : memref<8x128xf32, #tpu.memory_space<vmem>>) target(%dma_start3A_809 : memref<8x128xf32, #tpu.memory_space<hbm>>) target_semaphore(%arg22 : memref<!tpu.dma_semaphore, #tpu.memory_space<semaphore_mem>>)
      %add3A_810 = arith.constant 3 : i32
      %add3A_811 = arith.addi %add3A_665, %add3A_810 : i32
      %lt3A_812 = arith.constant 64 : i32
      %lt3A_813 = arith.cmpi slt, %add3A_811, %lt3A_812 : i32
      %convert_element_type3A_814 = arith.extui %lt3A_813 : i1 to i32
      %cond3A_815 = arith.constant 0 : i32
      %cond3A_816 = arith.cmpi ne, %convert_element_type3A_814, %cond3A_815 : i32
      scf.if %cond3A_816 {
        %add3A_972 = arith.constant 3 : i32
        %add3A_973 = arith.addi %add3A_665, %add3A_972 : i32
        %mul3A_974 = arith.constant 8 : i32
        %mul3A_975 = arith.muli %add3A_973, %mul3A_974 : i32
        %add3A_976 = arith.constant 0 : i32
        %add3A_977 = arith.addi %mul3A_975, %add3A_976 : i32
        %dma_start3A_978 = arith.constant 0 : i32
        %dma_start3A_979 = arith.constant 0 : i32
        %dma_start3A_980 = arith.constant 0 : i32
        %dma_start3A_981 = tpu.memref_slice %arg9[%dma_start3A_978, %dma_start3A_979, %dma_start3A_980] : memref<8x32x128xf32, #tpu.memory_space<vmem>> -> memref<1x32x128xf32, #tpu.memory_space<vmem>>
        %dma_start3A_982 = tpu.memref_squeeze %dma_start3A_981 : memref<1x32x128xf32, #tpu.memory_space<vmem>> -> memref<32x128xf32, #tpu.memory_space<vmem>>
        %dma_start3A_983 = arith.constant 0 : i32
        %dma_start3A_984 = tpu.memref_slice %arg7[%add3A_977, %dma_start3A_983] : memref<512x32xi32, #tpu.memory_space<vmem>> -> memref<1x32xi32, #tpu.memory_space<vmem>>
        %dma_start3A_985 = tpu.memref_squeeze %dma_start3A_984 : memref<1x32xi32, #tpu.memory_space<vmem>> -> memref<32xi32, #tpu.memory_space<vmem>>
        %dma_start3A_986 = arith.constant 0 : i32
        %dma_start3A_987 = arith.constant 0 : i32
        %dma_start3A_988 = tpu.memref_slice %arg4[%dma_start3A_986, %dma_start3A_987] : memref<100000x128xf32, #tpu.memory_space<hbm>> -> memref<100000x128xf32, #tpu.memory_space<hbm>>
        tpu.enqueue_indirect_dma source(%dma_start3A_988 : memref<100000x128xf32, #tpu.memory_space<hbm>>) target(%dma_start3A_982 : memref<32x128xf32, #tpu.memory_space<vmem>>) offsets(%dma_start3A_985 : memref<32xi32, #tpu.memory_space<vmem>>) semaphore(%arg19 : memref<!tpu.dma_semaphore, #tpu.memory_space<semaphore_mem>>)
        %mul3A_989 = arith.constant 8 : i32
        %mul3A_990 = arith.muli %add3A_973, %mul3A_989 : i32
        %add3A_991 = arith.constant 1 : i32
        %add3A_992 = arith.addi %mul3A_990, %add3A_991 : i32
        %dma_start3A_993 = arith.constant 1 : i32
        %dma_start3A_994 = arith.constant 0 : i32
        %dma_start3A_995 = arith.constant 0 : i32
        %dma_start3A_996 = tpu.memref_slice %arg9[%dma_start3A_993, %dma_start3A_994, %dma_start3A_995] : memref<8x32x128xf32, #tpu.memory_space<vmem>> -> memref<1x32x128xf32, #tpu.memory_space<vmem>>
        %dma_start3A_997 = tpu.memref_squeeze %dma_start3A_996 : memref<1x32x128xf32, #tpu.memory_space<vmem>> -> memref<32x128xf32, #tpu.memory_space<vmem>>
        %dma_start3A_998 = arith.constant 0 : i32
        %dma_start3A_999 = tpu.memref_slice %arg7[%add3A_992, %dma_start3A_998] : memref<512x32xi32, #tpu.memory_space<vmem>> -> memref<1x32xi32, #tpu.memory_space<vmem>>
        %dma_start3A_1000 = tpu.memref_squeeze %dma_start3A_999 : memref<1x32xi32, #tpu.memory_space<vmem>> -> memref<32xi32, #tpu.memory_space<vmem>>
        %dma_start3A_1001 = arith.constant 0 : i32
        %dma_start3A_1002 = arith.constant 0 : i32
        %dma_start3A_1003 = tpu.memref_slice %arg4[%dma_start3A_1001, %dma_start3A_1002] : memref<100000x128xf32, #tpu.memory_space<hbm>> -> memref<100000x128xf32, #tpu.memory_space<hbm>>
        tpu.enqueue_indirect_dma source(%dma_start3A_1003 : memref<100000x128xf32, #tpu.memory_space<hbm>>) target(%dma_start3A_997 : memref<32x128xf32, #tpu.memory_space<vmem>>) offsets(%dma_start3A_1000 : memref<32xi32, #tpu.memory_space<vmem>>) semaphore(%arg19 : memref<!tpu.dma_semaphore, #tpu.memory_space<semaphore_mem>>)
        %mul3A_1004 = arith.constant 8 : i32
        %mul3A_1005 = arith.muli %add3A_973, %mul3A_1004 : i32
        %add3A_1006 = arith.constant 2 : i32
        %add3A_1007 = arith.addi %mul3A_1005, %add3A_1006 : i32
        %dma_start3A_1008 = arith.constant 2 : i32
        %dma_start3A_1009 = arith.constant 0 : i32
        %dma_start3A_1010 = arith.constant 0 : i32
        %dma_start3A_1011 = tpu.memref_slice %arg9[%dma_start3A_1008, %dma_start3A_1009, %dma_start3A_1010] : memref<8x32x128xf32, #tpu.memory_space<vmem>> -> memref<1x32x128xf32, #tpu.memory_space<vmem>>
        %dma_start3A_1012 = tpu.memref_squeeze %dma_start3A_1011 : memref<1x32x128xf32, #tpu.memory_space<vmem>> -> memref<32x128xf32, #tpu.memory_space<vmem>>
        %dma_start3A_1013 = arith.constant 0 : i32
        %dma_start3A_1014 = tpu.memref_slice %arg7[%add3A_1007, %dma_start3A_1013] : memref<512x32xi32, #tpu.memory_space<vmem>> -> memref<1x32xi32, #tpu.memory_space<vmem>>
        %dma_start3A_1015 = tpu.memref_squeeze %dma_start3A_1014 : memref<1x32xi32, #tpu.memory_space<vmem>> -> memref<32xi32, #tpu.memory_space<vmem>>
        %dma_start3A_1016 = arith.constant 0 : i32
        %dma_start3A_1017 = arith.constant 0 : i32
        %dma_start3A_1018 = tpu.memref_slice %arg4[%dma_start3A_1016, %dma_start3A_1017] : memref<100000x128xf32, #tpu.memory_space<hbm>> -> memref<100000x128xf32, #tpu.memory_space<hbm>>
        tpu.enqueue_indirect_dma source(%dma_start3A_1018 : memref<100000x128xf32, #tpu.memory_space<hbm>>) target(%dma_start3A_1012 : memref<32x128xf32, #tpu.memory_space<vmem>>) offsets(%dma_start3A_1015 : memref<32xi32, #tpu.memory_space<vmem>>) semaphore(%arg19 : memref<!tpu.dma_semaphore, #tpu.memory_space<semaphore_mem>>)
        %mul3A_1019 = arith.constant 8 : i32
        %mul3A_1020 = arith.muli %add3A_973, %mul3A_1019 : i32
        %add3A_1021 = arith.constant 3 : i32
        %add3A_1022 = arith.addi %mul3A_1020, %add3A_1021 : i32
        %dma_start3A_1023 = arith.constant 3 : i32
        %dma_start3A_1024 = arith.constant 0 : i32
        %dma_start3A_1025 = arith.constant 0 : i32
        %dma_start3A_1026 = tpu.memref_slice %arg9[%dma_start3A_1023, %dma_start3A_1024, %dma_start3A_1025] : memref<8x32x128xf32, #tpu.memory_space<vmem>> -> memref<1x32x128xf32, #tpu.memory_space<vmem>>
        %dma_start3A_1027 = tpu.memref_squeeze %dma_start3A_1026 : memref<1x32x128xf32, #tpu.memory_space<vmem>> -> memref<32x128xf32, #tpu.memory_space<vmem>>
        %dma_start3A_1028 = arith.constant 0 : i32
        %dma_start3A_1029 = tpu.memref_slice %arg7[%add3A_1022, %dma_start3A_1028] : memref<512x32xi32, #tpu.memory_space<vmem>> -> memref<1x32xi32, #tpu.memory_space<vmem>>
        %dma_start3A_1030 = tpu.memref_squeeze %dma_start3A_1029 : memref<1x32xi32, #tpu.memory_space<vmem>> -> memref<32xi32, #tpu.memory_space<vmem>>
        %dma_start3A_1031 = arith.constant 0 : i32
        %dma_start3A_1032 = arith.constant 0 : i32
        %dma_start3A_1033 = tpu.memref_slice %arg4[%dma_start3A_1031, %dma_start3A_1032] : memref<100000x128xf32, #tpu.memory_space<hbm>> -> memref<100000x128xf32, #tpu.memory_space<hbm>>
        tpu.enqueue_indirect_dma source(%dma_start3A_1033 : memref<100000x128xf32, #tpu.memory_space<hbm>>) target(%dma_start3A_1027 : memref<32x128xf32, #tpu.memory_space<vmem>>) offsets(%dma_start3A_1030 : memref<32xi32, #tpu.memory_space<vmem>>) semaphore(%arg19 : memref<!tpu.dma_semaphore, #tpu.memory_space<semaphore_mem>>)
        %mul3A_1034 = arith.constant 8 : i32
        %mul3A_1035 = arith.muli %add3A_973, %mul3A_1034 : i32
        %add3A_1036 = arith.constant 4 : i32
        %add3A_1037 = arith.addi %mul3A_1035, %add3A_1036 : i32
        %dma_start3A_1038 = arith.constant 4 : i32
        %dma_start3A_1039 = arith.constant 0 : i32
        %dma_start3A_1040 = arith.constant 0 : i32
        %dma_start3A_1041 = tpu.memref_slice %arg9[%dma_start3A_1038, %dma_start3A_1039, %dma_start3A_1040] : memref<8x32x128xf32, #tpu.memory_space<vmem>> -> memref<1x32x128xf32, #tpu.memory_space<vmem>>
        %dma_start3A_1042 = tpu.memref_squeeze %dma_start3A_1041 : memref<1x32x128xf32, #tpu.memory_space<vmem>> -> memref<32x128xf32, #tpu.memory_space<vmem>>
        %dma_start3A_1043 = arith.constant 0 : i32
        %dma_start3A_1044 = tpu.memref_slice %arg7[%add3A_1037, %dma_start3A_1043] : memref<512x32xi32, #tpu.memory_space<vmem>> -> memref<1x32xi32, #tpu.memory_space<vmem>>
        %dma_start3A_1045 = tpu.memref_squeeze %dma_start3A_1044 : memref<1x32xi32, #tpu.memory_space<vmem>> -> memref<32xi32, #tpu.memory_space<vmem>>
        %dma_start3A_1046 = arith.constant 0 : i32
        %dma_start3A_1047 = arith.constant 0 : i32
        %dma_start3A_1048 = tpu.memref_slice %arg4[%dma_start3A_1046, %dma_start3A_1047] : memref<100000x128xf32, #tpu.memory_space<hbm>> -> memref<100000x128xf32, #tpu.memory_space<hbm>>
        tpu.enqueue_indirect_dma source(%dma_start3A_1048 : memref<100000x128xf32, #tpu.memory_space<hbm>>) target(%dma_start3A_1042 : memref<32x128xf32, #tpu.memory_space<vmem>>) offsets(%dma_start3A_1045 : memref<32xi32, #tpu.memory_space<vmem>>) semaphore(%arg19 : memref<!tpu.dma_semaphore, #tpu.memory_space<semaphore_mem>>)
        %mul3A_1049 = arith.constant 8 : i32
        %mul3A_1050 = arith.muli %add3A_973, %mul3A_1049 : i32
        %add3A_1051 = arith.constant 5 : i32
        %add3A_1052 = arith.addi %mul3A_1050, %add3A_1051 : i32
        %dma_start3A_1053 = arith.constant 5 : i32
        %dma_start3A_1054 = arith.constant 0 : i32
        %dma_start3A_1055 = arith.constant 0 : i32
        %dma_start3A_1056 = tpu.memref_slice %arg9[%dma_start3A_1053, %dma_start3A_1054, %dma_start3A_1055] : memref<8x32x128xf32, #tpu.memory_space<vmem>> -> memref<1x32x128xf32, #tpu.memory_space<vmem>>
        %dma_start3A_1057 = tpu.memref_squeeze %dma_start3A_1056 : memref<1x32x128xf32, #tpu.memory_space<vmem>> -> memref<32x128xf32, #tpu.memory_space<vmem>>
        %dma_start3A_1058 = arith.constant 0 : i32
        %dma_start3A_1059 = tpu.memref_slice %arg7[%add3A_1052, %dma_start3A_1058] : memref<512x32xi32, #tpu.memory_space<vmem>> -> memref<1x32xi32, #tpu.memory_space<vmem>>
        %dma_start3A_1060 = tpu.memref_squeeze %dma_start3A_1059 : memref<1x32xi32, #tpu.memory_space<vmem>> -> memref<32xi32, #tpu.memory_space<vmem>>
        %dma_start3A_1061 = arith.constant 0 : i32
        %dma_start3A_1062 = arith.constant 0 : i32
        %dma_start3A_1063 = tpu.memref_slice %arg4[%dma_start3A_1061, %dma_start3A_1062] : memref<100000x128xf32, #tpu.memory_space<hbm>> -> memref<100000x128xf32, #tpu.memory_space<hbm>>
        tpu.enqueue_indirect_dma source(%dma_start3A_1063 : memref<100000x128xf32, #tpu.memory_space<hbm>>) target(%dma_start3A_1057 : memref<32x128xf32, #tpu.memory_space<vmem>>) offsets(%dma_start3A_1060 : memref<32xi32, #tpu.memory_space<vmem>>) semaphore(%arg19 : memref<!tpu.dma_semaphore, #tpu.memory_space<semaphore_mem>>)
        %mul3A_1064 = arith.constant 8 : i32
        %mul3A_1065 = arith.muli %add3A_973, %mul3A_1064 : i32
        %add3A_1066 = arith.constant 6 : i32
        %add3A_1067 = arith.addi %mul3A_1065, %add3A_1066 : i32
        %dma_start3A_1068 = arith.constant 6 : i32
        %dma_start3A_1069 = arith.constant 0 : i32
        %dma_start3A_1070 = arith.constant 0 : i32
        %dma_start3A_1071 = tpu.memref_slice %arg9[%dma_start3A_1068, %dma_start3A_1069, %dma_start3A_1070] : memref<8x32x128xf32, #tpu.memory_space<vmem>> -> memref<1x32x128xf32, #tpu.memory_space<vmem>>
        %dma_start3A_1072 = tpu.memref_squeeze %dma_start3A_1071 : memref<1x32x128xf32, #tpu.memory_space<vmem>> -> memref<32x128xf32, #tpu.memory_space<vmem>>
        %dma_start3A_1073 = arith.constant 0 : i32
        %dma_start3A_1074 = tpu.memref_slice %arg7[%add3A_1067, %dma_start3A_1073] : memref<512x32xi32, #tpu.memory_space<vmem>> -> memref<1x32xi32, #tpu.memory_space<vmem>>
        %dma_start3A_1075 = tpu.memref_squeeze %dma_start3A_1074 : memref<1x32xi32, #tpu.memory_space<vmem>> -> memref<32xi32, #tpu.memory_space<vmem>>
        %dma_start3A_1076 = arith.constant 0 : i32
        %dma_start3A_1077 = arith.constant 0 : i32
        %dma_start3A_1078 = tpu.memref_slice %arg4[%dma_start3A_1076, %dma_start3A_1077] : memref<100000x128xf32, #tpu.memory_space<hbm>> -> memref<100000x128xf32, #tpu.memory_space<hbm>>
        tpu.enqueue_indirect_dma source(%dma_start3A_1078 : memref<100000x128xf32, #tpu.memory_space<hbm>>) target(%dma_start3A_1072 : memref<32x128xf32, #tpu.memory_space<vmem>>) offsets(%dma_start3A_1075 : memref<32xi32, #tpu.memory_space<vmem>>) semaphore(%arg19 : memref<!tpu.dma_semaphore, #tpu.memory_space<semaphore_mem>>)
        %mul3A_1079 = arith.constant 8 : i32
        %mul3A_1080 = arith.muli %add3A_973, %mul3A_1079 : i32
        %add3A_1081 = arith.constant 7 : i32
        %add3A_1082 = arith.addi %mul3A_1080, %add3A_1081 : i32
        %dma_start3A_1083 = arith.constant 7 : i32
        %dma_start3A_1084 = arith.constant 0 : i32
        %dma_start3A_1085 = arith.constant 0 : i32
        %dma_start3A_1086 = tpu.memref_slice %arg9[%dma_start3A_1083, %dma_start3A_1084, %dma_start3A_1085] : memref<8x32x128xf32, #tpu.memory_space<vmem>> -> memref<1x32x128xf32, #tpu.memory_space<vmem>>
        %dma_start3A_1087 = tpu.memref_squeeze %dma_start3A_1086 : memref<1x32x128xf32, #tpu.memory_space<vmem>> -> memref<32x128xf32, #tpu.memory_space<vmem>>
        %dma_start3A_1088 = arith.constant 0 : i32
        %dma_start3A_1089 = tpu.memref_slice %arg7[%add3A_1082, %dma_start3A_1088] : memref<512x32xi32, #tpu.memory_space<vmem>> -> memref<1x32xi32, #tpu.memory_space<vmem>>
        %dma_start3A_1090 = tpu.memref_squeeze %dma_start3A_1089 : memref<1x32xi32, #tpu.memory_space<vmem>> -> memref<32xi32, #tpu.memory_space<vmem>>
        %dma_start3A_1091 = arith.constant 0 : i32
        %dma_start3A_1092 = arith.constant 0 : i32
        %dma_start3A_1093 = tpu.memref_slice %arg4[%dma_start3A_1091, %dma_start3A_1092] : memref<100000x128xf32, #tpu.memory_space<hbm>> -> memref<100000x128xf32, #tpu.memory_space<hbm>>
        tpu.enqueue_indirect_dma source(%dma_start3A_1093 : memref<100000x128xf32, #tpu.memory_space<hbm>>) target(%dma_start3A_1087 : memref<32x128xf32, #tpu.memory_space<vmem>>) offsets(%dma_start3A_1090 : memref<32xi32, #tpu.memory_space<vmem>>) semaphore(%arg19 : memref<!tpu.dma_semaphore, #tpu.memory_space<semaphore_mem>>)
        %mul3A_1094 = arith.constant 8 : i32
        %mul3A_1095 = arith.muli %add3A_973, %mul3A_1094 : i32
        %dma_start3A_1096 = tpu.memref_slice %arg6[%mul3A_1095] : memref<512xi32, #tpu.memory_space<vmem>> -> memref<8xi32, #tpu.memory_space<vmem>>
        %dma_start3A_1097 = arith.constant 0 : i32
        %dma_start3A_1098 = arith.constant 0 : i32
        %dma_start3A_1099 = tpu.memref_slice %arg4[%dma_start3A_1097, %dma_start3A_1098] : memref<100000x128xf32, #tpu.memory_space<hbm>> -> memref<100000x128xf32, #tpu.memory_space<hbm>>
        tpu.enqueue_indirect_dma source(%dma_start3A_1099 : memref<100000x128xf32, #tpu.memory_space<hbm>>) target(%arg12 : memref<8x128xf32, #tpu.memory_space<vmem>>) offsets(%dma_start3A_1096 : memref<8xi32, #tpu.memory_space<vmem>>) semaphore(%arg19 : memref<!tpu.dma_semaphore, #tpu.memory_space<semaphore_mem>>)
      } else {
      }
      %mul3A_817 = arith.constant 3 : i32
      %mul3A_818 = arith.muli %mul3A_817, %scan3A_510 : i32
      %add3A_819 = arith.constant 2 : i32
      %add3A_820 = arith.addi %mul3A_818, %add3A_819 : i32
      %ge3A_821 = arith.constant 3 : i32
      %ge3A_822 = arith.cmpi sge, %add3A_820, %ge3A_821 : i32
      %convert_element_type3A_823 = arith.extui %ge3A_822 : i1 to i32
      %cond3A_824 = arith.constant 0 : i32
      %cond3A_825 = arith.cmpi ne, %convert_element_type3A_823, %cond3A_824 : i32
      scf.if %cond3A_825 {
        %sub3A = arith.constant 3 : i32
        %sub3A_972 = arith.subi %add3A_820, %sub3A : i32
        %mul3A_973 = arith.constant 8 : i32
        %mul3A_974 = arith.muli %sub3A_972, %mul3A_973 : i32
        %add3A_975 = arith.addi %mul3A_2, %mul3A_974 : i32
        %dma_wait3A_976 = arith.constant 0 : i32
        %dma_wait3A_977 = tpu.memref_slice %arg5[%add3A_975, %dma_wait3A_976] : memref<16384x128xf32, #tpu.memory_space<hbm>> -> memref<8x128xf32, #tpu.memory_space<hbm>>
        %dma_wait3A_978 = arith.constant 0 : i32
        %dma_wait3A_979 = tpu.memref_slice %arg5[%add3A_975, %dma_wait3A_978] : memref<16384x128xf32, #tpu.memory_space<hbm>> -> memref<8x128xf32, #tpu.memory_space<hbm>>
        tpu.wait_dma2 semaphore(%arg23 : memref<!tpu.dma_semaphore, #tpu.memory_space<semaphore_mem>>) src(%arg16 : memref<8x128xf32, #tpu.memory_space<vmem>>) dst(%dma_wait3A_979 : memref<8x128xf32, #tpu.memory_space<hbm>>)
      } else {
      }
      %mul3A_826 = arith.constant 8 : i32
      %mul3A_827 = arith.muli %add3A_820, %mul3A_826 : i32
      %add3A_828 = arith.constant 0 : i32
      %add3A_829 = arith.addi %mul3A_827, %add3A_828 : i32
      %dma_wait3A_830 = arith.constant 0 : i32
      %dma_wait3A_831 = arith.constant 0 : i32
      %dma_wait3A_832 = arith.constant 0 : i32
      %dma_wait3A_833 = tpu.memref_slice %arg10[%dma_wait3A_830, %dma_wait3A_831, %dma_wait3A_832] : memref<8x32x128xf32, #tpu.memory_space<vmem>> -> memref<1x32x128xf32, #tpu.memory_space<vmem>>
      %dma_wait3A_834 = tpu.memref_squeeze %dma_wait3A_833 : memref<1x32x128xf32, #tpu.memory_space<vmem>> -> memref<32x128xf32, #tpu.memory_space<vmem>>
      %dma_wait3A_835 = arith.constant 0 : i32
      %dma_wait3A_836 = tpu.memref_slice %arg7[%add3A_829, %dma_wait3A_835] : memref<512x32xi32, #tpu.memory_space<vmem>> -> memref<1x32xi32, #tpu.memory_space<vmem>>
      %dma_wait3A_837 = tpu.memref_squeeze %dma_wait3A_836 : memref<1x32xi32, #tpu.memory_space<vmem>> -> memref<32xi32, #tpu.memory_space<vmem>>
      %dma_wait3A_838 = arith.constant 0 : i32
      %dma_wait3A_839 = arith.constant 0 : i32
      %dma_wait3A_840 = tpu.memref_slice %arg4[%dma_wait3A_838, %dma_wait3A_839] : memref<100000x128xf32, #tpu.memory_space<hbm>> -> memref<100000x128xf32, #tpu.memory_space<hbm>>
      tpu.wait_indirect_dma semaphore(%arg20 : memref<!tpu.dma_semaphore, #tpu.memory_space<semaphore_mem>>) src(%dma_wait3A_840 : memref<100000x128xf32, #tpu.memory_space<hbm>>) dst(%dma_wait3A_834 : memref<32x128xf32, #tpu.memory_space<vmem>>)
      %mul3A_841 = arith.constant 8 : i32
      %mul3A_842 = arith.muli %add3A_820, %mul3A_841 : i32
      %add3A_843 = arith.constant 1 : i32
      %add3A_844 = arith.addi %mul3A_842, %add3A_843 : i32
      %dma_wait3A_845 = arith.constant 1 : i32
      %dma_wait3A_846 = arith.constant 0 : i32
      %dma_wait3A_847 = arith.constant 0 : i32
      %dma_wait3A_848 = tpu.memref_slice %arg10[%dma_wait3A_845, %dma_wait3A_846, %dma_wait3A_847] : memref<8x32x128xf32, #tpu.memory_space<vmem>> -> memref<1x32x128xf32, #tpu.memory_space<vmem>>
      %dma_wait3A_849 = tpu.memref_squeeze %dma_wait3A_848 : memref<1x32x128xf32, #tpu.memory_space<vmem>> -> memref<32x128xf32, #tpu.memory_space<vmem>>
      %dma_wait3A_850 = arith.constant 0 : i32
      %dma_wait3A_851 = tpu.memref_slice %arg7[%add3A_844, %dma_wait3A_850] : memref<512x32xi32, #tpu.memory_space<vmem>> -> memref<1x32xi32, #tpu.memory_space<vmem>>
      %dma_wait3A_852 = tpu.memref_squeeze %dma_wait3A_851 : memref<1x32xi32, #tpu.memory_space<vmem>> -> memref<32xi32, #tpu.memory_space<vmem>>
      %dma_wait3A_853 = arith.constant 0 : i32
      %dma_wait3A_854 = arith.constant 0 : i32
      %dma_wait3A_855 = tpu.memref_slice %arg4[%dma_wait3A_853, %dma_wait3A_854] : memref<100000x128xf32, #tpu.memory_space<hbm>> -> memref<100000x128xf32, #tpu.memory_space<hbm>>
      tpu.wait_indirect_dma semaphore(%arg20 : memref<!tpu.dma_semaphore, #tpu.memory_space<semaphore_mem>>) src(%dma_wait3A_855 : memref<100000x128xf32, #tpu.memory_space<hbm>>) dst(%dma_wait3A_849 : memref<32x128xf32, #tpu.memory_space<vmem>>)
      %mul3A_856 = arith.constant 8 : i32
      %mul3A_857 = arith.muli %add3A_820, %mul3A_856 : i32
      %add3A_858 = arith.constant 2 : i32
      %add3A_859 = arith.addi %mul3A_857, %add3A_858 : i32
      %dma_wait3A_860 = arith.constant 2 : i32
      %dma_wait3A_861 = arith.constant 0 : i32
      %dma_wait3A_862 = arith.constant 0 : i32
      %dma_wait3A_863 = tpu.memref_slice %arg10[%dma_wait3A_860, %dma_wait3A_861, %dma_wait3A_862] : memref<8x32x128xf32, #tpu.memory_space<vmem>> -> memref<1x32x128xf32, #tpu.memory_space<vmem>>
      %dma_wait3A_864 = tpu.memref_squeeze %dma_wait3A_863 : memref<1x32x128xf32, #tpu.memory_space<vmem>> -> memref<32x128xf32, #tpu.memory_space<vmem>>
      %dma_wait3A_865 = arith.constant 0 : i32
      %dma_wait3A_866 = tpu.memref_slice %arg7[%add3A_859, %dma_wait3A_865] : memref<512x32xi32, #tpu.memory_space<vmem>> -> memref<1x32xi32, #tpu.memory_space<vmem>>
      %dma_wait3A_867 = tpu.memref_squeeze %dma_wait3A_866 : memref<1x32xi32, #tpu.memory_space<vmem>> -> memref<32xi32, #tpu.memory_space<vmem>>
      %dma_wait3A_868 = arith.constant 0 : i32
      %dma_wait3A_869 = arith.constant 0 : i32
      %dma_wait3A_870 = tpu.memref_slice %arg4[%dma_wait3A_868, %dma_wait3A_869] : memref<100000x128xf32, #tpu.memory_space<hbm>> -> memref<100000x128xf32, #tpu.memory_space<hbm>>
      tpu.wait_indirect_dma semaphore(%arg20 : memref<!tpu.dma_semaphore, #tpu.memory_space<semaphore_mem>>) src(%dma_wait3A_870 : memref<100000x128xf32, #tpu.memory_space<hbm>>) dst(%dma_wait3A_864 : memref<32x128xf32, #tpu.memory_space<vmem>>)
      %mul3A_871 = arith.constant 8 : i32
      %mul3A_872 = arith.muli %add3A_820, %mul3A_871 : i32
      %add3A_873 = arith.constant 3 : i32
      %add3A_874 = arith.addi %mul3A_872, %add3A_873 : i32
      %dma_wait3A_875 = arith.constant 3 : i32
      %dma_wait3A_876 = arith.constant 0 : i32
      %dma_wait3A_877 = arith.constant 0 : i32
      %dma_wait3A_878 = tpu.memref_slice %arg10[%dma_wait3A_875, %dma_wait3A_876, %dma_wait3A_877] : memref<8x32x128xf32, #tpu.memory_space<vmem>> -> memref<1x32x128xf32, #tpu.memory_space<vmem>>
      %dma_wait3A_879 = tpu.memref_squeeze %dma_wait3A_878 : memref<1x32x128xf32, #tpu.memory_space<vmem>> -> memref<32x128xf32, #tpu.memory_space<vmem>>
      %dma_wait3A_880 = arith.constant 0 : i32
      %dma_wait3A_881 = tpu.memref_slice %arg7[%add3A_874, %dma_wait3A_880] : memref<512x32xi32, #tpu.memory_space<vmem>> -> memref<1x32xi32, #tpu.memory_space<vmem>>
      %dma_wait3A_882 = tpu.memref_squeeze %dma_wait3A_881 : memref<1x32xi32, #tpu.memory_space<vmem>> -> memref<32xi32, #tpu.memory_space<vmem>>
      %dma_wait3A_883 = arith.constant 0 : i32
      %dma_wait3A_884 = arith.constant 0 : i32
      %dma_wait3A_885 = tpu.memref_slice %arg4[%dma_wait3A_883, %dma_wait3A_884] : memref<100000x128xf32, #tpu.memory_space<hbm>> -> memref<100000x128xf32, #tpu.memory_space<hbm>>
      tpu.wait_indirect_dma semaphore(%arg20 : memref<!tpu.dma_semaphore, #tpu.memory_space<semaphore_mem>>) src(%dma_wait3A_885 : memref<100000x128xf32, #tpu.memory_space<hbm>>) dst(%dma_wait3A_879 : memref<32x128xf32, #tpu.memory_space<vmem>>)
      %mul3A_886 = arith.constant 8 : i32
      %mul3A_887 = arith.muli %add3A_820, %mul3A_886 : i32
      %add3A_888 = arith.constant 4 : i32
      %add3A_889 = arith.addi %mul3A_887, %add3A_888 : i32
      %dma_wait3A_890 = arith.constant 4 : i32
      %dma_wait3A_891 = arith.constant 0 : i32
      %dma_wait3A_892 = arith.constant 0 : i32
      %dma_wait3A_893 = tpu.memref_slice %arg10[%dma_wait3A_890, %dma_wait3A_891, %dma_wait3A_892] : memref<8x32x128xf32, #tpu.memory_space<vmem>> -> memref<1x32x128xf32, #tpu.memory_space<vmem>>
      %dma_wait3A_894 = tpu.memref_squeeze %dma_wait3A_893 : memref<1x32x128xf32, #tpu.memory_space<vmem>> -> memref<32x128xf32, #tpu.memory_space<vmem>>
      %dma_wait3A_895 = arith.constant 0 : i32
      %dma_wait3A_896 = tpu.memref_slice %arg7[%add3A_889, %dma_wait3A_895] : memref<512x32xi32, #tpu.memory_space<vmem>> -> memref<1x32xi32, #tpu.memory_space<vmem>>
      %dma_wait3A_897 = tpu.memref_squeeze %dma_wait3A_896 : memref<1x32xi32, #tpu.memory_space<vmem>> -> memref<32xi32, #tpu.memory_space<vmem>>
      %dma_wait3A_898 = arith.constant 0 : i32
      %dma_wait3A_899 = arith.constant 0 : i32
      %dma_wait3A_900 = tpu.memref_slice %arg4[%dma_wait3A_898, %dma_wait3A_899] : memref<100000x128xf32, #tpu.memory_space<hbm>> -> memref<100000x128xf32, #tpu.memory_space<hbm>>
      tpu.wait_indirect_dma semaphore(%arg20 : memref<!tpu.dma_semaphore, #tpu.memory_space<semaphore_mem>>) src(%dma_wait3A_900 : memref<100000x128xf32, #tpu.memory_space<hbm>>) dst(%dma_wait3A_894 : memref<32x128xf32, #tpu.memory_space<vmem>>)
      %mul3A_901 = arith.constant 8 : i32
      %mul3A_902 = arith.muli %add3A_820, %mul3A_901 : i32
      %add3A_903 = arith.constant 5 : i32
      %add3A_904 = arith.addi %mul3A_902, %add3A_903 : i32
      %dma_wait3A_905 = arith.constant 5 : i32
      %dma_wait3A_906 = arith.constant 0 : i32
      %dma_wait3A_907 = arith.constant 0 : i32
      %dma_wait3A_908 = tpu.memref_slice %arg10[%dma_wait3A_905, %dma_wait3A_906, %dma_wait3A_907] : memref<8x32x128xf32, #tpu.memory_space<vmem>> -> memref<1x32x128xf32, #tpu.memory_space<vmem>>
      %dma_wait3A_909 = tpu.memref_squeeze %dma_wait3A_908 : memref<1x32x128xf32, #tpu.memory_space<vmem>> -> memref<32x128xf32, #tpu.memory_space<vmem>>
      %dma_wait3A_910 = arith.constant 0 : i32
      %dma_wait3A_911 = tpu.memref_slice %arg7[%add3A_904, %dma_wait3A_910] : memref<512x32xi32, #tpu.memory_space<vmem>> -> memref<1x32xi32, #tpu.memory_space<vmem>>
      %dma_wait3A_912 = tpu.memref_squeeze %dma_wait3A_911 : memref<1x32xi32, #tpu.memory_space<vmem>> -> memref<32xi32, #tpu.memory_space<vmem>>
      %dma_wait3A_913 = arith.constant 0 : i32
      %dma_wait3A_914 = arith.constant 0 : i32
      %dma_wait3A_915 = tpu.memref_slice %arg4[%dma_wait3A_913, %dma_wait3A_914] : memref<100000x128xf32, #tpu.memory_space<hbm>> -> memref<100000x128xf32, #tpu.memory_space<hbm>>
      tpu.wait_indirect_dma semaphore(%arg20 : memref<!tpu.dma_semaphore, #tpu.memory_space<semaphore_mem>>) src(%dma_wait3A_915 : memref<100000x128xf32, #tpu.memory_space<hbm>>) dst(%dma_wait3A_909 : memref<32x128xf32, #tpu.memory_space<vmem>>)
      %mul3A_916 = arith.constant 8 : i32
      %mul3A_917 = arith.muli %add3A_820, %mul3A_916 : i32
      %add3A_918 = arith.constant 6 : i32
      %add3A_919 = arith.addi %mul3A_917, %add3A_918 : i32
      %dma_wait3A_920 = arith.constant 6 : i32
      %dma_wait3A_921 = arith.constant 0 : i32
      %dma_wait3A_922 = arith.constant 0 : i32
      %dma_wait3A_923 = tpu.memref_slice %arg10[%dma_wait3A_920, %dma_wait3A_921, %dma_wait3A_922] : memref<8x32x128xf32, #tpu.memory_space<vmem>> -> memref<1x32x128xf32, #tpu.memory_space<vmem>>
      %dma_wait3A_924 = tpu.memref_squeeze %dma_wait3A_923 : memref<1x32x128xf32, #tpu.memory_space<vmem>> -> memref<32x128xf32, #tpu.memory_space<vmem>>
      %dma_wait3A_925 = arith.constant 0 : i32
      %dma_wait3A_926 = tpu.memref_slice %arg7[%add3A_919, %dma_wait3A_925] : memref<512x32xi32, #tpu.memory_space<vmem>> -> memref<1x32xi32, #tpu.memory_space<vmem>>
      %dma_wait3A_927 = tpu.memref_squeeze %dma_wait3A_926 : memref<1x32xi32, #tpu.memory_space<vmem>> -> memref<32xi32, #tpu.memory_space<vmem>>
      %dma_wait3A_928 = arith.constant 0 : i32
      %dma_wait3A_929 = arith.constant 0 : i32
      %dma_wait3A_930 = tpu.memref_slice %arg4[%dma_wait3A_928, %dma_wait3A_929] : memref<100000x128xf32, #tpu.memory_space<hbm>> -> memref<100000x128xf32, #tpu.memory_space<hbm>>
      tpu.wait_indirect_dma semaphore(%arg20 : memref<!tpu.dma_semaphore, #tpu.memory_space<semaphore_mem>>) src(%dma_wait3A_930 : memref<100000x128xf32, #tpu.memory_space<hbm>>) dst(%dma_wait3A_924 : memref<32x128xf32, #tpu.memory_space<vmem>>)
      %mul3A_931 = arith.constant 8 : i32
      %mul3A_932 = arith.muli %add3A_820, %mul3A_931 : i32
      %add3A_933 = arith.constant 7 : i32
      %add3A_934 = arith.addi %mul3A_932, %add3A_933 : i32
      %dma_wait3A_935 = arith.constant 7 : i32
      %dma_wait3A_936 = arith.constant 0 : i32
      %dma_wait3A_937 = arith.constant 0 : i32
      %dma_wait3A_938 = tpu.memref_slice %arg10[%dma_wait3A_935, %dma_wait3A_936, %dma_wait3A_937] : memref<8x32x128xf32, #tpu.memory_space<vmem>> -> memref<1x32x128xf32, #tpu.memory_space<vmem>>
      %dma_wait3A_939 = tpu.memref_squeeze %dma_wait3A_938 : memref<1x32x128xf32, #tpu.memory_space<vmem>> -> memref<32x128xf32, #tpu.memory_space<vmem>>
      %dma_wait3A_940 = arith.constant 0 : i32
      %dma_wait3A_941 = tpu.memref_slice %arg7[%add3A_934, %dma_wait3A_940] : memref<512x32xi32, #tpu.memory_space<vmem>> -> memref<1x32xi32, #tpu.memory_space<vmem>>
      %dma_wait3A_942 = tpu.memref_squeeze %dma_wait3A_941 : memref<1x32xi32, #tpu.memory_space<vmem>> -> memref<32xi32, #tpu.memory_space<vmem>>
      %dma_wait3A_943 = arith.constant 0 : i32
      %dma_wait3A_944 = arith.constant 0 : i32
      %dma_wait3A_945 = tpu.memref_slice %arg4[%dma_wait3A_943, %dma_wait3A_944] : memref<100000x128xf32, #tpu.memory_space<hbm>> -> memref<100000x128xf32, #tpu.memory_space<hbm>>
      tpu.wait_indirect_dma semaphore(%arg20 : memref<!tpu.dma_semaphore, #tpu.memory_space<semaphore_mem>>) src(%dma_wait3A_945 : memref<100000x128xf32, #tpu.memory_space<hbm>>) dst(%dma_wait3A_939 : memref<32x128xf32, #tpu.memory_space<vmem>>)
      %mul3A_946 = arith.constant 8 : i32
      %mul3A_947 = arith.muli %add3A_820, %mul3A_946 : i32
      %dma_wait3A_948 = tpu.memref_slice %arg6[%mul3A_947] : memref<512xi32, #tpu.memory_space<vmem>> -> memref<8xi32, #tpu.memory_space<vmem>>
      %dma_wait3A_949 = arith.constant 0 : i32
      %dma_wait3A_950 = arith.constant 0 : i32
      %dma_wait3A_951 = tpu.memref_slice %arg4[%dma_wait3A_949, %dma_wait3A_950] : memref<100000x128xf32, #tpu.memory_space<hbm>> -> memref<100000x128xf32, #tpu.memory_space<hbm>>
      tpu.wait_indirect_dma semaphore(%arg20 : memref<!tpu.dma_semaphore, #tpu.memory_space<semaphore_mem>>) src(%dma_wait3A_951 : memref<100000x128xf32, #tpu.memory_space<hbm>>) dst(%arg13 : memref<8x128xf32, #tpu.memory_space<vmem>>)
      %scan3A_952 = arith.constant 0 : i32
      %scan3A_953 = arith.constant 0 : i32
      %scan3A_954 = arith.constant 8 : i32
      %scan3A_955 = arith.addi %scan3A_953, %scan3A_954 : i32
      %scan3A_956 = arith.constant 1 : i32
      scf.for %scan3A_972 = %scan3A_953 to %scan3A_955 step %scan3A_956  : i32 {
        %broadcast_in_dim3A = arith.constant 0.000000e+00 : f32
        %broadcast_in_dim3A_973 = vector.broadcast %broadcast_in_dim3A : f32 to vector<16xf32>
        %scan3A_974 = arith.constant 0 : i32
        %scan3A_975 = arith.constant 8 : i32
        %scan3A_976 = arith.addi %scan3A_974, %scan3A_975 : i32
        %scan3A_977 = arith.constant 1 : i32
        %scan3A_978:8 = scf.for %scan3A_1082 = %scan3A_974 to %scan3A_976 step %scan3A_977 iter_args(%scan3A_1083 = %broadcast_in_dim3A_973, %scan3A_1084 = %broadcast_in_dim3A_973, %scan3A_1085 = %broadcast_in_dim3A_973, %scan3A_1086 = %broadcast_in_dim3A_973, %scan3A_1087 = %broadcast_in_dim3A_973, %scan3A_1088 = %broadcast_in_dim3A_973, %scan3A_1089 = %broadcast_in_dim3A_973, %scan3A_1090 = %broadcast_in_dim3A_973) -> (vector<16xf32>, vector<16xf32>, vector<16xf32>, vector<16xf32>, vector<16xf32>, vector<16xf32>, vector<16xf32>, vector<16xf32>)  : i32 {
          %mul3A_1091 = arith.constant 4 : i32
          %mul3A_1092 = arith.muli %mul3A_1091, %scan3A_1082 : i32
          %add3A_1093 = arith.constant 0 : i32
          %add3A_1094 = arith.addi %mul3A_1092, %add3A_1093 : i32
          %get3A_1095 = arith.index_cast %scan3A_972 : i32 to index
          %get3A_1096 = arith.index_cast %add3A_1094 : i32 to index
          %get3A_1097 = arith.constant 0 : index
          %get3A_1098 = tpu.vector_load %arg10[%get3A_1095, %get3A_1096, %get3A_1097] {strides = array<i32>} : memref<8x32x128xf32, #tpu.memory_space<vmem>>, vector<1x1x16xf32>,
          %get3A_1099 = vector.shape_cast %get3A_1098 : vector<1x1x16xf32> to vector<16xf32>
          %add3A_1100 = arith.addf %scan3A_1083, %get3A_1099 : vector<16xf32>
          %get3A_1101 = arith.index_cast %scan3A_972 : i32 to index
          %get3A_1102 = arith.index_cast %add3A_1094 : i32 to index
          %get3A_1103 = arith.constant 16 : index
          %get3A_1104 = tpu.vector_load %arg10[%get3A_1101, %get3A_1102, %get3A_1103] {strides = array<i32>} : memref<8x32x128xf32, #tpu.memory_space<vmem>>, vector<1x1x16xf32>,
          %get3A_1105 = vector.shape_cast %get3A_1104 : vector<1x1x16xf32> to vector<16xf32>
          %add3A_1106 = arith.addf %scan3A_1084, %get3A_1105 : vector<16xf32>
          %get3A_1107 = arith.index_cast %scan3A_972 : i32 to index
          %get3A_1108 = arith.index_cast %add3A_1094 : i32 to index
          %get3A_1109 = arith.constant 32 : index
          %get3A_1110 = tpu.vector_load %arg10[%get3A_1107, %get3A_1108, %get3A_1109] {strides = array<i32>} : memref<8x32x128xf32, #tpu.memory_space<vmem>>, vector<1x1x16xf32>,
          %get3A_1111 = vector.shape_cast %get3A_1110 : vector<1x1x16xf32> to vector<16xf32>
          %add3A_1112 = arith.addf %scan3A_1085, %get3A_1111 : vector<16xf32>
          %get3A_1113 = arith.index_cast %scan3A_972 : i32 to index
          %get3A_1114 = arith.index_cast %add3A_1094 : i32 to index
          %get3A_1115 = arith.constant 48 : index
          %get3A_1116 = tpu.vector_load %arg10[%get3A_1113, %get3A_1114, %get3A_1115] {strides = array<i32>} : memref<8x32x128xf32, #tpu.memory_space<vmem>>, vector<1x1x16xf32>,
          %get3A_1117 = vector.shape_cast %get3A_1116 : vector<1x1x16xf32> to vector<16xf32>
          %add3A_1118 = arith.addf %scan3A_1086, %get3A_1117 : vector<16xf32>
          %get3A_1119 = arith.index_cast %scan3A_972 : i32 to index
          %get3A_1120 = arith.index_cast %add3A_1094 : i32 to index
          %get3A_1121 = arith.constant 64 : index
          %get3A_1122 = tpu.vector_load %arg10[%get3A_1119, %get3A_1120, %get3A_1121] {strides = array<i32>} : memref<8x32x128xf32, #tpu.memory_space<vmem>>, vector<1x1x16xf32>,
          %get3A_1123 = vector.shape_cast %get3A_1122 : vector<1x1x16xf32> to vector<16xf32>
          %add3A_1124 = arith.addf %scan3A_1087, %get3A_1123 : vector<16xf32>
          %get3A_1125 = arith.index_cast %scan3A_972 : i32 to index
          %get3A_1126 = arith.index_cast %add3A_1094 : i32 to index
          %get3A_1127 = arith.constant 80 : index
          %get3A_1128 = tpu.vector_load %arg10[%get3A_1125, %get3A_1126, %get3A_1127] {strides = array<i32>} : memref<8x32x128xf32, #tpu.memory_space<vmem>>, vector<1x1x16xf32>,
          %get3A_1129 = vector.shape_cast %get3A_1128 : vector<1x1x16xf32> to vector<16xf32>
          %add3A_1130 = arith.addf %scan3A_1088, %get3A_1129 : vector<16xf32>
          %get3A_1131 = arith.index_cast %scan3A_972 : i32 to index
          %get3A_1132 = arith.index_cast %add3A_1094 : i32 to index
          %get3A_1133 = arith.constant 96 : index
          %get3A_1134 = tpu.vector_load %arg10[%get3A_1131, %get3A_1132, %get3A_1133] {strides = array<i32>} : memref<8x32x128xf32, #tpu.memory_space<vmem>>, vector<1x1x16xf32>,
          %get3A_1135 = vector.shape_cast %get3A_1134 : vector<1x1x16xf32> to vector<16xf32>
          %add3A_1136 = arith.addf %scan3A_1089, %get3A_1135 : vector<16xf32>
          %get3A_1137 = arith.index_cast %scan3A_972 : i32 to index
          %get3A_1138 = arith.index_cast %add3A_1094 : i32 to index
          %get3A_1139 = arith.constant 112 : index
          %get3A_1140 = tpu.vector_load %arg10[%get3A_1137, %get3A_1138, %get3A_1139] {strides = array<i32>} : memref<8x32x128xf32, #tpu.memory_space<vmem>>, vector<1x1x16xf32>,
          %get3A_1141 = vector.shape_cast %get3A_1140 : vector<1x1x16xf32> to vector<16xf32>
          %add3A_1142 = arith.addf %scan3A_1090, %get3A_1141 : vector<16xf32>
          %mul3A_1143 = arith.constant 4 : i32
          %mul3A_1144 = arith.muli %mul3A_1143, %scan3A_1082 : i32
          %add3A_1145 = arith.constant 1 : i32
          %add3A_1146 = arith.addi %mul3A_1144, %add3A_1145 : i32
          %get3A_1147 = arith.index_cast %scan3A_972 : i32 to index
          %get3A_1148 = arith.index_cast %add3A_1146 : i32 to index
          %get3A_1149 = arith.constant 0 : index
          %get3A_1150 = tpu.vector_load %arg10[%get3A_1147, %get3A_1148, %get3A_1149] {strides = array<i32>} : memref<8x32x128xf32, #tpu.memory_space<vmem>>, vector<1x1x16xf32>,
          %get3A_1151 = vector.shape_cast %get3A_1150 : vector<1x1x16xf32> to vector<16xf32>
          %add3A_1152 = arith.addf %add3A_1100, %get3A_1151 : vector<16xf32>
          %get3A_1153 = arith.index_cast %scan3A_972 : i32 to index
          %get3A_1154 = arith.index_cast %add3A_1146 : i32 to index
          %get3A_1155 = arith.constant 16 : index
          %get3A_1156 = tpu.vector_load %arg10[%get3A_1153, %get3A_1154, %get3A_1155] {strides = array<i32>} : memref<8x32x128xf32, #tpu.memory_space<vmem>>, vector<1x1x16xf32>,
          %get3A_1157 = vector.shape_cast %get3A_1156 : vector<1x1x16xf32> to vector<16xf32>
          %add3A_1158 = arith.addf %add3A_1106, %get3A_1157 : vector<16xf32>
          %get3A_1159 = arith.index_cast %scan3A_972 : i32 to index
          %get3A_1160 = arith.index_cast %add3A_1146 : i32 to index
          %get3A_1161 = arith.constant 32 : index
          %get3A_1162 = tpu.vector_load %arg10[%get3A_1159, %get3A_1160, %get3A_1161] {strides = array<i32>} : memref<8x32x128xf32, #tpu.memory_space<vmem>>, vector<1x1x16xf32>,
          %get3A_1163 = vector.shape_cast %get3A_1162 : vector<1x1x16xf32> to vector<16xf32>
          %add3A_1164 = arith.addf %add3A_1112, %get3A_1163 : vector<16xf32>
          %get3A_1165 = arith.index_cast %scan3A_972 : i32 to index
          %get3A_1166 = arith.index_cast %add3A_1146 : i32 to index
          %get3A_1167 = arith.constant 48 : index
          %get3A_1168 = tpu.vector_load %arg10[%get3A_1165, %get3A_1166, %get3A_1167] {strides = array<i32>} : memref<8x32x128xf32, #tpu.memory_space<vmem>>, vector<1x1x16xf32>,
          %get3A_1169 = vector.shape_cast %get3A_1168 : vector<1x1x16xf32> to vector<16xf32>
          %add3A_1170 = arith.addf %add3A_1118, %get3A_1169 : vector<16xf32>
          %get3A_1171 = arith.index_cast %scan3A_972 : i32 to index
          %get3A_1172 = arith.index_cast %add3A_1146 : i32 to index
          %get3A_1173 = arith.constant 64 : index
          %get3A_1174 = tpu.vector_load %arg10[%get3A_1171, %get3A_1172, %get3A_1173] {strides = array<i32>} : memref<8x32x128xf32, #tpu.memory_space<vmem>>, vector<1x1x16xf32>,
          %get3A_1175 = vector.shape_cast %get3A_1174 : vector<1x1x16xf32> to vector<16xf32>
          %add3A_1176 = arith.addf %add3A_1124, %get3A_1175 : vector<16xf32>
          %get3A_1177 = arith.index_cast %scan3A_972 : i32 to index
          %get3A_1178 = arith.index_cast %add3A_1146 : i32 to index
          %get3A_1179 = arith.constant 80 : index
          %get3A_1180 = tpu.vector_load %arg10[%get3A_1177, %get3A_1178, %get3A_1179] {strides = array<i32>} : memref<8x32x128xf32, #tpu.memory_space<vmem>>, vector<1x1x16xf32>,
          %get3A_1181 = vector.shape_cast %get3A_1180 : vector<1x1x16xf32> to vector<16xf32>
          %add3A_1182 = arith.addf %add3A_1130, %get3A_1181 : vector<16xf32>
          %get3A_1183 = arith.index_cast %scan3A_972 : i32 to index
          %get3A_1184 = arith.index_cast %add3A_1146 : i32 to index
          %get3A_1185 = arith.constant 96 : index
          %get3A_1186 = tpu.vector_load %arg10[%get3A_1183, %get3A_1184, %get3A_1185] {strides = array<i32>} : memref<8x32x128xf32, #tpu.memory_space<vmem>>, vector<1x1x16xf32>,
          %get3A_1187 = vector.shape_cast %get3A_1186 : vector<1x1x16xf32> to vector<16xf32>
          %add3A_1188 = arith.addf %add3A_1136, %get3A_1187 : vector<16xf32>
          %get3A_1189 = arith.index_cast %scan3A_972 : i32 to index
          %get3A_1190 = arith.index_cast %add3A_1146 : i32 to index
          %get3A_1191 = arith.constant 112 : index
          %get3A_1192 = tpu.vector_load %arg10[%get3A_1189, %get3A_1190, %get3A_1191] {strides = array<i32>} : memref<8x32x128xf32, #tpu.memory_space<vmem>>, vector<1x1x16xf32>,
          %get3A_1193 = vector.shape_cast %get3A_1192 : vector<1x1x16xf32> to vector<16xf32>
          %add3A_1194 = arith.addf %add3A_1142, %get3A_1193 : vector<16xf32>
          %mul3A_1195 = arith.constant 4 : i32
          %mul3A_1196 = arith.muli %mul3A_1195, %scan3A_1082 : i32
          %add3A_1197 = arith.constant 2 : i32
          %add3A_1198 = arith.addi %mul3A_1196, %add3A_1197 : i32
          %get3A_1199 = arith.index_cast %scan3A_972 : i32 to index
          %get3A_1200 = arith.index_cast %add3A_1198 : i32 to index
          %get3A_1201 = arith.constant 0 : index
          %get3A_1202 = tpu.vector_load %arg10[%get3A_1199, %get3A_1200, %get3A_1201] {strides = array<i32>} : memref<8x32x128xf32, #tpu.memory_space<vmem>>, vector<1x1x16xf32>,
          %get3A_1203 = vector.shape_cast %get3A_1202 : vector<1x1x16xf32> to vector<16xf32>
          %add3A_1204 = arith.addf %add3A_1152, %get3A_1203 : vector<16xf32>
          %get3A_1205 = arith.index_cast %scan3A_972 : i32 to index
          %get3A_1206 = arith.index_cast %add3A_1198 : i32 to index
          %get3A_1207 = arith.constant 16 : index
          %get3A_1208 = tpu.vector_load %arg10[%get3A_1205, %get3A_1206, %get3A_1207] {strides = array<i32>} : memref<8x32x128xf32, #tpu.memory_space<vmem>>, vector<1x1x16xf32>,
          %get3A_1209 = vector.shape_cast %get3A_1208 : vector<1x1x16xf32> to vector<16xf32>
          %add3A_1210 = arith.addf %add3A_1158, %get3A_1209 : vector<16xf32>
          %get3A_1211 = arith.index_cast %scan3A_972 : i32 to index
          %get3A_1212 = arith.index_cast %add3A_1198 : i32 to index
          %get3A_1213 = arith.constant 32 : index
          %get3A_1214 = tpu.vector_load %arg10[%get3A_1211, %get3A_1212, %get3A_1213] {strides = array<i32>} : memref<8x32x128xf32, #tpu.memory_space<vmem>>, vector<1x1x16xf32>,
          %get3A_1215 = vector.shape_cast %get3A_1214 : vector<1x1x16xf32> to vector<16xf32>
          %add3A_1216 = arith.addf %add3A_1164, %get3A_1215 : vector<16xf32>
          %get3A_1217 = arith.index_cast %scan3A_972 : i32 to index
          %get3A_1218 = arith.index_cast %add3A_1198 : i32 to index
          %get3A_1219 = arith.constant 48 : index
          %get3A_1220 = tpu.vector_load %arg10[%get3A_1217, %get3A_1218, %get3A_1219] {strides = array<i32>} : memref<8x32x128xf32, #tpu.memory_space<vmem>>, vector<1x1x16xf32>,
          %get3A_1221 = vector.shape_cast %get3A_1220 : vector<1x1x16xf32> to vector<16xf32>
          %add3A_1222 = arith.addf %add3A_1170, %get3A_1221 : vector<16xf32>
          %get3A_1223 = arith.index_cast %scan3A_972 : i32 to index
          %get3A_1224 = arith.index_cast %add3A_1198 : i32 to index
          %get3A_1225 = arith.constant 64 : index
          %get3A_1226 = tpu.vector_load %arg10[%get3A_1223, %get3A_1224, %get3A_1225] {strides = array<i32>} : memref<8x32x128xf32, #tpu.memory_space<vmem>>, vector<1x1x16xf32>,
          %get3A_1227 = vector.shape_cast %get3A_1226 : vector<1x1x16xf32> to vector<16xf32>
          %add3A_1228 = arith.addf %add3A_1176, %get3A_1227 : vector<16xf32>
          %get3A_1229 = arith.index_cast %scan3A_972 : i32 to index
          %get3A_1230 = arith.index_cast %add3A_1198 : i32 to index
          %get3A_1231 = arith.constant 80 : index
          %get3A_1232 = tpu.vector_load %arg10[%get3A_1229, %get3A_1230, %get3A_1231] {strides = array<i32>} : memref<8x32x128xf32, #tpu.memory_space<vmem>>, vector<1x1x16xf32>,
          %get3A_1233 = vector.shape_cast %get3A_1232 : vector<1x1x16xf32> to vector<16xf32>
          %add3A_1234 = arith.addf %add3A_1182, %get3A_1233 : vector<16xf32>
          %get3A_1235 = arith.index_cast %scan3A_972 : i32 to index
          %get3A_1236 = arith.index_cast %add3A_1198 : i32 to index
          %get3A_1237 = arith.constant 96 : index
          %get3A_1238 = tpu.vector_load %arg10[%get3A_1235, %get3A_1236, %get3A_1237] {strides = array<i32>} : memref<8x32x128xf32, #tpu.memory_space<vmem>>, vector<1x1x16xf32>,
          %get3A_1239 = vector.shape_cast %get3A_1238 : vector<1x1x16xf32> to vector<16xf32>
          %add3A_1240 = arith.addf %add3A_1188, %get3A_1239 : vector<16xf32>
          %get3A_1241 = arith.index_cast %scan3A_972 : i32 to index
          %get3A_1242 = arith.index_cast %add3A_1198 : i32 to index
          %get3A_1243 = arith.constant 112 : index
          %get3A_1244 = tpu.vector_load %arg10[%get3A_1241, %get3A_1242, %get3A_1243] {strides = array<i32>} : memref<8x32x128xf32, #tpu.memory_space<vmem>>, vector<1x1x16xf32>,
          %get3A_1245 = vector.shape_cast %get3A_1244 : vector<1x1x16xf32> to vector<16xf32>
          %add3A_1246 = arith.addf %add3A_1194, %get3A_1245 : vector<16xf32>
          %mul3A_1247 = arith.constant 4 : i32
          %mul3A_1248 = arith.muli %mul3A_1247, %scan3A_1082 : i32
          %add3A_1249 = arith.constant 3 : i32
          %add3A_1250 = arith.addi %mul3A_1248, %add3A_1249 : i32
          %get3A_1251 = arith.index_cast %scan3A_972 : i32 to index
          %get3A_1252 = arith.index_cast %add3A_1250 : i32 to index
          %get3A_1253 = arith.constant 0 : index
          %get3A_1254 = tpu.vector_load %arg10[%get3A_1251, %get3A_1252, %get3A_1253] {strides = array<i32>} : memref<8x32x128xf32, #tpu.memory_space<vmem>>, vector<1x1x16xf32>,
          %get3A_1255 = vector.shape_cast %get3A_1254 : vector<1x1x16xf32> to vector<16xf32>
          %add3A_1256 = arith.addf %add3A_1204, %get3A_1255 : vector<16xf32>
          %get3A_1257 = arith.index_cast %scan3A_972 : i32 to index
          %get3A_1258 = arith.index_cast %add3A_1250 : i32 to index
          %get3A_1259 = arith.constant 16 : index
          %get3A_1260 = tpu.vector_load %arg10[%get3A_1257, %get3A_1258, %get3A_1259] {strides = array<i32>} : memref<8x32x128xf32, #tpu.memory_space<vmem>>, vector<1x1x16xf32>,
          %get3A_1261 = vector.shape_cast %get3A_1260 : vector<1x1x16xf32> to vector<16xf32>
          %add3A_1262 = arith.addf %add3A_1210, %get3A_1261 : vector<16xf32>
          %get3A_1263 = arith.index_cast %scan3A_972 : i32 to index
          %get3A_1264 = arith.index_cast %add3A_1250 : i32 to index
          %get3A_1265 = arith.constant 32 : index
          %get3A_1266 = tpu.vector_load %arg10[%get3A_1263, %get3A_1264, %get3A_1265] {strides = array<i32>} : memref<8x32x128xf32, #tpu.memory_space<vmem>>, vector<1x1x16xf32>,
          %get3A_1267 = vector.shape_cast %get3A_1266 : vector<1x1x16xf32> to vector<16xf32>
          %add3A_1268 = arith.addf %add3A_1216, %get3A_1267 : vector<16xf32>
          %get3A_1269 = arith.index_cast %scan3A_972 : i32 to index
          %get3A_1270 = arith.index_cast %add3A_1250 : i32 to index
          %get3A_1271 = arith.constant 48 : index
          %get3A_1272 = tpu.vector_load %arg10[%get3A_1269, %get3A_1270, %get3A_1271] {strides = array<i32>} : memref<8x32x128xf32, #tpu.memory_space<vmem>>, vector<1x1x16xf32>,
          %get3A_1273 = vector.shape_cast %get3A_1272 : vector<1x1x16xf32> to vector<16xf32>
          %add3A_1274 = arith.addf %add3A_1222, %get3A_1273 : vector<16xf32>
          %get3A_1275 = arith.index_cast %scan3A_972 : i32 to index
          %get3A_1276 = arith.index_cast %add3A_1250 : i32 to index
          %get3A_1277 = arith.constant 64 : index
          %get3A_1278 = tpu.vector_load %arg10[%get3A_1275, %get3A_1276, %get3A_1277] {strides = array<i32>} : memref<8x32x128xf32, #tpu.memory_space<vmem>>, vector<1x1x16xf32>,
          %get3A_1279 = vector.shape_cast %get3A_1278 : vector<1x1x16xf32> to vector<16xf32>
          %add3A_1280 = arith.addf %add3A_1228, %get3A_1279 : vector<16xf32>
          %get3A_1281 = arith.index_cast %scan3A_972 : i32 to index
          %get3A_1282 = arith.index_cast %add3A_1250 : i32 to index
          %get3A_1283 = arith.constant 80 : index
          %get3A_1284 = tpu.vector_load %arg10[%get3A_1281, %get3A_1282, %get3A_1283] {strides = array<i32>} : memref<8x32x128xf32, #tpu.memory_space<vmem>>, vector<1x1x16xf32>,
          %get3A_1285 = vector.shape_cast %get3A_1284 : vector<1x1x16xf32> to vector<16xf32>
          %add3A_1286 = arith.addf %add3A_1234, %get3A_1285 : vector<16xf32>
          %get3A_1287 = arith.index_cast %scan3A_972 : i32 to index
          %get3A_1288 = arith.index_cast %add3A_1250 : i32 to index
          %get3A_1289 = arith.constant 96 : index
          %get3A_1290 = tpu.vector_load %arg10[%get3A_1287, %get3A_1288, %get3A_1289] {strides = array<i32>} : memref<8x32x128xf32, #tpu.memory_space<vmem>>, vector<1x1x16xf32>,
          %get3A_1291 = vector.shape_cast %get3A_1290 : vector<1x1x16xf32> to vector<16xf32>
          %add3A_1292 = arith.addf %add3A_1240, %get3A_1291 : vector<16xf32>
          %get3A_1293 = arith.index_cast %scan3A_972 : i32 to index
          %get3A_1294 = arith.index_cast %add3A_1250 : i32 to index
          %get3A_1295 = arith.constant 112 : index
          %get3A_1296 = tpu.vector_load %arg10[%get3A_1293, %get3A_1294, %get3A_1295] {strides = array<i32>} : memref<8x32x128xf32, #tpu.memory_space<vmem>>, vector<1x1x16xf32>,
          %get3A_1297 = vector.shape_cast %get3A_1296 : vector<1x1x16xf32> to vector<16xf32>
          %add3A_1298 = arith.addf %add3A_1246, %get3A_1297 : vector<16xf32>
          scf.yield %add3A_1256, %add3A_1262, %add3A_1268, %add3A_1274, %add3A_1280, %add3A_1286, %add3A_1292, %add3A_1298 : vector<16xf32>, vector<16xf32>, vector<16xf32>, vector<16xf32>, vector<16xf32>, vector<16xf32>, vector<16xf32>, vector<16xf32>
        }
        %scan3A_979 = arith.constant 8 : i32
        %mul3A_980 = arith.constant 3.125000e-02 : f32
        %mul3A_981 = vector.broadcast %mul3A_980 : f32 to vector<16xf32>
        %mul3A_982 = arith.mulf %scan3A_978#0, %mul3A_981 : vector<16xf32>
        %get3A = arith.index_cast %scan3A_972 : i32 to index
        %get3A_983 = arith.constant 0 : index
        %get3A_984 = tpu.vector_load %arg13[%get3A, %get3A_983] {strides = array<i32>} : memref<8x128xf32, #tpu.memory_space<vmem>>, vector<1x16xf32>,
        %get3A_985 = vector.shape_cast %get3A_984 : vector<1x16xf32> to vector<16xf32>
        %add3A_986 = arith.addf %mul3A_982, %get3A_985 : vector<16xf32>
        %swap3A = arith.index_cast %scan3A_972 : i32 to index
        %swap3A_987 = arith.constant 0 : index
        %swap3A_988 = tpu.vector_load %arg16[%swap3A, %swap3A_987] {strides = array<i32>} : memref<8x128xf32, #tpu.memory_space<vmem>>, vector<1x16xf32>,
        %swap3A_989 = vector.shape_cast %swap3A_988 : vector<1x16xf32> to vector<16xf32>
        %swap3A_990 = vector.shape_cast %add3A_986 : vector<16xf32> to vector<1x16xf32>
        tpu.vector_store %arg16[%swap3A, %swap3A_987], %swap3A_990 {strides = array<i32>} : memref<8x128xf32, #tpu.memory_space<vmem>>, vector<1x16xf32>,
        %mul3A_991 = arith.constant 3.125000e-02 : f32
        %mul3A_992 = vector.broadcast %mul3A_991 : f32 to vector<16xf32>
        %mul3A_993 = arith.mulf %scan3A_978#1, %mul3A_992 : vector<16xf32>
        %get3A_994 = arith.index_cast %scan3A_972 : i32 to index
        %get3A_995 = arith.constant 16 : index
        %get3A_996 = tpu.vector_load %arg13[%get3A_994, %get3A_995] {strides = array<i32>} : memref<8x128xf32, #tpu.memory_space<vmem>>, vector<1x16xf32>,
        %get3A_997 = vector.shape_cast %get3A_996 : vector<1x16xf32> to vector<16xf32>
        %add3A_998 = arith.addf %mul3A_993, %get3A_997 : vector<16xf32>
        %swap3A_999 = arith.index_cast %scan3A_972 : i32 to index
        %swap3A_1000 = arith.constant 16 : index
        %swap3A_1001 = tpu.vector_load %arg16[%swap3A_999, %swap3A_1000] {strides = array<i32>} : memref<8x128xf32, #tpu.memory_space<vmem>>, vector<1x16xf32>,
        %swap3A_1002 = vector.shape_cast %swap3A_1001 : vector<1x16xf32> to vector<16xf32>
        %swap3A_1003 = vector.shape_cast %add3A_998 : vector<16xf32> to vector<1x16xf32>
        tpu.vector_store %arg16[%swap3A_999, %swap3A_1000], %swap3A_1003 {strides = array<i32>} : memref<8x128xf32, #tpu.memory_space<vmem>>, vector<1x16xf32>,
        %mul3A_1004 = arith.constant 3.125000e-02 : f32
        %mul3A_1005 = vector.broadcast %mul3A_1004 : f32 to vector<16xf32>
        %mul3A_1006 = arith.mulf %scan3A_978#2, %mul3A_1005 : vector<16xf32>
        %get3A_1007 = arith.index_cast %scan3A_972 : i32 to index
        %get3A_1008 = arith.constant 32 : index
        %get3A_1009 = tpu.vector_load %arg13[%get3A_1007, %get3A_1008] {strides = array<i32>} : memref<8x128xf32, #tpu.memory_space<vmem>>, vector<1x16xf32>,
        %get3A_1010 = vector.shape_cast %get3A_1009 : vector<1x16xf32> to vector<16xf32>
        %add3A_1011 = arith.addf %mul3A_1006, %get3A_1010 : vector<16xf32>
        %swap3A_1012 = arith.index_cast %scan3A_972 : i32 to index
        %swap3A_1013 = arith.constant 32 : index
        %swap3A_1014 = tpu.vector_load %arg16[%swap3A_1012, %swap3A_1013] {strides = array<i32>} : memref<8x128xf32, #tpu.memory_space<vmem>>, vector<1x16xf32>,
        %swap3A_1015 = vector.shape_cast %swap3A_1014 : vector<1x16xf32> to vector<16xf32>
        %swap3A_1016 = vector.shape_cast %add3A_1011 : vector<16xf32> to vector<1x16xf32>
        tpu.vector_store %arg16[%swap3A_1012, %swap3A_1013], %swap3A_1016 {strides = array<i32>} : memref<8x128xf32, #tpu.memory_space<vmem>>, vector<1x16xf32>,
        %mul3A_1017 = arith.constant 3.125000e-02 : f32
        %mul3A_1018 = vector.broadcast %mul3A_1017 : f32 to vector<16xf32>
        %mul3A_1019 = arith.mulf %scan3A_978#3, %mul3A_1018 : vector<16xf32>
        %get3A_1020 = arith.index_cast %scan3A_972 : i32 to index
        %get3A_1021 = arith.constant 48 : index
        %get3A_1022 = tpu.vector_load %arg13[%get3A_1020, %get3A_1021] {strides = array<i32>} : memref<8x128xf32, #tpu.memory_space<vmem>>, vector<1x16xf32>,
        %get3A_1023 = vector.shape_cast %get3A_1022 : vector<1x16xf32> to vector<16xf32>
        %add3A_1024 = arith.addf %mul3A_1019, %get3A_1023 : vector<16xf32>
        %swap3A_1025 = arith.index_cast %scan3A_972 : i32 to index
        %swap3A_1026 = arith.constant 48 : index
        %swap3A_1027 = tpu.vector_load %arg16[%swap3A_1025, %swap3A_1026] {strides = array<i32>} : memref<8x128xf32, #tpu.memory_space<vmem>>, vector<1x16xf32>,
        %swap3A_1028 = vector.shape_cast %swap3A_1027 : vector<1x16xf32> to vector<16xf32>
        %swap3A_1029 = vector.shape_cast %add3A_1024 : vector<16xf32> to vector<1x16xf32>
        tpu.vector_store %arg16[%swap3A_1025, %swap3A_1026], %swap3A_1029 {strides = array<i32>} : memref<8x128xf32, #tpu.memory_space<vmem>>, vector<1x16xf32>,
        %mul3A_1030 = arith.constant 3.125000e-02 : f32
        %mul3A_1031 = vector.broadcast %mul3A_1030 : f32 to vector<16xf32>
        %mul3A_1032 = arith.mulf %scan3A_978#4, %mul3A_1031 : vector<16xf32>
        %get3A_1033 = arith.index_cast %scan3A_972 : i32 to index
        %get3A_1034 = arith.constant 64 : index
        %get3A_1035 = tpu.vector_load %arg13[%get3A_1033, %get3A_1034] {strides = array<i32>} : memref<8x128xf32, #tpu.memory_space<vmem>>, vector<1x16xf32>,
        %get3A_1036 = vector.shape_cast %get3A_1035 : vector<1x16xf32> to vector<16xf32>
        %add3A_1037 = arith.addf %mul3A_1032, %get3A_1036 : vector<16xf32>
        %swap3A_1038 = arith.index_cast %scan3A_972 : i32 to index
        %swap3A_1039 = arith.constant 64 : index
        %swap3A_1040 = tpu.vector_load %arg16[%swap3A_1038, %swap3A_1039] {strides = array<i32>} : memref<8x128xf32, #tpu.memory_space<vmem>>, vector<1x16xf32>,
        %swap3A_1041 = vector.shape_cast %swap3A_1040 : vector<1x16xf32> to vector<16xf32>
        %swap3A_1042 = vector.shape_cast %add3A_1037 : vector<16xf32> to vector<1x16xf32>
        tpu.vector_store %arg16[%swap3A_1038, %swap3A_1039], %swap3A_1042 {strides = array<i32>} : memref<8x128xf32, #tpu.memory_space<vmem>>, vector<1x16xf32>,
        %mul3A_1043 = arith.constant 3.125000e-02 : f32
        %mul3A_1044 = vector.broadcast %mul3A_1043 : f32 to vector<16xf32>
        %mul3A_1045 = arith.mulf %scan3A_978#5, %mul3A_1044 : vector<16xf32>
        %get3A_1046 = arith.index_cast %scan3A_972 : i32 to index
        %get3A_1047 = arith.constant 80 : index
        %get3A_1048 = tpu.vector_load %arg13[%get3A_1046, %get3A_1047] {strides = array<i32>} : memref<8x128xf32, #tpu.memory_space<vmem>>, vector<1x16xf32>,
        %get3A_1049 = vector.shape_cast %get3A_1048 : vector<1x16xf32> to vector<16xf32>
        %add3A_1050 = arith.addf %mul3A_1045, %get3A_1049 : vector<16xf32>
        %swap3A_1051 = arith.index_cast %scan3A_972 : i32 to index
        %swap3A_1052 = arith.constant 80 : index
        %swap3A_1053 = tpu.vector_load %arg16[%swap3A_1051, %swap3A_1052] {strides = array<i32>} : memref<8x128xf32, #tpu.memory_space<vmem>>, vector<1x16xf32>,
        %swap3A_1054 = vector.shape_cast %swap3A_1053 : vector<1x16xf32> to vector<16xf32>
        %swap3A_1055 = vector.shape_cast %add3A_1050 : vector<16xf32> to vector<1x16xf32>
        tpu.vector_store %arg16[%swap3A_1051, %swap3A_1052], %swap3A_1055 {strides = array<i32>} : memref<8x128xf32, #tpu.memory_space<vmem>>, vector<1x16xf32>,
        %mul3A_1056 = arith.constant 3.125000e-02 : f32
        %mul3A_1057 = vector.broadcast %mul3A_1056 : f32 to vector<16xf32>
        %mul3A_1058 = arith.mulf %scan3A_978#6, %mul3A_1057 : vector<16xf32>
        %get3A_1059 = arith.index_cast %scan3A_972 : i32 to index
        %get3A_1060 = arith.constant 96 : index
        %get3A_1061 = tpu.vector_load %arg13[%get3A_1059, %get3A_1060] {strides = array<i32>} : memref<8x128xf32, #tpu.memory_space<vmem>>, vector<1x16xf32>,
        %get3A_1062 = vector.shape_cast %get3A_1061 : vector<1x16xf32> to vector<16xf32>
        %add3A_1063 = arith.addf %mul3A_1058, %get3A_1062 : vector<16xf32>
        %swap3A_1064 = arith.index_cast %scan3A_972 : i32 to index
        %swap3A_1065 = arith.constant 96 : index
        %swap3A_1066 = tpu.vector_load %arg16[%swap3A_1064, %swap3A_1065] {strides = array<i32>} : memref<8x128xf32, #tpu.memory_space<vmem>>, vector<1x16xf32>,
        %swap3A_1067 = vector.shape_cast %swap3A_1066 : vector<1x16xf32> to vector<16xf32>
        %swap3A_1068 = vector.shape_cast %add3A_1063 : vector<16xf32> to vector<1x16xf32>
        tpu.vector_store %arg16[%swap3A_1064, %swap3A_1065], %swap3A_1068 {strides = array<i32>} : memref<8x128xf32, #tpu.memory_space<vmem>>, vector<1x16xf32>,
        %mul3A_1069 = arith.constant 3.125000e-02 : f32
        %mul3A_1070 = vector.broadcast %mul3A_1069 : f32 to vector<16xf32>
        %mul3A_1071 = arith.mulf %scan3A_978#7, %mul3A_1070 : vector<16xf32>
        %get3A_1072 = arith.index_cast %scan3A_972 : i32 to index
        %get3A_1073 = arith.constant 112 : index
        %get3A_1074 = tpu.vector_load %arg13[%get3A_1072, %get3A_1073] {strides = array<i32>} : memref<8x128xf32, #tpu.memory_space<vmem>>, vector<1x16xf32>,
        %get3A_1075 = vector.shape_cast %get3A_1074 : vector<1x16xf32> to vector<16xf32>
        %add3A_1076 = arith.addf %mul3A_1071, %get3A_1075 : vector<16xf32>
        %swap3A_1077 = arith.index_cast %scan3A_972 : i32 to index
        %swap3A_1078 = arith.constant 112 : index
        %swap3A_1079 = tpu.vector_load %arg16[%swap3A_1077, %swap3A_1078] {strides = array<i32>} : memref<8x128xf32, #tpu.memory_space<vmem>>, vector<1x16xf32>,
        %swap3A_1080 = vector.shape_cast %swap3A_1079 : vector<1x16xf32> to vector<16xf32>
        %swap3A_1081 = vector.shape_cast %add3A_1076 : vector<16xf32> to vector<1x16xf32>
        tpu.vector_store %arg16[%swap3A_1077, %swap3A_1078], %swap3A_1081 {strides = array<i32>} : memref<8x128xf32, #tpu.memory_space<vmem>>, vector<1x16xf32>,
      }
      %scan3A_957 = arith.constant 8 : i32
      %mul3A_958 = arith.constant 8 : i32
      %mul3A_959 = arith.muli %add3A_820, %mul3A_958 : i32
      %add3A_960 = arith.addi %mul3A_2, %mul3A_959 : i32
      %dma_start3A_961 = arith.constant 0 : i32
      %dma_start3A_962 = tpu.memref_slice %arg5[%add3A_960, %dma_start3A_961] : memref<16384x128xf32, #tpu.memory_space<hbm>> -> memref<8x128xf32, #tpu.memory_space<hbm>>
      %dma_start3A_963 = arith.constant 0 : i32
      %dma_start3A_964 = tpu.memref_slice %arg5[%add3A_960, %dma_start3A_963] : memref<16384x128xf32, #tpu.memory_space<hbm>> -> memref<8x128xf32, #tpu.memory_space<hbm>>
      tpu.enqueue_dma source(%arg16 : memref<8x128xf32, #tpu.memory_space<vmem>>) target(%dma_start3A_964 : memref<8x128xf32, #tpu.memory_space<hbm>>) target_semaphore(%arg23 : memref<!tpu.dma_semaphore, #tpu.memory_space<semaphore_mem>>)
      %add3A_965 = arith.constant 3 : i32
      %add3A_966 = arith.addi %add3A_820, %add3A_965 : i32
      %lt3A_967 = arith.constant 64 : i32
      %lt3A_968 = arith.cmpi slt, %add3A_966, %lt3A_967 : i32
      %convert_element_type3A_969 = arith.extui %lt3A_968 : i1 to i32
      %cond3A_970 = arith.constant 0 : i32
      %cond3A_971 = arith.cmpi ne, %convert_element_type3A_969, %cond3A_970 : i32
      scf.if %cond3A_971 {
        %add3A_972 = arith.constant 3 : i32
        %add3A_973 = arith.addi %add3A_820, %add3A_972 : i32
        %mul3A_974 = arith.constant 8 : i32
        %mul3A_975 = arith.muli %add3A_973, %mul3A_974 : i32
        %add3A_976 = arith.constant 0 : i32
        %add3A_977 = arith.addi %mul3A_975, %add3A_976 : i32
        %dma_start3A_978 = arith.constant 0 : i32
        %dma_start3A_979 = arith.constant 0 : i32
        %dma_start3A_980 = arith.constant 0 : i32
        %dma_start3A_981 = tpu.memref_slice %arg10[%dma_start3A_978, %dma_start3A_979, %dma_start3A_980] : memref<8x32x128xf32, #tpu.memory_space<vmem>> -> memref<1x32x128xf32, #tpu.memory_space<vmem>>
        %dma_start3A_982 = tpu.memref_squeeze %dma_start3A_981 : memref<1x32x128xf32, #tpu.memory_space<vmem>> -> memref<32x128xf32, #tpu.memory_space<vmem>>
        %dma_start3A_983 = arith.constant 0 : i32
        %dma_start3A_984 = tpu.memref_slice %arg7[%add3A_977, %dma_start3A_983] : memref<512x32xi32, #tpu.memory_space<vmem>> -> memref<1x32xi32, #tpu.memory_space<vmem>>
        %dma_start3A_985 = tpu.memref_squeeze %dma_start3A_984 : memref<1x32xi32, #tpu.memory_space<vmem>> -> memref<32xi32, #tpu.memory_space<vmem>>
        %dma_start3A_986 = arith.constant 0 : i32
        %dma_start3A_987 = arith.constant 0 : i32
        %dma_start3A_988 = tpu.memref_slice %arg4[%dma_start3A_986, %dma_start3A_987] : memref<100000x128xf32, #tpu.memory_space<hbm>> -> memref<100000x128xf32, #tpu.memory_space<hbm>>
        tpu.enqueue_indirect_dma source(%dma_start3A_988 : memref<100000x128xf32, #tpu.memory_space<hbm>>) target(%dma_start3A_982 : memref<32x128xf32, #tpu.memory_space<vmem>>) offsets(%dma_start3A_985 : memref<32xi32, #tpu.memory_space<vmem>>) semaphore(%arg20 : memref<!tpu.dma_semaphore, #tpu.memory_space<semaphore_mem>>)
        %mul3A_989 = arith.constant 8 : i32
        %mul3A_990 = arith.muli %add3A_973, %mul3A_989 : i32
        %add3A_991 = arith.constant 1 : i32
        %add3A_992 = arith.addi %mul3A_990, %add3A_991 : i32
        %dma_start3A_993 = arith.constant 1 : i32
        %dma_start3A_994 = arith.constant 0 : i32
        %dma_start3A_995 = arith.constant 0 : i32
        %dma_start3A_996 = tpu.memref_slice %arg10[%dma_start3A_993, %dma_start3A_994, %dma_start3A_995] : memref<8x32x128xf32, #tpu.memory_space<vmem>> -> memref<1x32x128xf32, #tpu.memory_space<vmem>>
        %dma_start3A_997 = tpu.memref_squeeze %dma_start3A_996 : memref<1x32x128xf32, #tpu.memory_space<vmem>> -> memref<32x128xf32, #tpu.memory_space<vmem>>
        %dma_start3A_998 = arith.constant 0 : i32
        %dma_start3A_999 = tpu.memref_slice %arg7[%add3A_992, %dma_start3A_998] : memref<512x32xi32, #tpu.memory_space<vmem>> -> memref<1x32xi32, #tpu.memory_space<vmem>>
        %dma_start3A_1000 = tpu.memref_squeeze %dma_start3A_999 : memref<1x32xi32, #tpu.memory_space<vmem>> -> memref<32xi32, #tpu.memory_space<vmem>>
        %dma_start3A_1001 = arith.constant 0 : i32
        %dma_start3A_1002 = arith.constant 0 : i32
        %dma_start3A_1003 = tpu.memref_slice %arg4[%dma_start3A_1001, %dma_start3A_1002] : memref<100000x128xf32, #tpu.memory_space<hbm>> -> memref<100000x128xf32, #tpu.memory_space<hbm>>
        tpu.enqueue_indirect_dma source(%dma_start3A_1003 : memref<100000x128xf32, #tpu.memory_space<hbm>>) target(%dma_start3A_997 : memref<32x128xf32, #tpu.memory_space<vmem>>) offsets(%dma_start3A_1000 : memref<32xi32, #tpu.memory_space<vmem>>) semaphore(%arg20 : memref<!tpu.dma_semaphore, #tpu.memory_space<semaphore_mem>>)
        %mul3A_1004 = arith.constant 8 : i32
        %mul3A_1005 = arith.muli %add3A_973, %mul3A_1004 : i32
        %add3A_1006 = arith.constant 2 : i32
        %add3A_1007 = arith.addi %mul3A_1005, %add3A_1006 : i32
        %dma_start3A_1008 = arith.constant 2 : i32
        %dma_start3A_1009 = arith.constant 0 : i32
        %dma_start3A_1010 = arith.constant 0 : i32
        %dma_start3A_1011 = tpu.memref_slice %arg10[%dma_start3A_1008, %dma_start3A_1009, %dma_start3A_1010] : memref<8x32x128xf32, #tpu.memory_space<vmem>> -> memref<1x32x128xf32, #tpu.memory_space<vmem>>
        %dma_start3A_1012 = tpu.memref_squeeze %dma_start3A_1011 : memref<1x32x128xf32, #tpu.memory_space<vmem>> -> memref<32x128xf32, #tpu.memory_space<vmem>>
        %dma_start3A_1013 = arith.constant 0 : i32
        %dma_start3A_1014 = tpu.memref_slice %arg7[%add3A_1007, %dma_start3A_1013] : memref<512x32xi32, #tpu.memory_space<vmem>> -> memref<1x32xi32, #tpu.memory_space<vmem>>
        %dma_start3A_1015 = tpu.memref_squeeze %dma_start3A_1014 : memref<1x32xi32, #tpu.memory_space<vmem>> -> memref<32xi32, #tpu.memory_space<vmem>>
        %dma_start3A_1016 = arith.constant 0 : i32
        %dma_start3A_1017 = arith.constant 0 : i32
        %dma_start3A_1018 = tpu.memref_slice %arg4[%dma_start3A_1016, %dma_start3A_1017] : memref<100000x128xf32, #tpu.memory_space<hbm>> -> memref<100000x128xf32, #tpu.memory_space<hbm>>
        tpu.enqueue_indirect_dma source(%dma_start3A_1018 : memref<100000x128xf32, #tpu.memory_space<hbm>>) target(%dma_start3A_1012 : memref<32x128xf32, #tpu.memory_space<vmem>>) offsets(%dma_start3A_1015 : memref<32xi32, #tpu.memory_space<vmem>>) semaphore(%arg20 : memref<!tpu.dma_semaphore, #tpu.memory_space<semaphore_mem>>)
        %mul3A_1019 = arith.constant 8 : i32
        %mul3A_1020 = arith.muli %add3A_973, %mul3A_1019 : i32
        %add3A_1021 = arith.constant 3 : i32
        %add3A_1022 = arith.addi %mul3A_1020, %add3A_1021 : i32
        %dma_start3A_1023 = arith.constant 3 : i32
        %dma_start3A_1024 = arith.constant 0 : i32
        %dma_start3A_1025 = arith.constant 0 : i32
        %dma_start3A_1026 = tpu.memref_slice %arg10[%dma_start3A_1023, %dma_start3A_1024, %dma_start3A_1025] : memref<8x32x128xf32, #tpu.memory_space<vmem>> -> memref<1x32x128xf32, #tpu.memory_space<vmem>>
        %dma_start3A_1027 = tpu.memref_squeeze %dma_start3A_1026 : memref<1x32x128xf32, #tpu.memory_space<vmem>> -> memref<32x128xf32, #tpu.memory_space<vmem>>
        %dma_start3A_1028 = arith.constant 0 : i32
        %dma_start3A_1029 = tpu.memref_slice %arg7[%add3A_1022, %dma_start3A_1028] : memref<512x32xi32, #tpu.memory_space<vmem>> -> memref<1x32xi32, #tpu.memory_space<vmem>>
        %dma_start3A_1030 = tpu.memref_squeeze %dma_start3A_1029 : memref<1x32xi32, #tpu.memory_space<vmem>> -> memref<32xi32, #tpu.memory_space<vmem>>
        %dma_start3A_1031 = arith.constant 0 : i32
        %dma_start3A_1032 = arith.constant 0 : i32
        %dma_start3A_1033 = tpu.memref_slice %arg4[%dma_start3A_1031, %dma_start3A_1032] : memref<100000x128xf32, #tpu.memory_space<hbm>> -> memref<100000x128xf32, #tpu.memory_space<hbm>>
        tpu.enqueue_indirect_dma source(%dma_start3A_1033 : memref<100000x128xf32, #tpu.memory_space<hbm>>) target(%dma_start3A_1027 : memref<32x128xf32, #tpu.memory_space<vmem>>) offsets(%dma_start3A_1030 : memref<32xi32, #tpu.memory_space<vmem>>) semaphore(%arg20 : memref<!tpu.dma_semaphore, #tpu.memory_space<semaphore_mem>>)
        %mul3A_1034 = arith.constant 8 : i32
        %mul3A_1035 = arith.muli %add3A_973, %mul3A_1034 : i32
        %add3A_1036 = arith.constant 4 : i32
        %add3A_1037 = arith.addi %mul3A_1035, %add3A_1036 : i32
        %dma_start3A_1038 = arith.constant 4 : i32
        %dma_start3A_1039 = arith.constant 0 : i32
        %dma_start3A_1040 = arith.constant 0 : i32
        %dma_start3A_1041 = tpu.memref_slice %arg10[%dma_start3A_1038, %dma_start3A_1039, %dma_start3A_1040] : memref<8x32x128xf32, #tpu.memory_space<vmem>> -> memref<1x32x128xf32, #tpu.memory_space<vmem>>
        %dma_start3A_1042 = tpu.memref_squeeze %dma_start3A_1041 : memref<1x32x128xf32, #tpu.memory_space<vmem>> -> memref<32x128xf32, #tpu.memory_space<vmem>>
        %dma_start3A_1043 = arith.constant 0 : i32
        %dma_start3A_1044 = tpu.memref_slice %arg7[%add3A_1037, %dma_start3A_1043] : memref<512x32xi32, #tpu.memory_space<vmem>> -> memref<1x32xi32, #tpu.memory_space<vmem>>
        %dma_start3A_1045 = tpu.memref_squeeze %dma_start3A_1044 : memref<1x32xi32, #tpu.memory_space<vmem>> -> memref<32xi32, #tpu.memory_space<vmem>>
        %dma_start3A_1046 = arith.constant 0 : i32
        %dma_start3A_1047 = arith.constant 0 : i32
        %dma_start3A_1048 = tpu.memref_slice %arg4[%dma_start3A_1046, %dma_start3A_1047] : memref<100000x128xf32, #tpu.memory_space<hbm>> -> memref<100000x128xf32, #tpu.memory_space<hbm>>
        tpu.enqueue_indirect_dma source(%dma_start3A_1048 : memref<100000x128xf32, #tpu.memory_space<hbm>>) target(%dma_start3A_1042 : memref<32x128xf32, #tpu.memory_space<vmem>>) offsets(%dma_start3A_1045 : memref<32xi32, #tpu.memory_space<vmem>>) semaphore(%arg20 : memref<!tpu.dma_semaphore, #tpu.memory_space<semaphore_mem>>)
        %mul3A_1049 = arith.constant 8 : i32
        %mul3A_1050 = arith.muli %add3A_973, %mul3A_1049 : i32
        %add3A_1051 = arith.constant 5 : i32
        %add3A_1052 = arith.addi %mul3A_1050, %add3A_1051 : i32
        %dma_start3A_1053 = arith.constant 5 : i32
        %dma_start3A_1054 = arith.constant 0 : i32
        %dma_start3A_1055 = arith.constant 0 : i32
        %dma_start3A_1056 = tpu.memref_slice %arg10[%dma_start3A_1053, %dma_start3A_1054, %dma_start3A_1055] : memref<8x32x128xf32, #tpu.memory_space<vmem>> -> memref<1x32x128xf32, #tpu.memory_space<vmem>>
        %dma_start3A_1057 = tpu.memref_squeeze %dma_start3A_1056 : memref<1x32x128xf32, #tpu.memory_space<vmem>> -> memref<32x128xf32, #tpu.memory_space<vmem>>
        %dma_start3A_1058 = arith.constant 0 : i32
        %dma_start3A_1059 = tpu.memref_slice %arg7[%add3A_1052, %dma_start3A_1058] : memref<512x32xi32, #tpu.memory_space<vmem>> -> memref<1x32xi32, #tpu.memory_space<vmem>>
        %dma_start3A_1060 = tpu.memref_squeeze %dma_start3A_1059 : memref<1x32xi32, #tpu.memory_space<vmem>> -> memref<32xi32, #tpu.memory_space<vmem>>
        %dma_start3A_1061 = arith.constant 0 : i32
        %dma_start3A_1062 = arith.constant 0 : i32
        %dma_start3A_1063 = tpu.memref_slice %arg4[%dma_start3A_1061, %dma_start3A_1062] : memref<100000x128xf32, #tpu.memory_space<hbm>> -> memref<100000x128xf32, #tpu.memory_space<hbm>>
        tpu.enqueue_indirect_dma source(%dma_start3A_1063 : memref<100000x128xf32, #tpu.memory_space<hbm>>) target(%dma_start3A_1057 : memref<32x128xf32, #tpu.memory_space<vmem>>) offsets(%dma_start3A_1060 : memref<32xi32, #tpu.memory_space<vmem>>) semaphore(%arg20 : memref<!tpu.dma_semaphore, #tpu.memory_space<semaphore_mem>>)
        %mul3A_1064 = arith.constant 8 : i32
        %mul3A_1065 = arith.muli %add3A_973, %mul3A_1064 : i32
        %add3A_1066 = arith.constant 6 : i32
        %add3A_1067 = arith.addi %mul3A_1065, %add3A_1066 : i32
        %dma_start3A_1068 = arith.constant 6 : i32
        %dma_start3A_1069 = arith.constant 0 : i32
        %dma_start3A_1070 = arith.constant 0 : i32
        %dma_start3A_1071 = tpu.memref_slice %arg10[%dma_start3A_1068, %dma_start3A_1069, %dma_start3A_1070] : memref<8x32x128xf32, #tpu.memory_space<vmem>> -> memref<1x32x128xf32, #tpu.memory_space<vmem>>
        %dma_start3A_1072 = tpu.memref_squeeze %dma_start3A_1071 : memref<1x32x128xf32, #tpu.memory_space<vmem>> -> memref<32x128xf32, #tpu.memory_space<vmem>>
        %dma_start3A_1073 = arith.constant 0 : i32
        %dma_start3A_1074 = tpu.memref_slice %arg7[%add3A_1067, %dma_start3A_1073] : memref<512x32xi32, #tpu.memory_space<vmem>> -> memref<1x32xi32, #tpu.memory_space<vmem>>
        %dma_start3A_1075 = tpu.memref_squeeze %dma_start3A_1074 : memref<1x32xi32, #tpu.memory_space<vmem>> -> memref<32xi32, #tpu.memory_space<vmem>>
        %dma_start3A_1076 = arith.constant 0 : i32
        %dma_start3A_1077 = arith.constant 0 : i32
        %dma_start3A_1078 = tpu.memref_slice %arg4[%dma_start3A_1076, %dma_start3A_1077] : memref<100000x128xf32, #tpu.memory_space<hbm>> -> memref<100000x128xf32, #tpu.memory_space<hbm>>
        tpu.enqueue_indirect_dma source(%dma_start3A_1078 : memref<100000x128xf32, #tpu.memory_space<hbm>>) target(%dma_start3A_1072 : memref<32x128xf32, #tpu.memory_space<vmem>>) offsets(%dma_start3A_1075 : memref<32xi32, #tpu.memory_space<vmem>>) semaphore(%arg20 : memref<!tpu.dma_semaphore, #tpu.memory_space<semaphore_mem>>)
        %mul3A_1079 = arith.constant 8 : i32
        %mul3A_1080 = arith.muli %add3A_973, %mul3A_1079 : i32
        %add3A_1081 = arith.constant 7 : i32
        %add3A_1082 = arith.addi %mul3A_1080, %add3A_1081 : i32
        %dma_start3A_1083 = arith.constant 7 : i32
        %dma_start3A_1084 = arith.constant 0 : i32
        %dma_start3A_1085 = arith.constant 0 : i32
        %dma_start3A_1086 = tpu.memref_slice %arg10[%dma_start3A_1083, %dma_start3A_1084, %dma_start3A_1085] : memref<8x32x128xf32, #tpu.memory_space<vmem>> -> memref<1x32x128xf32, #tpu.memory_space<vmem>>
        %dma_start3A_1087 = tpu.memref_squeeze %dma_start3A_1086 : memref<1x32x128xf32, #tpu.memory_space<vmem>> -> memref<32x128xf32, #tpu.memory_space<vmem>>
        %dma_start3A_1088 = arith.constant 0 : i32
        %dma_start3A_1089 = tpu.memref_slice %arg7[%add3A_1082, %dma_start3A_1088] : memref<512x32xi32, #tpu.memory_space<vmem>> -> memref<1x32xi32, #tpu.memory_space<vmem>>
        %dma_start3A_1090 = tpu.memref_squeeze %dma_start3A_1089 : memref<1x32xi32, #tpu.memory_space<vmem>> -> memref<32xi32, #tpu.memory_space<vmem>>
        %dma_start3A_1091 = arith.constant 0 : i32
        %dma_start3A_1092 = arith.constant 0 : i32
        %dma_start3A_1093 = tpu.memref_slice %arg4[%dma_start3A_1091, %dma_start3A_1092] : memref<100000x128xf32, #tpu.memory_space<hbm>> -> memref<100000x128xf32, #tpu.memory_space<hbm>>
        tpu.enqueue_indirect_dma source(%dma_start3A_1093 : memref<100000x128xf32, #tpu.memory_space<hbm>>) target(%dma_start3A_1087 : memref<32x128xf32, #tpu.memory_space<vmem>>) offsets(%dma_start3A_1090 : memref<32xi32, #tpu.memory_space<vmem>>) semaphore(%arg20 : memref<!tpu.dma_semaphore, #tpu.memory_space<semaphore_mem>>)
        %mul3A_1094 = arith.constant 8 : i32
        %mul3A_1095 = arith.muli %add3A_973, %mul3A_1094 : i32
        %dma_start3A_1096 = tpu.memref_slice %arg6[%mul3A_1095] : memref<512xi32, #tpu.memory_space<vmem>> -> memref<8xi32, #tpu.memory_space<vmem>>
        %dma_start3A_1097 = arith.constant 0 : i32
        %dma_start3A_1098 = arith.constant 0 : i32
        %dma_start3A_1099 = tpu.memref_slice %arg4[%dma_start3A_1097, %dma_start3A_1098] : memref<100000x128xf32, #tpu.memory_space<hbm>> -> memref<100000x128xf32, #tpu.memory_space<hbm>>
        tpu.enqueue_indirect_dma source(%dma_start3A_1099 : memref<100000x128xf32, #tpu.memory_space<hbm>>) target(%arg13 : memref<8x128xf32, #tpu.memory_space<vmem>>) offsets(%dma_start3A_1096 : memref<8xi32, #tpu.memory_space<vmem>>) semaphore(%arg20 : memref<!tpu.dma_semaphore, #tpu.memory_space<semaphore_mem>>)
      } else {
      }
    }
    %scan3A_372 = arith.constant 21 : i32
    %add3A_373 = arith.constant 480 : i32
    %add3A_374 = arith.addi %mul3A_2, %add3A_373 : i32
    %dma_wait3A_375 = arith.constant 0 : i32
    %dma_wait3A_376 = tpu.memref_slice %arg5[%add3A_374, %dma_wait3A_375] : memref<16384x128xf32, #tpu.memory_space<hbm>> -> memref<8x128xf32, #tpu.memory_space<hbm>>
    %dma_wait3A_377 = arith.constant 0 : i32
    %dma_wait3A_378 = tpu.memref_slice %arg5[%add3A_374, %dma_wait3A_377] : memref<16384x128xf32, #tpu.memory_space<hbm>> -> memref<8x128xf32, #tpu.memory_space<hbm>>
    tpu.wait_dma2 semaphore(%arg21 : memref<!tpu.dma_semaphore, #tpu.memory_space<semaphore_mem>>) src(%arg14 : memref<8x128xf32, #tpu.memory_space<vmem>>) dst(%dma_wait3A_378 : memref<8x128xf32, #tpu.memory_space<hbm>>)
    %dma_wait3A_379 = arith.constant 504 : i32
    %dma_wait3A_380 = arith.constant 0 : i32
    %dma_wait3A_381 = arith.constant 0 : i32
    %dma_wait3A_382 = arith.constant 0 : i32
    %dma_wait3A_383 = tpu.memref_slice %arg8[%dma_wait3A_380, %dma_wait3A_381, %dma_wait3A_382] : memref<8x32x128xf32, #tpu.memory_space<vmem>> -> memref<1x32x128xf32, #tpu.memory_space<vmem>>
    %dma_wait3A_384 = tpu.memref_squeeze %dma_wait3A_383 : memref<1x32x128xf32, #tpu.memory_space<vmem>> -> memref<32x128xf32, #tpu.memory_space<vmem>>
    %dma_wait3A_385 = arith.constant 0 : i32
    %dma_wait3A_386 = tpu.memref_slice %arg7[%dma_wait3A_379, %dma_wait3A_385] : memref<512x32xi32, #tpu.memory_space<vmem>> -> memref<1x32xi32, #tpu.memory_space<vmem>>
    %dma_wait3A_387 = tpu.memref_squeeze %dma_wait3A_386 : memref<1x32xi32, #tpu.memory_space<vmem>> -> memref<32xi32, #tpu.memory_space<vmem>>
    %dma_wait3A_388 = arith.constant 0 : i32
    %dma_wait3A_389 = arith.constant 0 : i32
    %dma_wait3A_390 = tpu.memref_slice %arg4[%dma_wait3A_388, %dma_wait3A_389] : memref<100000x128xf32, #tpu.memory_space<hbm>> -> memref<100000x128xf32, #tpu.memory_space<hbm>>
    tpu.wait_indirect_dma semaphore(%arg18 : memref<!tpu.dma_semaphore, #tpu.memory_space<semaphore_mem>>) src(%dma_wait3A_390 : memref<100000x128xf32, #tpu.memory_space<hbm>>) dst(%dma_wait3A_384 : memref<32x128xf32, #tpu.memory_space<vmem>>)
    %dma_wait3A_391 = arith.constant 505 : i32
    %dma_wait3A_392 = arith.constant 1 : i32
    %dma_wait3A_393 = arith.constant 0 : i32
    %dma_wait3A_394 = arith.constant 0 : i32
    %dma_wait3A_395 = tpu.memref_slice %arg8[%dma_wait3A_392, %dma_wait3A_393, %dma_wait3A_394] : memref<8x32x128xf32, #tpu.memory_space<vmem>> -> memref<1x32x128xf32, #tpu.memory_space<vmem>>
    %dma_wait3A_396 = tpu.memref_squeeze %dma_wait3A_395 : memref<1x32x128xf32, #tpu.memory_space<vmem>> -> memref<32x128xf32, #tpu.memory_space<vmem>>
    %dma_wait3A_397 = arith.constant 0 : i32
    %dma_wait3A_398 = tpu.memref_slice %arg7[%dma_wait3A_391, %dma_wait3A_397] : memref<512x32xi32, #tpu.memory_space<vmem>> -> memref<1x32xi32, #tpu.memory_space<vmem>>
    %dma_wait3A_399 = tpu.memref_squeeze %dma_wait3A_398 : memref<1x32xi32, #tpu.memory_space<vmem>> -> memref<32xi32, #tpu.memory_space<vmem>>
    %dma_wait3A_400 = arith.constant 0 : i32
    %dma_wait3A_401 = arith.constant 0 : i32
    %dma_wait3A_402 = tpu.memref_slice %arg4[%dma_wait3A_400, %dma_wait3A_401] : memref<100000x128xf32, #tpu.memory_space<hbm>> -> memref<100000x128xf32, #tpu.memory_space<hbm>>
    tpu.wait_indirect_dma semaphore(%arg18 : memref<!tpu.dma_semaphore, #tpu.memory_space<semaphore_mem>>) src(%dma_wait3A_402 : memref<100000x128xf32, #tpu.memory_space<hbm>>) dst(%dma_wait3A_396 : memref<32x128xf32, #tpu.memory_space<vmem>>)
    %dma_wait3A_403 = arith.constant 506 : i32
    %dma_wait3A_404 = arith.constant 2 : i32
    %dma_wait3A_405 = arith.constant 0 : i32
    %dma_wait3A_406 = arith.constant 0 : i32
    %dma_wait3A_407 = tpu.memref_slice %arg8[%dma_wait3A_404, %dma_wait3A_405, %dma_wait3A_406] : memref<8x32x128xf32, #tpu.memory_space<vmem>> -> memref<1x32x128xf32, #tpu.memory_space<vmem>>
    %dma_wait3A_408 = tpu.memref_squeeze %dma_wait3A_407 : memref<1x32x128xf32, #tpu.memory_space<vmem>> -> memref<32x128xf32, #tpu.memory_space<vmem>>
    %dma_wait3A_409 = arith.constant 0 : i32
    %dma_wait3A_410 = tpu.memref_slice %arg7[%dma_wait3A_403, %dma_wait3A_409] : memref<512x32xi32, #tpu.memory_space<vmem>> -> memref<1x32xi32, #tpu.memory_space<vmem>>
    %dma_wait3A_411 = tpu.memref_squeeze %dma_wait3A_410 : memref<1x32xi32, #tpu.memory_space<vmem>> -> memref<32xi32, #tpu.memory_space<vmem>>
    %dma_wait3A_412 = arith.constant 0 : i32
    %dma_wait3A_413 = arith.constant 0 : i32
    %dma_wait3A_414 = tpu.memref_slice %arg4[%dma_wait3A_412, %dma_wait3A_413] : memref<100000x128xf32, #tpu.memory_space<hbm>> -> memref<100000x128xf32, #tpu.memory_space<hbm>>
    tpu.wait_indirect_dma semaphore(%arg18 : memref<!tpu.dma_semaphore, #tpu.memory_space<semaphore_mem>>) src(%dma_wait3A_414 : memref<100000x128xf32, #tpu.memory_space<hbm>>) dst(%dma_wait3A_408 : memref<32x128xf32, #tpu.memory_space<vmem>>)
    %dma_wait3A_415 = arith.constant 507 : i32
    %dma_wait3A_416 = arith.constant 3 : i32
    %dma_wait3A_417 = arith.constant 0 : i32
    %dma_wait3A_418 = arith.constant 0 : i32
    %dma_wait3A_419 = tpu.memref_slice %arg8[%dma_wait3A_416, %dma_wait3A_417, %dma_wait3A_418] : memref<8x32x128xf32, #tpu.memory_space<vmem>> -> memref<1x32x128xf32, #tpu.memory_space<vmem>>
    %dma_wait3A_420 = tpu.memref_squeeze %dma_wait3A_419 : memref<1x32x128xf32, #tpu.memory_space<vmem>> -> memref<32x128xf32, #tpu.memory_space<vmem>>
    %dma_wait3A_421 = arith.constant 0 : i32
    %dma_wait3A_422 = tpu.memref_slice %arg7[%dma_wait3A_415, %dma_wait3A_421] : memref<512x32xi32, #tpu.memory_space<vmem>> -> memref<1x32xi32, #tpu.memory_space<vmem>>
    %dma_wait3A_423 = tpu.memref_squeeze %dma_wait3A_422 : memref<1x32xi32, #tpu.memory_space<vmem>> -> memref<32xi32, #tpu.memory_space<vmem>>
    %dma_wait3A_424 = arith.constant 0 : i32
    %dma_wait3A_425 = arith.constant 0 : i32
    %dma_wait3A_426 = tpu.memref_slice %arg4[%dma_wait3A_424, %dma_wait3A_425] : memref<100000x128xf32, #tpu.memory_space<hbm>> -> memref<100000x128xf32, #tpu.memory_space<hbm>>
    tpu.wait_indirect_dma semaphore(%arg18 : memref<!tpu.dma_semaphore, #tpu.memory_space<semaphore_mem>>) src(%dma_wait3A_426 : memref<100000x128xf32, #tpu.memory_space<hbm>>) dst(%dma_wait3A_420 : memref<32x128xf32, #tpu.memory_space<vmem>>)
    %dma_wait3A_427 = arith.constant 508 : i32
    %dma_wait3A_428 = arith.constant 4 : i32
    %dma_wait3A_429 = arith.constant 0 : i32
    %dma_wait3A_430 = arith.constant 0 : i32
    %dma_wait3A_431 = tpu.memref_slice %arg8[%dma_wait3A_428, %dma_wait3A_429, %dma_wait3A_430] : memref<8x32x128xf32, #tpu.memory_space<vmem>> -> memref<1x32x128xf32, #tpu.memory_space<vmem>>
    %dma_wait3A_432 = tpu.memref_squeeze %dma_wait3A_431 : memref<1x32x128xf32, #tpu.memory_space<vmem>> -> memref<32x128xf32, #tpu.memory_space<vmem>>
    %dma_wait3A_433 = arith.constant 0 : i32
    %dma_wait3A_434 = tpu.memref_slice %arg7[%dma_wait3A_427, %dma_wait3A_433] : memref<512x32xi32, #tpu.memory_space<vmem>> -> memref<1x32xi32, #tpu.memory_space<vmem>>
    %dma_wait3A_435 = tpu.memref_squeeze %dma_wait3A_434 : memref<1x32xi32, #tpu.memory_space<vmem>> -> memref<32xi32, #tpu.memory_space<vmem>>
    %dma_wait3A_436 = arith.constant 0 : i32
    %dma_wait3A_437 = arith.constant 0 : i32
    %dma_wait3A_438 = tpu.memref_slice %arg4[%dma_wait3A_436, %dma_wait3A_437] : memref<100000x128xf32, #tpu.memory_space<hbm>> -> memref<100000x128xf32, #tpu.memory_space<hbm>>
    tpu.wait_indirect_dma semaphore(%arg18 : memref<!tpu.dma_semaphore, #tpu.memory_space<semaphore_mem>>) src(%dma_wait3A_438 : memref<100000x128xf32, #tpu.memory_space<hbm>>) dst(%dma_wait3A_432 : memref<32x128xf32, #tpu.memory_space<vmem>>)
    %dma_wait3A_439 = arith.constant 509 : i32
    %dma_wait3A_440 = arith.constant 5 : i32
    %dma_wait3A_441 = arith.constant 0 : i32
    %dma_wait3A_442 = arith.constant 0 : i32
    %dma_wait3A_443 = tpu.memref_slice %arg8[%dma_wait3A_440, %dma_wait3A_441, %dma_wait3A_442] : memref<8x32x128xf32, #tpu.memory_space<vmem>> -> memref<1x32x128xf32, #tpu.memory_space<vmem>>
    %dma_wait3A_444 = tpu.memref_squeeze %dma_wait3A_443 : memref<1x32x128xf32, #tpu.memory_space<vmem>> -> memref<32x128xf32, #tpu.memory_space<vmem>>
    %dma_wait3A_445 = arith.constant 0 : i32
    %dma_wait3A_446 = tpu.memref_slice %arg7[%dma_wait3A_439, %dma_wait3A_445] : memref<512x32xi32, #tpu.memory_space<vmem>> -> memref<1x32xi32, #tpu.memory_space<vmem>>
    %dma_wait3A_447 = tpu.memref_squeeze %dma_wait3A_446 : memref<1x32xi32, #tpu.memory_space<vmem>> -> memref<32xi32, #tpu.memory_space<vmem>>
    %dma_wait3A_448 = arith.constant 0 : i32
    %dma_wait3A_449 = arith.constant 0 : i32
    %dma_wait3A_450 = tpu.memref_slice %arg4[%dma_wait3A_448, %dma_wait3A_449] : memref<100000x128xf32, #tpu.memory_space<hbm>> -> memref<100000x128xf32, #tpu.memory_space<hbm>>
    tpu.wait_indirect_dma semaphore(%arg18 : memref<!tpu.dma_semaphore, #tpu.memory_space<semaphore_mem>>) src(%dma_wait3A_450 : memref<100000x128xf32, #tpu.memory_space<hbm>>) dst(%dma_wait3A_444 : memref<32x128xf32, #tpu.memory_space<vmem>>)
    %dma_wait3A_451 = arith.constant 510 : i32
    %dma_wait3A_452 = arith.constant 6 : i32
    %dma_wait3A_453 = arith.constant 0 : i32
    %dma_wait3A_454 = arith.constant 0 : i32
    %dma_wait3A_455 = tpu.memref_slice %arg8[%dma_wait3A_452, %dma_wait3A_453, %dma_wait3A_454] : memref<8x32x128xf32, #tpu.memory_space<vmem>> -> memref<1x32x128xf32, #tpu.memory_space<vmem>>
    %dma_wait3A_456 = tpu.memref_squeeze %dma_wait3A_455 : memref<1x32x128xf32, #tpu.memory_space<vmem>> -> memref<32x128xf32, #tpu.memory_space<vmem>>
    %dma_wait3A_457 = arith.constant 0 : i32
    %dma_wait3A_458 = tpu.memref_slice %arg7[%dma_wait3A_451, %dma_wait3A_457] : memref<512x32xi32, #tpu.memory_space<vmem>> -> memref<1x32xi32, #tpu.memory_space<vmem>>
    %dma_wait3A_459 = tpu.memref_squeeze %dma_wait3A_458 : memref<1x32xi32, #tpu.memory_space<vmem>> -> memref<32xi32, #tpu.memory_space<vmem>>
    %dma_wait3A_460 = arith.constant 0 : i32
    %dma_wait3A_461 = arith.constant 0 : i32
    %dma_wait3A_462 = tpu.memref_slice %arg4[%dma_wait3A_460, %dma_wait3A_461] : memref<100000x128xf32, #tpu.memory_space<hbm>> -> memref<100000x128xf32, #tpu.memory_space<hbm>>
    tpu.wait_indirect_dma semaphore(%arg18 : memref<!tpu.dma_semaphore, #tpu.memory_space<semaphore_mem>>) src(%dma_wait3A_462 : memref<100000x128xf32, #tpu.memory_space<hbm>>) dst(%dma_wait3A_456 : memref<32x128xf32, #tpu.memory_space<vmem>>)
    %dma_wait3A_463 = arith.constant 511 : i32
    %dma_wait3A_464 = arith.constant 7 : i32
    %dma_wait3A_465 = arith.constant 0 : i32
    %dma_wait3A_466 = arith.constant 0 : i32
    %dma_wait3A_467 = tpu.memref_slice %arg8[%dma_wait3A_464, %dma_wait3A_465, %dma_wait3A_466] : memref<8x32x128xf32, #tpu.memory_space<vmem>> -> memref<1x32x128xf32, #tpu.memory_space<vmem>>
    %dma_wait3A_468 = tpu.memref_squeeze %dma_wait3A_467 : memref<1x32x128xf32, #tpu.memory_space<vmem>> -> memref<32x128xf32, #tpu.memory_space<vmem>>
    %dma_wait3A_469 = arith.constant 0 : i32
    %dma_wait3A_470 = tpu.memref_slice %arg7[%dma_wait3A_463, %dma_wait3A_469] : memref<512x32xi32, #tpu.memory_space<vmem>> -> memref<1x32xi32, #tpu.memory_space<vmem>>
    %dma_wait3A_471 = tpu.memref_squeeze %dma_wait3A_470 : memref<1x32xi32, #tpu.memory_space<vmem>> -> memref<32xi32, #tpu.memory_space<vmem>>
    %dma_wait3A_472 = arith.constant 0 : i32
    %dma_wait3A_473 = arith.constant 0 : i32
    %dma_wait3A_474 = tpu.memref_slice %arg4[%dma_wait3A_472, %dma_wait3A_473] : memref<100000x128xf32, #tpu.memory_space<hbm>> -> memref<100000x128xf32, #tpu.memory_space<hbm>>
    tpu.wait_indirect_dma semaphore(%arg18 : memref<!tpu.dma_semaphore, #tpu.memory_space<semaphore_mem>>) src(%dma_wait3A_474 : memref<100000x128xf32, #tpu.memory_space<hbm>>) dst(%dma_wait3A_468 : memref<32x128xf32, #tpu.memory_space<vmem>>)
    %dma_wait3A_475 = arith.constant 504 : i32
    %dma_wait3A_476 = tpu.memref_slice %arg6[%dma_wait3A_475] : memref<512xi32, #tpu.memory_space<vmem>> -> memref<8xi32, #tpu.memory_space<vmem>>
    %dma_wait3A_477 = arith.constant 0 : i32
    %dma_wait3A_478 = arith.constant 0 : i32
    %dma_wait3A_479 = tpu.memref_slice %arg4[%dma_wait3A_477, %dma_wait3A_478] : memref<100000x128xf32, #tpu.memory_space<hbm>> -> memref<100000x128xf32, #tpu.memory_space<hbm>>
    tpu.wait_indirect_dma semaphore(%arg18 : memref<!tpu.dma_semaphore, #tpu.memory_space<semaphore_mem>>) src(%dma_wait3A_479 : memref<100000x128xf32, #tpu.memory_space<hbm>>) dst(%arg11 : memref<8x128xf32, #tpu.memory_space<vmem>>)
    %scan3A_480 = arith.constant 0 : i32
    %scan3A_481 = arith.constant 0 : i32
    %scan3A_482 = arith.constant 8 : i32
    %scan3A_483 = arith.addi %scan3A_481, %scan3A_482 : i32
    %scan3A_484 = arith.constant 1 : i32
    scf.for %scan3A_510 = %scan3A_481 to %scan3A_483 step %scan3A_484  : i32 {
      %broadcast_in_dim3A = arith.constant 0.000000e+00 : f32
      %broadcast_in_dim3A_511 = vector.broadcast %broadcast_in_dim3A : f32 to vector<16xf32>
      %scan3A_512 = arith.constant 0 : i32
      %scan3A_513 = arith.constant 8 : i32
      %scan3A_514 = arith.addi %scan3A_512, %scan3A_513 : i32
      %scan3A_515 = arith.constant 1 : i32
      %scan3A_516:8 = scf.for %scan3A_620 = %scan3A_512 to %scan3A_514 step %scan3A_515 iter_args(%scan3A_621 = %broadcast_in_dim3A_511, %scan3A_622 = %broadcast_in_dim3A_511, %scan3A_623 = %broadcast_in_dim3A_511, %scan3A_624 = %broadcast_in_dim3A_511, %scan3A_625 = %broadcast_in_dim3A_511, %scan3A_626 = %broadcast_in_dim3A_511, %scan3A_627 = %broadcast_in_dim3A_511, %scan3A_628 = %broadcast_in_dim3A_511) -> (vector<16xf32>, vector<16xf32>, vector<16xf32>, vector<16xf32>, vector<16xf32>, vector<16xf32>, vector<16xf32>, vector<16xf32>)  : i32 {
        %mul3A_629 = arith.constant 4 : i32
        %mul3A_630 = arith.muli %mul3A_629, %scan3A_620 : i32
        %add3A_631 = arith.constant 0 : i32
        %add3A_632 = arith.addi %mul3A_630, %add3A_631 : i32
        %get3A_633 = arith.index_cast %scan3A_510 : i32 to index
        %get3A_634 = arith.index_cast %add3A_632 : i32 to index
        %get3A_635 = arith.constant 0 : index
        %get3A_636 = tpu.vector_load %arg8[%get3A_633, %get3A_634, %get3A_635] {strides = array<i32>} : memref<8x32x128xf32, #tpu.memory_space<vmem>>, vector<1x1x16xf32>,
        %get3A_637 = vector.shape_cast %get3A_636 : vector<1x1x16xf32> to vector<16xf32>
        %add3A_638 = arith.addf %scan3A_621, %get3A_637 : vector<16xf32>
        %get3A_639 = arith.index_cast %scan3A_510 : i32 to index
        %get3A_640 = arith.index_cast %add3A_632 : i32 to index
        %get3A_641 = arith.constant 16 : index
        %get3A_642 = tpu.vector_load %arg8[%get3A_639, %get3A_640, %get3A_641] {strides = array<i32>} : memref<8x32x128xf32, #tpu.memory_space<vmem>>, vector<1x1x16xf32>,
        %get3A_643 = vector.shape_cast %get3A_642 : vector<1x1x16xf32> to vector<16xf32>
        %add3A_644 = arith.addf %scan3A_622, %get3A_643 : vector<16xf32>
        %get3A_645 = arith.index_cast %scan3A_510 : i32 to index
        %get3A_646 = arith.index_cast %add3A_632 : i32 to index
        %get3A_647 = arith.constant 32 : index
        %get3A_648 = tpu.vector_load %arg8[%get3A_645, %get3A_646, %get3A_647] {strides = array<i32>} : memref<8x32x128xf32, #tpu.memory_space<vmem>>, vector<1x1x16xf32>,
        %get3A_649 = vector.shape_cast %get3A_648 : vector<1x1x16xf32> to vector<16xf32>
        %add3A_650 = arith.addf %scan3A_623, %get3A_649 : vector<16xf32>
        %get3A_651 = arith.index_cast %scan3A_510 : i32 to index
        %get3A_652 = arith.index_cast %add3A_632 : i32 to index
        %get3A_653 = arith.constant 48 : index
        %get3A_654 = tpu.vector_load %arg8[%get3A_651, %get3A_652, %get3A_653] {strides = array<i32>} : memref<8x32x128xf32, #tpu.memory_space<vmem>>, vector<1x1x16xf32>,
        %get3A_655 = vector.shape_cast %get3A_654 : vector<1x1x16xf32> to vector<16xf32>
        %add3A_656 = arith.addf %scan3A_624, %get3A_655 : vector<16xf32>
        %get3A_657 = arith.index_cast %scan3A_510 : i32 to index
        %get3A_658 = arith.index_cast %add3A_632 : i32 to index
        %get3A_659 = arith.constant 64 : index
        %get3A_660 = tpu.vector_load %arg8[%get3A_657, %get3A_658, %get3A_659] {strides = array<i32>} : memref<8x32x128xf32, #tpu.memory_space<vmem>>, vector<1x1x16xf32>,
        %get3A_661 = vector.shape_cast %get3A_660 : vector<1x1x16xf32> to vector<16xf32>
        %add3A_662 = arith.addf %scan3A_625, %get3A_661 : vector<16xf32>
        %get3A_663 = arith.index_cast %scan3A_510 : i32 to index
        %get3A_664 = arith.index_cast %add3A_632 : i32 to index
        %get3A_665 = arith.constant 80 : index
        %get3A_666 = tpu.vector_load %arg8[%get3A_663, %get3A_664, %get3A_665] {strides = array<i32>} : memref<8x32x128xf32, #tpu.memory_space<vmem>>, vector<1x1x16xf32>,
        %get3A_667 = vector.shape_cast %get3A_666 : vector<1x1x16xf32> to vector<16xf32>
        %add3A_668 = arith.addf %scan3A_626, %get3A_667 : vector<16xf32>
        %get3A_669 = arith.index_cast %scan3A_510 : i32 to index
        %get3A_670 = arith.index_cast %add3A_632 : i32 to index
        %get3A_671 = arith.constant 96 : index
        %get3A_672 = tpu.vector_load %arg8[%get3A_669, %get3A_670, %get3A_671] {strides = array<i32>} : memref<8x32x128xf32, #tpu.memory_space<vmem>>, vector<1x1x16xf32>,
        %get3A_673 = vector.shape_cast %get3A_672 : vector<1x1x16xf32> to vector<16xf32>
        %add3A_674 = arith.addf %scan3A_627, %get3A_673 : vector<16xf32>
        %get3A_675 = arith.index_cast %scan3A_510 : i32 to index
        %get3A_676 = arith.index_cast %add3A_632 : i32 to index
        %get3A_677 = arith.constant 112 : index
        %get3A_678 = tpu.vector_load %arg8[%get3A_675, %get3A_676, %get3A_677] {strides = array<i32>} : memref<8x32x128xf32, #tpu.memory_space<vmem>>, vector<1x1x16xf32>,
        %get3A_679 = vector.shape_cast %get3A_678 : vector<1x1x16xf32> to vector<16xf32>
        %add3A_680 = arith.addf %scan3A_628, %get3A_679 : vector<16xf32>
        %mul3A_681 = arith.constant 4 : i32
        %mul3A_682 = arith.muli %mul3A_681, %scan3A_620 : i32
        %add3A_683 = arith.constant 1 : i32
        %add3A_684 = arith.addi %mul3A_682, %add3A_683 : i32
        %get3A_685 = arith.index_cast %scan3A_510 : i32 to index
        %get3A_686 = arith.index_cast %add3A_684 : i32 to index
        %get3A_687 = arith.constant 0 : index
        %get3A_688 = tpu.vector_load %arg8[%get3A_685, %get3A_686, %get3A_687] {strides = array<i32>} : memref<8x32x128xf32, #tpu.memory_space<vmem>>, vector<1x1x16xf32>,
        %get3A_689 = vector.shape_cast %get3A_688 : vector<1x1x16xf32> to vector<16xf32>
        %add3A_690 = arith.addf %add3A_638, %get3A_689 : vector<16xf32>
        %get3A_691 = arith.index_cast %scan3A_510 : i32 to index
        %get3A_692 = arith.index_cast %add3A_684 : i32 to index
        %get3A_693 = arith.constant 16 : index
        %get3A_694 = tpu.vector_load %arg8[%get3A_691, %get3A_692, %get3A_693] {strides = array<i32>} : memref<8x32x128xf32, #tpu.memory_space<vmem>>, vector<1x1x16xf32>,
        %get3A_695 = vector.shape_cast %get3A_694 : vector<1x1x16xf32> to vector<16xf32>
        %add3A_696 = arith.addf %add3A_644, %get3A_695 : vector<16xf32>
        %get3A_697 = arith.index_cast %scan3A_510 : i32 to index
        %get3A_698 = arith.index_cast %add3A_684 : i32 to index
        %get3A_699 = arith.constant 32 : index
        %get3A_700 = tpu.vector_load %arg8[%get3A_697, %get3A_698, %get3A_699] {strides = array<i32>} : memref<8x32x128xf32, #tpu.memory_space<vmem>>, vector<1x1x16xf32>,
        %get3A_701 = vector.shape_cast %get3A_700 : vector<1x1x16xf32> to vector<16xf32>
        %add3A_702 = arith.addf %add3A_650, %get3A_701 : vector<16xf32>
        %get3A_703 = arith.index_cast %scan3A_510 : i32 to index
        %get3A_704 = arith.index_cast %add3A_684 : i32 to index
        %get3A_705 = arith.constant 48 : index
        %get3A_706 = tpu.vector_load %arg8[%get3A_703, %get3A_704, %get3A_705] {strides = array<i32>} : memref<8x32x128xf32, #tpu.memory_space<vmem>>, vector<1x1x16xf32>,
        %get3A_707 = vector.shape_cast %get3A_706 : vector<1x1x16xf32> to vector<16xf32>
        %add3A_708 = arith.addf %add3A_656, %get3A_707 : vector<16xf32>
        %get3A_709 = arith.index_cast %scan3A_510 : i32 to index
        %get3A_710 = arith.index_cast %add3A_684 : i32 to index
        %get3A_711 = arith.constant 64 : index
        %get3A_712 = tpu.vector_load %arg8[%get3A_709, %get3A_710, %get3A_711] {strides = array<i32>} : memref<8x32x128xf32, #tpu.memory_space<vmem>>, vector<1x1x16xf32>,
        %get3A_713 = vector.shape_cast %get3A_712 : vector<1x1x16xf32> to vector<16xf32>
        %add3A_714 = arith.addf %add3A_662, %get3A_713 : vector<16xf32>
        %get3A_715 = arith.index_cast %scan3A_510 : i32 to index
        %get3A_716 = arith.index_cast %add3A_684 : i32 to index
        %get3A_717 = arith.constant 80 : index
        %get3A_718 = tpu.vector_load %arg8[%get3A_715, %get3A_716, %get3A_717] {strides = array<i32>} : memref<8x32x128xf32, #tpu.memory_space<vmem>>, vector<1x1x16xf32>,
        %get3A_719 = vector.shape_cast %get3A_718 : vector<1x1x16xf32> to vector<16xf32>
        %add3A_720 = arith.addf %add3A_668, %get3A_719 : vector<16xf32>
        %get3A_721 = arith.index_cast %scan3A_510 : i32 to index
        %get3A_722 = arith.index_cast %add3A_684 : i32 to index
        %get3A_723 = arith.constant 96 : index
        %get3A_724 = tpu.vector_load %arg8[%get3A_721, %get3A_722, %get3A_723] {strides = array<i32>} : memref<8x32x128xf32, #tpu.memory_space<vmem>>, vector<1x1x16xf32>,
        %get3A_725 = vector.shape_cast %get3A_724 : vector<1x1x16xf32> to vector<16xf32>
        %add3A_726 = arith.addf %add3A_674, %get3A_725 : vector<16xf32>
        %get3A_727 = arith.index_cast %scan3A_510 : i32 to index
        %get3A_728 = arith.index_cast %add3A_684 : i32 to index
        %get3A_729 = arith.constant 112 : index
        %get3A_730 = tpu.vector_load %arg8[%get3A_727, %get3A_728, %get3A_729] {strides = array<i32>} : memref<8x32x128xf32, #tpu.memory_space<vmem>>, vector<1x1x16xf32>,
        %get3A_731 = vector.shape_cast %get3A_730 : vector<1x1x16xf32> to vector<16xf32>
        %add3A_732 = arith.addf %add3A_680, %get3A_731 : vector<16xf32>
        %mul3A_733 = arith.constant 4 : i32
        %mul3A_734 = arith.muli %mul3A_733, %scan3A_620 : i32
        %add3A_735 = arith.constant 2 : i32
        %add3A_736 = arith.addi %mul3A_734, %add3A_735 : i32
        %get3A_737 = arith.index_cast %scan3A_510 : i32 to index
        %get3A_738 = arith.index_cast %add3A_736 : i32 to index
        %get3A_739 = arith.constant 0 : index
        %get3A_740 = tpu.vector_load %arg8[%get3A_737, %get3A_738, %get3A_739] {strides = array<i32>} : memref<8x32x128xf32, #tpu.memory_space<vmem>>, vector<1x1x16xf32>,
        %get3A_741 = vector.shape_cast %get3A_740 : vector<1x1x16xf32> to vector<16xf32>
        %add3A_742 = arith.addf %add3A_690, %get3A_741 : vector<16xf32>
        %get3A_743 = arith.index_cast %scan3A_510 : i32 to index
        %get3A_744 = arith.index_cast %add3A_736 : i32 to index
        %get3A_745 = arith.constant 16 : index
        %get3A_746 = tpu.vector_load %arg8[%get3A_743, %get3A_744, %get3A_745] {strides = array<i32>} : memref<8x32x128xf32, #tpu.memory_space<vmem>>, vector<1x1x16xf32>,
        %get3A_747 = vector.shape_cast %get3A_746 : vector<1x1x16xf32> to vector<16xf32>
        %add3A_748 = arith.addf %add3A_696, %get3A_747 : vector<16xf32>
        %get3A_749 = arith.index_cast %scan3A_510 : i32 to index
        %get3A_750 = arith.index_cast %add3A_736 : i32 to index
        %get3A_751 = arith.constant 32 : index
        %get3A_752 = tpu.vector_load %arg8[%get3A_749, %get3A_750, %get3A_751] {strides = array<i32>} : memref<8x32x128xf32, #tpu.memory_space<vmem>>, vector<1x1x16xf32>,
        %get3A_753 = vector.shape_cast %get3A_752 : vector<1x1x16xf32> to vector<16xf32>
        %add3A_754 = arith.addf %add3A_702, %get3A_753 : vector<16xf32>
        %get3A_755 = arith.index_cast %scan3A_510 : i32 to index
        %get3A_756 = arith.index_cast %add3A_736 : i32 to index
        %get3A_757 = arith.constant 48 : index
        %get3A_758 = tpu.vector_load %arg8[%get3A_755, %get3A_756, %get3A_757] {strides = array<i32>} : memref<8x32x128xf32, #tpu.memory_space<vmem>>, vector<1x1x16xf32>,
        %get3A_759 = vector.shape_cast %get3A_758 : vector<1x1x16xf32> to vector<16xf32>
        %add3A_760 = arith.addf %add3A_708, %get3A_759 : vector<16xf32>
        %get3A_761 = arith.index_cast %scan3A_510 : i32 to index
        %get3A_762 = arith.index_cast %add3A_736 : i32 to index
        %get3A_763 = arith.constant 64 : index
        %get3A_764 = tpu.vector_load %arg8[%get3A_761, %get3A_762, %get3A_763] {strides = array<i32>} : memref<8x32x128xf32, #tpu.memory_space<vmem>>, vector<1x1x16xf32>,
        %get3A_765 = vector.shape_cast %get3A_764 : vector<1x1x16xf32> to vector<16xf32>
        %add3A_766 = arith.addf %add3A_714, %get3A_765 : vector<16xf32>
        %get3A_767 = arith.index_cast %scan3A_510 : i32 to index
        %get3A_768 = arith.index_cast %add3A_736 : i32 to index
        %get3A_769 = arith.constant 80 : index
        %get3A_770 = tpu.vector_load %arg8[%get3A_767, %get3A_768, %get3A_769] {strides = array<i32>} : memref<8x32x128xf32, #tpu.memory_space<vmem>>, vector<1x1x16xf32>,
        %get3A_771 = vector.shape_cast %get3A_770 : vector<1x1x16xf32> to vector<16xf32>
        %add3A_772 = arith.addf %add3A_720, %get3A_771 : vector<16xf32>
        %get3A_773 = arith.index_cast %scan3A_510 : i32 to index
        %get3A_774 = arith.index_cast %add3A_736 : i32 to index
        %get3A_775 = arith.constant 96 : index
        %get3A_776 = tpu.vector_load %arg8[%get3A_773, %get3A_774, %get3A_775] {strides = array<i32>} : memref<8x32x128xf32, #tpu.memory_space<vmem>>, vector<1x1x16xf32>,
        %get3A_777 = vector.shape_cast %get3A_776 : vector<1x1x16xf32> to vector<16xf32>
        %add3A_778 = arith.addf %add3A_726, %get3A_777 : vector<16xf32>
        %get3A_779 = arith.index_cast %scan3A_510 : i32 to index
        %get3A_780 = arith.index_cast %add3A_736 : i32 to index
        %get3A_781 = arith.constant 112 : index
        %get3A_782 = tpu.vector_load %arg8[%get3A_779, %get3A_780, %get3A_781] {strides = array<i32>} : memref<8x32x128xf32, #tpu.memory_space<vmem>>, vector<1x1x16xf32>,
        %get3A_783 = vector.shape_cast %get3A_782 : vector<1x1x16xf32> to vector<16xf32>
        %add3A_784 = arith.addf %add3A_732, %get3A_783 : vector<16xf32>
        %mul3A_785 = arith.constant 4 : i32
        %mul3A_786 = arith.muli %mul3A_785, %scan3A_620 : i32
        %add3A_787 = arith.constant 3 : i32
        %add3A_788 = arith.addi %mul3A_786, %add3A_787 : i32
        %get3A_789 = arith.index_cast %scan3A_510 : i32 to index
        %get3A_790 = arith.index_cast %add3A_788 : i32 to index
        %get3A_791 = arith.constant 0 : index
        %get3A_792 = tpu.vector_load %arg8[%get3A_789, %get3A_790, %get3A_791] {strides = array<i32>} : memref<8x32x128xf32, #tpu.memory_space<vmem>>, vector<1x1x16xf32>,
        %get3A_793 = vector.shape_cast %get3A_792 : vector<1x1x16xf32> to vector<16xf32>
        %add3A_794 = arith.addf %add3A_742, %get3A_793 : vector<16xf32>
        %get3A_795 = arith.index_cast %scan3A_510 : i32 to index
        %get3A_796 = arith.index_cast %add3A_788 : i32 to index
        %get3A_797 = arith.constant 16 : index
        %get3A_798 = tpu.vector_load %arg8[%get3A_795, %get3A_796, %get3A_797] {strides = array<i32>} : memref<8x32x128xf32, #tpu.memory_space<vmem>>, vector<1x1x16xf32>,
        %get3A_799 = vector.shape_cast %get3A_798 : vector<1x1x16xf32> to vector<16xf32>
        %add3A_800 = arith.addf %add3A_748, %get3A_799 : vector<16xf32>
        %get3A_801 = arith.index_cast %scan3A_510 : i32 to index
        %get3A_802 = arith.index_cast %add3A_788 : i32 to index
        %get3A_803 = arith.constant 32 : index
        %get3A_804 = tpu.vector_load %arg8[%get3A_801, %get3A_802, %get3A_803] {strides = array<i32>} : memref<8x32x128xf32, #tpu.memory_space<vmem>>, vector<1x1x16xf32>,
        %get3A_805 = vector.shape_cast %get3A_804 : vector<1x1x16xf32> to vector<16xf32>
        %add3A_806 = arith.addf %add3A_754, %get3A_805 : vector<16xf32>
        %get3A_807 = arith.index_cast %scan3A_510 : i32 to index
        %get3A_808 = arith.index_cast %add3A_788 : i32 to index
        %get3A_809 = arith.constant 48 : index
        %get3A_810 = tpu.vector_load %arg8[%get3A_807, %get3A_808, %get3A_809] {strides = array<i32>} : memref<8x32x128xf32, #tpu.memory_space<vmem>>, vector<1x1x16xf32>,
        %get3A_811 = vector.shape_cast %get3A_810 : vector<1x1x16xf32> to vector<16xf32>
        %add3A_812 = arith.addf %add3A_760, %get3A_811 : vector<16xf32>
        %get3A_813 = arith.index_cast %scan3A_510 : i32 to index
        %get3A_814 = arith.index_cast %add3A_788 : i32 to index
        %get3A_815 = arith.constant 64 : index
        %get3A_816 = tpu.vector_load %arg8[%get3A_813, %get3A_814, %get3A_815] {strides = array<i32>} : memref<8x32x128xf32, #tpu.memory_space<vmem>>, vector<1x1x16xf32>,
        %get3A_817 = vector.shape_cast %get3A_816 : vector<1x1x16xf32> to vector<16xf32>
        %add3A_818 = arith.addf %add3A_766, %get3A_817 : vector<16xf32>
        %get3A_819 = arith.index_cast %scan3A_510 : i32 to index
        %get3A_820 = arith.index_cast %add3A_788 : i32 to index
        %get3A_821 = arith.constant 80 : index
        %get3A_822 = tpu.vector_load %arg8[%get3A_819, %get3A_820, %get3A_821] {strides = array<i32>} : memref<8x32x128xf32, #tpu.memory_space<vmem>>, vector<1x1x16xf32>,
        %get3A_823 = vector.shape_cast %get3A_822 : vector<1x1x16xf32> to vector<16xf32>
        %add3A_824 = arith.addf %add3A_772, %get3A_823 : vector<16xf32>
        %get3A_825 = arith.index_cast %scan3A_510 : i32 to index
        %get3A_826 = arith.index_cast %add3A_788 : i32 to index
        %get3A_827 = arith.constant 96 : index
        %get3A_828 = tpu.vector_load %arg8[%get3A_825, %get3A_826, %get3A_827] {strides = array<i32>} : memref<8x32x128xf32, #tpu.memory_space<vmem>>, vector<1x1x16xf32>,
        %get3A_829 = vector.shape_cast %get3A_828 : vector<1x1x16xf32> to vector<16xf32>
        %add3A_830 = arith.addf %add3A_778, %get3A_829 : vector<16xf32>
        %get3A_831 = arith.index_cast %scan3A_510 : i32 to index
        %get3A_832 = arith.index_cast %add3A_788 : i32 to index
        %get3A_833 = arith.constant 112 : index
        %get3A_834 = tpu.vector_load %arg8[%get3A_831, %get3A_832, %get3A_833] {strides = array<i32>} : memref<8x32x128xf32, #tpu.memory_space<vmem>>, vector<1x1x16xf32>,
        %get3A_835 = vector.shape_cast %get3A_834 : vector<1x1x16xf32> to vector<16xf32>
        %add3A_836 = arith.addf %add3A_784, %get3A_835 : vector<16xf32>
        scf.yield %add3A_794, %add3A_800, %add3A_806, %add3A_812, %add3A_818, %add3A_824, %add3A_830, %add3A_836 : vector<16xf32>, vector<16xf32>, vector<16xf32>, vector<16xf32>, vector<16xf32>, vector<16xf32>, vector<16xf32>, vector<16xf32>
      }
      %scan3A_517 = arith.constant 8 : i32
      %mul3A_518 = arith.constant 3.125000e-02 : f32
      %mul3A_519 = vector.broadcast %mul3A_518 : f32 to vector<16xf32>
      %mul3A_520 = arith.mulf %scan3A_516#0, %mul3A_519 : vector<16xf32>
      %get3A = arith.index_cast %scan3A_510 : i32 to index
      %get3A_521 = arith.constant 0 : index
      %get3A_522 = tpu.vector_load %arg11[%get3A, %get3A_521] {strides = array<i32>} : memref<8x128xf32, #tpu.memory_space<vmem>>, vector<1x16xf32>,
      %get3A_523 = vector.shape_cast %get3A_522 : vector<1x16xf32> to vector<16xf32>
      %add3A_524 = arith.addf %mul3A_520, %get3A_523 : vector<16xf32>
      %swap3A = arith.index_cast %scan3A_510 : i32 to index
      %swap3A_525 = arith.constant 0 : index
      %swap3A_526 = tpu.vector_load %arg14[%swap3A, %swap3A_525] {strides = array<i32>} : memref<8x128xf32, #tpu.memory_space<vmem>>, vector<1x16xf32>,
      %swap3A_527 = vector.shape_cast %swap3A_526 : vector<1x16xf32> to vector<16xf32>
      %swap3A_528 = vector.shape_cast %add3A_524 : vector<16xf32> to vector<1x16xf32>
      tpu.vector_store %arg14[%swap3A, %swap3A_525], %swap3A_528 {strides = array<i32>} : memref<8x128xf32, #tpu.memory_space<vmem>>, vector<1x16xf32>,
      %mul3A_529 = arith.constant 3.125000e-02 : f32
      %mul3A_530 = vector.broadcast %mul3A_529 : f32 to vector<16xf32>
      %mul3A_531 = arith.mulf %scan3A_516#1, %mul3A_530 : vector<16xf32>
      %get3A_532 = arith.index_cast %scan3A_510 : i32 to index
      %get3A_533 = arith.constant 16 : index
      %get3A_534 = tpu.vector_load %arg11[%get3A_532, %get3A_533] {strides = array<i32>} : memref<8x128xf32, #tpu.memory_space<vmem>>, vector<1x16xf32>,
      %get3A_535 = vector.shape_cast %get3A_534 : vector<1x16xf32> to vector<16xf32>
      %add3A_536 = arith.addf %mul3A_531, %get3A_535 : vector<16xf32>
      %swap3A_537 = arith.index_cast %scan3A_510 : i32 to index
      %swap3A_538 = arith.constant 16 : index
      %swap3A_539 = tpu.vector_load %arg14[%swap3A_537, %swap3A_538] {strides = array<i32>} : memref<8x128xf32, #tpu.memory_space<vmem>>, vector<1x16xf32>,
      %swap3A_540 = vector.shape_cast %swap3A_539 : vector<1x16xf32> to vector<16xf32>
      %swap3A_541 = vector.shape_cast %add3A_536 : vector<16xf32> to vector<1x16xf32>
      tpu.vector_store %arg14[%swap3A_537, %swap3A_538], %swap3A_541 {strides = array<i32>} : memref<8x128xf32, #tpu.memory_space<vmem>>, vector<1x16xf32>,
      %mul3A_542 = arith.constant 3.125000e-02 : f32
      %mul3A_543 = vector.broadcast %mul3A_542 : f32 to vector<16xf32>
      %mul3A_544 = arith.mulf %scan3A_516#2, %mul3A_543 : vector<16xf32>
      %get3A_545 = arith.index_cast %scan3A_510 : i32 to index
      %get3A_546 = arith.constant 32 : index
      %get3A_547 = tpu.vector_load %arg11[%get3A_545, %get3A_546] {strides = array<i32>} : memref<8x128xf32, #tpu.memory_space<vmem>>, vector<1x16xf32>,
      %get3A_548 = vector.shape_cast %get3A_547 : vector<1x16xf32> to vector<16xf32>
      %add3A_549 = arith.addf %mul3A_544, %get3A_548 : vector<16xf32>
      %swap3A_550 = arith.index_cast %scan3A_510 : i32 to index
      %swap3A_551 = arith.constant 32 : index
      %swap3A_552 = tpu.vector_load %arg14[%swap3A_550, %swap3A_551] {strides = array<i32>} : memref<8x128xf32, #tpu.memory_space<vmem>>, vector<1x16xf32>,
      %swap3A_553 = vector.shape_cast %swap3A_552 : vector<1x16xf32> to vector<16xf32>
      %swap3A_554 = vector.shape_cast %add3A_549 : vector<16xf32> to vector<1x16xf32>
      tpu.vector_store %arg14[%swap3A_550, %swap3A_551], %swap3A_554 {strides = array<i32>} : memref<8x128xf32, #tpu.memory_space<vmem>>, vector<1x16xf32>,
      %mul3A_555 = arith.constant 3.125000e-02 : f32
      %mul3A_556 = vector.broadcast %mul3A_555 : f32 to vector<16xf32>
      %mul3A_557 = arith.mulf %scan3A_516#3, %mul3A_556 : vector<16xf32>
      %get3A_558 = arith.index_cast %scan3A_510 : i32 to index
      %get3A_559 = arith.constant 48 : index
      %get3A_560 = tpu.vector_load %arg11[%get3A_558, %get3A_559] {strides = array<i32>} : memref<8x128xf32, #tpu.memory_space<vmem>>, vector<1x16xf32>,
      %get3A_561 = vector.shape_cast %get3A_560 : vector<1x16xf32> to vector<16xf32>
      %add3A_562 = arith.addf %mul3A_557, %get3A_561 : vector<16xf32>
      %swap3A_563 = arith.index_cast %scan3A_510 : i32 to index
      %swap3A_564 = arith.constant 48 : index
      %swap3A_565 = tpu.vector_load %arg14[%swap3A_563, %swap3A_564] {strides = array<i32>} : memref<8x128xf32, #tpu.memory_space<vmem>>, vector<1x16xf32>,
      %swap3A_566 = vector.shape_cast %swap3A_565 : vector<1x16xf32> to vector<16xf32>
      %swap3A_567 = vector.shape_cast %add3A_562 : vector<16xf32> to vector<1x16xf32>
      tpu.vector_store %arg14[%swap3A_563, %swap3A_564], %swap3A_567 {strides = array<i32>} : memref<8x128xf32, #tpu.memory_space<vmem>>, vector<1x16xf32>,
      %mul3A_568 = arith.constant 3.125000e-02 : f32
      %mul3A_569 = vector.broadcast %mul3A_568 : f32 to vector<16xf32>
      %mul3A_570 = arith.mulf %scan3A_516#4, %mul3A_569 : vector<16xf32>
      %get3A_571 = arith.index_cast %scan3A_510 : i32 to index
      %get3A_572 = arith.constant 64 : index
      %get3A_573 = tpu.vector_load %arg11[%get3A_571, %get3A_572] {strides = array<i32>} : memref<8x128xf32, #tpu.memory_space<vmem>>, vector<1x16xf32>,
      %get3A_574 = vector.shape_cast %get3A_573 : vector<1x16xf32> to vector<16xf32>
      %add3A_575 = arith.addf %mul3A_570, %get3A_574 : vector<16xf32>
      %swap3A_576 = arith.index_cast %scan3A_510 : i32 to index
      %swap3A_577 = arith.constant 64 : index
      %swap3A_578 = tpu.vector_load %arg14[%swap3A_576, %swap3A_577] {strides = array<i32>} : memref<8x128xf32, #tpu.memory_space<vmem>>, vector<1x16xf32>,
      %swap3A_579 = vector.shape_cast %swap3A_578 : vector<1x16xf32> to vector<16xf32>
      %swap3A_580 = vector.shape_cast %add3A_575 : vector<16xf32> to vector<1x16xf32>
      tpu.vector_store %arg14[%swap3A_576, %swap3A_577], %swap3A_580 {strides = array<i32>} : memref<8x128xf32, #tpu.memory_space<vmem>>, vector<1x16xf32>,
      %mul3A_581 = arith.constant 3.125000e-02 : f32
      %mul3A_582 = vector.broadcast %mul3A_581 : f32 to vector<16xf32>
      %mul3A_583 = arith.mulf %scan3A_516#5, %mul3A_582 : vector<16xf32>
      %get3A_584 = arith.index_cast %scan3A_510 : i32 to index
      %get3A_585 = arith.constant 80 : index
      %get3A_586 = tpu.vector_load %arg11[%get3A_584, %get3A_585] {strides = array<i32>} : memref<8x128xf32, #tpu.memory_space<vmem>>, vector<1x16xf32>,
      %get3A_587 = vector.shape_cast %get3A_586 : vector<1x16xf32> to vector<16xf32>
      %add3A_588 = arith.addf %mul3A_583, %get3A_587 : vector<16xf32>
      %swap3A_589 = arith.index_cast %scan3A_510 : i32 to index
      %swap3A_590 = arith.constant 80 : index
      %swap3A_591 = tpu.vector_load %arg14[%swap3A_589, %swap3A_590] {strides = array<i32>} : memref<8x128xf32, #tpu.memory_space<vmem>>, vector<1x16xf32>,
      %swap3A_592 = vector.shape_cast %swap3A_591 : vector<1x16xf32> to vector<16xf32>
      %swap3A_593 = vector.shape_cast %add3A_588 : vector<16xf32> to vector<1x16xf32>
      tpu.vector_store %arg14[%swap3A_589, %swap3A_590], %swap3A_593 {strides = array<i32>} : memref<8x128xf32, #tpu.memory_space<vmem>>, vector<1x16xf32>,
      %mul3A_594 = arith.constant 3.125000e-02 : f32
      %mul3A_595 = vector.broadcast %mul3A_594 : f32 to vector<16xf32>
      %mul3A_596 = arith.mulf %scan3A_516#6, %mul3A_595 : vector<16xf32>
      %get3A_597 = arith.index_cast %scan3A_510 : i32 to index
      %get3A_598 = arith.constant 96 : index
      %get3A_599 = tpu.vector_load %arg11[%get3A_597, %get3A_598] {strides = array<i32>} : memref<8x128xf32, #tpu.memory_space<vmem>>, vector<1x16xf32>,
      %get3A_600 = vector.shape_cast %get3A_599 : vector<1x16xf32> to vector<16xf32>
      %add3A_601 = arith.addf %mul3A_596, %get3A_600 : vector<16xf32>
      %swap3A_602 = arith.index_cast %scan3A_510 : i32 to index
      %swap3A_603 = arith.constant 96 : index
      %swap3A_604 = tpu.vector_load %arg14[%swap3A_602, %swap3A_603] {strides = array<i32>} : memref<8x128xf32, #tpu.memory_space<vmem>>, vector<1x16xf32>,
      %swap3A_605 = vector.shape_cast %swap3A_604 : vector<1x16xf32> to vector<16xf32>
      %swap3A_606 = vector.shape_cast %add3A_601 : vector<16xf32> to vector<1x16xf32>
      tpu.vector_store %arg14[%swap3A_602, %swap3A_603], %swap3A_606 {strides = array<i32>} : memref<8x128xf32, #tpu.memory_space<vmem>>, vector<1x16xf32>,
      %mul3A_607 = arith.constant 3.125000e-02 : f32
      %mul3A_608 = vector.broadcast %mul3A_607 : f32 to vector<16xf32>
      %mul3A_609 = arith.mulf %scan3A_516#7, %mul3A_608 : vector<16xf32>
      %get3A_610 = arith.index_cast %scan3A_510 : i32 to index
      %get3A_611 = arith.constant 112 : index
      %get3A_612 = tpu.vector_load %arg11[%get3A_610, %get3A_611] {strides = array<i32>} : memref<8x128xf32, #tpu.memory_space<vmem>>, vector<1x16xf32>,
      %get3A_613 = vector.shape_cast %get3A_612 : vector<1x16xf32> to vector<16xf32>
      %add3A_614 = arith.addf %mul3A_609, %get3A_613 : vector<16xf32>
      %swap3A_615 = arith.index_cast %scan3A_510 : i32 to index
      %swap3A_616 = arith.constant 112 : index
      %swap3A_617 = tpu.vector_load %arg14[%swap3A_615, %swap3A_616] {strides = array<i32>} : memref<8x128xf32, #tpu.memory_space<vmem>>, vector<1x16xf32>,
      %swap3A_618 = vector.shape_cast %swap3A_617 : vector<1x16xf32> to vector<16xf32>
      %swap3A_619 = vector.shape_cast %add3A_614 : vector<16xf32> to vector<1x16xf32>
      tpu.vector_store %arg14[%swap3A_615, %swap3A_616], %swap3A_619 {strides = array<i32>} : memref<8x128xf32, #tpu.memory_space<vmem>>, vector<1x16xf32>,
    }
    %scan3A_485 = arith.constant 8 : i32
    %add3A_486 = arith.constant 504 : i32
    %add3A_487 = arith.addi %mul3A_2, %add3A_486 : i32
    %dma_start3A_488 = arith.constant 0 : i32
    %dma_start3A_489 = tpu.memref_slice %arg5[%add3A_487, %dma_start3A_488] : memref<16384x128xf32, #tpu.memory_space<hbm>> -> memref<8x128xf32, #tpu.memory_space<hbm>>
    %dma_start3A_490 = arith.constant 0 : i32
    %dma_start3A_491 = tpu.memref_slice %arg5[%add3A_487, %dma_start3A_490] : memref<16384x128xf32, #tpu.memory_space<hbm>> -> memref<8x128xf32, #tpu.memory_space<hbm>>
    tpu.enqueue_dma source(%arg14 : memref<8x128xf32, #tpu.memory_space<vmem>>) target(%dma_start3A_491 : memref<8x128xf32, #tpu.memory_space<hbm>>) target_semaphore(%arg21 : memref<!tpu.dma_semaphore, #tpu.memory_space<semaphore_mem>>)
    %add3A_492 = arith.constant 488 : i32
    %add3A_493 = arith.addi %mul3A_2, %add3A_492 : i32
    %dma_wait3A_494 = arith.constant 0 : i32
    %dma_wait3A_495 = tpu.memref_slice %arg5[%add3A_493, %dma_wait3A_494] : memref<16384x128xf32, #tpu.memory_space<hbm>> -> memref<8x128xf32, #tpu.memory_space<hbm>>
    %dma_wait3A_496 = arith.constant 0 : i32
    %dma_wait3A_497 = tpu.memref_slice %arg5[%add3A_493, %dma_wait3A_496] : memref<16384x128xf32, #tpu.memory_space<hbm>> -> memref<8x128xf32, #tpu.memory_space<hbm>>
    tpu.wait_dma2 semaphore(%arg22 : memref<!tpu.dma_semaphore, #tpu.memory_space<semaphore_mem>>) src(%arg15 : memref<8x128xf32, #tpu.memory_space<vmem>>) dst(%dma_wait3A_497 : memref<8x128xf32, #tpu.memory_space<hbm>>)
    %add3A_498 = arith.constant 496 : i32
    %add3A_499 = arith.addi %mul3A_2, %add3A_498 : i32
    %dma_wait3A_500 = arith.constant 0 : i32
    %dma_wait3A_501 = tpu.memref_slice %arg5[%add3A_499, %dma_wait3A_500] : memref<16384x128xf32, #tpu.memory_space<hbm>> -> memref<8x128xf32, #tpu.memory_space<hbm>>
    %dma_wait3A_502 = arith.constant 0 : i32
    %dma_wait3A_503 = tpu.memref_slice %arg5[%add3A_499, %dma_wait3A_502] : memref<16384x128xf32, #tpu.memory_space<hbm>> -> memref<8x128xf32, #tpu.memory_space<hbm>>
    tpu.wait_dma2 semaphore(%arg23 : memref<!tpu.dma_semaphore, #tpu.memory_space<semaphore_mem>>) src(%arg16 : memref<8x128xf32, #tpu.memory_space<vmem>>) dst(%dma_wait3A_503 : memref<8x128xf32, #tpu.memory_space<hbm>>)
    %add3A_504 = arith.constant 504 : i32
    %add3A_505 = arith.addi %mul3A_2, %add3A_504 : i32
    %dma_wait3A_506 = arith.constant 0 : i32
    %dma_wait3A_507 = tpu.memref_slice %arg5[%add3A_505, %dma_wait3A_506] : memref<16384x128xf32, #tpu.memory_space<hbm>> -> memref<8x128xf32, #tpu.memory_space<hbm>>
    %dma_wait3A_508 = arith.constant 0 : i32
    %dma_wait3A_509 = tpu.memref_slice %arg5[%add3A_505, %dma_wait3A_508] : memref<16384x128xf32, #tpu.memory_space<hbm>> -> memref<8x128xf32, #tpu.memory_space<hbm>>
    tpu.wait_dma2 semaphore(%arg21 : memref<!tpu.dma_semaphore, #tpu.memory_space<semaphore_mem>>) src(%arg14 : memref<8x128xf32, #tpu.memory_space<vmem>>) dst(%dma_wait3A_509 : memref<8x128xf32, #tpu.memory_space<hbm>>)
    return
  }
}

</mosaic_0001>

<sc_bundles>
// kernel: kernel.3.cloned.1.call-start
scs
__scs_entry_jumppad:
0x0: {  	(pc) =	sbr.rel $0x88, $3  }
0x1: {  	(tag) =	ssettag $0x0;
	lr =	simm.s32 $0x1  }
0x2: {  	[smem:$0x3F9E] =	sst lr;
	_ =	strace $0xD0000000  }
0x3: {  	_ = 	snop  }
0x4: {  	_ = 	snop  }
0x5: {  	_ = 	snop  }
0x6: {  	_ = 	snop  }
0x7: {  	_ = 	snop  }
__scs_overlays_trampoline_lowered:
0x8: {  	[smem:$0x3FAD] =	sst s0  }
0x9: {  	[smem:$0x3FAE] =	sst s1  }
0xa: {  	[smem:$0x3FAF] =	sst s2  }
0xb: {  	[smem:$0x3FB0] =	sst s3  }
0xc: {  	[smem:$0x3FB1] =	sst s4  }
0xd: {  	[smem:$0x3FB2] =	sst s5  }
0xe: {  	[smem:$0x3FB3] =	sst s6  }
0xf: {  	[smem:$0x3FB4] =	sst s7  }
0x10: {  	[smem:$0x3FB5] =	sst s8  }
0x11: {  	[smem:$0x3FB6] =	sst s9;
	s0 =	simm.s32 @!p0 $0x0  }
0x12: {  	s1 =	sld [smem:$0x3F9C];
	s0 =	simm.s32 @p0 $0x1  }
0x13: {  	[smem:$0x3FB7] =	sst s0;
	s0 =	simm.s32 @!p1 $0x0  }
0x14: {  	s2 =	sld [smem:$0x3F9B];
	s0 =	simm.s32 @p1 $0x1  }
0x15: {  	[smem:$0x3FB8] =	sst s0;
	s0 =	simm.s32 @!p2 $0x0  }
0x16: {  	s3 =	sld [smem:$0x3FDB];
	s0 =	simm.s32 @p2 $0x1  }
0x17: {  	s4 =	simm.s32 $0x1BF5;
	[smem:$0x3FBA] =	sst s0  }
0x18: {  	s0 =	sld [smem:$0x3F9D];
	_ =	swait.ge [sflag:s4], $0x0  }
0x19: {  	s7 =	sld [smem:$0x3F9E]  }
0x1a: {  	s8 =	sadd.s32 $0xFFFFE003, lr  }
0x1b: {  	s9 =	sadd.s32 $0xFFFFFEF7, lr;
	s5 =	simm.s32 $0xFFFFFFFF;
	p2 =	slt.u32 s8, $0xFFFFF086  }
0x1c: {  	p1 =	slt.u32 s9, $0xF7A;
	s5 =	simm.s32 @!p2 $0x0  }
0x1d: {  	s5 =	simm.s32 @p1 $0x1;
	p0 =	seq.s32 s7, s2  }
0x1e: {  	s7 =	smul.u32 @!p0 $0xF7A, s2;
	p2 =	seq.s32 @!p0 s5, $0x0  }
0x1f: {  	s9 =	smul.u32 $0xF7A, s1;
	s8 =	simm.s32 @!p0 $0x1BF5;
	p2 =	por !p2, p0  }
0x20: {  	[sflag:s8] =	ssyncset.s32 @!p0 $0xFFFFF086;
	s6 =	sadd.s32 @!p0 s3, s7;
	s7 =	simm.s32 @!p0 $0x108  }
0x21: {  	s3 =	sadd.s32 s3, s9;
	s6 =	sadd.s32 @!p0 $0x88, s6;
	s7 =	simm.s32 @p2 $0x1082  }
0x22: {  	[simem:s7], [sflag:s8] =	dma.local @!p0 [hbm:s6], $0xF7A  }
0x23: {  	s9 =	sor.u32 $0xD0000000, s2;
	s6 =	simm.s32 $0x108;
	_ =	swait.ge @!p0 [sflag:s8], $0x0  }
0x24: {  	s3 =	sadd.s32 $0x88, s3;
	s6 =	simm.s32 @!p1 $0x1082;
	[sflag:s4] =	ssyncset.s32 $0xFFFFF086  }
0x25: {  	[simem:s6], [sflag:s4] =	dma.local [hbm:s3], $0xF7A  }
0x26: {  	[smem:$0x3F9E] =	sst s1;
	(tag) =	ssettag s2;
	_ =	strace s9  }
0x27: {  	s1 =	sld [smem:$0x3FAE]  }
0x28: {  	s2 =	sld [smem:$0x3FAF]  }
0x29: {  	s4 =	sld [smem:$0x3FB1]  }
0x2a: {  	p0 =	seq.s32 s5, $0x0;
	s5 =	sld [smem:$0x3FB2]  }
0x2b: {  	s6 =	sld [smem:$0x3FB3]  }
0x2c: {  	s7 =	sld [smem:$0x3FB4]  }
0x2d: {  	s3 =	simm.s32 $0x108;
	s8 =	sld [smem:$0x3FB5]  }
0x2e: {  	s3 =	simm.s32 @!p0 $0x1082;
	s9 =	sld [smem:$0x3FB6]  }
0x2f: {  	lr =	sadd.s32 s0, s3;
	s0 =	sld [smem:$0x3FAD]  }
0x30: {  	s3 =	sld [smem:$0x3FB0]  }
0x31: {  	[smem:$0x3FB9] =	sst s10  }
0x32: {  	s10 =	sld [smem:$0x3FB7];
	_ =	sdelay $0x3  }
0x33: {  	p0 =	seq.s32 s10, $0x1;
	s10 =	sld [smem:$0x3FB9];
	_ =	sdelay $0x3  }
0x34: {  	[smem:$0x3FB9] =	sst s10  }
0x35: {  	s10 =	sld [smem:$0x3FB8];
	_ =	sdelay $0x3  }
0x36: {  	p1 =	seq.s32 s10, $0x1;
	s10 =	sld [smem:$0x3FB9];
	_ =	sdelay $0x3  }
0x37: {  	[smem:$0x3FB9] =	sst s10  }
0x38: {  	s10 =	sld [smem:$0x3FBA]  }
0x39: {  	_ = 	snop;
	(pc) =	sbr.ind lr, $3  }
0x3a: {  	_ = 	snop  }
0x3b: {  	_ = 	snop  }
0x3c: {  	p2 =	seq.s32 s10, $0x1;
	s10 =	sld [smem:$0x3FB9]  }
0x3d: {  	_ =	shalt  }
0x3e: {  	_ =	shalt  }
0x3f: {  	_ =	shalt  }
0x40: {  	_ =	shalt  }
0x41: {  	_ =	shalt  }
0x42: {  	_ =	shalt  }
0x43: {  	_ =	shalt  }
0x44: {  	_ =	shalt  }
0x45: {  	_ =	shalt  }
0x46: {  	_ =	shalt  }
0x47: {  	_ =	shalt  }
0x48: {  	_ =	shalt  }
0x49: {  	_ =	shalt  }
0x4a: {  	_ =	shalt  }
0x4b: {  	_ =	shalt  }
0x4c: {  	_ =	shalt  }
0x4d: {  	_ =	shalt  }
0x4e: {  	_ =	shalt  }
0x4f: {  	_ =	shalt  }
0x50: {  	_ =	shalt  }
0x51: {  	_ =	shalt  }
0x52: {  	_ =	shalt  }
0x53: {  	_ =	shalt  }
0x54: {  	_ =	shalt  }
0x55: {  	_ =	shalt  }
0x56: {  	_ =	shalt  }
0x57: {  	_ =	shalt  }
0x58: {  	_ =	shalt  }
0x59: {  	_ =	shalt  }
0x5a: {  	_ =	shalt  }
0x5b: {  	_ =	shalt  }
0x5c: {  	_ =	shalt  }
0x5d: {  	_ =	shalt  }
0x5e: {  	_ =	shalt  }
0x5f: {  	_ =	shalt  }
0x60: {  	_ =	shalt  }
0x61: {  	_ =	shalt  }
0x62: {  	_ =	shalt  }
0x63: {  	_ =	shalt  }
0x64: {  	_ =	shalt  }
0x65: {  	_ =	shalt  }
0x66: {  	_ =	shalt  }
0x67: {  	_ =	shalt  }
0x68: {  	_ =	shalt  }
0x69: {  	_ =	shalt  }
0x6a: {  	_ =	shalt  }
0x6b: {  	_ =	shalt  }
0x6c: {  	_ =	shalt  }
0x6d: {  	_ =	shalt  }
0x6e: {  	_ =	shalt  }
0x6f: {  	_ =	shalt  }
0x70: {  	_ =	shalt  }
0x71: {  	_ =	shalt  }
0x72: {  	_ =	shalt  }
0x73: {  	_ =	shalt  }
0x74: {  	_ =	shalt  }
0x75: {  	_ =	shalt  }
0x76: {  	_ =	shalt  }
0x77: {  	_ =	shalt  }
0x78: {  	_ =	shalt  }
0x79: {  	_ =	shalt  }
0x7a: {  	_ =	shalt  }
0x7b: {  	_ =	shalt  }
0x7c: {  	_ =	shalt  }
0x7d: {  	_ =	shalt  }
0x7e: {  	_ =	shalt  }
0x7f: {  	_ =	shalt  }
0x80: {  	_ =	shalt  }
0x81: {  	_ =	shalt  }
0x82: {  	_ =	shalt  }
0x83: {  	_ =	shalt  }
0x84: {  	_ =	shalt  }
0x85: {  	_ =	shalt  }
0x86: {  	_ =	shalt  }
0x87: {  	_ =	shalt  }
.Lfunc_end0:
.L_simem_size_0:
called_computation_lowered:
.L_overlay_start_0:
0x88: {  	s2 =	sld [smem:$0x3FD9]  }
0x89: {  	s3 =	sld [smem:$0x3FFE];
	_ =	sdelay $0x1  }
0x8a: {  	s1 =	srdreg.scid  }
0x8b: {  	s0 =	sand.u32 $0x1, s1  }
0x8c: {  	s17 =	sshll.u32 s0, $0xA;
	s2 =	sadd.s32 s3, s2  }
0x8d: {  	s2 =	sadd.s32 s2, s17  }
0x8e: {  	[smem:$0x3FC5] =	sst s2  }
0x8f: {  	_ = 	snop  }
0x90: {  	s2 =	sld [smem:$0x3FC9]  }
0x91: {  	s18 =	sld [smem:$0x3FC7]  }
0x92: {  	s4 =	sld [smem:$0x3FD0];
	(tm) =	ssettm $0x1  }
0x93: {  	s5 =	sld [smem:$0x3FFB];
	_ =	sdelay $0x3  }
0x94: {  	_ =	strace s5  }
0x95: {  	s5 =	sld [smem:$0x3FFC];
	_ =	sdelay $0x3  }
0x96: {  	_ =	strace s5  }
0x97: {  	s5 =	sld [smem:$0x3FFD];
	_ =	sdelay $0x3  }
0x98: {  	_ =	strace s5  }
0x99: {  	_ =	strace $0x8FFFFFFF  }
0x9a: {  	s19 =	sld [smem:$0x3FDB];
	_ =	sdelay $0x1  }
0x9b: {  	s6 =	simm.s32 $_scs_section_size  }
0x9c: {  	s7 =	simm.s32 $_size__tile_overlayer_lowered;
	s8 =	simm.s32 $_tile_overlayer_lowered  }
0x9d: {  	s22 =	simm.s32 $0x1BFF;
	s21 =	sshll.u32 s8, $0x1;
	s5 =	sadd.s32 s6, s19  }
0x9e: {  	s9 =	simm.s32 $0x0;
	s20 =	sshll.u32 s7, $0x1;
	s7 =	sadd.s32 s21, s5  }
0x9f: {  	[timem:s9], [sflag:s22] =	dma.local [hbm:s7], s20  }
0xa0: {  	_ =	swait.ge [sflag:s22], s20  }
0xa1: {  	s6 =	ssub.s32 $0x0, s20;
	[sflag:s22] =	ssyncset.done $0x0  }
0xa2: {  	[sflag:s22] =	ssyncadd.s32 s6;
	_ =	sdelay $0x1  }
0xa3: {  	s23 =	simm.s32 $0x1B8B  }
0xa4: {  	_ =	swait.ge [sflag:s23], $0x1  }
0xa5: {  	[sflag:s23] =	ssyncset.done $0x0  }
0xa6: {  	s25 =	simm.s32 $0x1B8E;
	s24 =	sld [smem:$0x3FFE];
	[sflag:s23] =	ssyncadd.s32 $0xFFFFFFFF  }
0xa7: {  	s26 =	simm.s32 $execute0_lowered;
	[smem:$0x3FD2] =	sst s25  }
0xa8: {  	s7 =	sshll.u32 s26, $0x1;
	_ =	strace $0x80000046;
	[dreg:$0x1] =	wrdreg $0xFFFFFFFF  }
0xa9: {  	s28 =	simm.s32 $_size_execute0_lowered;
	s5 =	sadd.s32 s5, s7;
	[dreg:$0x0] =	wrdreg $0x0  }
0xaa: {  	s7 =	sshll.u32 s28, $0x1;
	[dreg:$0x2] =	wrdreg s5  }
0xab: {  	[dreg:$0x3] =	wrdreg s7  }
0xac: {  	[dreg:$0x4] =	wrdreg $0xC0  }
0xad: {  	_ =	task [dreg:s9], $0x5FFFF  }
0xae: {  	[dreg:$0x1] =	wrdreg $0xFFFFFFFF  }
0xaf: {  	[dreg:$0x0] =	wrdreg $0x60  }
0xb0: {  	[dreg:$0x2] =	wrdreg s2  }
0xb1: {  	[dreg:$0x3] =	wrdreg s24  }
0xb2: {  	[dreg:$0x4] =	wrdreg s18  }
0xb3: {  	[dreg:$0x5] =	wrdreg s4  }
0xb4: {  	[dreg:$0x6] =	wrdreg $0x9  }
0xb5: {  	_ =	task.clear_ibuf [dreg:s9], $0x7FFFF;
	_ =	strace $0x90000046  }
0xb6: {  	s29 =	simm.s32 $0x9;
	_ =	strace $0x80000048  }
0xb7: {  	_ =	swait.ge [sflag:s29], $0x1  }
0xb8: {  	[sflag:s29] =	ssyncadd.s32 $0xFFFFFFFF  }
0xb9: {  	_ =	strace $0x90000048  }
0xba: {  	_ =	sfence  }
0xbb: {  	s30 =	sld [smem:$0x0];
	_ =	sdelay $0x2  }
0xbc: {  	s31 =	sshll.u32 s1, $0xD;
	s1 =	sshrl.u32 s1, $0x2  }
0xbd: {  	s3 =	sand.u32 $0x4000, s31;
	s1 =	sadd.s32 s1, s30  }
0xbe: {  	s0 =	sor.u32 s3, s0;
	s1 =	sshll.u32 s1, $0x11  }
0xbf: {  	s0 =	sor.u32 s1, s0  }
0xc0: {  	s0 =	sadd.s32 $0x8F2B, s0  }
0xc1: {  	[sflag:s0] =	ssyncadd.remote.s32 $0x1  }
0xc2: {  	_ =	sfence.sel $0xFFFF  }
0xc3: {  	[dreg:$0x0] =	wrdreg $0xFFFFFFFF;
	(pc) =	sbr.abs _section_cstart, $3  }
0xc4: {  	[dreg:$0x1] =	wrdreg $0xFFFFFFFF  }
0xc5: {  	_ =	task.clear_ibuf [dreg:s9], $0x2FFFF;
	_ =	strace $0x9FFFFFFF  }
0xc6: {  	(tm) =	ssettm $0x7FFFFFFF  }
0xc7: {  	_ =	shalt  }
tec
execute0_lowered:
.L_overlay_start_1:
0x0: {  	(tag) =	ssettag $0x1  }
0x1: {  	s0 =	rddreg [dreg:$0x0]  }
0x2: {  	s3 =	rddreg [dreg:$0x1]  }
0x3: {  	s1 =	rddreg [dreg:$0x2]  }
0x4: {  	s2 =	rddreg [dreg:$0x3];
	s4 =	simm.s32 $0x0;
	s5 =	srdreg.scid  }
0x5: {  	s6 =	stileid.u32;
	s12 =	simm.s32 $0x8;
	s21 =	simm.s32 $0x20  }
0x6: {  	s31 =	simm.s32 $0x8200;
	s16 =	simm.s32 $0xA200;
	s18 =	simm.s32 $0xB200  }
0x7: {  	s19 =	simm.s32 $0x1C200;
	s28 =	simm.s32 $0x1A200;
	s14 =	simm.s32 $0x1B200  }
0x8: {  	s10 =	simm.s32 $0x2;
	s11 =	simm.s32 $0x1CE00;
	s13 =	simm.s32 $0x3  }
0x9: {  	s20 =	simm.s32 $0x4;
	s17 =	simm.s32 $0x7;
	s22 =	simm.s32 $0x0  }
0xa: {  	[smem:$0x7FF] =	sst s4;
	s5 =	sand.u32 $0x1, s5;
	s6 =	sshll.u32 s6, $0xA  }
0xb: {  	s3 =	sadd.s32 $0x186E00, s3;
	s7 =	ssub.s32 $0x2, s5;
	s5 =	sshll.u32 s5, $0x9  }
0xc: {  	_ =	strace $0x80000047;
	s23 =	sshrl.u32 s7, $0x1;
	s6 =	sor.u32 s5, s6  }
0xd: {  	[dreg:$0x5] =	wrdreg s3;
	s3 =	ssub.s32 s7, s23;
	s5 =	sshrl.u32 s6, $0x3  }
0xe: {  	s24 =	sshll.u32 s6, $0x4;
	s25 =	sshll.u32 s6, $0x7;
	s7 =	simm.s32 $0x1CA00  }
0xf: {  	s0 =	sadd.s32 s0, s5;
	s26 =	sadd.s32 s24, s2;
	s8 =	sor.u32 $0x400, s25  }
0x10: {  	s9 =	sor.u32 $0x800, s25;
	s30 =	smax.u32 s3, $0x1;
	[dreg:$0x6] =	wrdreg s0  }
0x11: {  	s3 =	simm.s32 $0x9200;
	s29 =	sadd.s32 $0x1F80, s26;
	[dreg:$0x8] =	wrdreg s30  }
0x12: {  	s5 =	simm.s32 $0x1D200;
	s0 =	simm.s32 $0x1D600;
	[dreg:$0x7] =	wrdreg s29  }
.LBB2_1:
0x13: {  	[dreg:$0x9] =	wrdreg s22  }
0x14: {  	s15 =	rddreg [dreg:$0x6]  }
0x15: {  	[tilespmem:s4], [sflag:$0x8] =	stream.linear.gather [hbm4b:s15+s4], $0x200, $0x38;
	[tilespmem:$0x1DA00] =	vst v63  }
0x16: {  	_ =	swait.ge [sflag:s12], $0x200  }
0x17: {  	s22 =	simm.s32 $0x80;
	[sflag:s12] =	ssyncset.done $0x0  }
0x18: {  	s23 =	simm.s32 $0x200;
	s15 =	rddreg [dreg:$0x5];
	[sflag:s12] =	ssyncadd.s32 $0xFFFFFE00  }
0x19: {  	[tilespmem:s23], [sflag:$0x1] =	stream.indirect.gather [hbm4b:s15+s22], $0x20, s4, s22, $0xb8;
	[tilespmem:$0x1DA00] =	vst v63  }
0x1a: {  	s24 =	simm.s32 $0x1200  }
0x1b: {  	[tilespmem:s24], [sflag:$0x1] =	stream.indirect.gather [hbm4b:s15+s22], $0x20, s22, s22, $0xb8;
	[tilespmem:$0x1DA00] =	vst v63  }
0x1c: {  	s26 =	simm.s32 $0x100;
	s25 =	simm.s32 $0x2200  }
0x1d: {  	[tilespmem:s25], [sflag:$0x1] =	stream.indirect.gather [hbm4b:s15+s22], $0x20, s26, s22, $0xb8;
	[tilespmem:$0x1DA00] =	vst v63  }
0x1e: {  	s29 =	simm.s32 $0x180;
	s30 =	simm.s32 $0x3200;
	s25 =	simm.s32 $0x1  }
0x1f: {  	[tilespmem:s30], [sflag:$0x1] =	stream.indirect.gather [hbm4b:s15+s22], $0x20, s29, s22, $0xb8;
	[tilespmem:$0x1DA00] =	vst v63  }
0x20: {  	_ =	swait.ge [sflag:s25], $0x1000  }
0x21: {  	[sflag:s25] =	ssyncset.done $0x0  }
0x22: {  	[sflag:s25] =	ssyncadd.s32 $0xFFFFF000  }
0x23: {  	_ =	swait.ge [sflag:s25], $0x1000  }
0x24: {  	[sflag:s25] =	ssyncset.done $0x0  }
0x25: {  	[sflag:s25] =	ssyncadd.s32 $0xFFFFF000  }
0x26: {  	_ =	swait.ge [sflag:s25], $0x1000  }
0x27: {  	[sflag:s25] =	ssyncset.done $0x0  }
0x28: {  	[sflag:s25] =	ssyncadd.s32 $0xFFFFF000  }
0x29: {  	_ =	swait.ge [sflag:s25], $0x1000  }
0x2a: {  	[sflag:s25] =	ssyncset.done $0x0  }
0x2b: {  	s26 =	simm.s32 $0x4200;
	[sflag:s25] =	ssyncadd.s32 $0xFFFFF000  }
0x2c: {  	[tilespmem:s26], [sflag:$0x2] =	stream.indirect.gather [hbm4b:s1+s21], $0x80, s23, s21, $0xb8;
	[tilespmem:$0x1DA00] =	vst v63  }
0x2d: {  	s29 =	simm.s32 $0x220;
	s30 =	simm.s32 $0x5200  }
0x2e: {  	[tilespmem:s30], [sflag:$0x2] =	stream.indirect.gather [hbm4b:s1+s21], $0x80, s29, s21, $0xb8;
	[tilespmem:$0x1DA00] =	vst v63  }
0x2f: {  	s22 =	simm.s32 $0x240;
	s23 =	simm.s32 $0x6200  }
0x30: {  	[tilespmem:s23], [sflag:$0x2] =	stream.indirect.gather [hbm4b:s1+s21], $0x80, s22, s21, $0xb8;
	[tilespmem:$0x1DA00] =	vst v63  }
0x31: {  	s24 =	simm.s32 $0x260;
	s25 =	simm.s32 $0x7200  }
0x32: {  	[tilespmem:s25], [sflag:$0x2] =	stream.indirect.gather [hbm4b:s1+s21], $0x80, s24, s21, $0xb8;
	[tilespmem:$0x1DA00] =	vst v63  }
0x33: {  	s26 =	simm.s32 $0x280  }
0x34: {  	[tilespmem:s31], [sflag:$0x2] =	stream.indirect.gather [hbm4b:s1+s21], $0x80, s26, s21, $0xb8;
	[tilespmem:$0x1DA00] =	vst v63  }
0x35: {  	s29 =	simm.s32 $0x2A0  }
0x36: {  	[tilespmem:s3], [sflag:$0x2] =	stream.indirect.gather [hbm4b:s1+s21], $0x80, s29, s21, $0xb8;
	[tilespmem:$0x1DA00] =	vst v63  }
0x37: {  	s30 =	simm.s32 $0x2C0  }
0x38: {  	[tilespmem:s16], [sflag:$0x2] =	stream.indirect.gather [hbm4b:s1+s21], $0x80, s30, s21, $0xb8;
	[tilespmem:$0x1DA00] =	vst v63  }
0x39: {  	s22 =	simm.s32 $0x2E0  }
0x3a: {  	[tilespmem:s18], [sflag:$0x2] =	stream.indirect.gather [hbm4b:s1+s21], $0x80, s22, s21, $0xb8;
	[tilespmem:$0x1DA00] =	vst v63  }
0x3b: {  	_ = 	snop  }
0x3c: {  	[tilespmem:s19], [sflag:$0x2] =	stream.indirect.gather [hbm4b:s1+s12], $0x80, s4, s12, $0xb8;
	[tilespmem:$0x1DA00] =	vst v63  }
0x3d: {  	s23 =	simm.s32 $0x300;
	s24 =	simm.s32 $0xC200  }
0x3e: {  	[tilespmem:s24], [sflag:$0x3] =	stream.indirect.gather [hbm4b:s1+s21], $0x80, s23, s21, $0xb8;
	[tilespmem:$0x1DA00] =	vst v63  }
0x3f: {  	s25 =	simm.s32 $0x320;
	s26 =	simm.s32 $0xD200  }
0x40: {  	[tilespmem:s26], [sflag:$0x3] =	stream.indirect.gather [hbm4b:s1+s21], $0x80, s25, s21, $0xb8;
	[tilespmem:$0x1DA00] =	vst v63  }
0x41: {  	s29 =	simm.s32 $0x340;
	s30 =	simm.s32 $0xE200  }
0x42: {  	[tilespmem:s30], [sflag:$0x3] =	stream.indirect.gather [hbm4b:s1+s21], $0x80, s29, s21, $0xb8;
	[tilespmem:$0x1DA00] =	vst v63  }
0x43: {  	s23 =	simm.s32 $0x360;
	s24 =	simm.s32 $0xF200  }
0x44: {  	[tilespmem:s24], [sflag:$0x3] =	stream.indirect.gather [hbm4b:s1+s21], $0x80, s23, s21, $0xb8;
	[tilespmem:$0x1DA00] =	vst v63  }
0x45: {  	s25 =	simm.s32 $0x380;
	s26 =	simm.s32 $0x10200  }
0x46: {  	[tilespmem:s26], [sflag:$0x3] =	stream.indirect.gather [hbm4b:s1+s21], $0x80, s25, s21, $0xb8;
	[tilespmem:$0x1DA00] =	vst v63  }
0x47: {  	s29 =	simm.s32 $0x3A0;
	s30 =	simm.s32 $0x11200  }
0x48: {  	[tilespmem:s30], [sflag:$0x3] =	stream.indirect.gather [hbm4b:s1+s21], $0x80, s29, s21, $0xb8;
	[tilespmem:$0x1DA00] =	vst v63  }
0x49: {  	s22 =	simm.s32 $0x3C0;
	s23 =	simm.s32 $0x12200  }
0x4a: {  	[tilespmem:s23], [sflag:$0x3] =	stream.indirect.gather [hbm4b:s1+s21], $0x80, s22, s21, $0xb8;
	[tilespmem:$0x1DA00] =	vst v63  }
0x4b: {  	s24 =	simm.s32 $0x3E0;
	s25 =	simm.s32 $0x13200  }
0x4c: {  	[tilespmem:s25], [sflag:$0x3] =	stream.indirect.gather [hbm4b:s1+s21], $0x80, s24, s21, $0xb8;
	[tilespmem:$0x1DA00] =	vst v63  }
0x4d: {  	s26 =	simm.s32 $0x1C600  }
0x4e: {  	[tilespmem:s26], [sflag:$0x3] =	stream.indirect.gather [hbm4b:s1+s12], $0x80, s12, s12, $0xb8;
	[tilespmem:$0x1DA00] =	vst v63  }
0x4f: {  	s29 =	simm.s32 $0x400;
	s30 =	simm.s32 $0x14200  }
0x50: {  	[tilespmem:s30], [sflag:$0x4] =	stream.indirect.gather [hbm4b:s1+s21], $0x80, s29, s21, $0xb8;
	[tilespmem:$0x1DA00] =	vst v63  }
0x51: {  	s23 =	simm.s32 $0x420;
	s24 =	simm.s32 $0x15200  }
0x52: {  	[tilespmem:s24], [sflag:$0x4] =	stream.indirect.gather [hbm4b:s1+s21], $0x80, s23, s21, $0xb8;
	[tilespmem:$0x1DA00] =	vst v63  }
0x53: {  	s25 =	simm.s32 $0x440;
	s26 =	simm.s32 $0x16200  }
0x54: {  	[tilespmem:s26], [sflag:$0x4] =	stream.indirect.gather [hbm4b:s1+s21], $0x80, s25, s21, $0xb8;
	[tilespmem:$0x1DA00] =	vst v63  }
0x55: {  	s29 =	simm.s32 $0x460;
	s30 =	simm.s32 $0x17200  }
0x56: {  	[tilespmem:s30], [sflag:$0x4] =	stream.indirect.gather [hbm4b:s1+s21], $0x80, s29, s21, $0xb8;
	[tilespmem:$0x1DA00] =	vst v63  }
0x57: {  	s22 =	simm.s32 $0x480;
	s23 =	simm.s32 $0x18200  }
0x58: {  	[tilespmem:s23], [sflag:$0x4] =	stream.indirect.gather [hbm4b:s1+s21], $0x80, s22, s21, $0xb8;
	[tilespmem:$0x1DA00] =	vst v63  }
0x59: {  	s24 =	simm.s32 $0x4A0;
	s25 =	simm.s32 $0x19200  }
0x5a: {  	[tilespmem:s25], [sflag:$0x4] =	stream.indirect.gather [hbm4b:s1+s21], $0x80, s24, s21, $0xb8;
	[tilespmem:$0x1DA00] =	vst v63  }
0x5b: {  	s26 =	simm.s32 $0x4C0  }
0x5c: {  	[tilespmem:s28], [sflag:$0x4] =	stream.indirect.gather [hbm4b:s1+s21], $0x80, s26, s21, $0xb8;
	[tilespmem:$0x1DA00] =	vst v63  }
0x5d: {  	s29 =	simm.s32 $0x4E0  }
0x5e: {  	[tilespmem:s14], [sflag:$0x4] =	stream.indirect.gather [hbm4b:s1+s21], $0x80, s29, s21, $0xb8;
	[tilespmem:$0x1DA00] =	vst v63  }
0x5f: {  	s30 =	simm.s32 $0x10;
	s22 =	simm.s32 $0x0  }
0x60: {  	[tilespmem:s7], [sflag:$0x4] =	stream.indirect.gather [hbm4b:s1+s12], $0x80, s30, s12, $0xb8;
	[tilespmem:$0x1DA00] =	vst v63  }
.LBB2_2:
0x61: {  	p0 =	seq.s32 s22, $0x0  }
0x62: {  	s23 =	simm.s32 @!p0 $0x5  }
0x63: {  	_ =	swait.ge @!p0 [sflag:s23], $0x400  }
0x64: {  	[sflag:s23] =	ssyncset.done @!p0 $0x0  }
0x65: {  	[sflag:s23] =	ssyncadd.s32 @!p0 $0xFFFFFC00  }
0x66: {  	_ =	swait.ge [sflag:s10], $0x1000  }
0x67: {  	[sflag:s10] =	ssyncset.done $0x0  }
0x68: {  	[sflag:s10] =	ssyncadd.s32 $0xFFFFF000  }
0x69: {  	_ =	swait.ge [sflag:s10], $0x1000  }
0x6a: {  	[sflag:s10] =	ssyncset.done $0x0  }
0x6b: {  	[sflag:s10] =	ssyncadd.s32 $0xFFFFF000  }
0x6c: {  	_ =	swait.ge [sflag:s10], $0x1000  }
0x6d: {  	[sflag:s10] =	ssyncset.done $0x0  }
0x6e: {  	[sflag:s10] =	ssyncadd.s32 $0xFFFFF000  }
0x6f: {  	_ =	swait.ge [sflag:s10], $0x1000  }
0x70: {  	[sflag:s10] =	ssyncset.done $0x0  }
0x71: {  	[sflag:s10] =	ssyncadd.s32 $0xFFFFF000  }
0x72: {  	_ =	swait.ge [sflag:s10], $0x1000  }
0x73: {  	[sflag:s10] =	ssyncset.done $0x0  }
0x74: {  	[sflag:s10] =	ssyncadd.s32 $0xFFFFF000  }
0x75: {  	_ =	swait.ge [sflag:s10], $0x1000  }
0x76: {  	[sflag:s10] =	ssyncset.done $0x0  }
0x77: {  	[sflag:s10] =	ssyncadd.s32 $0xFFFFF000  }
0x78: {  	_ =	swait.ge [sflag:s10], $0x1000  }
0x79: {  	[sflag:s10] =	ssyncset.done $0x0  }
0x7a: {  	[sflag:s10] =	ssyncadd.s32 $0xFFFFF000  }
0x7b: {  	_ =	swait.ge [sflag:s10], $0x1000  }
0x7c: {  	[sflag:s10] =	ssyncset.done $0x0  }
0x7d: {  	[sflag:s10] =	ssyncadd.s32 $0xFFFFF000  }
0x7e: {  	_ =	swait.ge [sflag:s10], $0x400  }
0x7f: {  	s25 =	smul.u32 $0x3, s22;
	[sflag:s10] =	ssyncset.done $0x0  }
0x80: {  	s24 =	simm.s32 $0x0;
	s30 =	simm.s32 $0x4200;
	[sflag:s10] =	ssyncadd.s32 $0xFFFFFC00  }
.LBB2_3:
0x81: {  	v2 =	vmov s30;
	_ =	sdelay $0x3  }
0x82: {  	s26 =	simm.s32 $0x0  }
0x83: {  	v5 =	vld.idx.msk [tilespmem:v2+s26+$0x180 ss:$0x1], $0xffff  }
0x84: {  	v6 =	vld.idx.msk [tilespmem:v2+s26+$0x190 ss:$0x1], $0xffff  }
0x85: {  	v7 =	vld.idx.msk [tilespmem:v2+s26+$0x1A0 ss:$0x1], $0xffff  }
0x86: {  	v8 =	vld.idx.msk [tilespmem:v2+s26+$0x1B0 ss:$0x1], $0xffff  }
0x87: {  	v1 =	vld.idx.msk [tilespmem:v2+s26+$0x1C0 ss:$0x1], $0xffff  }
0x88: {  	v0 =	vld.idx.msk [tilespmem:v2+s26+$0x1D0 ss:$0x1], $0xffff  }
0x89: {  	v15 =	vld.idx.msk [tilespmem:v2+s26+$0x100 ss:$0x1], $0xffff  }
0x8a: {  	v18 =	vld.idx.msk [tilespmem:v2+s26+$0x110 ss:$0x1], $0xffff  }
0x8b: {  	v13 =	vld.idx.msk [tilespmem:v2+s26+$0x120 ss:$0x1], $0xffff  }
0x8c: {  	v16 =	vld.idx.msk [tilespmem:v2+s26+$0x130 ss:$0x1], $0xffff  }
0x8d: {  	v3 =	vld.idx.msk [tilespmem:v2+s26+$0x140 ss:$0x1], $0xffff  }
0x8e: {  	v4 =	vld.idx.msk [tilespmem:v2+s26+$0x150 ss:$0x1], $0xffff  }
0x8f: {  	v10 =	vld.idx.msk [tilespmem:v2+s26+$0x80 ss:$0x1], $0xffff  }
0x90: {  	v11 =	vld.idx.msk [tilespmem:v2+s26+$0x90 ss:$0x1], $0xffff  }
0x91: {  	v12 =	vld.idx.msk [tilespmem:v2+s26+$0x0 ss:$0x1], $0xffff  }
0x92: {  	v19 =	vld.idx.msk [tilespmem:v2+s26+$0x10 ss:$0x1], $0xffff  }
0x93: {  	v20 =	vld.idx.msk [tilespmem:v2+s26+$0x20 ss:$0x1], $0xffff  }
0x94: {  	v21 =	vld.idx.msk [tilespmem:v2+s26+$0x30 ss:$0x1], $0xffff  }
0x95: {  	v22 =	vld.idx.msk [tilespmem:v2+s26+$0xA0 ss:$0x1], $0xffff  }
0x96: {  	v23 =	vld.idx.msk [tilespmem:v2+s26+$0xB0 ss:$0x1], $0xffff  }
0x97: {  	v9 =	vimm.f32 $0.0e+00;
	v14 =	vld.idx.msk [tilespmem:v2+s26+$0xC0 ss:$0x1], $0xffff  }
0x98: {  	v17 =	vld.idx.msk [tilespmem:v2+s26+$0xD0 ss:$0x1], $0xffff;
	v12 =	vadd.f32 v12, v9;
	v27 =	vadd.f32 v19, v9  }
0x99: {  	v19 =	vld.idx.msk [tilespmem:v2+s26+$0x40 ss:$0x1], $0xffff;
	v24 =	vadd.f32 v20, v9;
	v25 =	vadd.f32 v21, v9  }
0x9a: {  	v21 =	vld.idx.msk [tilespmem:v2+s26+$0x50 ss:$0x1], $0xffff;
	v26 =	vadd.f32 v10, v12;
	v27 =	vadd.f32 v11, v27  }
0x9b: {  	s23 =	simm.s32 $0x800;
	v20 =	vld.idx.msk [tilespmem:v2+s26+$0x60 ss:$0x1], $0xffff;
	v12 =	vimm.f32 $0.0e+00;
	v10 =	vimm.f32 $0.0e+00;
	v11 =	vimm.f32 $0.0e+00  }
.LBB2_4:
0x9c: {  	p1 =	sne.s32 s23, $0x3800;
	v28 =	vld.idx.msk [tilespmem:v2+s26+$0x70 ss:$0x1], $0xffff;
	v22 =	vadd.f32 v22, v24;
	v23 =	vadd.f32 v23, v25  }
0x9d: {  	v24 =	vld.idx.msk [tilespmem:v2+s26+$0xE0 ss:$0x1], $0xffff;
	v15 =	vadd.f32 v15, v26;
	v18 =	vadd.f32 v18, v27  }
0x9e: {  	v25 =	vld.idx.msk [tilespmem:v2+s26+$0xF0 ss:$0x1], $0xffff;
	v13 =	vadd.f32 v13, v22;
	v16 =	vadd.f32 v16, v23  }
0x9f: {  	v22 =	vld.idx.msk [tilespmem:v2+s26+$0x160 ss:$0x1], $0xffff;
	v26 =	vadd.f32 v5, v15;
	v27 =	vadd.f32 v6, v18  }
0xa0: {  	v15 =	vld.idx.msk [tilespmem:v2+s26+$0x170 ss:$0x1], $0xffff;
	v29 =	vadd.f32 v7, v13;
	v30 =	vadd.f32 v8, v16  }
0xa1: {  	v6 =	vadd.f32 v19, v9;
	v7 =	vadd.f32 v21, v12;
	v13 =	vld.idx.msk [tilespmem:v2+s26+$0x1E0 ss:$0x1], $0xffff  }
0xa2: {  	v8 =	vadd.f32 v20, v10;
	v9 =	vadd.f32 v28, v11;
	v11 =	vld.idx.msk [tilespmem:v2+s26+$0x1F0 ss:$0x1], $0xffff;
	s26 =	sshra.s32 s23, $0x2  }
0xa3: {  	v10 =	vadd.f32 v14, v6;
	v12 =	vadd.f32 v17, v7;
	v5 =	vld.idx.msk [tilespmem:v2+s26+$0x180 ss:$0x1], $0xffff  }
0xa4: {  	v14 =	vadd.f32 v24, v8;
	v9 =	vadd.f32 v25, v9;
	v6 =	vld.idx.msk [tilespmem:v2+s26+$0x190 ss:$0x1], $0xffff  }
0xa5: {  	v3 =	vadd.f32 v3, v10;
	v4 =	vadd.f32 v4, v12;
	v7 =	vld.idx.msk [tilespmem:v2+s26+$0x1A0 ss:$0x1], $0xffff  }
0xa6: {  	v10 =	vadd.f32 v22, v14;
	v14 =	vadd.f32 v15, v9;
	v8 =	vld.idx.msk [tilespmem:v2+s26+$0x1B0 ss:$0x1], $0xffff  }
0xa7: {  	v9 =	vadd.f32 v1, v3;
	v12 =	vadd.f32 v0, v4;
	v1 =	vld.idx.msk [tilespmem:v2+s26+$0x1C0 ss:$0x1], $0xffff  }
0xa8: {  	v10 =	vadd.f32 v13, v10;
	v11 =	vadd.f32 v11, v14;
	v0 =	vld.idx.msk [tilespmem:v2+s26+$0x1D0 ss:$0x1], $0xffff  }
0xa9: {  	v15 =	vld.idx.msk [tilespmem:v2+s26+$0x100 ss:$0x1], $0xffff  }
0xaa: {  	v18 =	vld.idx.msk [tilespmem:v2+s26+$0x110 ss:$0x1], $0xffff  }
0xab: {  	v13 =	vld.idx.msk [tilespmem:v2+s26+$0x120 ss:$0x1], $0xffff  }
0xac: {  	v16 =	vld.idx.msk [tilespmem:v2+s26+$0x130 ss:$0x1], $0xffff  }
0xad: {  	v3 =	vld.idx.msk [tilespmem:v2+s26+$0x140 ss:$0x1], $0xffff  }
0xae: {  	v4 =	vld.idx.msk [tilespmem:v2+s26+$0x150 ss:$0x1], $0xffff  }
0xaf: {  	v28 =	vld.idx.msk [tilespmem:v2+s26+$0x80 ss:$0x1], $0xffff  }
0xb0: {  	v31 =	vld.idx.msk [tilespmem:v2+s26+$0x90 ss:$0x1], $0xffff  }
0xb1: {  	v19 =	vld.idx.msk [tilespmem:v2+s26+$0x0 ss:$0x1], $0xffff  }
0xb2: {  	v20 =	vld.idx.msk [tilespmem:v2+s26+$0x10 ss:$0x1], $0xffff  }
0xb3: {  	v21 =	vld.idx.msk [tilespmem:v2+s26+$0x20 ss:$0x1], $0xffff  }
0xb4: {  	v25 =	vld.idx.msk [tilespmem:v2+s26+$0x30 ss:$0x1], $0xffff  }
0xb5: {  	v22 =	vld.idx.msk [tilespmem:v2+s26+$0xA0 ss:$0x1], $0xffff  }
0xb6: {  	v23 =	vld.idx.msk [tilespmem:v2+s26+$0xB0 ss:$0x1], $0xffff  }
.Ltmp0:
0xb7: {  	v14 =	vld.idx.msk [tilespmem:v2+s26+$0xC0 ss:$0x1], $0xffff;
	(pc) =	sbr.rel @p1 .LBB2_4-.Ltmp0, $4  }
0xb8: {  	v17 =	vld.idx.msk [tilespmem:v2+s26+$0xD0 ss:$0x1], $0xffff  }
0xb9: {  	v26 =	vadd.f32 v19, v26;
	v27 =	vadd.f32 v20, v27;
	v19 =	vld.idx.msk [tilespmem:v2+s26+$0x40 ss:$0x1], $0xffff  }
0xba: {  	v24 =	vadd.f32 v21, v29;
	v25 =	vadd.f32 v25, v30;
	v21 =	vld.idx.msk [tilespmem:v2+s26+$0x50 ss:$0x1], $0xffff  }
0xbb: {  	s23 =	sadd.s32 $0x800, s23;
	v26 =	vadd.f32 v28, v26;
	v27 =	vadd.f32 v31, v27;
	v20 =	vld.idx.msk [tilespmem:v2+s26+$0x60 ss:$0x1], $0xffff  }
0xbc: {  	_ =	sdelay $0x3  }
0xbd: {  	v28 =	vld.idx.msk [tilespmem:v2+s26+$0x70 ss:$0x1], $0xffff  }
0xbe: {  	v22 =	vadd.f32 v22, v24;
	v23 =	vadd.f32 v23, v25;
	v41 =	vld.idx.msk [tilespmem:v2+s26+$0xE0 ss:$0x1], $0xffff  }
0xbf: {  	v42 =	vld.idx.msk [tilespmem:v2+s26+$0xF0 ss:$0x1], $0xffff;
	v15 =	vadd.f32 v15, v26;
	v18 =	vadd.f32 v18, v27  }
0xc0: {  	v43 =	vld.idx.msk [tilespmem:v2+s26+$0x160 ss:$0x1], $0xffff;
	v13 =	vadd.f32 v13, v22;
	v16 =	vadd.f32 v16, v23  }
0xc1: {  	v44 =	vld.idx.msk [tilespmem:v2+s26+$0x170 ss:$0x1], $0xffff;
	s23 =	sshll.u32 s24, $0x7;
	v9 =	vadd.f32 v19, v9;
	v5 =	vadd.f32 v5, v15  }
0xc2: {  	v47 =	vld [tilespmem:s23+$0x1C200];
	v6 =	vadd.f32 v6, v18;
	v12 =	vadd.f32 v21, v12  }
0xc3: {  	v48 =	vld [tilespmem:s23+$0x1C210];
	v7 =	vadd.f32 v7, v13;
	v8 =	vadd.f32 v8, v16  }
0xc4: {  	v45 =	vld.idx.msk [tilespmem:v2+s26+$0x1E0 ss:$0x1], $0xffff;
	v10 =	vadd.f32 v20, v10;
	v9 =	vadd.f32 v14, v9  }
0xc5: {  	v46 =	vld.idx.msk [tilespmem:v2+s26+$0x1F0 ss:$0x1], $0xffff;
	v11 =	vadd.f32 v28, v11;
	v12 =	vadd.f32 v17, v12;
	v5 =	vmul.f32 $3.125000000e-02, v5  }
0xc6: {  	v49 =	vld [tilespmem:s23+$0x1C220];
	v6 =	vmul.f32 $3.125000000e-02, v6;
	v10 =	vadd.f32 v41, v10;
	v3 =	vadd.f32 v3, v9  }
0xc7: {  	v50 =	vld [tilespmem:s23+$0x1C230];
	v11 =	vadd.f32 v42, v11;
	v4 =	vadd.f32 v4, v12  }
0xc8: {  	v51 =	vld [tilespmem:s23+$0x1C240];
	v52 =	vadd.f32 v47, v5;
	v55 =	vadd.f32 v48, v6  }
0xc9: {  	v54 =	vld [tilespmem:s23+$0x1C250];
	v53 =	vmul.f32 $3.125000000e-02, v7;
	v10 =	vadd.f32 v43, v10;
	v1 =	vadd.f32 v1, v3  }
0xca: {  	v57 =	vld [tilespmem:s23+$0x1C260];
	v56 =	vmul.f32 $3.125000000e-02, v8;
	v11 =	vadd.f32 v44, v11;
	v0 =	vadd.f32 v0, v4  }
0xcb: {  	v59 =	vld [tilespmem:s23+$0x1C270];
	v58 =	vadd.f32 v49, v53;
	[tilespmem:s23+$0x1CE00] =	vst v52;
	v10 =	vadd.f32 v45, v10;
	v1 =	vmul.f32 $3.125000000e-02, v1  }
0xcc: {  	s24 =	sadd.s32 $0x1, s24;
	v60 =	vadd.f32 v50, v56;
	[tilespmem:s23+$0x1CE10] =	vst v55;
	v2 =	vadd.f32 v46, v11;
	v0 =	vmul.f32 $3.125000000e-02, v0  }
0xcd: {  	p1 =	sne.s32 s24, $0x8;
	[tilespmem:s23+$0x1CE20] =	vst v58;
	v1 =	vadd.f32 v51, v1;
	v61 =	vmul.f32 $3.125000000e-02, v10  }
.Ltmp1:
0xce: {  	[tilespmem:s23+$0x1CE30] =	vst v60;
	v0 =	vadd.f32 v54, v0;
	v2 =	vmul.f32 $3.125000000e-02, v2;
	(pc) =	sbr.rel @p1 .LBB2_3-.Ltmp1, $4  }
0xcf: {  	[tilespmem:s23+$0x1CE40] =	vst v1;
	v62 =	vadd.f32 v57, v61  }
0xd0: {  	[tilespmem:s23+$0x1CE50] =	vst v0;
	v63 =	vadd.f32 v59, v2  }
0xd1: {  	[tilespmem:s23+$0x1CE60] =	vst v62  }
0xd2: {  	s30 =	sadd.s32 $0x1000, s30;
	[tilespmem:s23+$0x1CE70] =	vst v63  }
0xd3: {  	s23 =	smul.u32 $0x18, s22;
	_ =	sdelay $0x1  }
0xd4: {  	s23 =	sadd.s32 s6, s23  }
0xd5: {  	s23 =	sshll.u32 s23, $0x4  }
0xd6: {  	s23 =	sadd.s32 s2, s23  }
0xd7: {  	[hbm4b:s23+s4] =	stream.linear.scatter [tilespmem:s11], [sflag:$0x5], $0x400, $0x38;
	[tilespmem:$0x1DA00] =	vst v63  }
0xd8: {  	s23 =	sadd.s32 $0x3, s25  }
0xd9: {  	s24 =	sshll.u32 s23, $0x8  }
0xda: {  	s24 =	sand.u32 $0x3FFFFF00, s24  }
0xdb: {  	s15 =	simm.s32 $0x4200;
	s26 =	sadd.s32 $0x200, s24  }
0xdc: {  	[tilespmem:s15], [sflag:$0x2] =	stream.indirect.gather [hbm4b:s1+s21], $0x80, s26, s21, $0xb8;
	[tilespmem:$0x1DA00] =	vst v63  }
0xdd: {  	s29 =	simm.s32 $0x5200;
	s15 =	sadd.s32 $0x220, s24  }
0xde: {  	[tilespmem:s29], [sflag:$0x2] =	stream.indirect.gather [hbm4b:s1+s21], $0x80, s15, s21, $0xb8;
	[tilespmem:$0x1DA00] =	vst v63  }
0xdf: {  	s15 =	sadd.s32 $0x240, s24;
	s29 =	simm.s32 $0x6200  }
0xe0: {  	[tilespmem:s29], [sflag:$0x2] =	stream.indirect.gather [hbm4b:s1+s21], $0x80, s15, s21, $0xb8;
	[tilespmem:$0x1DA00] =	vst v63  }
0xe1: {  	s15 =	sadd.s32 $0x260, s24;
	s29 =	simm.s32 $0x7200  }
0xe2: {  	[tilespmem:s29], [sflag:$0x2] =	stream.indirect.gather [hbm4b:s1+s21], $0x80, s15, s21, $0xb8;
	[tilespmem:$0x1DA00] =	vst v63  }
0xe3: {  	s29 =	sadd.s32 $0x280, s24  }
0xe4: {  	[tilespmem:s31], [sflag:$0x2] =	stream.indirect.gather [hbm4b:s1+s21], $0x80, s29, s21, $0xb8;
	[tilespmem:$0x1DA00] =	vst v63  }
0xe5: {  	s15 =	sadd.s32 $0x2A0, s24  }
0xe6: {  	[tilespmem:s3], [sflag:$0x2] =	stream.indirect.gather [hbm4b:s1+s21], $0x80, s15, s21, $0xb8;
	[tilespmem:$0x1DA00] =	vst v63  }
0xe7: {  	s29 =	sadd.s32 $0x2C0, s24  }
0xe8: {  	[tilespmem:s16], [sflag:$0x2] =	stream.indirect.gather [hbm4b:s1+s21], $0x80, s29, s21, $0xb8;
	[tilespmem:$0x1DA00] =	vst v63  }
0xe9: {  	s23 =	sshll.u32 s23, $0x3;
	s24 =	sadd.s32 $0x2E0, s24  }
0xea: {  	[tilespmem:s18], [sflag:$0x2] =	stream.indirect.gather [hbm4b:s1+s21], $0x80, s24, s21, $0xb8;
	[tilespmem:$0x1DA00] =	vst v63  }
0xeb: {  	s23 =	sand.u32 $0x3FFFFFF8, s23  }
0xec: {  	[tilespmem:s19], [sflag:$0x2] =	stream.indirect.gather [hbm4b:s1+s12], $0x80, s23, s12, $0xb8;
	[tilespmem:$0x1DA00] =	vst v63  }
0xed: {  	s23 =	simm.s32 @!p0 $0x6  }
0xee: {  	_ =	swait.ge @!p0 [sflag:s23], $0x400  }
0xef: {  	[sflag:s23] =	ssyncset.done @!p0 $0x0  }
0xf0: {  	[sflag:s23] =	ssyncadd.s32 @!p0 $0xFFFFFC00  }
0xf1: {  	_ =	swait.ge [sflag:s13], $0x1000  }
0xf2: {  	[sflag:s13] =	ssyncset.done $0x0  }
0xf3: {  	[sflag:s13] =	ssyncadd.s32 $0xFFFFF000  }
0xf4: {  	_ =	swait.ge [sflag:s13], $0x1000  }
0xf5: {  	[sflag:s13] =	ssyncset.done $0x0  }
0xf6: {  	[sflag:s13] =	ssyncadd.s32 $0xFFFFF000  }
0xf7: {  	_ =	swait.ge [sflag:s13], $0x1000  }
0xf8: {  	[sflag:s13] =	ssyncset.done $0x0  }
0xf9: {  	[sflag:s13] =	ssyncadd.s32 $0xFFFFF000  }
0xfa: {  	_ =	swait.ge [sflag:s13], $0x1000  }
0xfb: {  	[sflag:s13] =	ssyncset.done $0x0  }
0xfc: {  	[sflag:s13] =	ssyncadd.s32 $0xFFFFF000  }
0xfd: {  	_ =	swait.ge [sflag:s13], $0x1000  }
0xfe: {  	[sflag:s13] =	ssyncset.done $0x0  }
0xff: {  	[sflag:s13] =	ssyncadd.s32 $0xFFFFF000  }
0x100: {  	_ =	swait.ge [sflag:s13], $0x1000  }
0x101: {  	[sflag:s13] =	ssyncset.done $0x0  }
0x102: {  	[sflag:s13] =	ssyncadd.s32 $0xFFFFF000  }
0x103: {  	_ =	swait.ge [sflag:s13], $0x1000  }
0x104: {  	[sflag:s13] =	ssyncset.done $0x0  }
0x105: {  	[sflag:s13] =	ssyncadd.s32 $0xFFFFF000  }
0x106: {  	_ =	swait.ge [sflag:s13], $0x1000  }
0x107: {  	[sflag:s13] =	ssyncset.done $0x0  }
0x108: {  	[sflag:s13] =	ssyncadd.s32 $0xFFFFF000  }
0x109: {  	_ =	swait.ge [sflag:s13], $0x400  }
0x10a: {  	[sflag:s13] =	ssyncset.done $0x0  }
0x10b: {  	s30 =	simm.s32 $0xC200;
	s24 =	simm.s32 $0x0;
	[sflag:s13] =	ssyncadd.s32 $0xFFFFFC00  }
.LBB2_7:
0x10c: {  	v2 =	vmov s30;
	_ =	sdelay $0x3  }
0x10d: {  	s26 =	simm.s32 $0x0  }
0x10e: {  	v5 =	vld.idx.msk [tilespmem:v2+s26+$0x180 ss:$0x1], $0xffff  }
0x10f: {  	v6 =	vld.idx.msk [tilespmem:v2+s26+$0x190 ss:$0x1], $0xffff  }
0x110: {  	v7 =	vld.idx.msk [tilespmem:v2+s26+$0x1A0 ss:$0x1], $0xffff  }
0x111: {  	v8 =	vld.idx.msk [tilespmem:v2+s26+$0x1B0 ss:$0x1], $0xffff  }
0x112: {  	v1 =	vld.idx.msk [tilespmem:v2+s26+$0x1C0 ss:$0x1], $0xffff  }
0x113: {  	v0 =	vld.idx.msk [tilespmem:v2+s26+$0x1D0 ss:$0x1], $0xffff  }
0x114: {  	v15 =	vld.idx.msk [tilespmem:v2+s26+$0x100 ss:$0x1], $0xffff  }
0x115: {  	v18 =	vld.idx.msk [tilespmem:v2+s26+$0x110 ss:$0x1], $0xffff  }
0x116: {  	v13 =	vld.idx.msk [tilespmem:v2+s26+$0x120 ss:$0x1], $0xffff  }
0x117: {  	v16 =	vld.idx.msk [tilespmem:v2+s26+$0x130 ss:$0x1], $0xffff  }
0x118: {  	v3 =	vld.idx.msk [tilespmem:v2+s26+$0x140 ss:$0x1], $0xffff  }
0x119: {  	v4 =	vld.idx.msk [tilespmem:v2+s26+$0x150 ss:$0x1], $0xffff  }
0x11a: {  	v10 =	vld.idx.msk [tilespmem:v2+s26+$0x80 ss:$0x1], $0xffff  }
0x11b: {  	v11 =	vld.idx.msk [tilespmem:v2+s26+$0x90 ss:$0x1], $0xffff  }
0x11c: {  	v12 =	vld.idx.msk [tilespmem:v2+s26+$0x0 ss:$0x1], $0xffff  }
0x11d: {  	v19 =	vld.idx.msk [tilespmem:v2+s26+$0x10 ss:$0x1], $0xffff  }
0x11e: {  	v20 =	vld.idx.msk [tilespmem:v2+s26+$0x20 ss:$0x1], $0xffff  }
0x11f: {  	v21 =	vld.idx.msk [tilespmem:v2+s26+$0x30 ss:$0x1], $0xffff  }
0x120: {  	v22 =	vld.idx.msk [tilespmem:v2+s26+$0xA0 ss:$0x1], $0xffff  }
0x121: {  	v23 =	vld.idx.msk [tilespmem:v2+s26+$0xB0 ss:$0x1], $0xffff  }
0x122: {  	v9 =	vimm.f32 $0.0e+00;
	v14 =	vld.idx.msk [tilespmem:v2+s26+$0xC0 ss:$0x1], $0xffff  }
0x123: {  	v17 =	vld.idx.msk [tilespmem:v2+s26+$0xD0 ss:$0x1], $0xffff;
	v12 =	vadd.f32 v12, v9;
	v27 =	vadd.f32 v19, v9  }
0x124: {  	v19 =	vld.idx.msk [tilespmem:v2+s26+$0x40 ss:$0x1], $0xffff;
	v24 =	vadd.f32 v20, v9;
	v25 =	vadd.f32 v21, v9  }
0x125: {  	v21 =	vld.idx.msk [tilespmem:v2+s26+$0x50 ss:$0x1], $0xffff;
	v26 =	vadd.f32 v10, v12;
	v27 =	vadd.f32 v11, v27  }
0x126: {  	s23 =	simm.s32 $0x800;
	v20 =	vld.idx.msk [tilespmem:v2+s26+$0x60 ss:$0x1], $0xffff;
	v12 =	vimm.f32 $0.0e+00;
	v10 =	vimm.f32 $0.0e+00;
	v11 =	vimm.f32 $0.0e+00  }
.LBB2_8:
0x127: {  	p0 =	sne.s32 s23, $0x3800;
	v28 =	vld.idx.msk [tilespmem:v2+s26+$0x70 ss:$0x1], $0xffff;
	v22 =	vadd.f32 v22, v24;
	v23 =	vadd.f32 v23, v25  }
0x128: {  	v24 =	vld.idx.msk [tilespmem:v2+s26+$0xE0 ss:$0x1], $0xffff;
	v15 =	vadd.f32 v15, v26;
	v18 =	vadd.f32 v18, v27  }
0x129: {  	v25 =	vld.idx.msk [tilespmem:v2+s26+$0xF0 ss:$0x1], $0xffff;
	v13 =	vadd.f32 v13, v22;
	v16 =	vadd.f32 v16, v23  }
0x12a: {  	v22 =	vld.idx.msk [tilespmem:v2+s26+$0x160 ss:$0x1], $0xffff;
	v26 =	vadd.f32 v5, v15;
	v27 =	vadd.f32 v6, v18  }
0x12b: {  	v15 =	vld.idx.msk [tilespmem:v2+s26+$0x170 ss:$0x1], $0xffff;
	v29 =	vadd.f32 v7, v13;
	v30 =	vadd.f32 v8, v16  }
0x12c: {  	v6 =	vadd.f32 v19, v9;
	v7 =	vadd.f32 v21, v12;
	v13 =	vld.idx.msk [tilespmem:v2+s26+$0x1E0 ss:$0x1], $0xffff  }
0x12d: {  	v8 =	vadd.f32 v20, v10;
	v9 =	vadd.f32 v28, v11;
	v11 =	vld.idx.msk [tilespmem:v2+s26+$0x1F0 ss:$0x1], $0xffff;
	s26 =	sshra.s32 s23, $0x2  }
0x12e: {  	v10 =	vadd.f32 v14, v6;
	v12 =	vadd.f32 v17, v7;
	v5 =	vld.idx.msk [tilespmem:v2+s26+$0x180 ss:$0x1], $0xffff  }
0x12f: {  	v14 =	vadd.f32 v24, v8;
	v9 =	vadd.f32 v25, v9;
	v6 =	vld.idx.msk [tilespmem:v2+s26+$0x190 ss:$0x1], $0xffff  }
0x130: {  	v3 =	vadd.f32 v3, v10;
	v4 =	vadd.f32 v4, v12;
	v7 =	vld.idx.msk [tilespmem:v2+s26+$0x1A0 ss:$0x1], $0xffff  }
0x131: {  	v10 =	vadd.f32 v22, v14;
	v14 =	vadd.f32 v15, v9;
	v8 =	vld.idx.msk [tilespmem:v2+s26+$0x1B0 ss:$0x1], $0xffff  }
0x132: {  	v9 =	vadd.f32 v1, v3;
	v12 =	vadd.f32 v0, v4;
	v1 =	vld.idx.msk [tilespmem:v2+s26+$0x1C0 ss:$0x1], $0xffff  }
0x133: {  	v10 =	vadd.f32 v13, v10;
	v11 =	vadd.f32 v11, v14;
	v0 =	vld.idx.msk [tilespmem:v2+s26+$0x1D0 ss:$0x1], $0xffff  }
0x134: {  	v15 =	vld.idx.msk [tilespmem:v2+s26+$0x100 ss:$0x1], $0xffff  }
0x135: {  	v18 =	vld.idx.msk [tilespmem:v2+s26+$0x110 ss:$0x1], $0xffff  }
0x136: {  	v13 =	vld.idx.msk [tilespmem:v2+s26+$0x120 ss:$0x1], $0xffff  }
0x137: {  	v16 =	vld.idx.msk [tilespmem:v2+s26+$0x130 ss:$0x1], $0xffff  }
0x138: {  	v3 =	vld.idx.msk [tilespmem:v2+s26+$0x140 ss:$0x1], $0xffff  }
0x139: {  	v4 =	vld.idx.msk [tilespmem:v2+s26+$0x150 ss:$0x1], $0xffff  }
0x13a: {  	v28 =	vld.idx.msk [tilespmem:v2+s26+$0x80 ss:$0x1], $0xffff  }
0x13b: {  	v31 =	vld.idx.msk [tilespmem:v2+s26+$0x90 ss:$0x1], $0xffff  }
0x13c: {  	v19 =	vld.idx.msk [tilespmem:v2+s26+$0x0 ss:$0x1], $0xffff  }
0x13d: {  	v20 =	vld.idx.msk [tilespmem:v2+s26+$0x10 ss:$0x1], $0xffff  }
0x13e: {  	v21 =	vld.idx.msk [tilespmem:v2+s26+$0x20 ss:$0x1], $0xffff  }
0x13f: {  	v25 =	vld.idx.msk [tilespmem:v2+s26+$0x30 ss:$0x1], $0xffff  }
0x140: {  	v22 =	vld.idx.msk [tilespmem:v2+s26+$0xA0 ss:$0x1], $0xffff  }
0x141: {  	v23 =	vld.idx.msk [tilespmem:v2+s26+$0xB0 ss:$0x1], $0xffff  }
.Ltmp2:
0x142: {  	v14 =	vld.idx.msk [tilespmem:v2+s26+$0xC0 ss:$0x1], $0xffff;
	(pc) =	sbr.rel @p0 .LBB2_8-.Ltmp2, $4  }
0x143: {  	v17 =	vld.idx.msk [tilespmem:v2+s26+$0xD0 ss:$0x1], $0xffff  }
0x144: {  	v26 =	vadd.f32 v19, v26;
	v27 =	vadd.f32 v20, v27;
	v19 =	vld.idx.msk [tilespmem:v2+s26+$0x40 ss:$0x1], $0xffff  }
0x145: {  	v24 =	vadd.f32 v21, v29;
	v25 =	vadd.f32 v25, v30;
	v21 =	vld.idx.msk [tilespmem:v2+s26+$0x50 ss:$0x1], $0xffff  }
0x146: {  	s23 =	sadd.s32 $0x800, s23;
	v26 =	vadd.f32 v28, v26;
	v27 =	vadd.f32 v31, v27;
	v20 =	vld.idx.msk [tilespmem:v2+s26+$0x60 ss:$0x1], $0xffff  }
0x147: {  	_ =	sdelay $0x3  }
0x148: {  	v28 =	vld.idx.msk [tilespmem:v2+s26+$0x70 ss:$0x1], $0xffff  }
0x149: {  	v22 =	vadd.f32 v22, v24;
	v23 =	vadd.f32 v23, v25;
	v41 =	vld.idx.msk [tilespmem:v2+s26+$0xE0 ss:$0x1], $0xffff  }
0x14a: {  	v42 =	vld.idx.msk [tilespmem:v2+s26+$0xF0 ss:$0x1], $0xffff;
	v15 =	vadd.f32 v15, v26;
	v18 =	vadd.f32 v18, v27  }
0x14b: {  	v43 =	vld.idx.msk [tilespmem:v2+s26+$0x160 ss:$0x1], $0xffff;
	v13 =	vadd.f32 v13, v22;
	v16 =	vadd.f32 v16, v23  }
0x14c: {  	v44 =	vld.idx.msk [tilespmem:v2+s26+$0x170 ss:$0x1], $0xffff;
	s23 =	sshll.u32 s24, $0x7;
	v9 =	vadd.f32 v19, v9;
	v5 =	vadd.f32 v5, v15  }
0x14d: {  	v47 =	vld [tilespmem:s23+$0x1C600];
	v6 =	vadd.f32 v6, v18;
	v12 =	vadd.f32 v21, v12  }
0x14e: {  	v48 =	vld [tilespmem:s23+$0x1C610];
	v7 =	vadd.f32 v7, v13;
	v8 =	vadd.f32 v8, v16  }
0x14f: {  	v45 =	vld.idx.msk [tilespmem:v2+s26+$0x1E0 ss:$0x1], $0xffff;
	v10 =	vadd.f32 v20, v10;
	v9 =	vadd.f32 v14, v9  }
0x150: {  	v46 =	vld.idx.msk [tilespmem:v2+s26+$0x1F0 ss:$0x1], $0xffff;
	v11 =	vadd.f32 v28, v11;
	v12 =	vadd.f32 v17, v12;
	v5 =	vmul.f32 $3.125000000e-02, v5  }
0x151: {  	v49 =	vld [tilespmem:s23+$0x1C620];
	v6 =	vmul.f32 $3.125000000e-02, v6;
	v10 =	vadd.f32 v41, v10;
	v3 =	vadd.f32 v3, v9  }
0x152: {  	v50 =	vld [tilespmem:s23+$0x1C630];
	v11 =	vadd.f32 v42, v11;
	v4 =	vadd.f32 v4, v12  }
0x153: {  	v51 =	vld [tilespmem:s23+$0x1C640];
	v52 =	vadd.f32 v47, v5;
	v55 =	vadd.f32 v48, v6  }
0x154: {  	v54 =	vld [tilespmem:s23+$0x1C650];
	v53 =	vmul.f32 $3.125000000e-02, v7;
	v10 =	vadd.f32 v43, v10;
	v1 =	vadd.f32 v1, v3  }
0x155: {  	v57 =	vld [tilespmem:s23+$0x1C660];
	v56 =	vmul.f32 $3.125000000e-02, v8;
	v11 =	vadd.f32 v44, v11;
	v0 =	vadd.f32 v0, v4  }
0x156: {  	v59 =	vld [tilespmem:s23+$0x1C670];
	v58 =	vadd.f32 v49, v53;
	[tilespmem:s23+$0x1D200] =	vst v52;
	v10 =	vadd.f32 v45, v10;
	v1 =	vmul.f32 $3.125000000e-02, v1  }
0x157: {  	s24 =	sadd.s32 $0x1, s24;
	v60 =	vadd.f32 v50, v56;
	[tilespmem:s23+$0x1D210] =	vst v55;
	v2 =	vadd.f32 v46, v11;
	v0 =	vmul.f32 $3.125000000e-02, v0  }
0x158: {  	p0 =	sne.s32 s24, $0x8;
	[tilespmem:s23+$0x1D220] =	vst v58;
	v1 =	vadd.f32 v51, v1;
	v61 =	vmul.f32 $3.125000000e-02, v10  }
.Ltmp3:
0x159: {  	[tilespmem:s23+$0x1D230] =	vst v60;
	v0 =	vadd.f32 v54, v0;
	v2 =	vmul.f32 $3.125000000e-02, v2;
	(pc) =	sbr.rel @p0 .LBB2_7-.Ltmp3, $4  }
0x15a: {  	[tilespmem:s23+$0x1D240] =	vst v1;
	v62 =	vadd.f32 v57, v61  }
0x15b: {  	[tilespmem:s23+$0x1D250] =	vst v0;
	v63 =	vadd.f32 v59, v2  }
0x15c: {  	[tilespmem:s23+$0x1D260] =	vst v62  }
0x15d: {  	s30 =	sadd.s32 $0x1000, s30;
	[tilespmem:s23+$0x1D270] =	vst v63  }
0x15e: {  	s24 =	smul.u32 $0xC00, s22;
	_ =	sdelay $0x1  }
0x15f: {  	s23 =	sadd.s32 s8, s24  }
0x160: {  	s23 =	sshrl.u32 s23, $0x3  }
0x161: {  	p0 =	seq.s32 s22, $0x14;
	s23 =	sadd.s32 s2, s23  }
0x162: {  	[hbm4b:s23+s4] =	stream.linear.scatter [tilespmem:s5], [sflag:$0x6], $0x400, $0x38;
	[tilespmem:$0x1DA00] =	vst v63  }
0x163: {  	s23 =	sadd.s32 @!p0 $0x4, s25  }
0x164: {  	s26 =	sshll.u32 @!p0 s23, $0x8  }
0x165: {  	s26 =	sand.u32 @!p0 $0x3FFFFF00, s26  }
0x166: {  	s30 =	simm.s32 @!p0 $0x20;
	s15 =	simm.s32 @!p0 $0xC200;
	s29 =	sadd.s32 @!p0 $0x200, s26  }
0x167: {  	[tilespmem:s15], [sflag:$0x3] =	stream.indirect.gather @!p0 [hbm4b:s1+s30], $0x80, s29, s30, $0xb8;
	[tilespmem:$0x1DA00] =	vst v63  }
0x168: {  	s15 =	sadd.s32 @!p0 $0x220, s26;
	s29 =	simm.s32 @!p0 $0xD200  }
0x169: {  	[tilespmem:s29], [sflag:$0x3] =	stream.indirect.gather @!p0 [hbm4b:s1+s30], $0x80, s15, s30, $0xb8;
	[tilespmem:$0x1DA00] =	vst v63  }
0x16a: {  	s15 =	sadd.s32 @!p0 $0x240, s26;
	s29 =	simm.s32 @!p0 $0xE200  }
0x16b: {  	[tilespmem:s29], [sflag:$0x3] =	stream.indirect.gather @!p0 [hbm4b:s1+s30], $0x80, s15, s30, $0xb8;
	[tilespmem:$0x1DA00] =	vst v63  }
0x16c: {  	s15 =	sadd.s32 @!p0 $0x260, s26;
	s29 =	simm.s32 @!p0 $0xF200  }
0x16d: {  	[tilespmem:s29], [sflag:$0x3] =	stream.indirect.gather @!p0 [hbm4b:s1+s30], $0x80, s15, s30, $0xb8;
	[tilespmem:$0x1DA00] =	vst v63  }
0x16e: {  	s15 =	sadd.s32 @!p0 $0x280, s26;
	s29 =	simm.s32 @!p0 $0x10200  }
0x16f: {  	[tilespmem:s29], [sflag:$0x3] =	stream.indirect.gather @!p0 [hbm4b:s1+s30], $0x80, s15, s30, $0xb8;
	[tilespmem:$0x1DA00] =	vst v63  }
0x170: {  	s15 =	sadd.s32 @!p0 $0x2A0, s26;
	s29 =	simm.s32 @!p0 $0x11200  }
0x171: {  	[tilespmem:s29], [sflag:$0x3] =	stream.indirect.gather @!p0 [hbm4b:s1+s30], $0x80, s15, s30, $0xb8;
	[tilespmem:$0x1DA00] =	vst v63  }
0x172: {  	s15 =	sadd.s32 @!p0 $0x2C0, s26;
	s29 =	simm.s32 @!p0 $0x12200  }
0x173: {  	[tilespmem:s29], [sflag:$0x3] =	stream.indirect.gather @!p0 [hbm4b:s1+s30], $0x80, s15, s30, $0xb8;
	[tilespmem:$0x1DA00] =	vst v63  }
0x174: {  	p1 =	seq.s32 @!p0 s22, $0x0;
	s15 =	sadd.s32 @!p0 $0x2E0, s26;
	s26 =	simm.s32 @!p0 $0x13200  }
0x175: {  	[tilespmem:s26], [sflag:$0x3] =	stream.indirect.gather @!p0 [hbm4b:s1+s30], $0x80, s15, s30, $0xb8;
	[tilespmem:$0x1DA00] =	vst v63  }
0x176: {  	p1 =	por p0, !p1;
	s15 =	sshll.u32 @!p0 s23, $0x3  }
0x177: {  	s23 =	simm.s32 @!p0 $0x8;
	s26 =	simm.s32 @!p0 $0x1C600;
	s15 =	sand.u32 @!p0 $0x3FFFFFF8, s15  }
0x178: {  	[tilespmem:s26], [sflag:$0x3] =	stream.indirect.gather @!p0 [hbm4b:s1+s23], $0x80, s15, s23, $0xb8;
	[tilespmem:$0x1DA00] =	vst v63  }
0x179: {  	_ =	swait.ge @p1 [sflag:s17], $0x400  }
0x17a: {  	[sflag:s17] =	ssyncset.done @p1 $0x0  }
0x17b: {  	[sflag:s17] =	ssyncadd.s32 @p1 $0xFFFFFC00  }
0x17c: {  	_ =	swait.ge [sflag:s20], $0x1000  }
0x17d: {  	[sflag:s20] =	ssyncset.done $0x0  }
0x17e: {  	[sflag:s20] =	ssyncadd.s32 $0xFFFFF000  }
0x17f: {  	_ =	swait.ge [sflag:s20], $0x1000  }
0x180: {  	[sflag:s20] =	ssyncset.done $0x0  }
0x181: {  	[sflag:s20] =	ssyncadd.s32 $0xFFFFF000  }
0x182: {  	_ =	swait.ge [sflag:s20], $0x1000  }
0x183: {  	[sflag:s20] =	ssyncset.done $0x0  }
0x184: {  	[sflag:s20] =	ssyncadd.s32 $0xFFFFF000  }
0x185: {  	_ =	swait.ge [sflag:s20], $0x1000  }
0x186: {  	[sflag:s20] =	ssyncset.done $0x0  }
0x187: {  	[sflag:s20] =	ssyncadd.s32 $0xFFFFF000  }
0x188: {  	_ =	swait.ge [sflag:s20], $0x1000  }
0x189: {  	[sflag:s20] =	ssyncset.done $0x0  }
0x18a: {  	[sflag:s20] =	ssyncadd.s32 $0xFFFFF000  }
0x18b: {  	_ =	swait.ge [sflag:s20], $0x1000  }
0x18c: {  	[sflag:s20] =	ssyncset.done $0x0  }
0x18d: {  	[sflag:s20] =	ssyncadd.s32 $0xFFFFF000  }
0x18e: {  	_ =	swait.ge [sflag:s20], $0x1000  }
0x18f: {  	[sflag:s20] =	ssyncset.done $0x0  }
0x190: {  	[sflag:s20] =	ssyncadd.s32 $0xFFFFF000  }
0x191: {  	_ =	swait.ge [sflag:s20], $0x1000  }
0x192: {  	[sflag:s20] =	ssyncset.done $0x0  }
0x193: {  	[sflag:s20] =	ssyncadd.s32 $0xFFFFF000  }
0x194: {  	_ =	swait.ge [sflag:s20], $0x400  }
0x195: {  	[sflag:s20] =	ssyncset.done $0x0  }
0x196: {  	s30 =	simm.s32 $0x0;
	s26 =	simm.s32 $0x14200;
	[sflag:s20] =	ssyncadd.s32 $0xFFFFFC00  }
.LBB2_11:
0x197: {  	v2 =	vmov s26;
	_ =	sdelay $0x3  }
0x198: {  	s23 =	simm.s32 $0x0  }
0x199: {  	v5 =	vld.idx.msk [tilespmem:v2+s23+$0x180 ss:$0x1], $0xffff  }
0x19a: {  	v6 =	vld.idx.msk [tilespmem:v2+s23+$0x190 ss:$0x1], $0xffff  }
0x19b: {  	v7 =	vld.idx.msk [tilespmem:v2+s23+$0x1A0 ss:$0x1], $0xffff  }
0x19c: {  	v8 =	vld.idx.msk [tilespmem:v2+s23+$0x1B0 ss:$0x1], $0xffff  }
0x19d: {  	v1 =	vld.idx.msk [tilespmem:v2+s23+$0x1C0 ss:$0x1], $0xffff  }
0x19e: {  	v0 =	vld.idx.msk [tilespmem:v2+s23+$0x1D0 ss:$0x1], $0xffff  }
0x19f: {  	v15 =	vld.idx.msk [tilespmem:v2+s23+$0x100 ss:$0x1], $0xffff  }
0x1a0: {  	v18 =	vld.idx.msk [tilespmem:v2+s23+$0x110 ss:$0x1], $0xffff  }
0x1a1: {  	v13 =	vld.idx.msk [tilespmem:v2+s23+$0x120 ss:$0x1], $0xffff  }
0x1a2: {  	v16 =	vld.idx.msk [tilespmem:v2+s23+$0x130 ss:$0x1], $0xffff  }
0x1a3: {  	v3 =	vld.idx.msk [tilespmem:v2+s23+$0x140 ss:$0x1], $0xffff  }
0x1a4: {  	v4 =	vld.idx.msk [tilespmem:v2+s23+$0x150 ss:$0x1], $0xffff  }
0x1a5: {  	v10 =	vld.idx.msk [tilespmem:v2+s23+$0x80 ss:$0x1], $0xffff  }
0x1a6: {  	v11 =	vld.idx.msk [tilespmem:v2+s23+$0x90 ss:$0x1], $0xffff  }
0x1a7: {  	v12 =	vld.idx.msk [tilespmem:v2+s23+$0x0 ss:$0x1], $0xffff  }
0x1a8: {  	v19 =	vld.idx.msk [tilespmem:v2+s23+$0x10 ss:$0x1], $0xffff  }
0x1a9: {  	v20 =	vld.idx.msk [tilespmem:v2+s23+$0x20 ss:$0x1], $0xffff  }
0x1aa: {  	v21 =	vld.idx.msk [tilespmem:v2+s23+$0x30 ss:$0x1], $0xffff  }
0x1ab: {  	v22 =	vld.idx.msk [tilespmem:v2+s23+$0xA0 ss:$0x1], $0xffff  }
0x1ac: {  	v23 =	vld.idx.msk [tilespmem:v2+s23+$0xB0 ss:$0x1], $0xffff  }
0x1ad: {  	v9 =	vimm.f32 $0.0e+00;
	v14 =	vld.idx.msk [tilespmem:v2+s23+$0xC0 ss:$0x1], $0xffff  }
0x1ae: {  	v17 =	vld.idx.msk [tilespmem:v2+s23+$0xD0 ss:$0x1], $0xffff;
	v12 =	vadd.f32 v12, v9;
	v27 =	vadd.f32 v19, v9  }
0x1af: {  	v19 =	vld.idx.msk [tilespmem:v2+s23+$0x40 ss:$0x1], $0xffff;
	v24 =	vadd.f32 v20, v9;
	v25 =	vadd.f32 v21, v9  }
0x1b0: {  	v21 =	vld.idx.msk [tilespmem:v2+s23+$0x50 ss:$0x1], $0xffff;
	v26 =	vadd.f32 v10, v12;
	v27 =	vadd.f32 v11, v27  }
0x1b1: {  	s29 =	simm.s32 $0x800;
	v20 =	vld.idx.msk [tilespmem:v2+s23+$0x60 ss:$0x1], $0xffff;
	v12 =	vimm.f32 $0.0e+00;
	v10 =	vimm.f32 $0.0e+00;
	v11 =	vimm.f32 $0.0e+00  }
.LBB2_12:
0x1b2: {  	p1 =	sne.s32 s29, $0x3800;
	v28 =	vld.idx.msk [tilespmem:v2+s23+$0x70 ss:$0x1], $0xffff;
	v22 =	vadd.f32 v22, v24;
	v23 =	vadd.f32 v23, v25  }
0x1b3: {  	v24 =	vld.idx.msk [tilespmem:v2+s23+$0xE0 ss:$0x1], $0xffff;
	v15 =	vadd.f32 v15, v26;
	v18 =	vadd.f32 v18, v27  }
0x1b4: {  	v25 =	vld.idx.msk [tilespmem:v2+s23+$0xF0 ss:$0x1], $0xffff;
	v13 =	vadd.f32 v13, v22;
	v16 =	vadd.f32 v16, v23  }
0x1b5: {  	v22 =	vld.idx.msk [tilespmem:v2+s23+$0x160 ss:$0x1], $0xffff;
	v26 =	vadd.f32 v5, v15;
	v27 =	vadd.f32 v6, v18  }
0x1b6: {  	v15 =	vld.idx.msk [tilespmem:v2+s23+$0x170 ss:$0x1], $0xffff;
	v29 =	vadd.f32 v7, v13;
	v30 =	vadd.f32 v8, v16  }
0x1b7: {  	v6 =	vadd.f32 v19, v9;
	v7 =	vadd.f32 v21, v12;
	v13 =	vld.idx.msk [tilespmem:v2+s23+$0x1E0 ss:$0x1], $0xffff  }
0x1b8: {  	v8 =	vadd.f32 v20, v10;
	v9 =	vadd.f32 v28, v11;
	v11 =	vld.idx.msk [tilespmem:v2+s23+$0x1F0 ss:$0x1], $0xffff;
	s23 =	sshra.s32 s29, $0x2  }
0x1b9: {  	v10 =	vadd.f32 v14, v6;
	v12 =	vadd.f32 v17, v7;
	v5 =	vld.idx.msk [tilespmem:v2+s23+$0x180 ss:$0x1], $0xffff  }
0x1ba: {  	v14 =	vadd.f32 v24, v8;
	v9 =	vadd.f32 v25, v9;
	v6 =	vld.idx.msk [tilespmem:v2+s23+$0x190 ss:$0x1], $0xffff  }
0x1bb: {  	v3 =	vadd.f32 v3, v10;
	v4 =	vadd.f32 v4, v12;
	v7 =	vld.idx.msk [tilespmem:v2+s23+$0x1A0 ss:$0x1], $0xffff  }
0x1bc: {  	v10 =	vadd.f32 v22, v14;
	v14 =	vadd.f32 v15, v9;
	v8 =	vld.idx.msk [tilespmem:v2+s23+$0x1B0 ss:$0x1], $0xffff  }
0x1bd: {  	v9 =	vadd.f32 v1, v3;
	v12 =	vadd.f32 v0, v4;
	v1 =	vld.idx.msk [tilespmem:v2+s23+$0x1C0 ss:$0x1], $0xffff  }
0x1be: {  	v10 =	vadd.f32 v13, v10;
	v11 =	vadd.f32 v11, v14;
	v0 =	vld.idx.msk [tilespmem:v2+s23+$0x1D0 ss:$0x1], $0xffff  }
0x1bf: {  	v15 =	vld.idx.msk [tilespmem:v2+s23+$0x100 ss:$0x1], $0xffff  }
0x1c0: {  	v18 =	vld.idx.msk [tilespmem:v2+s23+$0x110 ss:$0x1], $0xffff  }
0x1c1: {  	v13 =	vld.idx.msk [tilespmem:v2+s23+$0x120 ss:$0x1], $0xffff  }
0x1c2: {  	v16 =	vld.idx.msk [tilespmem:v2+s23+$0x130 ss:$0x1], $0xffff  }
0x1c3: {  	v3 =	vld.idx.msk [tilespmem:v2+s23+$0x140 ss:$0x1], $0xffff  }
0x1c4: {  	v4 =	vld.idx.msk [tilespmem:v2+s23+$0x150 ss:$0x1], $0xffff  }
0x1c5: {  	v28 =	vld.idx.msk [tilespmem:v2+s23+$0x80 ss:$0x1], $0xffff  }
0x1c6: {  	v31 =	vld.idx.msk [tilespmem:v2+s23+$0x90 ss:$0x1], $0xffff  }
0x1c7: {  	v19 =	vld.idx.msk [tilespmem:v2+s23+$0x0 ss:$0x1], $0xffff  }
0x1c8: {  	v20 =	vld.idx.msk [tilespmem:v2+s23+$0x10 ss:$0x1], $0xffff  }
0x1c9: {  	v21 =	vld.idx.msk [tilespmem:v2+s23+$0x20 ss:$0x1], $0xffff  }
0x1ca: {  	v25 =	vld.idx.msk [tilespmem:v2+s23+$0x30 ss:$0x1], $0xffff  }
0x1cb: {  	v22 =	vld.idx.msk [tilespmem:v2+s23+$0xA0 ss:$0x1], $0xffff  }
0x1cc: {  	v23 =	vld.idx.msk [tilespmem:v2+s23+$0xB0 ss:$0x1], $0xffff  }
.Ltmp4:
0x1cd: {  	v14 =	vld.idx.msk [tilespmem:v2+s23+$0xC0 ss:$0x1], $0xffff;
	(pc) =	sbr.rel @p1 .LBB2_12-.Ltmp4, $4  }
0x1ce: {  	v17 =	vld.idx.msk [tilespmem:v2+s23+$0xD0 ss:$0x1], $0xffff  }
0x1cf: {  	v26 =	vadd.f32 v19, v26;
	v27 =	vadd.f32 v20, v27;
	v19 =	vld.idx.msk [tilespmem:v2+s23+$0x40 ss:$0x1], $0xffff  }
0x1d0: {  	v24 =	vadd.f32 v21, v29;
	v25 =	vadd.f32 v25, v30;
	v21 =	vld.idx.msk [tilespmem:v2+s23+$0x50 ss:$0x1], $0xffff  }
0x1d1: {  	s29 =	sadd.s32 $0x800, s29;
	v26 =	vadd.f32 v28, v26;
	v27 =	vadd.f32 v31, v27;
	v20 =	vld.idx.msk [tilespmem:v2+s23+$0x60 ss:$0x1], $0xffff  }
0x1d2: {  	_ =	sdelay $0x3  }
0x1d3: {  	v28 =	vld.idx.msk [tilespmem:v2+s23+$0x70 ss:$0x1], $0xffff  }
0x1d4: {  	v22 =	vadd.f32 v22, v24;
	v23 =	vadd.f32 v23, v25;
	v41 =	vld.idx.msk [tilespmem:v2+s23+$0xE0 ss:$0x1], $0xffff  }
0x1d5: {  	v42 =	vld.idx.msk [tilespmem:v2+s23+$0xF0 ss:$0x1], $0xffff;
	v15 =	vadd.f32 v15, v26;
	v18 =	vadd.f32 v18, v27  }
0x1d6: {  	v43 =	vld.idx.msk [tilespmem:v2+s23+$0x160 ss:$0x1], $0xffff;
	v13 =	vadd.f32 v13, v22;
	v16 =	vadd.f32 v16, v23  }
0x1d7: {  	v44 =	vld.idx.msk [tilespmem:v2+s23+$0x170 ss:$0x1], $0xffff;
	s15 =	sshll.u32 s30, $0x7;
	v9 =	vadd.f32 v19, v9;
	v5 =	vadd.f32 v5, v15  }
0x1d8: {  	v47 =	vld [tilespmem:s15+$0x1CA00];
	v6 =	vadd.f32 v6, v18;
	v12 =	vadd.f32 v21, v12  }
0x1d9: {  	v48 =	vld [tilespmem:s15+$0x1CA10];
	v7 =	vadd.f32 v7, v13;
	v8 =	vadd.f32 v8, v16  }
0x1da: {  	v45 =	vld.idx.msk [tilespmem:v2+s23+$0x1E0 ss:$0x1], $0xffff;
	v10 =	vadd.f32 v20, v10;
	v9 =	vadd.f32 v14, v9  }
0x1db: {  	v46 =	vld.idx.msk [tilespmem:v2+s23+$0x1F0 ss:$0x1], $0xffff;
	v11 =	vadd.f32 v28, v11;
	v12 =	vadd.f32 v17, v12;
	v5 =	vmul.f32 $3.125000000e-02, v5  }
0x1dc: {  	v49 =	vld [tilespmem:s15+$0x1CA20];
	v6 =	vmul.f32 $3.125000000e-02, v6;
	v10 =	vadd.f32 v41, v10;
	v3 =	vadd.f32 v3, v9  }
0x1dd: {  	v50 =	vld [tilespmem:s15+$0x1CA30];
	v11 =	vadd.f32 v42, v11;
	v4 =	vadd.f32 v4, v12  }
0x1de: {  	v51 =	vld [tilespmem:s15+$0x1CA40];
	v52 =	vadd.f32 v47, v5;
	v55 =	vadd.f32 v48, v6  }
0x1df: {  	v54 =	vld [tilespmem:s15+$0x1CA50];
	v53 =	vmul.f32 $3.125000000e-02, v7;
	v10 =	vadd.f32 v43, v10;
	v1 =	vadd.f32 v1, v3  }
0x1e0: {  	v57 =	vld [tilespmem:s15+$0x1CA60];
	v56 =	vmul.f32 $3.125000000e-02, v8;
	v11 =	vadd.f32 v44, v11;
	v0 =	vadd.f32 v0, v4  }
0x1e1: {  	v59 =	vld [tilespmem:s15+$0x1CA70];
	v58 =	vadd.f32 v49, v53;
	[tilespmem:s15+$0x1D600] =	vst v52;
	v10 =	vadd.f32 v45, v10;
	v1 =	vmul.f32 $3.125000000e-02, v1  }
0x1e2: {  	s30 =	sadd.s32 $0x1, s30;
	v60 =	vadd.f32 v50, v56;
	[tilespmem:s15+$0x1D610] =	vst v55;
	v2 =	vadd.f32 v46, v11;
	v0 =	vmul.f32 $3.125000000e-02, v0  }
0x1e3: {  	p1 =	sne.s32 s30, $0x8;
	[tilespmem:s15+$0x1D620] =	vst v58;
	v1 =	vadd.f32 v51, v1;
	v61 =	vmul.f32 $3.125000000e-02, v10  }
.Ltmp5:
0x1e4: {  	[tilespmem:s15+$0x1D630] =	vst v60;
	v0 =	vadd.f32 v54, v0;
	v2 =	vmul.f32 $3.125000000e-02, v2;
	(pc) =	sbr.rel @p1 .LBB2_11-.Ltmp5, $4  }
0x1e5: {  	[tilespmem:s15+$0x1D640] =	vst v1;
	v62 =	vadd.f32 v57, v61  }
0x1e6: {  	[tilespmem:s15+$0x1D650] =	vst v0;
	v63 =	vadd.f32 v59, v2  }
0x1e7: {  	[tilespmem:s15+$0x1D660] =	vst v62  }
0x1e8: {  	s26 =	sadd.s32 $0x1000, s26;
	[tilespmem:s15+$0x1D670] =	vst v63  }
.Ltmp6:
0x1e9: {  	(pc) =	sbr.rel @p0 .LBB2_16-.Ltmp6, $4  }
0x1ea: {  	s15 =	sadd.s32 s9, s24  }
0x1eb: {  	s15 =	sshrl.u32 s15, $0x3  }
0x1ec: {  	s15 =	sadd.s32 s2, s15  }
0x1ed: {  	[hbm4b:s15+s4] =	stream.linear.scatter [tilespmem:s0], [sflag:$0x7], $0x400, $0x38;
	[tilespmem:$0x1DA00] =	vst v63  }
0x1ee: {  	s15 =	sadd.s32 $0x5, s25  }
0x1ef: {  	s23 =	sshll.u32 s15, $0x8  }
0x1f0: {  	s23 =	sand.u32 $0x3FFFFF00, s23  }
0x1f1: {  	s30 =	simm.s32 $0x14200;
	s24 =	sadd.s32 $0x200, s23  }
0x1f2: {  	[tilespmem:s30], [sflag:$0x4] =	stream.indirect.gather [hbm4b:s1+s21], $0x80, s24, s21, $0xb8;
	[tilespmem:$0x1DA00] =	vst v63  }
0x1f3: {  	s26 =	simm.s32 $0x15200;
	s25 =	sadd.s32 $0x220, s23  }
0x1f4: {  	[tilespmem:s26], [sflag:$0x4] =	stream.indirect.gather [hbm4b:s1+s21], $0x80, s25, s21, $0xb8;
	[tilespmem:$0x1DA00] =	vst v63  }
0x1f5: {  	s29 =	sadd.s32 $0x240, s23;
	s30 =	simm.s32 $0x16200  }
0x1f6: {  	[tilespmem:s30], [sflag:$0x4] =	stream.indirect.gather [hbm4b:s1+s21], $0x80, s29, s21, $0xb8;
	[tilespmem:$0x1DA00] =	vst v63  }
0x1f7: {  	s25 =	sadd.s32 $0x260, s23;
	s26 =	simm.s32 $0x17200  }
0x1f8: {  	[tilespmem:s26], [sflag:$0x4] =	stream.indirect.gather [hbm4b:s1+s21], $0x80, s25, s21, $0xb8;
	[tilespmem:$0x1DA00] =	vst v63  }
0x1f9: {  	s29 =	sadd.s32 $0x280, s23;
	s30 =	simm.s32 $0x18200  }
0x1fa: {  	[tilespmem:s30], [sflag:$0x4] =	stream.indirect.gather [hbm4b:s1+s21], $0x80, s29, s21, $0xb8;
	[tilespmem:$0x1DA00] =	vst v63  }
0x1fb: {  	s26 =	sadd.s32 $0x2A0, s23;
	s29 =	simm.s32 $0x19200  }
0x1fc: {  	[tilespmem:s29], [sflag:$0x4] =	stream.indirect.gather [hbm4b:s1+s21], $0x80, s26, s21, $0xb8;
	[tilespmem:$0x1DA00] =	vst v63  }
0x1fd: {  	s30 =	sadd.s32 $0x2C0, s23  }
0x1fe: {  	[tilespmem:s28], [sflag:$0x4] =	stream.indirect.gather [hbm4b:s1+s21], $0x80, s30, s21, $0xb8;
	[tilespmem:$0x1DA00] =	vst v63  }
.Ltmp7:
0x1ff: {  	_ = 	snop;
	(pc) =	sbr.rel .LBB2_2-.Ltmp7, $4  }
0x200: {  	s15 =	sshll.u32 s15, $0x3;
	s23 =	sadd.s32 $0x2E0, s23  }
0x201: {  	[tilespmem:s14], [sflag:$0x4] =	stream.indirect.gather [hbm4b:s1+s21], $0x80, s23, s21, $0xb8;
	[tilespmem:$0x1DA00] =	vst v63  }
0x202: {  	s22 =	sadd.s32 $0x1, s22;
	s15 =	sand.u32 $0x3FFFFFF8, s15  }
0x203: {  	[tilespmem:s7], [sflag:$0x4] =	stream.indirect.gather [hbm4b:s1+s12], $0x80, s15, s12, $0xb8;
	[tilespmem:$0x1DA00] =	vst v63  }
.LBB2_16:
0x204: {  	s26 =	simm.s32 $0x5  }
0x205: {  	_ =	swait.ge [sflag:s26], $0x400  }
0x206: {  	[sflag:s26] =	ssyncset.done $0x0  }
0x207: {  	[sflag:s26] =	ssyncadd.s32 $0xFFFFFC00  }
0x208: {  	_ =	swait.ge [sflag:s10], $0x1000  }
0x209: {  	[sflag:s10] =	ssyncset.done $0x0  }
0x20a: {  	[sflag:s10] =	ssyncadd.s32 $0xFFFFF000  }
0x20b: {  	_ =	swait.ge [sflag:s10], $0x1000  }
0x20c: {  	[sflag:s10] =	ssyncset.done $0x0  }
0x20d: {  	[sflag:s10] =	ssyncadd.s32 $0xFFFFF000  }
0x20e: {  	_ =	swait.ge [sflag:s10], $0x1000  }
0x20f: {  	[sflag:s10] =	ssyncset.done $0x0  }
0x210: {  	[sflag:s10] =	ssyncadd.s32 $0xFFFFF000  }
0x211: {  	_ =	swait.ge [sflag:s10], $0x1000  }
0x212: {  	[sflag:s10] =	ssyncset.done $0x0  }
0x213: {  	[sflag:s10] =	ssyncadd.s32 $0xFFFFF000  }
0x214: {  	_ =	swait.ge [sflag:s10], $0x1000  }
0x215: {  	[sflag:s10] =	ssyncset.done $0x0  }
0x216: {  	[sflag:s10] =	ssyncadd.s32 $0xFFFFF000  }
0x217: {  	_ =	swait.ge [sflag:s10], $0x1000  }
0x218: {  	[sflag:s10] =	ssyncset.done $0x0  }
0x219: {  	[sflag:s10] =	ssyncadd.s32 $0xFFFFF000  }
0x21a: {  	_ =	swait.ge [sflag:s10], $0x1000  }
0x21b: {  	[sflag:s10] =	ssyncset.done $0x0  }
0x21c: {  	[sflag:s10] =	ssyncadd.s32 $0xFFFFF000  }
0x21d: {  	_ =	swait.ge [sflag:s10], $0x1000  }
0x21e: {  	[sflag:s10] =	ssyncset.done $0x0  }
0x21f: {  	[sflag:s10] =	ssyncadd.s32 $0xFFFFF000  }
0x220: {  	_ =	swait.ge [sflag:s10], $0x400  }
0x221: {  	[sflag:s10] =	ssyncset.done $0x0  }
0x222: {  	s22 =	simm.s32 $0x0;
	s24 =	simm.s32 $0x4200;
	[sflag:s10] =	ssyncadd.s32 $0xFFFFFC00  }
.LBB2_17:
0x223: {  	v2 =	vmov s24;
	_ =	sdelay $0x3  }
0x224: {  	s23 =	simm.s32 $0x0  }
0x225: {  	v5 =	vld.idx.msk [tilespmem:v2+s23+$0x180 ss:$0x1], $0xffff  }
0x226: {  	v6 =	vld.idx.msk [tilespmem:v2+s23+$0x190 ss:$0x1], $0xffff  }
0x227: {  	v7 =	vld.idx.msk [tilespmem:v2+s23+$0x1A0 ss:$0x1], $0xffff  }
0x228: {  	v8 =	vld.idx.msk [tilespmem:v2+s23+$0x1B0 ss:$0x1], $0xffff  }
0x229: {  	v1 =	vld.idx.msk [tilespmem:v2+s23+$0x1C0 ss:$0x1], $0xffff  }
0x22a: {  	v0 =	vld.idx.msk [tilespmem:v2+s23+$0x1D0 ss:$0x1], $0xffff  }
0x22b: {  	v15 =	vld.idx.msk [tilespmem:v2+s23+$0x100 ss:$0x1], $0xffff  }
0x22c: {  	v18 =	vld.idx.msk [tilespmem:v2+s23+$0x110 ss:$0x1], $0xffff  }
0x22d: {  	v13 =	vld.idx.msk [tilespmem:v2+s23+$0x120 ss:$0x1], $0xffff  }
0x22e: {  	v16 =	vld.idx.msk [tilespmem:v2+s23+$0x130 ss:$0x1], $0xffff  }
0x22f: {  	v3 =	vld.idx.msk [tilespmem:v2+s23+$0x140 ss:$0x1], $0xffff  }
0x230: {  	v4 =	vld.idx.msk [tilespmem:v2+s23+$0x150 ss:$0x1], $0xffff  }
0x231: {  	v10 =	vld.idx.msk [tilespmem:v2+s23+$0x80 ss:$0x1], $0xffff  }
0x232: {  	v11 =	vld.idx.msk [tilespmem:v2+s23+$0x90 ss:$0x1], $0xffff  }
0x233: {  	v12 =	vld.idx.msk [tilespmem:v2+s23+$0x0 ss:$0x1], $0xffff  }
0x234: {  	v19 =	vld.idx.msk [tilespmem:v2+s23+$0x10 ss:$0x1], $0xffff  }
0x235: {  	v20 =	vld.idx.msk [tilespmem:v2+s23+$0x20 ss:$0x1], $0xffff  }
0x236: {  	v21 =	vld.idx.msk [tilespmem:v2+s23+$0x30 ss:$0x1], $0xffff  }
0x237: {  	v22 =	vld.idx.msk [tilespmem:v2+s23+$0xA0 ss:$0x1], $0xffff  }
0x238: {  	v23 =	vld.idx.msk [tilespmem:v2+s23+$0xB0 ss:$0x1], $0xffff  }
0x239: {  	v9 =	vimm.f32 $0.0e+00;
	v14 =	vld.idx.msk [tilespmem:v2+s23+$0xC0 ss:$0x1], $0xffff  }
0x23a: {  	v17 =	vld.idx.msk [tilespmem:v2+s23+$0xD0 ss:$0x1], $0xffff;
	v12 =	vadd.f32 v12, v9;
	v27 =	vadd.f32 v19, v9  }
0x23b: {  	v19 =	vld.idx.msk [tilespmem:v2+s23+$0x40 ss:$0x1], $0xffff;
	v24 =	vadd.f32 v20, v9;
	v25 =	vadd.f32 v21, v9  }
0x23c: {  	v21 =	vld.idx.msk [tilespmem:v2+s23+$0x50 ss:$0x1], $0xffff;
	v26 =	vadd.f32 v10, v12;
	v27 =	vadd.f32 v11, v27  }
0x23d: {  	s25 =	simm.s32 $0x800;
	v20 =	vld.idx.msk [tilespmem:v2+s23+$0x60 ss:$0x1], $0xffff;
	v12 =	vimm.f32 $0.0e+00;
	v10 =	vimm.f32 $0.0e+00;
	v11 =	vimm.f32 $0.0e+00  }
.LBB2_18:
0x23e: {  	p0 =	sne.s32 s25, $0x3800;
	v28 =	vld.idx.msk [tilespmem:v2+s23+$0x70 ss:$0x1], $0xffff;
	v22 =	vadd.f32 v22, v24;
	v23 =	vadd.f32 v23, v25  }
0x23f: {  	v24 =	vld.idx.msk [tilespmem:v2+s23+$0xE0 ss:$0x1], $0xffff;
	v15 =	vadd.f32 v15, v26;
	v18 =	vadd.f32 v18, v27  }
0x240: {  	v25 =	vld.idx.msk [tilespmem:v2+s23+$0xF0 ss:$0x1], $0xffff;
	v13 =	vadd.f32 v13, v22;
	v16 =	vadd.f32 v16, v23  }
0x241: {  	v22 =	vld.idx.msk [tilespmem:v2+s23+$0x160 ss:$0x1], $0xffff;
	v26 =	vadd.f32 v5, v15;
	v27 =	vadd.f32 v6, v18  }
0x242: {  	v15 =	vld.idx.msk [tilespmem:v2+s23+$0x170 ss:$0x1], $0xffff;
	v29 =	vadd.f32 v7, v13;
	v30 =	vadd.f32 v8, v16  }
0x243: {  	v6 =	vadd.f32 v19, v9;
	v7 =	vadd.f32 v21, v12;
	v13 =	vld.idx.msk [tilespmem:v2+s23+$0x1E0 ss:$0x1], $0xffff  }
0x244: {  	v8 =	vadd.f32 v20, v10;
	v9 =	vadd.f32 v28, v11;
	v11 =	vld.idx.msk [tilespmem:v2+s23+$0x1F0 ss:$0x1], $0xffff;
	s23 =	sshra.s32 s25, $0x2  }
0x245: {  	v10 =	vadd.f32 v14, v6;
	v12 =	vadd.f32 v17, v7;
	v5 =	vld.idx.msk [tilespmem:v2+s23+$0x180 ss:$0x1], $0xffff  }
0x246: {  	v14 =	vadd.f32 v24, v8;
	v9 =	vadd.f32 v25, v9;
	v6 =	vld.idx.msk [tilespmem:v2+s23+$0x190 ss:$0x1], $0xffff  }
0x247: {  	v3 =	vadd.f32 v3, v10;
	v4 =	vadd.f32 v4, v12;
	v7 =	vld.idx.msk [tilespmem:v2+s23+$0x1A0 ss:$0x1], $0xffff  }
0x248: {  	v10 =	vadd.f32 v22, v14;
	v14 =	vadd.f32 v15, v9;
	v8 =	vld.idx.msk [tilespmem:v2+s23+$0x1B0 ss:$0x1], $0xffff  }
0x249: {  	v9 =	vadd.f32 v1, v3;
	v12 =	vadd.f32 v0, v4;
	v1 =	vld.idx.msk [tilespmem:v2+s23+$0x1C0 ss:$0x1], $0xffff  }
0x24a: {  	v10 =	vadd.f32 v13, v10;
	v11 =	vadd.f32 v11, v14;
	v0 =	vld.idx.msk [tilespmem:v2+s23+$0x1D0 ss:$0x1], $0xffff  }
0x24b: {  	v15 =	vld.idx.msk [tilespmem:v2+s23+$0x100 ss:$0x1], $0xffff  }
0x24c: {  	v18 =	vld.idx.msk [tilespmem:v2+s23+$0x110 ss:$0x1], $0xffff  }
0x24d: {  	v13 =	vld.idx.msk [tilespmem:v2+s23+$0x120 ss:$0x1], $0xffff  }
0x24e: {  	v16 =	vld.idx.msk [tilespmem:v2+s23+$0x130 ss:$0x1], $0xffff  }
0x24f: {  	v3 =	vld.idx.msk [tilespmem:v2+s23+$0x140 ss:$0x1], $0xffff  }
0x250: {  	v4 =	vld.idx.msk [tilespmem:v2+s23+$0x150 ss:$0x1], $0xffff  }
0x251: {  	v28 =	vld.idx.msk [tilespmem:v2+s23+$0x80 ss:$0x1], $0xffff  }
0x252: {  	v31 =	vld.idx.msk [tilespmem:v2+s23+$0x90 ss:$0x1], $0xffff  }
0x253: {  	v19 =	vld.idx.msk [tilespmem:v2+s23+$0x0 ss:$0x1], $0xffff  }
0x254: {  	v20 =	vld.idx.msk [tilespmem:v2+s23+$0x10 ss:$0x1], $0xffff  }
0x255: {  	v21 =	vld.idx.msk [tilespmem:v2+s23+$0x20 ss:$0x1], $0xffff  }
0x256: {  	v25 =	vld.idx.msk [tilespmem:v2+s23+$0x30 ss:$0x1], $0xffff  }
0x257: {  	v22 =	vld.idx.msk [tilespmem:v2+s23+$0xA0 ss:$0x1], $0xffff  }
0x258: {  	v23 =	vld.idx.msk [tilespmem:v2+s23+$0xB0 ss:$0x1], $0xffff  }
.Ltmp8:
0x259: {  	v14 =	vld.idx.msk [tilespmem:v2+s23+$0xC0 ss:$0x1], $0xffff;
	(pc) =	sbr.rel @p0 .LBB2_18-.Ltmp8, $4  }
0x25a: {  	v17 =	vld.idx.msk [tilespmem:v2+s23+$0xD0 ss:$0x1], $0xffff  }
0x25b: {  	v26 =	vadd.f32 v19, v26;
	v27 =	vadd.f32 v20, v27;
	v19 =	vld.idx.msk [tilespmem:v2+s23+$0x40 ss:$0x1], $0xffff  }
0x25c: {  	v24 =	vadd.f32 v21, v29;
	v25 =	vadd.f32 v25, v30;
	v21 =	vld.idx.msk [tilespmem:v2+s23+$0x50 ss:$0x1], $0xffff  }
0x25d: {  	s25 =	sadd.s32 $0x800, s25;
	v26 =	vadd.f32 v28, v26;
	v27 =	vadd.f32 v31, v27;
	v20 =	vld.idx.msk [tilespmem:v2+s23+$0x60 ss:$0x1], $0xffff  }
0x25e: {  	_ =	sdelay $0x3  }
0x25f: {  	v28 =	vld.idx.msk [tilespmem:v2+s23+$0x70 ss:$0x1], $0xffff  }
0x260: {  	v22 =	vadd.f32 v22, v24;
	v23 =	vadd.f32 v23, v25;
	v41 =	vld.idx.msk [tilespmem:v2+s23+$0xE0 ss:$0x1], $0xffff  }
0x261: {  	v42 =	vld.idx.msk [tilespmem:v2+s23+$0xF0 ss:$0x1], $0xffff;
	v15 =	vadd.f32 v15, v26;
	v18 =	vadd.f32 v18, v27  }
0x262: {  	v43 =	vld.idx.msk [tilespmem:v2+s23+$0x160 ss:$0x1], $0xffff;
	v13 =	vadd.f32 v13, v22;
	v16 =	vadd.f32 v16, v23  }
0x263: {  	v44 =	vld.idx.msk [tilespmem:v2+s23+$0x170 ss:$0x1], $0xffff;
	s15 =	sshll.u32 s22, $0x7;
	v9 =	vadd.f32 v19, v9;
	v5 =	vadd.f32 v5, v15  }
0x264: {  	v47 =	vld [tilespmem:s15+$0x1C200];
	v6 =	vadd.f32 v6, v18;
	v12 =	vadd.f32 v21, v12  }
0x265: {  	v48 =	vld [tilespmem:s15+$0x1C210];
	v7 =	vadd.f32 v7, v13;
	v8 =	vadd.f32 v8, v16  }
0x266: {  	v45 =	vld.idx.msk [tilespmem:v2+s23+$0x1E0 ss:$0x1], $0xffff;
	v10 =	vadd.f32 v20, v10;
	v9 =	vadd.f32 v14, v9  }
0x267: {  	v46 =	vld.idx.msk [tilespmem:v2+s23+$0x1F0 ss:$0x1], $0xffff;
	v11 =	vadd.f32 v28, v11;
	v12 =	vadd.f32 v17, v12;
	v5 =	vmul.f32 $3.125000000e-02, v5  }
0x268: {  	v49 =	vld [tilespmem:s15+$0x1C220];
	v6 =	vmul.f32 $3.125000000e-02, v6;
	v10 =	vadd.f32 v41, v10;
	v3 =	vadd.f32 v3, v9  }
0x269: {  	v50 =	vld [tilespmem:s15+$0x1C230];
	v11 =	vadd.f32 v42, v11;
	v4 =	vadd.f32 v4, v12  }
0x26a: {  	v51 =	vld [tilespmem:s15+$0x1C240];
	v52 =	vadd.f32 v47, v5;
	v55 =	vadd.f32 v48, v6  }
0x26b: {  	v54 =	vld [tilespmem:s15+$0x1C250];
	v53 =	vmul.f32 $3.125000000e-02, v7;
	v10 =	vadd.f32 v43, v10;
	v1 =	vadd.f32 v1, v3  }
0x26c: {  	v57 =	vld [tilespmem:s15+$0x1C260];
	v56 =	vmul.f32 $3.125000000e-02, v8;
	v11 =	vadd.f32 v44, v11;
	v0 =	vadd.f32 v0, v4  }
0x26d: {  	v59 =	vld [tilespmem:s15+$0x1C270];
	v58 =	vadd.f32 v49, v53;
	[tilespmem:s15+$0x1CE00] =	vst v52;
	v10 =	vadd.f32 v45, v10;
	v1 =	vmul.f32 $3.125000000e-02, v1  }
0x26e: {  	s22 =	sadd.s32 $0x1, s22;
	v60 =	vadd.f32 v50, v56;
	[tilespmem:s15+$0x1CE10] =	vst v55;
	v2 =	vadd.f32 v46, v11;
	v0 =	vmul.f32 $3.125000000e-02, v0  }
0x26f: {  	p0 =	sne.s32 s22, $0x8;
	[tilespmem:s15+$0x1CE20] =	vst v58;
	v1 =	vadd.f32 v51, v1;
	v61 =	vmul.f32 $3.125000000e-02, v10  }
.Ltmp9:
0x270: {  	[tilespmem:s15+$0x1CE30] =	vst v60;
	v0 =	vadd.f32 v54, v0;
	v2 =	vmul.f32 $3.125000000e-02, v2;
	(pc) =	sbr.rel @p0 .LBB2_17-.Ltmp9, $4  }
0x271: {  	[tilespmem:s15+$0x1CE40] =	vst v1;
	v62 =	vadd.f32 v57, v61  }
0x272: {  	[tilespmem:s15+$0x1CE50] =	vst v0;
	v63 =	vadd.f32 v59, v2  }
0x273: {  	[tilespmem:s15+$0x1CE60] =	vst v62  }
0x274: {  	s24 =	sadd.s32 $0x1000, s24;
	[tilespmem:s15+$0x1CE70] =	vst v63  }
0x275: {  	s15 =	rddreg [dreg:$0x7];
	s29 =	simm.s32 $0x6  }
0x276: {  	[hbm4b:s15+s4] =	stream.linear.scatter [tilespmem:s11], [sflag:$0x5], $0x400, $0x38;
	[tilespmem:$0x1DA00] =	vst v63  }
0x277: {  	_ =	swait.ge [sflag:s29], $0x400  }
0x278: {  	[sflag:s29] =	ssyncset.done $0x0  }
0x279: {  	[sflag:s29] =	ssyncadd.s32 $0xFFFFFC00  }
0x27a: {  	_ =	swait.ge [sflag:s17], $0x400  }
0x27b: {  	[sflag:s17] =	ssyncset.done $0x0  }
0x27c: {  	[sflag:s17] =	ssyncadd.s32 $0xFFFFFC00  }
0x27d: {  	_ =	swait.ge [sflag:s26], $0x400  }
0x27e: {  	s22 =	rddreg [dreg:$0x9]  }
0x27f: {  	s30 =	rddreg [dreg:$0x8];
	s22 =	sadd.s32 $0x1, s22  }
0x280: {  	p0 =	sne.s32 s22, s30  }
.Ltmp10:
0x281: {  	_ = 	snop;
	(pc) =	sbr.rel @p0 .LBB2_1-.Ltmp10, $3  }
0x282: {  	_ =	sdelay $0x1  }
0x283: {  	[sflag:s26] =	ssyncset.done $0x0  }
0x284: {  	[sflag:s26] =	ssyncadd.s32 $0xFFFFFC00  }
0x285: {  	_ =	sfence.sel $0x180000  }
0x286: {  	[bflag:$0x0] =	sbarrier.arrive $0xFFFF  }
0x287: {  	_ =	strace $0x90000047  }
0x288: {  	s0 =	stileid.u32;
	[bflag:$0x2] =	sbarrier.arrive $0xFFFF  }
0x289: {  	p0 =	sne.s32 s0, $0x0;
	s0 =	rddreg [dreg:$0x4]  }
0x28a: {  	s0 =	sadd.s32 @!p0 $0x100000, s0  }
0x28b: {  	[sflag:s0] =	ssyncadd.tile.s32 @!p0 $0x1;
	_ =	shalt  }
.Lfunc_end2:
_tile_overlayer_lowered:
.L_overlay_start_2:
0x28c: {  	(tag) =	ssettag $0x2  }
0x28d: {  	s0 =	rddreg [dreg:$0x0];
	s2 =	stileid.u32  }
0x28e: {  	s1 =	rddreg [dreg:$0x1];
	p0 =	sne.s32 s2, $0x0  }
0x28f: {  	s3 =	rddreg [dreg:$0x2];
	[bflag:$0x3] =	sbarrier.arrive $0xFFFF;
	s2 =	simm.s32 @!p0 $0x1C08  }
0x290: {  	[timem:s3], [sflag:s2] =	dma.local @!p0 [hbm:s0], s1  }
0x291: {  	s0 =	simm.s32 @!p0 $0x8  }
0x292: {  	_ =	swait.ge @!p0 [sflag:s0], s1  }
0x293: {  	s1 =	ssub.s32 @!p0 $0x0, s1;
	[sflag:s0] =	ssyncset.done @!p0 $0x0  }
0x294: {  	[sflag:s0] =	ssyncadd.s32 @!p0 s1  }
0x295: {  	[bflag:$0x3] =	sbarrier.arrive $0xFFFF  }
0x296: {  	_ =	shalt  }

</sc_bundles>
